<compile_context>
chip_gen: v7x
topology: tpu7x:2x2x1
jax: 0.10.2.dev20260603
libtpu: 0.0.44.dev20260713+nightly
codegen_flags: <defaults>
</compile_context>

<pallas_src>
import functools

import jax
import jax.numpy as jnp
from jax import lax
from jax.experimental import pallas as pl
from jax.experimental.pallas import tpu as pltpu
from jax.experimental.pallas import tpu_sc as plsc

N_NODES = 10000
LAT = 32
N_ITERS = 3
NC = 2
NS = 16
NW = NC * NS
B = 125
ROWS = 80
PAD_NODES = N_NODES
STRIPE = PAD_NODES // NS
DEG_PAD = 10240
DEG_STRIPE = DEG_PAD // NS


def _vmesh():
    return plsc.VectorSubcoreMesh(core_axis_name="c", subcore_axis_name="s")


_SC_PARAMS = pltpu.CompilerParams(use_tc_tiling_on_sc=False)


def _sc_agg(proc, src3, dst3, zeros_stripe):
    @functools.partial(
        pl.kernel,
        out_type=jax.ShapeDtypeStruct((NC, PAD_NODES, LAT), jnp.float32),
        mesh=_vmesh(),
        scratch_types=[
            pltpu.VMEM((ROWS, B), jnp.int32),
            pltpu.VMEM((ROWS, B), jnp.int32),
            pltpu.VMEM((B, LAT), jnp.float32),
            pltpu.VMEM((B, LAT), jnp.float32),
            pltpu.VMEM((B, LAT), jnp.float32),
            pltpu.VMEM((B, LAT), jnp.float32),
            pltpu.VMEM((B, LAT), jnp.float32),
            pltpu.VMEM((B, LAT), jnp.float32),
            pltpu.VMEM((B, LAT), jnp.float32),
            pltpu.VMEM((B, LAT), jnp.float32),
            pltpu.VMEM_SHARED((PAD_NODES, LAT), jnp.float32),
            pltpu.SemaphoreType.DMA,
            pltpu.SemaphoreType.DMA,
            pltpu.SemaphoreType.DMA,
            pltpu.SemaphoreType.DMA,
            pltpu.SemaphoreType.DMA,
            pltpu.SemaphoreType.DMA,
            pltpu.SemaphoreType.DMA,
            pltpu.SemaphoreType.DMA,
        ],
        compiler_params=_SC_PARAMS,
    )
    def k(proc_hbm, src_hbm, dst_hbm, z_hbm, out_hbm,
          srcv, dstv, rows0, rows1, rows2, rows3, rows4, rows5, rows6, rows7,
          acc, sem0, sem1, sem2, sem3, sem4, sem5, sem6, sem7):
        c = lax.axis_index("c")
        s = lax.axis_index("s")
        w = c * NS + s
        pltpu.sync_copy(z_hbm, acc.at[pl.ds(s * STRIPE, STRIPE)])
        pltpu.sync_copy(src_hbm.at[w], srcv)
        pltpu.sync_copy(dst_hbm.at[w], dstv)
        plsc.subcore_barrier()

        bufs = [(rows0, sem0), (rows1, sem1), (rows2, sem2), (rows3, sem3),
                (rows4, sem4), (rows5, sem5), (rows6, sem6), (rows7, sem7)]
        nb = len(bufs)

        def start(j, b):
            pltpu.async_copy(proc_hbm.at[srcv.at[j]], bufs[b][0], bufs[b][1])

        def drain(j, b):
            pltpu.make_async_copy(proc_hbm.at[srcv.at[j]],
                                  bufs[b][0], bufs[b][1]).wait()
            pltpu.sync_copy(bufs[b][0], acc.at[dstv.at[j]], add=True)

        for b in range(nb - 1):
            start(b, b)

        def body(jj, carry):
            j = nb * jj
            for b in range(nb):
                start(j + b + nb - 1, (b + nb - 1) % nb)
                drain(j + b, b)
            return carry

        lax.fori_loop(0, ROWS // nb - 1, body, 0)
        j = ROWS - nb
        start(ROWS - 1, nb - 1)
        for b in range(nb):
            drain(j + b, b)
        plsc.subcore_barrier()
        pltpu.sync_copy(acc.at[pl.ds(s * STRIPE, STRIPE)],
                        out_hbm.at[c].at[pl.ds(s * STRIPE, STRIPE)])

    return k(proc, src3, dst3, zeros_stripe)


def _sc_deg(dst3, zeros_deg, ones_row):
    @functools.partial(
        pl.kernel,
        out_type=jax.ShapeDtypeStruct((NC, DEG_PAD), jnp.float32),
        mesh=_vmesh(),
        scratch_types=[
            pltpu.VMEM((ROWS, B), jnp.int32),
            pltpu.VMEM((B,), jnp.float32),
            pltpu.VMEM_SHARED((DEG_PAD,), jnp.float32),
        ],
        compiler_params=_SC_PARAMS,
    )
    def k(dst_hbm, z_hbm, ones_hbm, out_hbm, dstv, onesv, acc):
        c = lax.axis_index("c")
        s = lax.axis_index("s")
        w = c * NS + s
        pltpu.sync_copy(z_hbm, acc.at[pl.ds(s * DEG_STRIPE, DEG_STRIPE)])
        pltpu.sync_copy(dst_hbm.at[w], dstv)
        pltpu.sync_copy(ones_hbm, onesv)
        plsc.subcore_barrier()

        def body(j, carry):
            pltpu.sync_copy(onesv, acc.at[dstv.at[j]], add=True)
            return carry

        lax.fori_loop(0, ROWS, body, 0)
        plsc.subcore_barrier()
        pltpu.sync_copy(acc.at[pl.ds(s * DEG_STRIPE, DEG_STRIPE)],
                        out_hbm.at[c].at[pl.ds(s * DEG_STRIPE, DEG_STRIPE)])

    return k(dst3, zeros_deg, ones_row)


PACK = 4
NP = N_NODES // PACK
PW = PACK * LAT


def _lrelu(x):
    return jnp.where(x >= 0, x, 0.01 * x)


def _hmm(a, b):
    return jnp.matmul(a, b, precision=lax.Precision.HIGHEST)


def _row2(v):
    return v.reshape(1, -1)


def _bdiag(fi, fo):
    r = lax.broadcasted_iota(jnp.int32, (PACK * fi, PACK * fo), 0)
    c = lax.broadcasted_iota(jnp.int32, (PACK * fi, PACK * fo), 1)
    return (r // fi) == (c // fo)


def _kron4(w):
    fi, fo = w.shape
    return jnp.where(_bdiag(fi, fo), jnp.tile(w, (PACK, PACK)), 0.0)


def _tile4(v):
    return jnp.tile(v, (1, PACK))


def _ln(h, g, bt):
    m = jnp.where(_bdiag(LAT, LAT), 1.0 / LAT, 0.0)
    mu = _hmm(h, m)
    cen = h - mu
    var = _hmm(cen * cen, m)
    return cen * lax.rsqrt(var + 1e-5) * g + bt


def _enc_call(x_p, p):
    def body(x_ref, w0, b0, w1, b1, w2, b2, g, bt, o_ref):
        h = _lrelu(x_ref[...] @ _kron4(w0[...]) + _tile4(b0[...]))
        h = _lrelu(h @ _kron4(w1[...]) + _tile4(b1[...]))
        h = h @ _kron4(w2[...]) + _tile4(b2[...])
        o_ref[...] = _ln(h, _tile4(g[...]), _tile4(bt[...]))

    return pl.pallas_call(
        body,
        out_shape=jax.ShapeDtypeStruct((NP, PW), jnp.float32),
    )(x_p, p['Win'], _row2(p['bin']), p['Wh'][0], _row2(p['bh'][0]),
      p['Wout'], _row2(p['bout']), _row2(p['gamma']), _row2(p['beta']))


def _proc_call(proc_p, S_p, deg_p, p):
    def body(x_ref, s_ref, d_ref, wa, wb, b0, w1, b1, w2, b2, g, bt, o_ref):
        x = x_ref[...]
        pe = s_ref[0] + s_ref[1] + d_ref[...] * x
        h = _lrelu(x @ _kron4(wa[...]) + pe @ _kron4(wb[...])
                   + _tile4(b0[...]))
        h = _lrelu(h @ _kron4(w1[...]) + _tile4(b1[...]))
        h = h @ _kron4(w2[...]) + _tile4(b2[...])
        o_ref[...] = _ln(h, _tile4(g[...]), _tile4(bt[...])) + x

    return pl.pallas_call(
        body,
        out_shape=jax.ShapeDtypeStruct((NP, PW), jnp.float32),
    )(proc_p, S_p, deg_p, p['Win'][:LAT], p['Win'][LAT:], _row2(p['bin']),
      p['Wh'][0], _row2(p['bh'][0]), p['Wout'], _row2(p['bout']),
      _row2(p['gamma']), _row2(p['beta']))


def _out_call(proc_p, p):
    fout = p['Wout'].shape[1]

    def body(x_ref, w0, b0, w1, b1, w2, b2, o_ref):
        h = _lrelu(x_ref[...] @ _kron4(w0[...]) + _tile4(b0[...]))
        h = _lrelu(h @ _kron4(w1[...]) + _tile4(b1[...]))
        o_ref[...] = h @ _kron4(w2[...]) + _tile4(b2[...])

    return pl.pallas_call(
        body,
        out_shape=jax.ShapeDtypeStruct((NP, PACK * fout), jnp.float32),
    )(proc_p, p['Win'], _row2(p['bin']), p['Wh'][0], _row2(p['bh'][0]),
      p['Wout'], _row2(p['bout']))


def kernel(in_feat, edge_index, params):
    src = edge_index[0]
    dst = edge_index[1]
    src3 = src.reshape(NW, ROWS, B)
    dst3 = dst.reshape(NW, ROWS, B)
    zeros_s = jnp.zeros((STRIPE, LAT), jnp.float32)
    zeros_d = jnp.zeros((DEG_STRIPE,), jnp.float32)
    ones_r = jnp.ones((B,), jnp.float32)

    deg = _sc_deg(dst3, zeros_d, ones_r)
    dsum = deg[0, :N_NODES] + deg[1, :N_NODES]
    deg_p = jnp.broadcast_to(dsum[:, None], (N_NODES, LAT)).reshape(NP, PW)
    zeros_s = zeros_s + deg[0, 0] * 0.0

    fin = in_feat.shape[1]
    proc_p = _enc_call(in_feat.reshape(NP, PACK * fin), params['enc'])
    for i in range(N_ITERS):
        S = _sc_agg(proc_p.reshape(N_NODES, LAT), src3, dst3, zeros_s)
        proc_p = _proc_call(proc_p, S.reshape(NC, NP, PW), deg_p,
                            params['proc'][i])
    out_p = _out_call(proc_p, params['out'])
    return out_p.reshape(N_NODES, params['out']['Wout'].shape[1])

# --- scband reference (transcript-rebuilt; emitter-appended) ---
"""Pipeline reference for scband-graph-net-90735479096003 (READ-ONLY COPY).

The authoritative reference and input builder live on the scoring server;
editing this copy changes nothing except your own understanding.
"""

import jax, jax.numpy as jnp
import numpy as np

N_NODES = 10000
N_EDGES = 320000
INFEAT = 128
LAT_MLP = 64
LAT_GNN = 32
HL = 1
OUT = 8
ITERS = 3


def _make_mlp(key, fin, lat, fout, n_h, normalize):
    ks = jax.random.split(key, 3 + n_h)
    p = {
        'Win': jax.random.normal(ks[0], (fin, lat), jnp.float32) * (1.0 / np.sqrt(fin)),
        'bin': jnp.zeros((lat,), jnp.float32),
        'Wh': [jax.random.normal(ks[1 + i], (lat, lat), jnp.float32) * (1.0 / np.sqrt(lat)) for i in range(n_h)],
        'bh': [jnp.zeros((lat,), jnp.float32) for _ in range(n_h)],
        'Wout': jax.random.normal(ks[1 + n_h], (lat, fout), jnp.float32) * (1.0 / np.sqrt(lat)),
        'bout': jnp.zeros((fout,), jnp.float32),
    }
    if normalize:
        p['gamma'] = jnp.ones((fout,), jnp.float32)
        p['beta'] = jnp.zeros((fout,), jnp.float32)
    return p


def _mlp(p, x, normalize):
    h = jax.nn.leaky_relu(x @ p['Win'] + p['bin'])
    for W, b in zip(p['Wh'], p['bh']):
        h = jax.nn.leaky_relu(h @ W + b)
    h = h @ p['Wout'] + p['bout']
    if normalize:
        mu = jnp.mean(h, axis=-1, keepdims=True)
        var = jnp.var(h, axis=-1, keepdims=True)
        h = (h - mu) / jnp.sqrt(var + 1e-5)
        h = h * p['gamma'] + p['beta']
    return h


def setup_inputs(seed: int = 0):
    key = jax.random.key(seed)
    k1, k2, k3 = jax.random.split(key, 3)
    in_feat = jax.random.normal(k1, (N_NODES, INFEAT), jnp.float32)
    edge_index = jax.random.randint(k2, (2, N_EDGES), 0, N_NODES, jnp.int32)
    ks = jax.random.split(k3, 2 + ITERS)
    params = {
        'enc': _make_mlp(ks[0], INFEAT, LAT_MLP, LAT_GNN, HL, True),
        'proc': [_make_mlp(ks[1 + i], LAT_GNN * 2, LAT_MLP, LAT_GNN, HL, True) for i in range(ITERS)],
        'out': _make_mlp(ks[1 + ITERS], LAT_GNN, LAT_MLP, OUT, HL, False),
    }
    return {'in_feat': in_feat, 'edge_index': edge_index, 'params': params}


def reference(in_feat, edge_index, params):
    src = edge_index[0]
    dst = edge_index[1]
    # encode_nodes: proc_node = encoder_nodes(features_c)
    proc = _mlp(params['enc'], in_feat, True)
    for i in range(ITERS):
        # update_all(u_add_v('proc_node','proc_node','m'), sum('m','pe_sum'))
        m = proc[src] + proc[dst]
        pe_sum = jax.ops.segment_sum(m, dst, num_segments=N_NODES)
        # process_nodes: proc_node = MLP(cat(proc_node, pe_sum)) + proc_node
        proc = _mlp(params['proc'][i], jnp.concatenate([proc, pe_sum], axis=1), True) + proc
    # decode: h = output(proc_node)
    h = _mlp(params['out'], proc, False)
    return h

if __name__ == "__main__":
    import jax
    _d = setup_inputs()
    print(jax.jit(kernel)(*tuple(_d.values())))

</pallas_src>

<mosaic_0001>
#map = affine_map<(d0, d1) -> (0, 0, 0)>
#map1 = affine_map<(d0, d1) -> (0)>
#map2 = affine_map<(d0, d1) -> (0, 0)>
module attributes {stable_mosaic.version = 14 : i64} {
  func.func @k(%arg0: i32, %arg1: i32, %arg2: memref<32x80x125xi32, #tpu.memory_space<hbm>>, %arg3: memref<640xf32, #tpu.memory_space<hbm>>, %arg4: memref<125xf32, #tpu.memory_space<hbm>>, %arg5: memref<2x10240xf32, #tpu.memory_space<hbm>>, %arg6: memref<80x125xi32, #tpu.memory_space<vmem>>, %arg7: memref<125xf32, #tpu.memory_space<vmem>>, %arg8: memref<10240xf32, #tpu.memory_space<vmem_shared>>) attributes {dimension_semantics = [#tpu.dimension_semantics<core_parallel>, #tpu.dimension_semantics<subcore_parallel>], iteration_bounds = array<i64: 2, 16>, scalar_prefetch = 0 : i64, scratch_operands = 3 : i64, tpu.core_type = #tpu.core_type<sc_vector_subcore>, window_params = [{transform_indices = #map}, {transform_indices = #map1}, {transform_indices = #map1}, {transform_indices = #map2}]} {
    %mul3A = arith.constant 16 : i32
    %mul3A_0 = arith.muli %arg0, %mul3A : i32
    %add3A = arith.addi %mul3A_0, %arg1 : i32
    %mul3A_1 = arith.constant 640 : i32
    %mul3A_2 = arith.muli %arg1, %mul3A_1 : i32
    "tpu.region"() ({
      %run_scoped3A = tpu.sem_alloc : memref<!tpu.dma_semaphore, #tpu.memory_space<semaphore_mem>>
      %dma_start3A = tpu.memref_slice %arg8[%mul3A_2] : memref<10240xf32, #tpu.memory_space<vmem_shared>> -> memref<640xf32, #tpu.memory_space<vmem_shared>>
      tpu.enqueue_dma source(%arg3 : memref<640xf32, #tpu.memory_space<hbm>>) target(%dma_start3A : memref<640xf32, #tpu.memory_space<vmem_shared>>) target_semaphore(%run_scoped3A : memref<!tpu.dma_semaphore, #tpu.memory_space<semaphore_mem>>)
      %dma_wait3A = tpu.memref_slice %arg8[%mul3A_2] : memref<10240xf32, #tpu.memory_space<vmem_shared>> -> memref<640xf32, #tpu.memory_space<vmem_shared>>
      tpu.wait_dma2 semaphore(%run_scoped3A : memref<!tpu.dma_semaphore, #tpu.memory_space<semaphore_mem>>) src(%arg3 : memref<640xf32, #tpu.memory_space<hbm>>) dst(%dma_wait3A : memref<640xf32, #tpu.memory_space<vmem_shared>>)
      tpu.yield
    }) : () -> ()
    "tpu.region"() ({
      %run_scoped3A = tpu.sem_alloc : memref<!tpu.dma_semaphore, #tpu.memory_space<semaphore_mem>>
      %dma_start3A = arith.constant 0 : i32
      %dma_start3A_13 = arith.constant 0 : i32
      %dma_start3A_14 = tpu.memref_slice %arg2[%add3A, %dma_start3A, %dma_start3A_13] : memref<32x80x125xi32, #tpu.memory_space<hbm>> -> memref<1x80x125xi32, #tpu.memory_space<hbm>>
      %dma_start3A_15 = tpu.memref_squeeze %dma_start3A_14 : memref<1x80x125xi32, #tpu.memory_space<hbm>> -> memref<80x125xi32, #tpu.memory_space<hbm>>
      %dma_start3A_16 = arith.constant 0 : i32
      %dma_start3A_17 = arith.constant 0 : i32
      %dma_start3A_18 = tpu.memref_slice %arg2[%add3A, %dma_start3A_16, %dma_start3A_17] : memref<32x80x125xi32, #tpu.memory_space<hbm>> -> memref<1x80x125xi32, #tpu.memory_space<hbm>>
      %dma_start3A_19 = tpu.memref_squeeze %dma_start3A_18 : memref<1x80x125xi32, #tpu.memory_space<hbm>> -> memref<80x125xi32, #tpu.memory_space<hbm>>
      tpu.enqueue_dma source(%dma_start3A_19 : memref<80x125xi32, #tpu.memory_space<hbm>>) target(%arg6 : memref<80x125xi32, #tpu.memory_space<vmem>>) target_semaphore(%run_scoped3A : memref<!tpu.dma_semaphore, #tpu.memory_space<semaphore_mem>>)
      %dma_wait3A = arith.constant 0 : i32
      %dma_wait3A_20 = arith.constant 0 : i32
      %dma_wait3A_21 = tpu.memref_slice %arg2[%add3A, %dma_wait3A, %dma_wait3A_20] : memref<32x80x125xi32, #tpu.memory_space<hbm>> -> memref<1x80x125xi32, #tpu.memory_space<hbm>>
      %dma_wait3A_22 = tpu.memref_squeeze %dma_wait3A_21 : memref<1x80x125xi32, #tpu.memory_space<hbm>> -> memref<80x125xi32, #tpu.memory_space<hbm>>
      %dma_wait3A_23 = arith.constant 0 : i32
      %dma_wait3A_24 = arith.constant 0 : i32
      %dma_wait3A_25 = tpu.memref_slice %arg2[%add3A, %dma_wait3A_23, %dma_wait3A_24] : memref<32x80x125xi32, #tpu.memory_space<hbm>> -> memref<1x80x125xi32, #tpu.memory_space<hbm>>
      %dma_wait3A_26 = tpu.memref_squeeze %dma_wait3A_25 : memref<1x80x125xi32, #tpu.memory_space<hbm>> -> memref<80x125xi32, #tpu.memory_space<hbm>>
      tpu.wait_dma2 semaphore(%run_scoped3A : memref<!tpu.dma_semaphore, #tpu.memory_space<semaphore_mem>>) src(%dma_wait3A_26 : memref<80x125xi32, #tpu.memory_space<hbm>>) dst(%arg6 : memref<80x125xi32, #tpu.memory_space<vmem>>)
      tpu.yield
    }) : () -> ()
    "tpu.region"() ({
      %run_scoped3A = tpu.sem_alloc : memref<!tpu.dma_semaphore, #tpu.memory_space<semaphore_mem>>
      tpu.enqueue_dma source(%arg4 : memref<125xf32, #tpu.memory_space<hbm>>) target(%arg7 : memref<125xf32, #tpu.memory_space<vmem>>) target_semaphore(%run_scoped3A : memref<!tpu.dma_semaphore, #tpu.memory_space<semaphore_mem>>)
      tpu.wait_dma2 semaphore(%run_scoped3A : memref<!tpu.dma_semaphore, #tpu.memory_space<semaphore_mem>>) src(%arg4 : memref<125xf32, #tpu.memory_space<hbm>>) dst(%arg7 : memref<125xf32, #tpu.memory_space<vmem>>)
      tpu.yield
    }) : () -> ()
    %barrier3A = arith.constant 0 : index
    tpu.barrier barrier_id(%barrier3A)
    %scan3A = arith.constant 0 : i32
    %scan3A_3 = arith.constant 0 : i32
    %scan3A_4 = arith.constant 80 : i32
    %scan3A_5 = arith.addi %scan3A_3, %scan3A_4 : i32
    %scan3A_6 = arith.constant 1 : i32
    scf.for %scan3A_13 = %scan3A_3 to %scan3A_5 step %scan3A_6  : i32 {
      "tpu.region"() ({
        %run_scoped3A = tpu.sem_alloc : memref<!tpu.dma_semaphore, #tpu.memory_space<semaphore_mem>>
        %dma_start3A = arith.constant 0 : i32
        %dma_start3A_14 = tpu.memref_slice %arg6[%scan3A_13, %dma_start3A] : memref<80x125xi32, #tpu.memory_space<vmem>> -> memref<1x125xi32, #tpu.memory_space<vmem>>
        %dma_start3A_15 = tpu.memref_squeeze %dma_start3A_14 : memref<1x125xi32, #tpu.memory_space<vmem>> -> memref<125xi32, #tpu.memory_space<vmem>>
        %dma_start3A_16 = arith.constant 0 : i32
        %dma_start3A_17 = tpu.memref_slice %arg8[%dma_start3A_16] : memref<10240xf32, #tpu.memory_space<vmem_shared>> -> memref<10240xf32, #tpu.memory_space<vmem_shared>>
        tpu.enqueue_indirect_dma source(%arg7 : memref<125xf32, #tpu.memory_space<vmem>>) target(%dma_start3A_17 : memref<10240xf32, #tpu.memory_space<vmem_shared>>) offsets(%dma_start3A_15 : memref<125xi32, #tpu.memory_space<vmem>>) semaphore(%run_scoped3A : memref<!tpu.dma_semaphore, #tpu.memory_space<semaphore_mem>>) {add = true}
        %dma_wait3A = arith.constant 0 : i32
        %dma_wait3A_18 = tpu.memref_slice %arg6[%scan3A_13, %dma_wait3A] : memref<80x125xi32, #tpu.memory_space<vmem>> -> memref<1x125xi32, #tpu.memory_space<vmem>>
        %dma_wait3A_19 = tpu.memref_squeeze %dma_wait3A_18 : memref<1x125xi32, #tpu.memory_space<vmem>> -> memref<125xi32, #tpu.memory_space<vmem>>
        %dma_wait3A_20 = arith.constant 0 : i32
        %dma_wait3A_21 = tpu.memref_slice %arg8[%dma_wait3A_20] : memref<10240xf32, #tpu.memory_space<vmem_shared>> -> memref<10240xf32, #tpu.memory_space<vmem_shared>>
        tpu.wait_indirect_dma semaphore(%run_scoped3A : memref<!tpu.dma_semaphore, #tpu.memory_space<semaphore_mem>>) src(%arg7 : memref<125xf32, #tpu.memory_space<vmem>>) dst(%dma_wait3A_21 : memref<10240xf32, #tpu.memory_space<vmem_shared>>)
        tpu.yield
      }) : () -> ()
    }
    %scan3A_7 = arith.constant 80 : i32
    %barrier3A_8 = arith.constant 0 : index
    tpu.barrier barrier_id(%barrier3A_8)
    %mul3A_9 = arith.constant 640 : i32
    %mul3A_10 = arith.muli %arg1, %mul3A_9 : i32
    %mul3A_11 = arith.constant 640 : i32
    %mul3A_12 = arith.muli %arg1, %mul3A_11 : i32
    "tpu.region"() ({
      %run_scoped3A = tpu.sem_alloc : memref<!tpu.dma_semaphore, #tpu.memory_space<semaphore_mem>>
      %dma_start3A = arith.constant 0 : i32
      %dma_start3A_13 = tpu.memref_slice %arg5[%arg0, %dma_start3A] : memref<2x10240xf32, #tpu.memory_space<hbm>> -> memref<1x10240xf32, #tpu.memory_space<hbm>>
      %dma_start3A_14 = tpu.memref_squeeze %dma_start3A_13 : memref<1x10240xf32, #tpu.memory_space<hbm>> -> memref<10240xf32, #tpu.memory_space<hbm>>
      %dma_start3A_15 = tpu.memref_slice %dma_start3A_14[%mul3A_12] : memref<10240xf32, #tpu.memory_space<hbm>> -> memref<640xf32, #tpu.memory_space<hbm>>
      %dma_start3A_16 = tpu.memref_slice %arg8[%mul3A_10] : memref<10240xf32, #tpu.memory_space<vmem_shared>> -> memref<640xf32, #tpu.memory_space<vmem_shared>>
      tpu.enqueue_dma source(%dma_start3A_16 : memref<640xf32, #tpu.memory_space<vmem_shared>>) target(%dma_start3A_15 : memref<640xf32, #tpu.memory_space<hbm>>) target_semaphore(%run_scoped3A : memref<!tpu.dma_semaphore, #tpu.memory_space<semaphore_mem>>)
      %dma_wait3A = arith.constant 0 : i32
      %dma_wait3A_17 = tpu.memref_slice %arg5[%arg0, %dma_wait3A] : memref<2x10240xf32, #tpu.memory_space<hbm>> -> memref<1x10240xf32, #tpu.memory_space<hbm>>
      %dma_wait3A_18 = tpu.memref_squeeze %dma_wait3A_17 : memref<1x10240xf32, #tpu.memory_space<hbm>> -> memref<10240xf32, #tpu.memory_space<hbm>>
      %dma_wait3A_19 = tpu.memref_slice %dma_wait3A_18[%mul3A_12] : memref<10240xf32, #tpu.memory_space<hbm>> -> memref<640xf32, #tpu.memory_space<hbm>>
      %dma_wait3A_20 = tpu.memref_slice %arg8[%mul3A_10] : memref<10240xf32, #tpu.memory_space<vmem_shared>> -> memref<640xf32, #tpu.memory_space<vmem_shared>>
      tpu.wait_dma2 semaphore(%run_scoped3A : memref<!tpu.dma_semaphore, #tpu.memory_space<semaphore_mem>>) src(%dma_wait3A_20 : memref<640xf32, #tpu.memory_space<vmem_shared>>) dst(%dma_wait3A_19 : memref<640xf32, #tpu.memory_space<hbm>>)
      tpu.yield
    }) : () -> ()
    return
  }
}

#map = affine_map<(d0, d1) -> (0, 0)>
#map1 = affine_map<(d0, d1) -> (0, 0, 0)>
module attributes {stable_mosaic.version = 14 : i64} {
  func.func @k(%arg0: i32, %arg1: i32, %arg2: memref<10000x32xf32, #tpu.memory_space<hbm>>, %arg3: memref<32x80x125xi32, #tpu.memory_space<hbm>>, %arg4: memref<32x80x125xi32, #tpu.memory_space<hbm>>, %arg5: memref<625x32xf32, #tpu.memory_space<hbm>>, %arg6: memref<2x10000x32xf32, #tpu.memory_space<hbm>>, %arg7: memref<80x125xi32, #tpu.memory_space<vmem>>, %arg8: memref<80x125xi32, #tpu.memory_space<vmem>>, %arg9: memref<125x32xf32, #tpu.memory_space<vmem>>, %arg10: memref<125x32xf32, #tpu.memory_space<vmem>>, %arg11: memref<125x32xf32, #tpu.memory_space<vmem>>, %arg12: memref<125x32xf32, #tpu.memory_space<vmem>>, %arg13: memref<125x32xf32, #tpu.memory_space<vmem>>, %arg14: memref<125x32xf32, #tpu.memory_space<vmem>>, %arg15: memref<125x32xf32, #tpu.memory_space<vmem>>, %arg16: memref<125x32xf32, #tpu.memory_space<vmem>>, %arg17: memref<10000x32xf32, #tpu.memory_space<vmem_shared>>, %arg18: memref<!tpu.dma_semaphore, #tpu.memory_space<semaphore_mem>>, %arg19: memref<!tpu.dma_semaphore, #tpu.memory_space<semaphore_mem>>, %arg20: memref<!tpu.dma_semaphore, #tpu.memory_space<semaphore_mem>>, %arg21: memref<!tpu.dma_semaphore, #tpu.memory_space<semaphore_mem>>, %arg22: memref<!tpu.dma_semaphore, #tpu.memory_space<semaphore_mem>>, %arg23: memref<!tpu.dma_semaphore, #tpu.memory_space<semaphore_mem>>, %arg24: memref<!tpu.dma_semaphore, #tpu.memory_space<semaphore_mem>>, %arg25: memref<!tpu.dma_semaphore, #tpu.memory_space<semaphore_mem>>) attributes {dimension_semantics = [#tpu.dimension_semantics<core_parallel>, #tpu.dimension_semantics<subcore_parallel>], iteration_bounds = array<i64: 2, 16>, scalar_prefetch = 0 : i64, scratch_operands = 19 : i64, tpu.core_type = #tpu.core_type<sc_vector_subcore>, window_params = [{transform_indices = #map}, {transform_indices = #map1}, {transform_indices = #map1}, {transform_indices = #map}, {transform_indices = #map1}]} {
    %mul3A = arith.constant 16 : i32
    %mul3A_0 = arith.muli %arg0, %mul3A : i32
    %add3A = arith.addi %mul3A_0, %arg1 : i32
    %mul3A_1 = arith.constant 625 : i32
    %mul3A_2 = arith.muli %arg1, %mul3A_1 : i32
    "tpu.region"() ({
      %run_scoped3A_130 = tpu.sem_alloc : memref<!tpu.dma_semaphore, #tpu.memory_space<semaphore_mem>>
      %dma_start3A_131 = arith.constant 0 : i32
      %dma_start3A_132 = tpu.memref_slice %arg17[%mul3A_2, %dma_start3A_131] : memref<10000x32xf32, #tpu.memory_space<vmem_shared>> -> memref<625x32xf32, #tpu.memory_space<vmem_shared>>
      tpu.enqueue_dma source(%arg5 : memref<625x32xf32, #tpu.memory_space<hbm>>) target(%dma_start3A_132 : memref<625x32xf32, #tpu.memory_space<vmem_shared>>) target_semaphore(%run_scoped3A_130 : memref<!tpu.dma_semaphore, #tpu.memory_space<semaphore_mem>>)
      %dma_wait3A_133 = arith.constant 0 : i32
      %dma_wait3A_134 = tpu.memref_slice %arg17[%mul3A_2, %dma_wait3A_133] : memref<10000x32xf32, #tpu.memory_space<vmem_shared>> -> memref<625x32xf32, #tpu.memory_space<vmem_shared>>
      tpu.wait_dma2 semaphore(%run_scoped3A_130 : memref<!tpu.dma_semaphore, #tpu.memory_space<semaphore_mem>>) src(%arg5 : memref<625x32xf32, #tpu.memory_space<hbm>>) dst(%dma_wait3A_134 : memref<625x32xf32, #tpu.memory_space<vmem_shared>>)
      tpu.yield
    }) : () -> ()
    "tpu.region"() ({
      %run_scoped3A_130 = tpu.sem_alloc : memref<!tpu.dma_semaphore, #tpu.memory_space<semaphore_mem>>
      %dma_start3A_131 = arith.constant 0 : i32
      %dma_start3A_132 = arith.constant 0 : i32
      %dma_start3A_133 = tpu.memref_slice %arg3[%add3A, %dma_start3A_131, %dma_start3A_132] : memref<32x80x125xi32, #tpu.memory_space<hbm>> -> memref<1x80x125xi32, #tpu.memory_space<hbm>>
      %dma_start3A_134 = tpu.memref_squeeze %dma_start3A_133 : memref<1x80x125xi32, #tpu.memory_space<hbm>> -> memref<80x125xi32, #tpu.memory_space<hbm>>
      %dma_start3A_135 = arith.constant 0 : i32
      %dma_start3A_136 = arith.constant 0 : i32
      %dma_start3A_137 = tpu.memref_slice %arg3[%add3A, %dma_start3A_135, %dma_start3A_136] : memref<32x80x125xi32, #tpu.memory_space<hbm>> -> memref<1x80x125xi32, #tpu.memory_space<hbm>>
      %dma_start3A_138 = tpu.memref_squeeze %dma_start3A_137 : memref<1x80x125xi32, #tpu.memory_space<hbm>> -> memref<80x125xi32, #tpu.memory_space<hbm>>
      tpu.enqueue_dma source(%dma_start3A_138 : memref<80x125xi32, #tpu.memory_space<hbm>>) target(%arg7 : memref<80x125xi32, #tpu.memory_space<vmem>>) target_semaphore(%run_scoped3A_130 : memref<!tpu.dma_semaphore, #tpu.memory_space<semaphore_mem>>)
      %dma_wait3A_139 = arith.constant 0 : i32
      %dma_wait3A_140 = arith.constant 0 : i32
      %dma_wait3A_141 = tpu.memref_slice %arg3[%add3A, %dma_wait3A_139, %dma_wait3A_140] : memref<32x80x125xi32, #tpu.memory_space<hbm>> -> memref<1x80x125xi32, #tpu.memory_space<hbm>>
      %dma_wait3A_142 = tpu.memref_squeeze %dma_wait3A_141 : memref<1x80x125xi32, #tpu.memory_space<hbm>> -> memref<80x125xi32, #tpu.memory_space<hbm>>
      %dma_wait3A_143 = arith.constant 0 : i32
      %dma_wait3A_144 = arith.constant 0 : i32
      %dma_wait3A_145 = tpu.memref_slice %arg3[%add3A, %dma_wait3A_143, %dma_wait3A_144] : memref<32x80x125xi32, #tpu.memory_space<hbm>> -> memref<1x80x125xi32, #tpu.memory_space<hbm>>
      %dma_wait3A_146 = tpu.memref_squeeze %dma_wait3A_145 : memref<1x80x125xi32, #tpu.memory_space<hbm>> -> memref<80x125xi32, #tpu.memory_space<hbm>>
      tpu.wait_dma2 semaphore(%run_scoped3A_130 : memref<!tpu.dma_semaphore, #tpu.memory_space<semaphore_mem>>) src(%dma_wait3A_146 : memref<80x125xi32, #tpu.memory_space<hbm>>) dst(%arg7 : memref<80x125xi32, #tpu.memory_space<vmem>>)
      tpu.yield
    }) : () -> ()
    "tpu.region"() ({
      %run_scoped3A_130 = tpu.sem_alloc : memref<!tpu.dma_semaphore, #tpu.memory_space<semaphore_mem>>
      %dma_start3A_131 = arith.constant 0 : i32
      %dma_start3A_132 = arith.constant 0 : i32
      %dma_start3A_133 = tpu.memref_slice %arg4[%add3A, %dma_start3A_131, %dma_start3A_132] : memref<32x80x125xi32, #tpu.memory_space<hbm>> -> memref<1x80x125xi32, #tpu.memory_space<hbm>>
      %dma_start3A_134 = tpu.memref_squeeze %dma_start3A_133 : memref<1x80x125xi32, #tpu.memory_space<hbm>> -> memref<80x125xi32, #tpu.memory_space<hbm>>
      %dma_start3A_135 = arith.constant 0 : i32
      %dma_start3A_136 = arith.constant 0 : i32
      %dma_start3A_137 = tpu.memref_slice %arg4[%add3A, %dma_start3A_135, %dma_start3A_136] : memref<32x80x125xi32, #tpu.memory_space<hbm>> -> memref<1x80x125xi32, #tpu.memory_space<hbm>>
      %dma_start3A_138 = tpu.memref_squeeze %dma_start3A_137 : memref<1x80x125xi32, #tpu.memory_space<hbm>> -> memref<80x125xi32, #tpu.memory_space<hbm>>
      tpu.enqueue_dma source(%dma_start3A_138 : memref<80x125xi32, #tpu.memory_space<hbm>>) target(%arg8 : memref<80x125xi32, #tpu.memory_space<vmem>>) target_semaphore(%run_scoped3A_130 : memref<!tpu.dma_semaphore, #tpu.memory_space<semaphore_mem>>)
      %dma_wait3A_139 = arith.constant 0 : i32
      %dma_wait3A_140 = arith.constant 0 : i32
      %dma_wait3A_141 = tpu.memref_slice %arg4[%add3A, %dma_wait3A_139, %dma_wait3A_140] : memref<32x80x125xi32, #tpu.memory_space<hbm>> -> memref<1x80x125xi32, #tpu.memory_space<hbm>>
      %dma_wait3A_142 = tpu.memref_squeeze %dma_wait3A_141 : memref<1x80x125xi32, #tpu.memory_space<hbm>> -> memref<80x125xi32, #tpu.memory_space<hbm>>
      %dma_wait3A_143 = arith.constant 0 : i32
      %dma_wait3A_144 = arith.constant 0 : i32
      %dma_wait3A_145 = tpu.memref_slice %arg4[%add3A, %dma_wait3A_143, %dma_wait3A_144] : memref<32x80x125xi32, #tpu.memory_space<hbm>> -> memref<1x80x125xi32, #tpu.memory_space<hbm>>
      %dma_wait3A_146 = tpu.memref_squeeze %dma_wait3A_145 : memref<1x80x125xi32, #tpu.memory_space<hbm>> -> memref<80x125xi32, #tpu.memory_space<hbm>>
      tpu.wait_dma2 semaphore(%run_scoped3A_130 : memref<!tpu.dma_semaphore, #tpu.memory_space<semaphore_mem>>) src(%dma_wait3A_146 : memref<80x125xi32, #tpu.memory_space<hbm>>) dst(%arg8 : memref<80x125xi32, #tpu.memory_space<vmem>>)
      tpu.yield
    }) : () -> ()
    %barrier3A = arith.constant 0 : index
    tpu.barrier barrier_id(%barrier3A)
    %dma_start3A = arith.constant 0 : i32
    %dma_start3A_3 = arith.constant 0 : i32
    %dma_start3A_4 = tpu.memref_slice %arg7[%dma_start3A, %dma_start3A_3] : memref<80x125xi32, #tpu.memory_space<vmem>> -> memref<1x125xi32, #tpu.memory_space<vmem>>
    %dma_start3A_5 = tpu.memref_squeeze %dma_start3A_4 : memref<1x125xi32, #tpu.memory_space<vmem>> -> memref<125xi32, #tpu.memory_space<vmem>>
    %dma_start3A_6 = arith.constant 0 : i32
    %dma_start3A_7 = arith.constant 0 : i32
    %dma_start3A_8 = tpu.memref_slice %arg2[%dma_start3A_6, %dma_start3A_7] : memref<10000x32xf32, #tpu.memory_space<hbm>> -> memref<10000x32xf32, #tpu.memory_space<hbm>>
    tpu.enqueue_indirect_dma source(%dma_start3A_8 : memref<10000x32xf32, #tpu.memory_space<hbm>>) target(%arg9 : memref<125x32xf32, #tpu.memory_space<vmem>>) offsets(%dma_start3A_5 : memref<125xi32, #tpu.memory_space<vmem>>) semaphore(%arg18 : memref<!tpu.dma_semaphore, #tpu.memory_space<semaphore_mem>>)
    %dma_start3A_9 = arith.constant 1 : i32
    %dma_start3A_10 = arith.constant 0 : i32
    %dma_start3A_11 = tpu.memref_slice %arg7[%dma_start3A_9, %dma_start3A_10] : memref<80x125xi32, #tpu.memory_space<vmem>> -> memref<1x125xi32, #tpu.memory_space<vmem>>
    %dma_start3A_12 = tpu.memref_squeeze %dma_start3A_11 : memref<1x125xi32, #tpu.memory_space<vmem>> -> memref<125xi32, #tpu.memory_space<vmem>>
    %dma_start3A_13 = arith.constant 0 : i32
    %dma_start3A_14 = arith.constant 0 : i32
    %dma_start3A_15 = tpu.memref_slice %arg2[%dma_start3A_13, %dma_start3A_14] : memref<10000x32xf32, #tpu.memory_space<hbm>> -> memref<10000x32xf32, #tpu.memory_space<hbm>>
    tpu.enqueue_indirect_dma source(%dma_start3A_15 : memref<10000x32xf32, #tpu.memory_space<hbm>>) target(%arg10 : memref<125x32xf32, #tpu.memory_space<vmem>>) offsets(%dma_start3A_12 : memref<125xi32, #tpu.memory_space<vmem>>) semaphore(%arg19 : memref<!tpu.dma_semaphore, #tpu.memory_space<semaphore_mem>>)
    %dma_start3A_16 = arith.constant 2 : i32
    %dma_start3A_17 = arith.constant 0 : i32
    %dma_start3A_18 = tpu.memref_slice %arg7[%dma_start3A_16, %dma_start3A_17] : memref<80x125xi32, #tpu.memory_space<vmem>> -> memref<1x125xi32, #tpu.memory_space<vmem>>
    %dma_start3A_19 = tpu.memref_squeeze %dma_start3A_18 : memref<1x125xi32, #tpu.memory_space<vmem>> -> memref<125xi32, #tpu.memory_space<vmem>>
    %dma_start3A_20 = arith.constant 0 : i32
    %dma_start3A_21 = arith.constant 0 : i32
    %dma_start3A_22 = tpu.memref_slice %arg2[%dma_start3A_20, %dma_start3A_21] : memref<10000x32xf32, #tpu.memory_space<hbm>> -> memref<10000x32xf32, #tpu.memory_space<hbm>>
    tpu.enqueue_indirect_dma source(%dma_start3A_22 : memref<10000x32xf32, #tpu.memory_space<hbm>>) target(%arg11 : memref<125x32xf32, #tpu.memory_space<vmem>>) offsets(%dma_start3A_19 : memref<125xi32, #tpu.memory_space<vmem>>) semaphore(%arg20 : memref<!tpu.dma_semaphore, #tpu.memory_space<semaphore_mem>>)
    %dma_start3A_23 = arith.constant 3 : i32
    %dma_start3A_24 = arith.constant 0 : i32
    %dma_start3A_25 = tpu.memref_slice %arg7[%dma_start3A_23, %dma_start3A_24] : memref<80x125xi32, #tpu.memory_space<vmem>> -> memref<1x125xi32, #tpu.memory_space<vmem>>
    %dma_start3A_26 = tpu.memref_squeeze %dma_start3A_25 : memref<1x125xi32, #tpu.memory_space<vmem>> -> memref<125xi32, #tpu.memory_space<vmem>>
    %dma_start3A_27 = arith.constant 0 : i32
    %dma_start3A_28 = arith.constant 0 : i32
    %dma_start3A_29 = tpu.memref_slice %arg2[%dma_start3A_27, %dma_start3A_28] : memref<10000x32xf32, #tpu.memory_space<hbm>> -> memref<10000x32xf32, #tpu.memory_space<hbm>>
    tpu.enqueue_indirect_dma source(%dma_start3A_29 : memref<10000x32xf32, #tpu.memory_space<hbm>>) target(%arg12 : memref<125x32xf32, #tpu.memory_space<vmem>>) offsets(%dma_start3A_26 : memref<125xi32, #tpu.memory_space<vmem>>) semaphore(%arg21 : memref<!tpu.dma_semaphore, #tpu.memory_space<semaphore_mem>>)
    %dma_start3A_30 = arith.constant 4 : i32
    %dma_start3A_31 = arith.constant 0 : i32
    %dma_start3A_32 = tpu.memref_slice %arg7[%dma_start3A_30, %dma_start3A_31] : memref<80x125xi32, #tpu.memory_space<vmem>> -> memref<1x125xi32, #tpu.memory_space<vmem>>
    %dma_start3A_33 = tpu.memref_squeeze %dma_start3A_32 : memref<1x125xi32, #tpu.memory_space<vmem>> -> memref<125xi32, #tpu.memory_space<vmem>>
    %dma_start3A_34 = arith.constant 0 : i32
    %dma_start3A_35 = arith.constant 0 : i32
    %dma_start3A_36 = tpu.memref_slice %arg2[%dma_start3A_34, %dma_start3A_35] : memref<10000x32xf32, #tpu.memory_space<hbm>> -> memref<10000x32xf32, #tpu.memory_space<hbm>>
    tpu.enqueue_indirect_dma source(%dma_start3A_36 : memref<10000x32xf32, #tpu.memory_space<hbm>>) target(%arg13 : memref<125x32xf32, #tpu.memory_space<vmem>>) offsets(%dma_start3A_33 : memref<125xi32, #tpu.memory_space<vmem>>) semaphore(%arg22 : memref<!tpu.dma_semaphore, #tpu.memory_space<semaphore_mem>>)
    %dma_start3A_37 = arith.constant 5 : i32
    %dma_start3A_38 = arith.constant 0 : i32
    %dma_start3A_39 = tpu.memref_slice %arg7[%dma_start3A_37, %dma_start3A_38] : memref<80x125xi32, #tpu.memory_space<vmem>> -> memref<1x125xi32, #tpu.memory_space<vmem>>
    %dma_start3A_40 = tpu.memref_squeeze %dma_start3A_39 : memref<1x125xi32, #tpu.memory_space<vmem>> -> memref<125xi32, #tpu.memory_space<vmem>>
    %dma_start3A_41 = arith.constant 0 : i32
    %dma_start3A_42 = arith.constant 0 : i32
    %dma_start3A_43 = tpu.memref_slice %arg2[%dma_start3A_41, %dma_start3A_42] : memref<10000x32xf32, #tpu.memory_space<hbm>> -> memref<10000x32xf32, #tpu.memory_space<hbm>>
    tpu.enqueue_indirect_dma source(%dma_start3A_43 : memref<10000x32xf32, #tpu.memory_space<hbm>>) target(%arg14 : memref<125x32xf32, #tpu.memory_space<vmem>>) offsets(%dma_start3A_40 : memref<125xi32, #tpu.memory_space<vmem>>) semaphore(%arg23 : memref<!tpu.dma_semaphore, #tpu.memory_space<semaphore_mem>>)
    %dma_start3A_44 = arith.constant 6 : i32
    %dma_start3A_45 = arith.constant 0 : i32
    %dma_start3A_46 = tpu.memref_slice %arg7[%dma_start3A_44, %dma_start3A_45] : memref<80x125xi32, #tpu.memory_space<vmem>> -> memref<1x125xi32, #tpu.memory_space<vmem>>
    %dma_start3A_47 = tpu.memref_squeeze %dma_start3A_46 : memref<1x125xi32, #tpu.memory_space<vmem>> -> memref<125xi32, #tpu.memory_space<vmem>>
    %dma_start3A_48 = arith.constant 0 : i32
    %dma_start3A_49 = arith.constant 0 : i32
    %dma_start3A_50 = tpu.memref_slice %arg2[%dma_start3A_48, %dma_start3A_49] : memref<10000x32xf32, #tpu.memory_space<hbm>> -> memref<10000x32xf32, #tpu.memory_space<hbm>>
    tpu.enqueue_indirect_dma source(%dma_start3A_50 : memref<10000x32xf32, #tpu.memory_space<hbm>>) target(%arg15 : memref<125x32xf32, #tpu.memory_space<vmem>>) offsets(%dma_start3A_47 : memref<125xi32, #tpu.memory_space<vmem>>) semaphore(%arg24 : memref<!tpu.dma_semaphore, #tpu.memory_space<semaphore_mem>>)
    %scan3A = arith.constant 0 : i32
    %scan3A_51 = arith.constant 0 : i32
    %scan3A_52 = arith.constant 9 : i32
    %scan3A_53 = arith.addi %scan3A_51, %scan3A_52 : i32
    %scan3A_54 = arith.constant 1 : i32
    scf.for %scan3A_130 = %scan3A_51 to %scan3A_53 step %scan3A_54  : i32 {
      %mul3A_131 = arith.constant 8 : i32
      %mul3A_132 = arith.muli %mul3A_131, %scan3A_130 : i32
      %add3A_133 = arith.constant 0 : i32
      %add3A_134 = arith.addi %mul3A_132, %add3A_133 : i32
      %add3A_135 = arith.constant 8 : i32
      %add3A_136 = arith.addi %add3A_134, %add3A_135 : i32
      %sub3A = arith.constant 1 : i32
      %sub3A_137 = arith.subi %add3A_136, %sub3A : i32
      %dma_start3A_138 = arith.constant 0 : i32
      %dma_start3A_139 = tpu.memref_slice %arg7[%sub3A_137, %dma_start3A_138] : memref<80x125xi32, #tpu.memory_space<vmem>> -> memref<1x125xi32, #tpu.memory_space<vmem>>
      %dma_start3A_140 = tpu.memref_squeeze %dma_start3A_139 : memref<1x125xi32, #tpu.memory_space<vmem>> -> memref<125xi32, #tpu.memory_space<vmem>>
      %dma_start3A_141 = arith.constant 0 : i32
      %dma_start3A_142 = arith.constant 0 : i32
      %dma_start3A_143 = tpu.memref_slice %arg2[%dma_start3A_141, %dma_start3A_142] : memref<10000x32xf32, #tpu.memory_space<hbm>> -> memref<10000x32xf32, #tpu.memory_space<hbm>>
      tpu.enqueue_indirect_dma source(%dma_start3A_143 : memref<10000x32xf32, #tpu.memory_space<hbm>>) target(%arg16 : memref<125x32xf32, #tpu.memory_space<vmem>>) offsets(%dma_start3A_140 : memref<125xi32, #tpu.memory_space<vmem>>) semaphore(%arg25 : memref<!tpu.dma_semaphore, #tpu.memory_space<semaphore_mem>>)
      %add3A_144 = arith.constant 0 : i32
      %add3A_145 = arith.addi %mul3A_132, %add3A_144 : i32
      %dma_wait3A_146 = arith.constant 0 : i32
      %dma_wait3A_147 = tpu.memref_slice %arg7[%add3A_145, %dma_wait3A_146] : memref<80x125xi32, #tpu.memory_space<vmem>> -> memref<1x125xi32, #tpu.memory_space<vmem>>
      %dma_wait3A_148 = tpu.memref_squeeze %dma_wait3A_147 : memref<1x125xi32, #tpu.memory_space<vmem>> -> memref<125xi32, #tpu.memory_space<vmem>>
      %dma_wait3A_149 = arith.constant 0 : i32
      %dma_wait3A_150 = arith.constant 0 : i32
      %dma_wait3A_151 = tpu.memref_slice %arg2[%dma_wait3A_149, %dma_wait3A_150] : memref<10000x32xf32, #tpu.memory_space<hbm>> -> memref<10000x32xf32, #tpu.memory_space<hbm>>
      tpu.wait_indirect_dma semaphore(%arg18 : memref<!tpu.dma_semaphore, #tpu.memory_space<semaphore_mem>>) src(%dma_wait3A_151 : memref<10000x32xf32, #tpu.memory_space<hbm>>) dst(%arg9 : memref<125x32xf32, #tpu.memory_space<vmem>>)
      "tpu.region"() ({
        %run_scoped3A_292 = tpu.sem_alloc : memref<!tpu.dma_semaphore, #tpu.memory_space<semaphore_mem>>
        %dma_start3A_293 = arith.constant 0 : i32
        %dma_start3A_294 = tpu.memref_slice %arg8[%add3A_145, %dma_start3A_293] : memref<80x125xi32, #tpu.memory_space<vmem>> -> memref<1x125xi32, #tpu.memory_space<vmem>>
        %dma_start3A_295 = tpu.memref_squeeze %dma_start3A_294 : memref<1x125xi32, #tpu.memory_space<vmem>> -> memref<125xi32, #tpu.memory_space<vmem>>
        %dma_start3A_296 = arith.constant 0 : i32
        %dma_start3A_297 = arith.constant 0 : i32
        %dma_start3A_298 = tpu.memref_slice %arg17[%dma_start3A_296, %dma_start3A_297] : memref<10000x32xf32, #tpu.memory_space<vmem_shared>> -> memref<10000x32xf32, #tpu.memory_space<vmem_shared>>
        tpu.enqueue_indirect_dma source(%arg9 : memref<125x32xf32, #tpu.memory_space<vmem>>) target(%dma_start3A_298 : memref<10000x32xf32, #tpu.memory_space<vmem_shared>>) offsets(%dma_start3A_295 : memref<125xi32, #tpu.memory_space<vmem>>) semaphore(%run_scoped3A_292 : memref<!tpu.dma_semaphore, #tpu.memory_space<semaphore_mem>>) {add = true}
        %dma_wait3A_299 = arith.constant 0 : i32
        %dma_wait3A_300 = tpu.memref_slice %arg8[%add3A_145, %dma_wait3A_299] : memref<80x125xi32, #tpu.memory_space<vmem>> -> memref<1x125xi32, #tpu.memory_space<vmem>>
        %dma_wait3A_301 = tpu.memref_squeeze %dma_wait3A_300 : memref<1x125xi32, #tpu.memory_space<vmem>> -> memref<125xi32, #tpu.memory_space<vmem>>
        %dma_wait3A_302 = arith.constant 0 : i32
        %dma_wait3A_303 = arith.constant 0 : i32
        %dma_wait3A_304 = tpu.memref_slice %arg17[%dma_wait3A_302, %dma_wait3A_303] : memref<10000x32xf32, #tpu.memory_space<vmem_shared>> -> memref<10000x32xf32, #tpu.memory_space<vmem_shared>>
        tpu.wait_indirect_dma semaphore(%run_scoped3A_292 : memref<!tpu.dma_semaphore, #tpu.memory_space<semaphore_mem>>) src(%arg9 : memref<125x32xf32, #tpu.memory_space<vmem>>) dst(%dma_wait3A_304 : memref<10000x32xf32, #tpu.memory_space<vmem_shared>>)
        tpu.yield
      }) : () -> ()
      %add3A_152 = arith.constant 1 : i32
      %add3A_153 = arith.addi %mul3A_132, %add3A_152 : i32
      %add3A_154 = arith.constant 8 : i32
      %add3A_155 = arith.addi %add3A_153, %add3A_154 : i32
      %sub3A_156 = arith.constant 1 : i32
      %sub3A_157 = arith.subi %add3A_155, %sub3A_156 : i32
      %dma_start3A_158 = arith.constant 0 : i32
      %dma_start3A_159 = tpu.memref_slice %arg7[%sub3A_157, %dma_start3A_158] : memref<80x125xi32, #tpu.memory_space<vmem>> -> memref<1x125xi32, #tpu.memory_space<vmem>>
      %dma_start3A_160 = tpu.memref_squeeze %dma_start3A_159 : memref<1x125xi32, #tpu.memory_space<vmem>> -> memref<125xi32, #tpu.memory_space<vmem>>
      %dma_start3A_161 = arith.constant 0 : i32
      %dma_start3A_162 = arith.constant 0 : i32
      %dma_start3A_163 = tpu.memref_slice %arg2[%dma_start3A_161, %dma_start3A_162] : memref<10000x32xf32, #tpu.memory_space<hbm>> -> memref<10000x32xf32, #tpu.memory_space<hbm>>
      tpu.enqueue_indirect_dma source(%dma_start3A_163 : memref<10000x32xf32, #tpu.memory_space<hbm>>) target(%arg9 : memref<125x32xf32, #tpu.memory_space<vmem>>) offsets(%dma_start3A_160 : memref<125xi32, #tpu.memory_space<vmem>>) semaphore(%arg18 : memref<!tpu.dma_semaphore, #tpu.memory_space<semaphore_mem>>)
      %add3A_164 = arith.constant 1 : i32
      %add3A_165 = arith.addi %mul3A_132, %add3A_164 : i32
      %dma_wait3A_166 = arith.constant 0 : i32
      %dma_wait3A_167 = tpu.memref_slice %arg7[%add3A_165, %dma_wait3A_166] : memref<80x125xi32, #tpu.memory_space<vmem>> -> memref<1x125xi32, #tpu.memory_space<vmem>>
      %dma_wait3A_168 = tpu.memref_squeeze %dma_wait3A_167 : memref<1x125xi32, #tpu.memory_space<vmem>> -> memref<125xi32, #tpu.memory_space<vmem>>
      %dma_wait3A_169 = arith.constant 0 : i32
      %dma_wait3A_170 = arith.constant 0 : i32
      %dma_wait3A_171 = tpu.memref_slice %arg2[%dma_wait3A_169, %dma_wait3A_170] : memref<10000x32xf32, #tpu.memory_space<hbm>> -> memref<10000x32xf32, #tpu.memory_space<hbm>>
      tpu.wait_indirect_dma semaphore(%arg19 : memref<!tpu.dma_semaphore, #tpu.memory_space<semaphore_mem>>) src(%dma_wait3A_171 : memref<10000x32xf32, #tpu.memory_space<hbm>>) dst(%arg10 : memref<125x32xf32, #tpu.memory_space<vmem>>)
      "tpu.region"() ({
        %run_scoped3A_292 = tpu.sem_alloc : memref<!tpu.dma_semaphore, #tpu.memory_space<semaphore_mem>>
        %dma_start3A_293 = arith.constant 0 : i32
        %dma_start3A_294 = tpu.memref_slice %arg8[%add3A_165, %dma_start3A_293] : memref<80x125xi32, #tpu.memory_space<vmem>> -> memref<1x125xi32, #tpu.memory_space<vmem>>
        %dma_start3A_295 = tpu.memref_squeeze %dma_start3A_294 : memref<1x125xi32, #tpu.memory_space<vmem>> -> memref<125xi32, #tpu.memory_space<vmem>>
        %dma_start3A_296 = arith.constant 0 : i32
        %dma_start3A_297 = arith.constant 0 : i32
        %dma_start3A_298 = tpu.memref_slice %arg17[%dma_start3A_296, %dma_start3A_297] : memref<10000x32xf32, #tpu.memory_space<vmem_shared>> -> memref<10000x32xf32, #tpu.memory_space<vmem_shared>>
        tpu.enqueue_indirect_dma source(%arg10 : memref<125x32xf32, #tpu.memory_space<vmem>>) target(%dma_start3A_298 : memref<10000x32xf32, #tpu.memory_space<vmem_shared>>) offsets(%dma_start3A_295 : memref<125xi32, #tpu.memory_space<vmem>>) semaphore(%run_scoped3A_292 : memref<!tpu.dma_semaphore, #tpu.memory_space<semaphore_mem>>) {add = true}
        %dma_wait3A_299 = arith.constant 0 : i32
        %dma_wait3A_300 = tpu.memref_slice %arg8[%add3A_165, %dma_wait3A_299] : memref<80x125xi32, #tpu.memory_space<vmem>> -> memref<1x125xi32, #tpu.memory_space<vmem>>
        %dma_wait3A_301 = tpu.memref_squeeze %dma_wait3A_300 : memref<1x125xi32, #tpu.memory_space<vmem>> -> memref<125xi32, #tpu.memory_space<vmem>>
        %dma_wait3A_302 = arith.constant 0 : i32
        %dma_wait3A_303 = arith.constant 0 : i32
        %dma_wait3A_304 = tpu.memref_slice %arg17[%dma_wait3A_302, %dma_wait3A_303] : memref<10000x32xf32, #tpu.memory_space<vmem_shared>> -> memref<10000x32xf32, #tpu.memory_space<vmem_shared>>
        tpu.wait_indirect_dma semaphore(%run_scoped3A_292 : memref<!tpu.dma_semaphore, #tpu.memory_space<semaphore_mem>>) src(%arg10 : memref<125x32xf32, #tpu.memory_space<vmem>>) dst(%dma_wait3A_304 : memref<10000x32xf32, #tpu.memory_space<vmem_shared>>)
        tpu.yield
      }) : () -> ()
      %add3A_172 = arith.constant 2 : i32
      %add3A_173 = arith.addi %mul3A_132, %add3A_172 : i32
      %add3A_174 = arith.constant 8 : i32
      %add3A_175 = arith.addi %add3A_173, %add3A_174 : i32
      %sub3A_176 = arith.constant 1 : i32
      %sub3A_177 = arith.subi %add3A_175, %sub3A_176 : i32
      %dma_start3A_178 = arith.constant 0 : i32
      %dma_start3A_179 = tpu.memref_slice %arg7[%sub3A_177, %dma_start3A_178] : memref<80x125xi32, #tpu.memory_space<vmem>> -> memref<1x125xi32, #tpu.memory_space<vmem>>
      %dma_start3A_180 = tpu.memref_squeeze %dma_start3A_179 : memref<1x125xi32, #tpu.memory_space<vmem>> -> memref<125xi32, #tpu.memory_space<vmem>>
      %dma_start3A_181 = arith.constant 0 : i32
      %dma_start3A_182 = arith.constant 0 : i32
      %dma_start3A_183 = tpu.memref_slice %arg2[%dma_start3A_181, %dma_start3A_182] : memref<10000x32xf32, #tpu.memory_space<hbm>> -> memref<10000x32xf32, #tpu.memory_space<hbm>>
      tpu.enqueue_indirect_dma source(%dma_start3A_183 : memref<10000x32xf32, #tpu.memory_space<hbm>>) target(%arg10 : memref<125x32xf32, #tpu.memory_space<vmem>>) offsets(%dma_start3A_180 : memref<125xi32, #tpu.memory_space<vmem>>) semaphore(%arg19 : memref<!tpu.dma_semaphore, #tpu.memory_space<semaphore_mem>>)
      %add3A_184 = arith.constant 2 : i32
      %add3A_185 = arith.addi %mul3A_132, %add3A_184 : i32
      %dma_wait3A_186 = arith.constant 0 : i32
      %dma_wait3A_187 = tpu.memref_slice %arg7[%add3A_185, %dma_wait3A_186] : memref<80x125xi32, #tpu.memory_space<vmem>> -> memref<1x125xi32, #tpu.memory_space<vmem>>
      %dma_wait3A_188 = tpu.memref_squeeze %dma_wait3A_187 : memref<1x125xi32, #tpu.memory_space<vmem>> -> memref<125xi32, #tpu.memory_space<vmem>>
      %dma_wait3A_189 = arith.constant 0 : i32
      %dma_wait3A_190 = arith.constant 0 : i32
      %dma_wait3A_191 = tpu.memref_slice %arg2[%dma_wait3A_189, %dma_wait3A_190] : memref<10000x32xf32, #tpu.memory_space<hbm>> -> memref<10000x32xf32, #tpu.memory_space<hbm>>
      tpu.wait_indirect_dma semaphore(%arg20 : memref<!tpu.dma_semaphore, #tpu.memory_space<semaphore_mem>>) src(%dma_wait3A_191 : memref<10000x32xf32, #tpu.memory_space<hbm>>) dst(%arg11 : memref<125x32xf32, #tpu.memory_space<vmem>>)
      "tpu.region"() ({
        %run_scoped3A_292 = tpu.sem_alloc : memref<!tpu.dma_semaphore, #tpu.memory_space<semaphore_mem>>
        %dma_start3A_293 = arith.constant 0 : i32
        %dma_start3A_294 = tpu.memref_slice %arg8[%add3A_185, %dma_start3A_293] : memref<80x125xi32, #tpu.memory_space<vmem>> -> memref<1x125xi32, #tpu.memory_space<vmem>>
        %dma_start3A_295 = tpu.memref_squeeze %dma_start3A_294 : memref<1x125xi32, #tpu.memory_space<vmem>> -> memref<125xi32, #tpu.memory_space<vmem>>
        %dma_start3A_296 = arith.constant 0 : i32
        %dma_start3A_297 = arith.constant 0 : i32
        %dma_start3A_298 = tpu.memref_slice %arg17[%dma_start3A_296, %dma_start3A_297] : memref<10000x32xf32, #tpu.memory_space<vmem_shared>> -> memref<10000x32xf32, #tpu.memory_space<vmem_shared>>
        tpu.enqueue_indirect_dma source(%arg11 : memref<125x32xf32, #tpu.memory_space<vmem>>) target(%dma_start3A_298 : memref<10000x32xf32, #tpu.memory_space<vmem_shared>>) offsets(%dma_start3A_295 : memref<125xi32, #tpu.memory_space<vmem>>) semaphore(%run_scoped3A_292 : memref<!tpu.dma_semaphore, #tpu.memory_space<semaphore_mem>>) {add = true}
        %dma_wait3A_299 = arith.constant 0 : i32
        %dma_wait3A_300 = tpu.memref_slice %arg8[%add3A_185, %dma_wait3A_299] : memref<80x125xi32, #tpu.memory_space<vmem>> -> memref<1x125xi32, #tpu.memory_space<vmem>>
        %dma_wait3A_301 = tpu.memref_squeeze %dma_wait3A_300 : memref<1x125xi32, #tpu.memory_space<vmem>> -> memref<125xi32, #tpu.memory_space<vmem>>
        %dma_wait3A_302 = arith.constant 0 : i32
        %dma_wait3A_303 = arith.constant 0 : i32
        %dma_wait3A_304 = tpu.memref_slice %arg17[%dma_wait3A_302, %dma_wait3A_303] : memref<10000x32xf32, #tpu.memory_space<vmem_shared>> -> memref<10000x32xf32, #tpu.memory_space<vmem_shared>>
        tpu.wait_indirect_dma semaphore(%run_scoped3A_292 : memref<!tpu.dma_semaphore, #tpu.memory_space<semaphore_mem>>) src(%arg11 : memref<125x32xf32, #tpu.memory_space<vmem>>) dst(%dma_wait3A_304 : memref<10000x32xf32, #tpu.memory_space<vmem_shared>>)
        tpu.yield
      }) : () -> ()
      %add3A_192 = arith.constant 3 : i32
      %add3A_193 = arith.addi %mul3A_132, %add3A_192 : i32
      %add3A_194 = arith.constant 8 : i32
      %add3A_195 = arith.addi %add3A_193, %add3A_194 : i32
      %sub3A_196 = arith.constant 1 : i32
      %sub3A_197 = arith.subi %add3A_195, %sub3A_196 : i32
      %dma_start3A_198 = arith.constant 0 : i32
      %dma_start3A_199 = tpu.memref_slice %arg7[%sub3A_197, %dma_start3A_198] : memref<80x125xi32, #tpu.memory_space<vmem>> -> memref<1x125xi32, #tpu.memory_space<vmem>>
      %dma_start3A_200 = tpu.memref_squeeze %dma_start3A_199 : memref<1x125xi32, #tpu.memory_space<vmem>> -> memref<125xi32, #tpu.memory_space<vmem>>
      %dma_start3A_201 = arith.constant 0 : i32
      %dma_start3A_202 = arith.constant 0 : i32
      %dma_start3A_203 = tpu.memref_slice %arg2[%dma_start3A_201, %dma_start3A_202] : memref<10000x32xf32, #tpu.memory_space<hbm>> -> memref<10000x32xf32, #tpu.memory_space<hbm>>
      tpu.enqueue_indirect_dma source(%dma_start3A_203 : memref<10000x32xf32, #tpu.memory_space<hbm>>) target(%arg11 : memref<125x32xf32, #tpu.memory_space<vmem>>) offsets(%dma_start3A_200 : memref<125xi32, #tpu.memory_space<vmem>>) semaphore(%arg20 : memref<!tpu.dma_semaphore, #tpu.memory_space<semaphore_mem>>)
      %add3A_204 = arith.constant 3 : i32
      %add3A_205 = arith.addi %mul3A_132, %add3A_204 : i32
      %dma_wait3A_206 = arith.constant 0 : i32
      %dma_wait3A_207 = tpu.memref_slice %arg7[%add3A_205, %dma_wait3A_206] : memref<80x125xi32, #tpu.memory_space<vmem>> -> memref<1x125xi32, #tpu.memory_space<vmem>>
      %dma_wait3A_208 = tpu.memref_squeeze %dma_wait3A_207 : memref<1x125xi32, #tpu.memory_space<vmem>> -> memref<125xi32, #tpu.memory_space<vmem>>
      %dma_wait3A_209 = arith.constant 0 : i32
      %dma_wait3A_210 = arith.constant 0 : i32
      %dma_wait3A_211 = tpu.memref_slice %arg2[%dma_wait3A_209, %dma_wait3A_210] : memref<10000x32xf32, #tpu.memory_space<hbm>> -> memref<10000x32xf32, #tpu.memory_space<hbm>>
      tpu.wait_indirect_dma semaphore(%arg21 : memref<!tpu.dma_semaphore, #tpu.memory_space<semaphore_mem>>) src(%dma_wait3A_211 : memref<10000x32xf32, #tpu.memory_space<hbm>>) dst(%arg12 : memref<125x32xf32, #tpu.memory_space<vmem>>)
      "tpu.region"() ({
        %run_scoped3A_292 = tpu.sem_alloc : memref<!tpu.dma_semaphore, #tpu.memory_space<semaphore_mem>>
        %dma_start3A_293 = arith.constant 0 : i32
        %dma_start3A_294 = tpu.memref_slice %arg8[%add3A_205, %dma_start3A_293] : memref<80x125xi32, #tpu.memory_space<vmem>> -> memref<1x125xi32, #tpu.memory_space<vmem>>
        %dma_start3A_295 = tpu.memref_squeeze %dma_start3A_294 : memref<1x125xi32, #tpu.memory_space<vmem>> -> memref<125xi32, #tpu.memory_space<vmem>>
        %dma_start3A_296 = arith.constant 0 : i32
        %dma_start3A_297 = arith.constant 0 : i32
        %dma_start3A_298 = tpu.memref_slice %arg17[%dma_start3A_296, %dma_start3A_297] : memref<10000x32xf32, #tpu.memory_space<vmem_shared>> -> memref<10000x32xf32, #tpu.memory_space<vmem_shared>>
        tpu.enqueue_indirect_dma source(%arg12 : memref<125x32xf32, #tpu.memory_space<vmem>>) target(%dma_start3A_298 : memref<10000x32xf32, #tpu.memory_space<vmem_shared>>) offsets(%dma_start3A_295 : memref<125xi32, #tpu.memory_space<vmem>>) semaphore(%run_scoped3A_292 : memref<!tpu.dma_semaphore, #tpu.memory_space<semaphore_mem>>) {add = true}
        %dma_wait3A_299 = arith.constant 0 : i32
        %dma_wait3A_300 = tpu.memref_slice %arg8[%add3A_205, %dma_wait3A_299] : memref<80x125xi32, #tpu.memory_space<vmem>> -> memref<1x125xi32, #tpu.memory_space<vmem>>
        %dma_wait3A_301 = tpu.memref_squeeze %dma_wait3A_300 : memref<1x125xi32, #tpu.memory_space<vmem>> -> memref<125xi32, #tpu.memory_space<vmem>>
        %dma_wait3A_302 = arith.constant 0 : i32
        %dma_wait3A_303 = arith.constant 0 : i32
        %dma_wait3A_304 = tpu.memref_slice %arg17[%dma_wait3A_302, %dma_wait3A_303] : memref<10000x32xf32, #tpu.memory_space<vmem_shared>> -> memref<10000x32xf32, #tpu.memory_space<vmem_shared>>
        tpu.wait_indirect_dma semaphore(%run_scoped3A_292 : memref<!tpu.dma_semaphore, #tpu.memory_space<semaphore_mem>>) src(%arg12 : memref<125x32xf32, #tpu.memory_space<vmem>>) dst(%dma_wait3A_304 : memref<10000x32xf32, #tpu.memory_space<vmem_shared>>)
        tpu.yield
      }) : () -> ()
      %add3A_212 = arith.constant 4 : i32
      %add3A_213 = arith.addi %mul3A_132, %add3A_212 : i32
      %add3A_214 = arith.constant 8 : i32
      %add3A_215 = arith.addi %add3A_213, %add3A_214 : i32
      %sub3A_216 = arith.constant 1 : i32
      %sub3A_217 = arith.subi %add3A_215, %sub3A_216 : i32
      %dma_start3A_218 = arith.constant 0 : i32
      %dma_start3A_219 = tpu.memref_slice %arg7[%sub3A_217, %dma_start3A_218] : memref<80x125xi32, #tpu.memory_space<vmem>> -> memref<1x125xi32, #tpu.memory_space<vmem>>
      %dma_start3A_220 = tpu.memref_squeeze %dma_start3A_219 : memref<1x125xi32, #tpu.memory_space<vmem>> -> memref<125xi32, #tpu.memory_space<vmem>>
      %dma_start3A_221 = arith.constant 0 : i32
      %dma_start3A_222 = arith.constant 0 : i32
      %dma_start3A_223 = tpu.memref_slice %arg2[%dma_start3A_221, %dma_start3A_222] : memref<10000x32xf32, #tpu.memory_space<hbm>> -> memref<10000x32xf32, #tpu.memory_space<hbm>>
      tpu.enqueue_indirect_dma source(%dma_start3A_223 : memref<10000x32xf32, #tpu.memory_space<hbm>>) target(%arg12 : memref<125x32xf32, #tpu.memory_space<vmem>>) offsets(%dma_start3A_220 : memref<125xi32, #tpu.memory_space<vmem>>) semaphore(%arg21 : memref<!tpu.dma_semaphore, #tpu.memory_space<semaphore_mem>>)
      %add3A_224 = arith.constant 4 : i32
      %add3A_225 = arith.addi %mul3A_132, %add3A_224 : i32
      %dma_wait3A_226 = arith.constant 0 : i32
      %dma_wait3A_227 = tpu.memref_slice %arg7[%add3A_225, %dma_wait3A_226] : memref<80x125xi32, #tpu.memory_space<vmem>> -> memref<1x125xi32, #tpu.memory_space<vmem>>
      %dma_wait3A_228 = tpu.memref_squeeze %dma_wait3A_227 : memref<1x125xi32, #tpu.memory_space<vmem>> -> memref<125xi32, #tpu.memory_space<vmem>>
      %dma_wait3A_229 = arith.constant 0 : i32
      %dma_wait3A_230 = arith.constant 0 : i32
      %dma_wait3A_231 = tpu.memref_slice %arg2[%dma_wait3A_229, %dma_wait3A_230] : memref<10000x32xf32, #tpu.memory_space<hbm>> -> memref<10000x32xf32, #tpu.memory_space<hbm>>
      tpu.wait_indirect_dma semaphore(%arg22 : memref<!tpu.dma_semaphore, #tpu.memory_space<semaphore_mem>>) src(%dma_wait3A_231 : memref<10000x32xf32, #tpu.memory_space<hbm>>) dst(%arg13 : memref<125x32xf32, #tpu.memory_space<vmem>>)
      "tpu.region"() ({
        %run_scoped3A_292 = tpu.sem_alloc : memref<!tpu.dma_semaphore, #tpu.memory_space<semaphore_mem>>
        %dma_start3A_293 = arith.constant 0 : i32
        %dma_start3A_294 = tpu.memref_slice %arg8[%add3A_225, %dma_start3A_293] : memref<80x125xi32, #tpu.memory_space<vmem>> -> memref<1x125xi32, #tpu.memory_space<vmem>>
        %dma_start3A_295 = tpu.memref_squeeze %dma_start3A_294 : memref<1x125xi32, #tpu.memory_space<vmem>> -> memref<125xi32, #tpu.memory_space<vmem>>
        %dma_start3A_296 = arith.constant 0 : i32
        %dma_start3A_297 = arith.constant 0 : i32
        %dma_start3A_298 = tpu.memref_slice %arg17[%dma_start3A_296, %dma_start3A_297] : memref<10000x32xf32, #tpu.memory_space<vmem_shared>> -> memref<10000x32xf32, #tpu.memory_space<vmem_shared>>
        tpu.enqueue_indirect_dma source(%arg13 : memref<125x32xf32, #tpu.memory_space<vmem>>) target(%dma_start3A_298 : memref<10000x32xf32, #tpu.memory_space<vmem_shared>>) offsets(%dma_start3A_295 : memref<125xi32, #tpu.memory_space<vmem>>) semaphore(%run_scoped3A_292 : memref<!tpu.dma_semaphore, #tpu.memory_space<semaphore_mem>>) {add = true}
        %dma_wait3A_299 = arith.constant 0 : i32
        %dma_wait3A_300 = tpu.memref_slice %arg8[%add3A_225, %dma_wait3A_299] : memref<80x125xi32, #tpu.memory_space<vmem>> -> memref<1x125xi32, #tpu.memory_space<vmem>>
        %dma_wait3A_301 = tpu.memref_squeeze %dma_wait3A_300 : memref<1x125xi32, #tpu.memory_space<vmem>> -> memref<125xi32, #tpu.memory_space<vmem>>
        %dma_wait3A_302 = arith.constant 0 : i32
        %dma_wait3A_303 = arith.constant 0 : i32
        %dma_wait3A_304 = tpu.memref_slice %arg17[%dma_wait3A_302, %dma_wait3A_303] : memref<10000x32xf32, #tpu.memory_space<vmem_shared>> -> memref<10000x32xf32, #tpu.memory_space<vmem_shared>>
        tpu.wait_indirect_dma semaphore(%run_scoped3A_292 : memref<!tpu.dma_semaphore, #tpu.memory_space<semaphore_mem>>) src(%arg13 : memref<125x32xf32, #tpu.memory_space<vmem>>) dst(%dma_wait3A_304 : memref<10000x32xf32, #tpu.memory_space<vmem_shared>>)
        tpu.yield
      }) : () -> ()
      %add3A_232 = arith.constant 5 : i32
      %add3A_233 = arith.addi %mul3A_132, %add3A_232 : i32
      %add3A_234 = arith.constant 8 : i32
      %add3A_235 = arith.addi %add3A_233, %add3A_234 : i32
      %sub3A_236 = arith.constant 1 : i32
      %sub3A_237 = arith.subi %add3A_235, %sub3A_236 : i32
      %dma_start3A_238 = arith.constant 0 : i32
      %dma_start3A_239 = tpu.memref_slice %arg7[%sub3A_237, %dma_start3A_238] : memref<80x125xi32, #tpu.memory_space<vmem>> -> memref<1x125xi32, #tpu.memory_space<vmem>>
      %dma_start3A_240 = tpu.memref_squeeze %dma_start3A_239 : memref<1x125xi32, #tpu.memory_space<vmem>> -> memref<125xi32, #tpu.memory_space<vmem>>
      %dma_start3A_241 = arith.constant 0 : i32
      %dma_start3A_242 = arith.constant 0 : i32
      %dma_start3A_243 = tpu.memref_slice %arg2[%dma_start3A_241, %dma_start3A_242] : memref<10000x32xf32, #tpu.memory_space<hbm>> -> memref<10000x32xf32, #tpu.memory_space<hbm>>
      tpu.enqueue_indirect_dma source(%dma_start3A_243 : memref<10000x32xf32, #tpu.memory_space<hbm>>) target(%arg13 : memref<125x32xf32, #tpu.memory_space<vmem>>) offsets(%dma_start3A_240 : memref<125xi32, #tpu.memory_space<vmem>>) semaphore(%arg22 : memref<!tpu.dma_semaphore, #tpu.memory_space<semaphore_mem>>)
      %add3A_244 = arith.constant 5 : i32
      %add3A_245 = arith.addi %mul3A_132, %add3A_244 : i32
      %dma_wait3A_246 = arith.constant 0 : i32
      %dma_wait3A_247 = tpu.memref_slice %arg7[%add3A_245, %dma_wait3A_246] : memref<80x125xi32, #tpu.memory_space<vmem>> -> memref<1x125xi32, #tpu.memory_space<vmem>>
      %dma_wait3A_248 = tpu.memref_squeeze %dma_wait3A_247 : memref<1x125xi32, #tpu.memory_space<vmem>> -> memref<125xi32, #tpu.memory_space<vmem>>
      %dma_wait3A_249 = arith.constant 0 : i32
      %dma_wait3A_250 = arith.constant 0 : i32
      %dma_wait3A_251 = tpu.memref_slice %arg2[%dma_wait3A_249, %dma_wait3A_250] : memref<10000x32xf32, #tpu.memory_space<hbm>> -> memref<10000x32xf32, #tpu.memory_space<hbm>>
      tpu.wait_indirect_dma semaphore(%arg23 : memref<!tpu.dma_semaphore, #tpu.memory_space<semaphore_mem>>) src(%dma_wait3A_251 : memref<10000x32xf32, #tpu.memory_space<hbm>>) dst(%arg14 : memref<125x32xf32, #tpu.memory_space<vmem>>)
      "tpu.region"() ({
        %run_scoped3A_292 = tpu.sem_alloc : memref<!tpu.dma_semaphore, #tpu.memory_space<semaphore_mem>>
        %dma_start3A_293 = arith.constant 0 : i32
        %dma_start3A_294 = tpu.memref_slice %arg8[%add3A_245, %dma_start3A_293] : memref<80x125xi32, #tpu.memory_space<vmem>> -> memref<1x125xi32, #tpu.memory_space<vmem>>
        %dma_start3A_295 = tpu.memref_squeeze %dma_start3A_294 : memref<1x125xi32, #tpu.memory_space<vmem>> -> memref<125xi32, #tpu.memory_space<vmem>>
        %dma_start3A_296 = arith.constant 0 : i32
        %dma_start3A_297 = arith.constant 0 : i32
        %dma_start3A_298 = tpu.memref_slice %arg17[%dma_start3A_296, %dma_start3A_297] : memref<10000x32xf32, #tpu.memory_space<vmem_shared>> -> memref<10000x32xf32, #tpu.memory_space<vmem_shared>>
        tpu.enqueue_indirect_dma source(%arg14 : memref<125x32xf32, #tpu.memory_space<vmem>>) target(%dma_start3A_298 : memref<10000x32xf32, #tpu.memory_space<vmem_shared>>) offsets(%dma_start3A_295 : memref<125xi32, #tpu.memory_space<vmem>>) semaphore(%run_scoped3A_292 : memref<!tpu.dma_semaphore, #tpu.memory_space<semaphore_mem>>) {add = true}
        %dma_wait3A_299 = arith.constant 0 : i32
        %dma_wait3A_300 = tpu.memref_slice %arg8[%add3A_245, %dma_wait3A_299] : memref<80x125xi32, #tpu.memory_space<vmem>> -> memref<1x125xi32, #tpu.memory_space<vmem>>
        %dma_wait3A_301 = tpu.memref_squeeze %dma_wait3A_300 : memref<1x125xi32, #tpu.memory_space<vmem>> -> memref<125xi32, #tpu.memory_space<vmem>>
        %dma_wait3A_302 = arith.constant 0 : i32
        %dma_wait3A_303 = arith.constant 0 : i32
        %dma_wait3A_304 = tpu.memref_slice %arg17[%dma_wait3A_302, %dma_wait3A_303] : memref<10000x32xf32, #tpu.memory_space<vmem_shared>> -> memref<10000x32xf32, #tpu.memory_space<vmem_shared>>
        tpu.wait_indirect_dma semaphore(%run_scoped3A_292 : memref<!tpu.dma_semaphore, #tpu.memory_space<semaphore_mem>>) src(%arg14 : memref<125x32xf32, #tpu.memory_space<vmem>>) dst(%dma_wait3A_304 : memref<10000x32xf32, #tpu.memory_space<vmem_shared>>)
        tpu.yield
      }) : () -> ()
      %add3A_252 = arith.constant 6 : i32
      %add3A_253 = arith.addi %mul3A_132, %add3A_252 : i32
      %add3A_254 = arith.constant 8 : i32
      %add3A_255 = arith.addi %add3A_253, %add3A_254 : i32
      %sub3A_256 = arith.constant 1 : i32
      %sub3A_257 = arith.subi %add3A_255, %sub3A_256 : i32
      %dma_start3A_258 = arith.constant 0 : i32
      %dma_start3A_259 = tpu.memref_slice %arg7[%sub3A_257, %dma_start3A_258] : memref<80x125xi32, #tpu.memory_space<vmem>> -> memref<1x125xi32, #tpu.memory_space<vmem>>
      %dma_start3A_260 = tpu.memref_squeeze %dma_start3A_259 : memref<1x125xi32, #tpu.memory_space<vmem>> -> memref<125xi32, #tpu.memory_space<vmem>>
      %dma_start3A_261 = arith.constant 0 : i32
      %dma_start3A_262 = arith.constant 0 : i32
      %dma_start3A_263 = tpu.memref_slice %arg2[%dma_start3A_261, %dma_start3A_262] : memref<10000x32xf32, #tpu.memory_space<hbm>> -> memref<10000x32xf32, #tpu.memory_space<hbm>>
      tpu.enqueue_indirect_dma source(%dma_start3A_263 : memref<10000x32xf32, #tpu.memory_space<hbm>>) target(%arg14 : memref<125x32xf32, #tpu.memory_space<vmem>>) offsets(%dma_start3A_260 : memref<125xi32, #tpu.memory_space<vmem>>) semaphore(%arg23 : memref<!tpu.dma_semaphore, #tpu.memory_space<semaphore_mem>>)
      %add3A_264 = arith.constant 6 : i32
      %add3A_265 = arith.addi %mul3A_132, %add3A_264 : i32
      %dma_wait3A_266 = arith.constant 0 : i32
      %dma_wait3A_267 = tpu.memref_slice %arg7[%add3A_265, %dma_wait3A_266] : memref<80x125xi32, #tpu.memory_space<vmem>> -> memref<1x125xi32, #tpu.memory_space<vmem>>
      %dma_wait3A_268 = tpu.memref_squeeze %dma_wait3A_267 : memref<1x125xi32, #tpu.memory_space<vmem>> -> memref<125xi32, #tpu.memory_space<vmem>>
      %dma_wait3A_269 = arith.constant 0 : i32
      %dma_wait3A_270 = arith.constant 0 : i32
      %dma_wait3A_271 = tpu.memref_slice %arg2[%dma_wait3A_269, %dma_wait3A_270] : memref<10000x32xf32, #tpu.memory_space<hbm>> -> memref<10000x32xf32, #tpu.memory_space<hbm>>
      tpu.wait_indirect_dma semaphore(%arg24 : memref<!tpu.dma_semaphore, #tpu.memory_space<semaphore_mem>>) src(%dma_wait3A_271 : memref<10000x32xf32, #tpu.memory_space<hbm>>) dst(%arg15 : memref<125x32xf32, #tpu.memory_space<vmem>>)
      "tpu.region"() ({
        %run_scoped3A_292 = tpu.sem_alloc : memref<!tpu.dma_semaphore, #tpu.memory_space<semaphore_mem>>
        %dma_start3A_293 = arith.constant 0 : i32
        %dma_start3A_294 = tpu.memref_slice %arg8[%add3A_265, %dma_start3A_293] : memref<80x125xi32, #tpu.memory_space<vmem>> -> memref<1x125xi32, #tpu.memory_space<vmem>>
        %dma_start3A_295 = tpu.memref_squeeze %dma_start3A_294 : memref<1x125xi32, #tpu.memory_space<vmem>> -> memref<125xi32, #tpu.memory_space<vmem>>
        %dma_start3A_296 = arith.constant 0 : i32
        %dma_start3A_297 = arith.constant 0 : i32
        %dma_start3A_298 = tpu.memref_slice %arg17[%dma_start3A_296, %dma_start3A_297] : memref<10000x32xf32, #tpu.memory_space<vmem_shared>> -> memref<10000x32xf32, #tpu.memory_space<vmem_shared>>
        tpu.enqueue_indirect_dma source(%arg15 : memref<125x32xf32, #tpu.memory_space<vmem>>) target(%dma_start3A_298 : memref<10000x32xf32, #tpu.memory_space<vmem_shared>>) offsets(%dma_start3A_295 : memref<125xi32, #tpu.memory_space<vmem>>) semaphore(%run_scoped3A_292 : memref<!tpu.dma_semaphore, #tpu.memory_space<semaphore_mem>>) {add = true}
        %dma_wait3A_299 = arith.constant 0 : i32
        %dma_wait3A_300 = tpu.memref_slice %arg8[%add3A_265, %dma_wait3A_299] : memref<80x125xi32, #tpu.memory_space<vmem>> -> memref<1x125xi32, #tpu.memory_space<vmem>>
        %dma_wait3A_301 = tpu.memref_squeeze %dma_wait3A_300 : memref<1x125xi32, #tpu.memory_space<vmem>> -> memref<125xi32, #tpu.memory_space<vmem>>
        %dma_wait3A_302 = arith.constant 0 : i32
        %dma_wait3A_303 = arith.constant 0 : i32
        %dma_wait3A_304 = tpu.memref_slice %arg17[%dma_wait3A_302, %dma_wait3A_303] : memref<10000x32xf32, #tpu.memory_space<vmem_shared>> -> memref<10000x32xf32, #tpu.memory_space<vmem_shared>>
        tpu.wait_indirect_dma semaphore(%run_scoped3A_292 : memref<!tpu.dma_semaphore, #tpu.memory_space<semaphore_mem>>) src(%arg15 : memref<125x32xf32, #tpu.memory_space<vmem>>) dst(%dma_wait3A_304 : memref<10000x32xf32, #tpu.memory_space<vmem_shared>>)
        tpu.yield
      }) : () -> ()
      %add3A_272 = arith.constant 7 : i32
      %add3A_273 = arith.addi %mul3A_132, %add3A_272 : i32
      %add3A_274 = arith.constant 8 : i32
      %add3A_275 = arith.addi %add3A_273, %add3A_274 : i32
      %sub3A_276 = arith.constant 1 : i32
      %sub3A_277 = arith.subi %add3A_275, %sub3A_276 : i32
      %dma_start3A_278 = arith.constant 0 : i32
      %dma_start3A_279 = tpu.memref_slice %arg7[%sub3A_277, %dma_start3A_278] : memref<80x125xi32, #tpu.memory_space<vmem>> -> memref<1x125xi32, #tpu.memory_space<vmem>>
      %dma_start3A_280 = tpu.memref_squeeze %dma_start3A_279 : memref<1x125xi32, #tpu.memory_space<vmem>> -> memref<125xi32, #tpu.memory_space<vmem>>
      %dma_start3A_281 = arith.constant 0 : i32
      %dma_start3A_282 = arith.constant 0 : i32
      %dma_start3A_283 = tpu.memref_slice %arg2[%dma_start3A_281, %dma_start3A_282] : memref<10000x32xf32, #tpu.memory_space<hbm>> -> memref<10000x32xf32, #tpu.memory_space<hbm>>
      tpu.enqueue_indirect_dma source(%dma_start3A_283 : memref<10000x32xf32, #tpu.memory_space<hbm>>) target(%arg15 : memref<125x32xf32, #tpu.memory_space<vmem>>) offsets(%dma_start3A_280 : memref<125xi32, #tpu.memory_space<vmem>>) semaphore(%arg24 : memref<!tpu.dma_semaphore, #tpu.memory_space<semaphore_mem>>)
      %add3A_284 = arith.constant 7 : i32
      %add3A_285 = arith.addi %mul3A_132, %add3A_284 : i32
      %dma_wait3A_286 = arith.constant 0 : i32
      %dma_wait3A_287 = tpu.memref_slice %arg7[%add3A_285, %dma_wait3A_286] : memref<80x125xi32, #tpu.memory_space<vmem>> -> memref<1x125xi32, #tpu.memory_space<vmem>>
      %dma_wait3A_288 = tpu.memref_squeeze %dma_wait3A_287 : memref<1x125xi32, #tpu.memory_space<vmem>> -> memref<125xi32, #tpu.memory_space<vmem>>
      %dma_wait3A_289 = arith.constant 0 : i32
      %dma_wait3A_290 = arith.constant 0 : i32
      %dma_wait3A_291 = tpu.memref_slice %arg2[%dma_wait3A_289, %dma_wait3A_290] : memref<10000x32xf32, #tpu.memory_space<hbm>> -> memref<10000x32xf32, #tpu.memory_space<hbm>>
      tpu.wait_indirect_dma semaphore(%arg25 : memref<!tpu.dma_semaphore, #tpu.memory_space<semaphore_mem>>) src(%dma_wait3A_291 : memref<10000x32xf32, #tpu.memory_space<hbm>>) dst(%arg16 : memref<125x32xf32, #tpu.memory_space<vmem>>)
      "tpu.region"() ({
        %run_scoped3A_292 = tpu.sem_alloc : memref<!tpu.dma_semaphore, #tpu.memory_space<semaphore_mem>>
        %dma_start3A_293 = arith.constant 0 : i32
        %dma_start3A_294 = tpu.memref_slice %arg8[%add3A_285, %dma_start3A_293] : memref<80x125xi32, #tpu.memory_space<vmem>> -> memref<1x125xi32, #tpu.memory_space<vmem>>
        %dma_start3A_295 = tpu.memref_squeeze %dma_start3A_294 : memref<1x125xi32, #tpu.memory_space<vmem>> -> memref<125xi32, #tpu.memory_space<vmem>>
        %dma_start3A_296 = arith.constant 0 : i32
        %dma_start3A_297 = arith.constant 0 : i32
        %dma_start3A_298 = tpu.memref_slice %arg17[%dma_start3A_296, %dma_start3A_297] : memref<10000x32xf32, #tpu.memory_space<vmem_shared>> -> memref<10000x32xf32, #tpu.memory_space<vmem_shared>>
        tpu.enqueue_indirect_dma source(%arg16 : memref<125x32xf32, #tpu.memory_space<vmem>>) target(%dma_start3A_298 : memref<10000x32xf32, #tpu.memory_space<vmem_shared>>) offsets(%dma_start3A_295 : memref<125xi32, #tpu.memory_space<vmem>>) semaphore(%run_scoped3A_292 : memref<!tpu.dma_semaphore, #tpu.memory_space<semaphore_mem>>) {add = true}
        %dma_wait3A_299 = arith.constant 0 : i32
        %dma_wait3A_300 = tpu.memref_slice %arg8[%add3A_285, %dma_wait3A_299] : memref<80x125xi32, #tpu.memory_space<vmem>> -> memref<1x125xi32, #tpu.memory_space<vmem>>
        %dma_wait3A_301 = tpu.memref_squeeze %dma_wait3A_300 : memref<1x125xi32, #tpu.memory_space<vmem>> -> memref<125xi32, #tpu.memory_space<vmem>>
        %dma_wait3A_302 = arith.constant 0 : i32
        %dma_wait3A_303 = arith.constant 0 : i32
        %dma_wait3A_304 = tpu.memref_slice %arg17[%dma_wait3A_302, %dma_wait3A_303] : memref<10000x32xf32, #tpu.memory_space<vmem_shared>> -> memref<10000x32xf32, #tpu.memory_space<vmem_shared>>
        tpu.wait_indirect_dma semaphore(%run_scoped3A_292 : memref<!tpu.dma_semaphore, #tpu.memory_space<semaphore_mem>>) src(%arg16 : memref<125x32xf32, #tpu.memory_space<vmem>>) dst(%dma_wait3A_304 : memref<10000x32xf32, #tpu.memory_space<vmem_shared>>)
        tpu.yield
      }) : () -> ()
    }
    %scan3A_55 = arith.constant 9 : i32
    %dma_start3A_56 = arith.constant 79 : i32
    %dma_start3A_57 = arith.constant 0 : i32
    %dma_start3A_58 = tpu.memref_slice %arg7[%dma_start3A_56, %dma_start3A_57] : memref<80x125xi32, #tpu.memory_space<vmem>> -> memref<1x125xi32, #tpu.memory_space<vmem>>
    %dma_start3A_59 = tpu.memref_squeeze %dma_start3A_58 : memref<1x125xi32, #tpu.memory_space<vmem>> -> memref<125xi32, #tpu.memory_space<vmem>>
    %dma_start3A_60 = arith.constant 0 : i32
    %dma_start3A_61 = arith.constant 0 : i32
    %dma_start3A_62 = tpu.memref_slice %arg2[%dma_start3A_60, %dma_start3A_61] : memref<10000x32xf32, #tpu.memory_space<hbm>> -> memref<10000x32xf32, #tpu.memory_space<hbm>>
    tpu.enqueue_indirect_dma source(%dma_start3A_62 : memref<10000x32xf32, #tpu.memory_space<hbm>>) target(%arg16 : memref<125x32xf32, #tpu.memory_space<vmem>>) offsets(%dma_start3A_59 : memref<125xi32, #tpu.memory_space<vmem>>) semaphore(%arg25 : memref<!tpu.dma_semaphore, #tpu.memory_space<semaphore_mem>>)
    %dma_wait3A = arith.constant 72 : i32
    %dma_wait3A_63 = arith.constant 0 : i32
    %dma_wait3A_64 = tpu.memref_slice %arg7[%dma_wait3A, %dma_wait3A_63] : memref<80x125xi32, #tpu.memory_space<vmem>> -> memref<1x125xi32, #tpu.memory_space<vmem>>
    %dma_wait3A_65 = tpu.memref_squeeze %dma_wait3A_64 : memref<1x125xi32, #tpu.memory_space<vmem>> -> memref<125xi32, #tpu.memory_space<vmem>>
    %dma_wait3A_66 = arith.constant 0 : i32
    %dma_wait3A_67 = arith.constant 0 : i32
    %dma_wait3A_68 = tpu.memref_slice %arg2[%dma_wait3A_66, %dma_wait3A_67] : memref<10000x32xf32, #tpu.memory_space<hbm>> -> memref<10000x32xf32, #tpu.memory_space<hbm>>
    tpu.wait_indirect_dma semaphore(%arg18 : memref<!tpu.dma_semaphore, #tpu.memory_space<semaphore_mem>>) src(%dma_wait3A_68 : memref<10000x32xf32, #tpu.memory_space<hbm>>) dst(%arg9 : memref<125x32xf32, #tpu.memory_space<vmem>>)
    %run_scoped3A = arith.constant 72 : i32
    "tpu.region"() ({
      %run_scoped3A_130 = tpu.sem_alloc : memref<!tpu.dma_semaphore, #tpu.memory_space<semaphore_mem>>
      %dma_start3A_131 = arith.constant 0 : i32
      %dma_start3A_132 = tpu.memref_slice %arg8[%run_scoped3A, %dma_start3A_131] : memref<80x125xi32, #tpu.memory_space<vmem>> -> memref<1x125xi32, #tpu.memory_space<vmem>>
      %dma_start3A_133 = tpu.memref_squeeze %dma_start3A_132 : memref<1x125xi32, #tpu.memory_space<vmem>> -> memref<125xi32, #tpu.memory_space<vmem>>
      %dma_start3A_134 = arith.constant 0 : i32
      %dma_start3A_135 = arith.constant 0 : i32
      %dma_start3A_136 = tpu.memref_slice %arg17[%dma_start3A_134, %dma_start3A_135] : memref<10000x32xf32, #tpu.memory_space<vmem_shared>> -> memref<10000x32xf32, #tpu.memory_space<vmem_shared>>
      tpu.enqueue_indirect_dma source(%arg9 : memref<125x32xf32, #tpu.memory_space<vmem>>) target(%dma_start3A_136 : memref<10000x32xf32, #tpu.memory_space<vmem_shared>>) offsets(%dma_start3A_133 : memref<125xi32, #tpu.memory_space<vmem>>) semaphore(%run_scoped3A_130 : memref<!tpu.dma_semaphore, #tpu.memory_space<semaphore_mem>>) {add = true}
      %dma_wait3A_137 = arith.constant 0 : i32
      %dma_wait3A_138 = tpu.memref_slice %arg8[%run_scoped3A, %dma_wait3A_137] : memref<80x125xi32, #tpu.memory_space<vmem>> -> memref<1x125xi32, #tpu.memory_space<vmem>>
      %dma_wait3A_139 = tpu.memref_squeeze %dma_wait3A_138 : memref<1x125xi32, #tpu.memory_space<vmem>> -> memref<125xi32, #tpu.memory_space<vmem>>
      %dma_wait3A_140 = arith.constant 0 : i32
      %dma_wait3A_141 = arith.constant 0 : i32
      %dma_wait3A_142 = tpu.memref_slice %arg17[%dma_wait3A_140, %dma_wait3A_141] : memref<10000x32xf32, #tpu.memory_space<vmem_shared>> -> memref<10000x32xf32, #tpu.memory_space<vmem_shared>>
      tpu.wait_indirect_dma semaphore(%run_scoped3A_130 : memref<!tpu.dma_semaphore, #tpu.memory_space<semaphore_mem>>) src(%arg9 : memref<125x32xf32, #tpu.memory_space<vmem>>) dst(%dma_wait3A_142 : memref<10000x32xf32, #tpu.memory_space<vmem_shared>>)
      tpu.yield
    }) : () -> ()
    %dma_wait3A_69 = arith.constant 73 : i32
    %dma_wait3A_70 = arith.constant 0 : i32
    %dma_wait3A_71 = tpu.memref_slice %arg7[%dma_wait3A_69, %dma_wait3A_70] : memref<80x125xi32, #tpu.memory_space<vmem>> -> memref<1x125xi32, #tpu.memory_space<vmem>>
    %dma_wait3A_72 = tpu.memref_squeeze %dma_wait3A_71 : memref<1x125xi32, #tpu.memory_space<vmem>> -> memref<125xi32, #tpu.memory_space<vmem>>
    %dma_wait3A_73 = arith.constant 0 : i32
    %dma_wait3A_74 = arith.constant 0 : i32
    %dma_wait3A_75 = tpu.memref_slice %arg2[%dma_wait3A_73, %dma_wait3A_74] : memref<10000x32xf32, #tpu.memory_space<hbm>> -> memref<10000x32xf32, #tpu.memory_space<hbm>>
    tpu.wait_indirect_dma semaphore(%arg19 : memref<!tpu.dma_semaphore, #tpu.memory_space<semaphore_mem>>) src(%dma_wait3A_75 : memref<10000x32xf32, #tpu.memory_space<hbm>>) dst(%arg10 : memref<125x32xf32, #tpu.memory_space<vmem>>)
    %run_scoped3A_76 = arith.constant 73 : i32
    "tpu.region"() ({
      %run_scoped3A_130 = tpu.sem_alloc : memref<!tpu.dma_semaphore, #tpu.memory_space<semaphore_mem>>
      %dma_start3A_131 = arith.constant 0 : i32
      %dma_start3A_132 = tpu.memref_slice %arg8[%run_scoped3A_76, %dma_start3A_131] : memref<80x125xi32, #tpu.memory_space<vmem>> -> memref<1x125xi32, #tpu.memory_space<vmem>>
      %dma_start3A_133 = tpu.memref_squeeze %dma_start3A_132 : memref<1x125xi32, #tpu.memory_space<vmem>> -> memref<125xi32, #tpu.memory_space<vmem>>
      %dma_start3A_134 = arith.constant 0 : i32
      %dma_start3A_135 = arith.constant 0 : i32
      %dma_start3A_136 = tpu.memref_slice %arg17[%dma_start3A_134, %dma_start3A_135] : memref<10000x32xf32, #tpu.memory_space<vmem_shared>> -> memref<10000x32xf32, #tpu.memory_space<vmem_shared>>
      tpu.enqueue_indirect_dma source(%arg10 : memref<125x32xf32, #tpu.memory_space<vmem>>) target(%dma_start3A_136 : memref<10000x32xf32, #tpu.memory_space<vmem_shared>>) offsets(%dma_start3A_133 : memref<125xi32, #tpu.memory_space<vmem>>) semaphore(%run_scoped3A_130 : memref<!tpu.dma_semaphore, #tpu.memory_space<semaphore_mem>>) {add = true}
      %dma_wait3A_137 = arith.constant 0 : i32
      %dma_wait3A_138 = tpu.memref_slice %arg8[%run_scoped3A_76, %dma_wait3A_137] : memref<80x125xi32, #tpu.memory_space<vmem>> -> memref<1x125xi32, #tpu.memory_space<vmem>>
      %dma_wait3A_139 = tpu.memref_squeeze %dma_wait3A_138 : memref<1x125xi32, #tpu.memory_space<vmem>> -> memref<125xi32, #tpu.memory_space<vmem>>
      %dma_wait3A_140 = arith.constant 0 : i32
      %dma_wait3A_141 = arith.constant 0 : i32
      %dma_wait3A_142 = tpu.memref_slice %arg17[%dma_wait3A_140, %dma_wait3A_141] : memref<10000x32xf32, #tpu.memory_space<vmem_shared>> -> memref<10000x32xf32, #tpu.memory_space<vmem_shared>>
      tpu.wait_indirect_dma semaphore(%run_scoped3A_130 : memref<!tpu.dma_semaphore, #tpu.memory_space<semaphore_mem>>) src(%arg10 : memref<125x32xf32, #tpu.memory_space<vmem>>) dst(%dma_wait3A_142 : memref<10000x32xf32, #tpu.memory_space<vmem_shared>>)
      tpu.yield
    }) : () -> ()
    %dma_wait3A_77 = arith.constant 74 : i32
    %dma_wait3A_78 = arith.constant 0 : i32
    %dma_wait3A_79 = tpu.memref_slice %arg7[%dma_wait3A_77, %dma_wait3A_78] : memref<80x125xi32, #tpu.memory_space<vmem>> -> memref<1x125xi32, #tpu.memory_space<vmem>>
    %dma_wait3A_80 = tpu.memref_squeeze %dma_wait3A_79 : memref<1x125xi32, #tpu.memory_space<vmem>> -> memref<125xi32, #tpu.memory_space<vmem>>
    %dma_wait3A_81 = arith.constant 0 : i32
    %dma_wait3A_82 = arith.constant 0 : i32
    %dma_wait3A_83 = tpu.memref_slice %arg2[%dma_wait3A_81, %dma_wait3A_82] : memref<10000x32xf32, #tpu.memory_space<hbm>> -> memref<10000x32xf32, #tpu.memory_space<hbm>>
    tpu.wait_indirect_dma semaphore(%arg20 : memref<!tpu.dma_semaphore, #tpu.memory_space<semaphore_mem>>) src(%dma_wait3A_83 : memref<10000x32xf32, #tpu.memory_space<hbm>>) dst(%arg11 : memref<125x32xf32, #tpu.memory_space<vmem>>)
    %run_scoped3A_84 = arith.constant 74 : i32
    "tpu.region"() ({
      %run_scoped3A_130 = tpu.sem_alloc : memref<!tpu.dma_semaphore, #tpu.memory_space<semaphore_mem>>
      %dma_start3A_131 = arith.constant 0 : i32
      %dma_start3A_132 = tpu.memref_slice %arg8[%run_scoped3A_84, %dma_start3A_131] : memref<80x125xi32, #tpu.memory_space<vmem>> -> memref<1x125xi32, #tpu.memory_space<vmem>>
      %dma_start3A_133 = tpu.memref_squeeze %dma_start3A_132 : memref<1x125xi32, #tpu.memory_space<vmem>> -> memref<125xi32, #tpu.memory_space<vmem>>
      %dma_start3A_134 = arith.constant 0 : i32
      %dma_start3A_135 = arith.constant 0 : i32
      %dma_start3A_136 = tpu.memref_slice %arg17[%dma_start3A_134, %dma_start3A_135] : memref<10000x32xf32, #tpu.memory_space<vmem_shared>> -> memref<10000x32xf32, #tpu.memory_space<vmem_shared>>
      tpu.enqueue_indirect_dma source(%arg11 : memref<125x32xf32, #tpu.memory_space<vmem>>) target(%dma_start3A_136 : memref<10000x32xf32, #tpu.memory_space<vmem_shared>>) offsets(%dma_start3A_133 : memref<125xi32, #tpu.memory_space<vmem>>) semaphore(%run_scoped3A_130 : memref<!tpu.dma_semaphore, #tpu.memory_space<semaphore_mem>>) {add = true}
      %dma_wait3A_137 = arith.constant 0 : i32
      %dma_wait3A_138 = tpu.memref_slice %arg8[%run_scoped3A_84, %dma_wait3A_137] : memref<80x125xi32, #tpu.memory_space<vmem>> -> memref<1x125xi32, #tpu.memory_space<vmem>>
      %dma_wait3A_139 = tpu.memref_squeeze %dma_wait3A_138 : memref<1x125xi32, #tpu.memory_space<vmem>> -> memref<125xi32, #tpu.memory_space<vmem>>
      %dma_wait3A_140 = arith.constant 0 : i32
      %dma_wait3A_141 = arith.constant 0 : i32
      %dma_wait3A_142 = tpu.memref_slice %arg17[%dma_wait3A_140, %dma_wait3A_141] : memref<10000x32xf32, #tpu.memory_space<vmem_shared>> -> memref<10000x32xf32, #tpu.memory_space<vmem_shared>>
      tpu.wait_indirect_dma semaphore(%run_scoped3A_130 : memref<!tpu.dma_semaphore, #tpu.memory_space<semaphore_mem>>) src(%arg11 : memref<125x32xf32, #tpu.memory_space<vmem>>) dst(%dma_wait3A_142 : memref<10000x32xf32, #tpu.memory_space<vmem_shared>>)
      tpu.yield
    }) : () -> ()
    %dma_wait3A_85 = arith.constant 75 : i32
    %dma_wait3A_86 = arith.constant 0 : i32
    %dma_wait3A_87 = tpu.memref_slice %arg7[%dma_wait3A_85, %dma_wait3A_86] : memref<80x125xi32, #tpu.memory_space<vmem>> -> memref<1x125xi32, #tpu.memory_space<vmem>>
    %dma_wait3A_88 = tpu.memref_squeeze %dma_wait3A_87 : memref<1x125xi32, #tpu.memory_space<vmem>> -> memref<125xi32, #tpu.memory_space<vmem>>
    %dma_wait3A_89 = arith.constant 0 : i32
    %dma_wait3A_90 = arith.constant 0 : i32
    %dma_wait3A_91 = tpu.memref_slice %arg2[%dma_wait3A_89, %dma_wait3A_90] : memref<10000x32xf32, #tpu.memory_space<hbm>> -> memref<10000x32xf32, #tpu.memory_space<hbm>>
    tpu.wait_indirect_dma semaphore(%arg21 : memref<!tpu.dma_semaphore, #tpu.memory_space<semaphore_mem>>) src(%dma_wait3A_91 : memref<10000x32xf32, #tpu.memory_space<hbm>>) dst(%arg12 : memref<125x32xf32, #tpu.memory_space<vmem>>)
    %run_scoped3A_92 = arith.constant 75 : i32
    "tpu.region"() ({
      %run_scoped3A_130 = tpu.sem_alloc : memref<!tpu.dma_semaphore, #tpu.memory_space<semaphore_mem>>
      %dma_start3A_131 = arith.constant 0 : i32
      %dma_start3A_132 = tpu.memref_slice %arg8[%run_scoped3A_92, %dma_start3A_131] : memref<80x125xi32, #tpu.memory_space<vmem>> -> memref<1x125xi32, #tpu.memory_space<vmem>>
      %dma_start3A_133 = tpu.memref_squeeze %dma_start3A_132 : memref<1x125xi32, #tpu.memory_space<vmem>> -> memref<125xi32, #tpu.memory_space<vmem>>
      %dma_start3A_134 = arith.constant 0 : i32
      %dma_start3A_135 = arith.constant 0 : i32
      %dma_start3A_136 = tpu.memref_slice %arg17[%dma_start3A_134, %dma_start3A_135] : memref<10000x32xf32, #tpu.memory_space<vmem_shared>> -> memref<10000x32xf32, #tpu.memory_space<vmem_shared>>
      tpu.enqueue_indirect_dma source(%arg12 : memref<125x32xf32, #tpu.memory_space<vmem>>) target(%dma_start3A_136 : memref<10000x32xf32, #tpu.memory_space<vmem_shared>>) offsets(%dma_start3A_133 : memref<125xi32, #tpu.memory_space<vmem>>) semaphore(%run_scoped3A_130 : memref<!tpu.dma_semaphore, #tpu.memory_space<semaphore_mem>>) {add = true}
      %dma_wait3A_137 = arith.constant 0 : i32
      %dma_wait3A_138 = tpu.memref_slice %arg8[%run_scoped3A_92, %dma_wait3A_137] : memref<80x125xi32, #tpu.memory_space<vmem>> -> memref<1x125xi32, #tpu.memory_space<vmem>>
      %dma_wait3A_139 = tpu.memref_squeeze %dma_wait3A_138 : memref<1x125xi32, #tpu.memory_space<vmem>> -> memref<125xi32, #tpu.memory_space<vmem>>
      %dma_wait3A_140 = arith.constant 0 : i32
      %dma_wait3A_141 = arith.constant 0 : i32
      %dma_wait3A_142 = tpu.memref_slice %arg17[%dma_wait3A_140, %dma_wait3A_141] : memref<10000x32xf32, #tpu.memory_space<vmem_shared>> -> memref<10000x32xf32, #tpu.memory_space<vmem_shared>>
      tpu.wait_indirect_dma semaphore(%run_scoped3A_130 : memref<!tpu.dma_semaphore, #tpu.memory_space<semaphore_mem>>) src(%arg12 : memref<125x32xf32, #tpu.memory_space<vmem>>) dst(%dma_wait3A_142 : memref<10000x32xf32, #tpu.memory_space<vmem_shared>>)
      tpu.yield
    }) : () -> ()
    %dma_wait3A_93 = arith.constant 76 : i32
    %dma_wait3A_94 = arith.constant 0 : i32
    %dma_wait3A_95 = tpu.memref_slice %arg7[%dma_wait3A_93, %dma_wait3A_94] : memref<80x125xi32, #tpu.memory_space<vmem>> -> memref<1x125xi32, #tpu.memory_space<vmem>>
    %dma_wait3A_96 = tpu.memref_squeeze %dma_wait3A_95 : memref<1x125xi32, #tpu.memory_space<vmem>> -> memref<125xi32, #tpu.memory_space<vmem>>
    %dma_wait3A_97 = arith.constant 0 : i32
    %dma_wait3A_98 = arith.constant 0 : i32
    %dma_wait3A_99 = tpu.memref_slice %arg2[%dma_wait3A_97, %dma_wait3A_98] : memref<10000x32xf32, #tpu.memory_space<hbm>> -> memref<10000x32xf32, #tpu.memory_space<hbm>>
    tpu.wait_indirect_dma semaphore(%arg22 : memref<!tpu.dma_semaphore, #tpu.memory_space<semaphore_mem>>) src(%dma_wait3A_99 : memref<10000x32xf32, #tpu.memory_space<hbm>>) dst(%arg13 : memref<125x32xf32, #tpu.memory_space<vmem>>)
    %run_scoped3A_100 = arith.constant 76 : i32
    "tpu.region"() ({
      %run_scoped3A_130 = tpu.sem_alloc : memref<!tpu.dma_semaphore, #tpu.memory_space<semaphore_mem>>
      %dma_start3A_131 = arith.constant 0 : i32
      %dma_start3A_132 = tpu.memref_slice %arg8[%run_scoped3A_100, %dma_start3A_131] : memref<80x125xi32, #tpu.memory_space<vmem>> -> memref<1x125xi32, #tpu.memory_space<vmem>>
      %dma_start3A_133 = tpu.memref_squeeze %dma_start3A_132 : memref<1x125xi32, #tpu.memory_space<vmem>> -> memref<125xi32, #tpu.memory_space<vmem>>
      %dma_start3A_134 = arith.constant 0 : i32
      %dma_start3A_135 = arith.constant 0 : i32
      %dma_start3A_136 = tpu.memref_slice %arg17[%dma_start3A_134, %dma_start3A_135] : memref<10000x32xf32, #tpu.memory_space<vmem_shared>> -> memref<10000x32xf32, #tpu.memory_space<vmem_shared>>
      tpu.enqueue_indirect_dma source(%arg13 : memref<125x32xf32, #tpu.memory_space<vmem>>) target(%dma_start3A_136 : memref<10000x32xf32, #tpu.memory_space<vmem_shared>>) offsets(%dma_start3A_133 : memref<125xi32, #tpu.memory_space<vmem>>) semaphore(%run_scoped3A_130 : memref<!tpu.dma_semaphore, #tpu.memory_space<semaphore_mem>>) {add = true}
      %dma_wait3A_137 = arith.constant 0 : i32
      %dma_wait3A_138 = tpu.memref_slice %arg8[%run_scoped3A_100, %dma_wait3A_137] : memref<80x125xi32, #tpu.memory_space<vmem>> -> memref<1x125xi32, #tpu.memory_space<vmem>>
      %dma_wait3A_139 = tpu.memref_squeeze %dma_wait3A_138 : memref<1x125xi32, #tpu.memory_space<vmem>> -> memref<125xi32, #tpu.memory_space<vmem>>
      %dma_wait3A_140 = arith.constant 0 : i32
      %dma_wait3A_141 = arith.constant 0 : i32
      %dma_wait3A_142 = tpu.memref_slice %arg17[%dma_wait3A_140, %dma_wait3A_141] : memref<10000x32xf32, #tpu.memory_space<vmem_shared>> -> memref<10000x32xf32, #tpu.memory_space<vmem_shared>>
      tpu.wait_indirect_dma semaphore(%run_scoped3A_130 : memref<!tpu.dma_semaphore, #tpu.memory_space<semaphore_mem>>) src(%arg13 : memref<125x32xf32, #tpu.memory_space<vmem>>) dst(%dma_wait3A_142 : memref<10000x32xf32, #tpu.memory_space<vmem_shared>>)
      tpu.yield
    }) : () -> ()
    %dma_wait3A_101 = arith.constant 77 : i32
    %dma_wait3A_102 = arith.constant 0 : i32
    %dma_wait3A_103 = tpu.memref_slice %arg7[%dma_wait3A_101, %dma_wait3A_102] : memref<80x125xi32, #tpu.memory_space<vmem>> -> memref<1x125xi32, #tpu.memory_space<vmem>>
    %dma_wait3A_104 = tpu.memref_squeeze %dma_wait3A_103 : memref<1x125xi32, #tpu.memory_space<vmem>> -> memref<125xi32, #tpu.memory_space<vmem>>
    %dma_wait3A_105 = arith.constant 0 : i32
    %dma_wait3A_106 = arith.constant 0 : i32
    %dma_wait3A_107 = tpu.memref_slice %arg2[%dma_wait3A_105, %dma_wait3A_106] : memref<10000x32xf32, #tpu.memory_space<hbm>> -> memref<10000x32xf32, #tpu.memory_space<hbm>>
    tpu.wait_indirect_dma semaphore(%arg23 : memref<!tpu.dma_semaphore, #tpu.memory_space<semaphore_mem>>) src(%dma_wait3A_107 : memref<10000x32xf32, #tpu.memory_space<hbm>>) dst(%arg14 : memref<125x32xf32, #tpu.memory_space<vmem>>)
    %run_scoped3A_108 = arith.constant 77 : i32
    "tpu.region"() ({
      %run_scoped3A_130 = tpu.sem_alloc : memref<!tpu.dma_semaphore, #tpu.memory_space<semaphore_mem>>
      %dma_start3A_131 = arith.constant 0 : i32
      %dma_start3A_132 = tpu.memref_slice %arg8[%run_scoped3A_108, %dma_start3A_131] : memref<80x125xi32, #tpu.memory_space<vmem>> -> memref<1x125xi32, #tpu.memory_space<vmem>>
      %dma_start3A_133 = tpu.memref_squeeze %dma_start3A_132 : memref<1x125xi32, #tpu.memory_space<vmem>> -> memref<125xi32, #tpu.memory_space<vmem>>
      %dma_start3A_134 = arith.constant 0 : i32
      %dma_start3A_135 = arith.constant 0 : i32
      %dma_start3A_136 = tpu.memref_slice %arg17[%dma_start3A_134, %dma_start3A_135] : memref<10000x32xf32, #tpu.memory_space<vmem_shared>> -> memref<10000x32xf32, #tpu.memory_space<vmem_shared>>
      tpu.enqueue_indirect_dma source(%arg14 : memref<125x32xf32, #tpu.memory_space<vmem>>) target(%dma_start3A_136 : memref<10000x32xf32, #tpu.memory_space<vmem_shared>>) offsets(%dma_start3A_133 : memref<125xi32, #tpu.memory_space<vmem>>) semaphore(%run_scoped3A_130 : memref<!tpu.dma_semaphore, #tpu.memory_space<semaphore_mem>>) {add = true}
      %dma_wait3A_137 = arith.constant 0 : i32
      %dma_wait3A_138 = tpu.memref_slice %arg8[%run_scoped3A_108, %dma_wait3A_137] : memref<80x125xi32, #tpu.memory_space<vmem>> -> memref<1x125xi32, #tpu.memory_space<vmem>>
      %dma_wait3A_139 = tpu.memref_squeeze %dma_wait3A_138 : memref<1x125xi32, #tpu.memory_space<vmem>> -> memref<125xi32, #tpu.memory_space<vmem>>
      %dma_wait3A_140 = arith.constant 0 : i32
      %dma_wait3A_141 = arith.constant 0 : i32
      %dma_wait3A_142 = tpu.memref_slice %arg17[%dma_wait3A_140, %dma_wait3A_141] : memref<10000x32xf32, #tpu.memory_space<vmem_shared>> -> memref<10000x32xf32, #tpu.memory_space<vmem_shared>>
      tpu.wait_indirect_dma semaphore(%run_scoped3A_130 : memref<!tpu.dma_semaphore, #tpu.memory_space<semaphore_mem>>) src(%arg14 : memref<125x32xf32, #tpu.memory_space<vmem>>) dst(%dma_wait3A_142 : memref<10000x32xf32, #tpu.memory_space<vmem_shared>>)
      tpu.yield
    }) : () -> ()
    %dma_wait3A_109 = arith.constant 78 : i32
    %dma_wait3A_110 = arith.constant 0 : i32
    %dma_wait3A_111 = tpu.memref_slice %arg7[%dma_wait3A_109, %dma_wait3A_110] : memref<80x125xi32, #tpu.memory_space<vmem>> -> memref<1x125xi32, #tpu.memory_space<vmem>>
    %dma_wait3A_112 = tpu.memref_squeeze %dma_wait3A_111 : memref<1x125xi32, #tpu.memory_space<vmem>> -> memref<125xi32, #tpu.memory_space<vmem>>
    %dma_wait3A_113 = arith.constant 0 : i32
    %dma_wait3A_114 = arith.constant 0 : i32
    %dma_wait3A_115 = tpu.memref_slice %arg2[%dma_wait3A_113, %dma_wait3A_114] : memref<10000x32xf32, #tpu.memory_space<hbm>> -> memref<10000x32xf32, #tpu.memory_space<hbm>>
    tpu.wait_indirect_dma semaphore(%arg24 : memref<!tpu.dma_semaphore, #tpu.memory_space<semaphore_mem>>) src(%dma_wait3A_115 : memref<10000x32xf32, #tpu.memory_space<hbm>>) dst(%arg15 : memref<125x32xf32, #tpu.memory_space<vmem>>)
    %run_scoped3A_116 = arith.constant 78 : i32
    "tpu.region"() ({
      %run_scoped3A_130 = tpu.sem_alloc : memref<!tpu.dma_semaphore, #tpu.memory_space<semaphore_mem>>
      %dma_start3A_131 = arith.constant 0 : i32
      %dma_start3A_132 = tpu.memref_slice %arg8[%run_scoped3A_116, %dma_start3A_131] : memref<80x125xi32, #tpu.memory_space<vmem>> -> memref<1x125xi32, #tpu.memory_space<vmem>>
      %dma_start3A_133 = tpu.memref_squeeze %dma_start3A_132 : memref<1x125xi32, #tpu.memory_space<vmem>> -> memref<125xi32, #tpu.memory_space<vmem>>
      %dma_start3A_134 = arith.constant 0 : i32
      %dma_start3A_135 = arith.constant 0 : i32
      %dma_start3A_136 = tpu.memref_slice %arg17[%dma_start3A_134, %dma_start3A_135] : memref<10000x32xf32, #tpu.memory_space<vmem_shared>> -> memref<10000x32xf32, #tpu.memory_space<vmem_shared>>
      tpu.enqueue_indirect_dma source(%arg15 : memref<125x32xf32, #tpu.memory_space<vmem>>) target(%dma_start3A_136 : memref<10000x32xf32, #tpu.memory_space<vmem_shared>>) offsets(%dma_start3A_133 : memref<125xi32, #tpu.memory_space<vmem>>) semaphore(%run_scoped3A_130 : memref<!tpu.dma_semaphore, #tpu.memory_space<semaphore_mem>>) {add = true}
      %dma_wait3A_137 = arith.constant 0 : i32
      %dma_wait3A_138 = tpu.memref_slice %arg8[%run_scoped3A_116, %dma_wait3A_137] : memref<80x125xi32, #tpu.memory_space<vmem>> -> memref<1x125xi32, #tpu.memory_space<vmem>>
      %dma_wait3A_139 = tpu.memref_squeeze %dma_wait3A_138 : memref<1x125xi32, #tpu.memory_space<vmem>> -> memref<125xi32, #tpu.memory_space<vmem>>
      %dma_wait3A_140 = arith.constant 0 : i32
      %dma_wait3A_141 = arith.constant 0 : i32
      %dma_wait3A_142 = tpu.memref_slice %arg17[%dma_wait3A_140, %dma_wait3A_141] : memref<10000x32xf32, #tpu.memory_space<vmem_shared>> -> memref<10000x32xf32, #tpu.memory_space<vmem_shared>>
      tpu.wait_indirect_dma semaphore(%run_scoped3A_130 : memref<!tpu.dma_semaphore, #tpu.memory_space<semaphore_mem>>) src(%arg15 : memref<125x32xf32, #tpu.memory_space<vmem>>) dst(%dma_wait3A_142 : memref<10000x32xf32, #tpu.memory_space<vmem_shared>>)
      tpu.yield
    }) : () -> ()
    %dma_wait3A_117 = arith.constant 79 : i32
    %dma_wait3A_118 = arith.constant 0 : i32
    %dma_wait3A_119 = tpu.memref_slice %arg7[%dma_wait3A_117, %dma_wait3A_118] : memref<80x125xi32, #tpu.memory_space<vmem>> -> memref<1x125xi32, #tpu.memory_space<vmem>>
    %dma_wait3A_120 = tpu.memref_squeeze %dma_wait3A_119 : memref<1x125xi32, #tpu.memory_space<vmem>> -> memref<125xi32, #tpu.memory_space<vmem>>
    %dma_wait3A_121 = arith.constant 0 : i32
    %dma_wait3A_122 = arith.constant 0 : i32
    %dma_wait3A_123 = tpu.memref_slice %arg2[%dma_wait3A_121, %dma_wait3A_122] : memref<10000x32xf32, #tpu.memory_space<hbm>> -> memref<10000x32xf32, #tpu.memory_space<hbm>>
    tpu.wait_indirect_dma semaphore(%arg25 : memref<!tpu.dma_semaphore, #tpu.memory_space<semaphore_mem>>) src(%dma_wait3A_123 : memref<10000x32xf32, #tpu.memory_space<hbm>>) dst(%arg16 : memref<125x32xf32, #tpu.memory_space<vmem>>)
    %run_scoped3A_124 = arith.constant 79 : i32
    "tpu.region"() ({
      %run_scoped3A_130 = tpu.sem_alloc : memref<!tpu.dma_semaphore, #tpu.memory_space<semaphore_mem>>
      %dma_start3A_131 = arith.constant 0 : i32
      %dma_start3A_132 = tpu.memref_slice %arg8[%run_scoped3A_124, %dma_start3A_131] : memref<80x125xi32, #tpu.memory_space<vmem>> -> memref<1x125xi32, #tpu.memory_space<vmem>>
      %dma_start3A_133 = tpu.memref_squeeze %dma_start3A_132 : memref<1x125xi32, #tpu.memory_space<vmem>> -> memref<125xi32, #tpu.memory_space<vmem>>
      %dma_start3A_134 = arith.constant 0 : i32
      %dma_start3A_135 = arith.constant 0 : i32
      %dma_start3A_136 = tpu.memref_slice %arg17[%dma_start3A_134, %dma_start3A_135] : memref<10000x32xf32, #tpu.memory_space<vmem_shared>> -> memref<10000x32xf32, #tpu.memory_space<vmem_shared>>
      tpu.enqueue_indirect_dma source(%arg16 : memref<125x32xf32, #tpu.memory_space<vmem>>) target(%dma_start3A_136 : memref<10000x32xf32, #tpu.memory_space<vmem_shared>>) offsets(%dma_start3A_133 : memref<125xi32, #tpu.memory_space<vmem>>) semaphore(%run_scoped3A_130 : memref<!tpu.dma_semaphore, #tpu.memory_space<semaphore_mem>>) {add = true}
      %dma_wait3A_137 = arith.constant 0 : i32
      %dma_wait3A_138 = tpu.memref_slice %arg8[%run_scoped3A_124, %dma_wait3A_137] : memref<80x125xi32, #tpu.memory_space<vmem>> -> memref<1x125xi32, #tpu.memory_space<vmem>>
      %dma_wait3A_139 = tpu.memref_squeeze %dma_wait3A_138 : memref<1x125xi32, #tpu.memory_space<vmem>> -> memref<125xi32, #tpu.memory_space<vmem>>
      %dma_wait3A_140 = arith.constant 0 : i32
      %dma_wait3A_141 = arith.constant 0 : i32
      %dma_wait3A_142 = tpu.memref_slice %arg17[%dma_wait3A_140, %dma_wait3A_141] : memref<10000x32xf32, #tpu.memory_space<vmem_shared>> -> memref<10000x32xf32, #tpu.memory_space<vmem_shared>>
      tpu.wait_indirect_dma semaphore(%run_scoped3A_130 : memref<!tpu.dma_semaphore, #tpu.memory_space<semaphore_mem>>) src(%arg16 : memref<125x32xf32, #tpu.memory_space<vmem>>) dst(%dma_wait3A_142 : memref<10000x32xf32, #tpu.memory_space<vmem_shared>>)
      tpu.yield
    }) : () -> ()
    %barrier3A_125 = arith.constant 0 : index
    tpu.barrier barrier_id(%barrier3A_125)
    %mul3A_126 = arith.constant 625 : i32
    %mul3A_127 = arith.muli %arg1, %mul3A_126 : i32
    %mul3A_128 = arith.constant 625 : i32
    %mul3A_129 = arith.muli %arg1, %mul3A_128 : i32
    "tpu.region"() ({
      %run_scoped3A_130 = tpu.sem_alloc : memref<!tpu.dma_semaphore, #tpu.memory_space<semaphore_mem>>
      %dma_start3A_131 = arith.constant 0 : i32
      %dma_start3A_132 = arith.constant 0 : i32
      %dma_start3A_133 = tpu.memref_slice %arg6[%arg0, %dma_start3A_131, %dma_start3A_132] : memref<2x10000x32xf32, #tpu.memory_space<hbm>> -> memref<1x10000x32xf32, #tpu.memory_space<hbm>>
      %dma_start3A_134 = tpu.memref_squeeze %dma_start3A_133 : memref<1x10000x32xf32, #tpu.memory_space<hbm>> -> memref<10000x32xf32, #tpu.memory_space<hbm>>
      %dma_start3A_135 = arith.constant 0 : i32
      %dma_start3A_136 = tpu.memref_slice %dma_start3A_134[%mul3A_129, %dma_start3A_135] : memref<10000x32xf32, #tpu.memory_space<hbm>> -> memref<625x32xf32, #tpu.memory_space<hbm>>
      %dma_start3A_137 = arith.constant 0 : i32
      %dma_start3A_138 = tpu.memref_slice %arg17[%mul3A_127, %dma_start3A_137] : memref<10000x32xf32, #tpu.memory_space<vmem_shared>> -> memref<625x32xf32, #tpu.memory_space<vmem_shared>>
      tpu.enqueue_dma source(%dma_start3A_138 : memref<625x32xf32, #tpu.memory_space<vmem_shared>>) target(%dma_start3A_136 : memref<625x32xf32, #tpu.memory_space<hbm>>) target_semaphore(%run_scoped3A_130 : memref<!tpu.dma_semaphore, #tpu.memory_space<semaphore_mem>>)
      %dma_wait3A_139 = arith.constant 0 : i32
      %dma_wait3A_140 = arith.constant 0 : i32
      %dma_wait3A_141 = tpu.memref_slice %arg6[%arg0, %dma_wait3A_139, %dma_wait3A_140] : memref<2x10000x32xf32, #tpu.memory_space<hbm>> -> memref<1x10000x32xf32, #tpu.memory_space<hbm>>
      %dma_wait3A_142 = tpu.memref_squeeze %dma_wait3A_141 : memref<1x10000x32xf32, #tpu.memory_space<hbm>> -> memref<10000x32xf32, #tpu.memory_space<hbm>>
      %dma_wait3A_143 = arith.constant 0 : i32
      %dma_wait3A_144 = tpu.memref_slice %dma_wait3A_142[%mul3A_129, %dma_wait3A_143] : memref<10000x32xf32, #tpu.memory_space<hbm>> -> memref<625x32xf32, #tpu.memory_space<hbm>>
      %dma_wait3A_145 = arith.constant 0 : i32
      %dma_wait3A_146 = tpu.memref_slice %arg17[%mul3A_127, %dma_wait3A_145] : memref<10000x32xf32, #tpu.memory_space<vmem_shared>> -> memref<625x32xf32, #tpu.memory_space<vmem_shared>>
      tpu.wait_dma2 semaphore(%run_scoped3A_130 : memref<!tpu.dma_semaphore, #tpu.memory_space<semaphore_mem>>) src(%dma_wait3A_146 : memref<625x32xf32, #tpu.memory_space<vmem_shared>>) dst(%dma_wait3A_144 : memref<625x32xf32, #tpu.memory_space<hbm>>)
      tpu.yield
    }) : () -> ()
    return
  }
}

#map = affine_map<(d0, d1) -> (0, 0)>
#map1 = affine_map<(d0, d1) -> (0, 0, 0)>
module attributes {stable_mosaic.version = 14 : i64} {
  func.func @k(%arg0: i32, %arg1: i32, %arg2: memref<10000x32xf32, #tpu.memory_space<hbm>>, %arg3: memref<32x80x125xi32, #tpu.memory_space<hbm>>, %arg4: memref<32x80x125xi32, #tpu.memory_space<hbm>>, %arg5: memref<625x32xf32, #tpu.memory_space<hbm>>, %arg6: memref<2x10000x32xf32, #tpu.memory_space<hbm>>, %arg7: memref<80x125xi32, #tpu.memory_space<vmem>>, %arg8: memref<80x125xi32, #tpu.memory_space<vmem>>, %arg9: memref<125x32xf32, #tpu.memory_space<vmem>>, %arg10: memref<125x32xf32, #tpu.memory_space<vmem>>, %arg11: memref<125x32xf32, #tpu.memory_space<vmem>>, %arg12: memref<125x32xf32, #tpu.memory_space<vmem>>, %arg13: memref<125x32xf32, #tpu.memory_space<vmem>>, %arg14: memref<125x32xf32, #tpu.memory_space<vmem>>, %arg15: memref<125x32xf32, #tpu.memory_space<vmem>>, %arg16: memref<125x32xf32, #tpu.memory_space<vmem>>, %arg17: memref<10000x32xf32, #tpu.memory_space<vmem_shared>>, %arg18: memref<!tpu.dma_semaphore, #tpu.memory_space<semaphore_mem>>, %arg19: memref<!tpu.dma_semaphore, #tpu.memory_space<semaphore_mem>>, %arg20: memref<!tpu.dma_semaphore, #tpu.memory_space<semaphore_mem>>, %arg21: memref<!tpu.dma_semaphore, #tpu.memory_space<semaphore_mem>>, %arg22: memref<!tpu.dma_semaphore, #tpu.memory_space<semaphore_mem>>, %arg23: memref<!tpu.dma_semaphore, #tpu.memory_space<semaphore_mem>>, %arg24: memref<!tpu.dma_semaphore, #tpu.memory_space<semaphore_mem>>, %arg25: memref<!tpu.dma_semaphore, #tpu.memory_space<semaphore_mem>>) attributes {dimension_semantics = [#tpu.dimension_semantics<core_parallel>, #tpu.dimension_semantics<subcore_parallel>], iteration_bounds = array<i64: 2, 16>, scalar_prefetch = 0 : i64, scratch_operands = 19 : i64, tpu.core_type = #tpu.core_type<sc_vector_subcore>, window_params = [{transform_indices = #map}, {transform_indices = #map1}, {transform_indices = #map1}, {transform_indices = #map}, {transform_indices = #map1}]} {
    %mul3A = arith.constant 16 : i32
    %mul3A_0 = arith.muli %arg0, %mul3A : i32
    %add3A = arith.addi %mul3A_0, %arg1 : i32
    %mul3A_1 = arith.constant 625 : i32
    %mul3A_2 = arith.muli %arg1, %mul3A_1 : i32
    "tpu.region"() ({
      %run_scoped3A_130 = tpu.sem_alloc : memref<!tpu.dma_semaphore, #tpu.memory_space<semaphore_mem>>
      %dma_start3A_131 = arith.constant 0 : i32
      %dma_start3A_132 = tpu.memref_slice %arg17[%mul3A_2, %dma_start3A_131] : memref<10000x32xf32, #tpu.memory_space<vmem_shared>> -> memref<625x32xf32, #tpu.memory_space<vmem_shared>>
      tpu.enqueue_dma source(%arg5 : memref<625x32xf32, #tpu.memory_space<hbm>>) target(%dma_start3A_132 : memref<625x32xf32, #tpu.memory_space<vmem_shared>>) target_semaphore(%run_scoped3A_130 : memref<!tpu.dma_semaphore, #tpu.memory_space<semaphore_mem>>)
      %dma_wait3A_133 = arith.constant 0 : i32
      %dma_wait3A_134 = tpu.memref_slice %arg17[%mul3A_2, %dma_wait3A_133] : memref<10000x32xf32, #tpu.memory_space<vmem_shared>> -> memref<625x32xf32, #tpu.memory_space<vmem_shared>>
      tpu.wait_dma2 semaphore(%run_scoped3A_130 : memref<!tpu.dma_semaphore, #tpu.memory_space<semaphore_mem>>) src(%arg5 : memref<625x32xf32, #tpu.memory_space<hbm>>) dst(%dma_wait3A_134 : memref<625x32xf32, #tpu.memory_space<vmem_shared>>)
      tpu.yield
    }) : () -> ()
    "tpu.region"() ({
      %run_scoped3A_130 = tpu.sem_alloc : memref<!tpu.dma_semaphore, #tpu.memory_space<semaphore_mem>>
      %dma_start3A_131 = arith.constant 0 : i32
      %dma_start3A_132 = arith.constant 0 : i32
      %dma_start3A_133 = tpu.memref_slice %arg3[%add3A, %dma_start3A_131, %dma_start3A_132] : memref<32x80x125xi32, #tpu.memory_space<hbm>> -> memref<1x80x125xi32, #tpu.memory_space<hbm>>
      %dma_start3A_134 = tpu.memref_squeeze %dma_start3A_133 : memref<1x80x125xi32, #tpu.memory_space<hbm>> -> memref<80x125xi32, #tpu.memory_space<hbm>>
      %dma_start3A_135 = arith.constant 0 : i32
      %dma_start3A_136 = arith.constant 0 : i32
      %dma_start3A_137 = tpu.memref_slice %arg3[%add3A, %dma_start3A_135, %dma_start3A_136] : memref<32x80x125xi32, #tpu.memory_space<hbm>> -> memref<1x80x125xi32, #tpu.memory_space<hbm>>
      %dma_start3A_138 = tpu.memref_squeeze %dma_start3A_137 : memref<1x80x125xi32, #tpu.memory_space<hbm>> -> memref<80x125xi32, #tpu.memory_space<hbm>>
      tpu.enqueue_dma source(%dma_start3A_138 : memref<80x125xi32, #tpu.memory_space<hbm>>) target(%arg7 : memref<80x125xi32, #tpu.memory_space<vmem>>) target_semaphore(%run_scoped3A_130 : memref<!tpu.dma_semaphore, #tpu.memory_space<semaphore_mem>>)
      %dma_wait3A_139 = arith.constant 0 : i32
      %dma_wait3A_140 = arith.constant 0 : i32
      %dma_wait3A_141 = tpu.memref_slice %arg3[%add3A, %dma_wait3A_139, %dma_wait3A_140] : memref<32x80x125xi32, #tpu.memory_space<hbm>> -> memref<1x80x125xi32, #tpu.memory_space<hbm>>
      %dma_wait3A_142 = tpu.memref_squeeze %dma_wait3A_141 : memref<1x80x125xi32, #tpu.memory_space<hbm>> -> memref<80x125xi32, #tpu.memory_space<hbm>>
      %dma_wait3A_143 = arith.constant 0 : i32
      %dma_wait3A_144 = arith.constant 0 : i32
      %dma_wait3A_145 = tpu.memref_slice %arg3[%add3A, %dma_wait3A_143, %dma_wait3A_144] : memref<32x80x125xi32, #tpu.memory_space<hbm>> -> memref<1x80x125xi32, #tpu.memory_space<hbm>>
      %dma_wait3A_146 = tpu.memref_squeeze %dma_wait3A_145 : memref<1x80x125xi32, #tpu.memory_space<hbm>> -> memref<80x125xi32, #tpu.memory_space<hbm>>
      tpu.wait_dma2 semaphore(%run_scoped3A_130 : memref<!tpu.dma_semaphore, #tpu.memory_space<semaphore_mem>>) src(%dma_wait3A_146 : memref<80x125xi32, #tpu.memory_space<hbm>>) dst(%arg7 : memref<80x125xi32, #tpu.memory_space<vmem>>)
      tpu.yield
    }) : () -> ()
    "tpu.region"() ({
      %run_scoped3A_130 = tpu.sem_alloc : memref<!tpu.dma_semaphore, #tpu.memory_space<semaphore_mem>>
      %dma_start3A_131 = arith.constant 0 : i32
      %dma_start3A_132 = arith.constant 0 : i32
      %dma_start3A_133 = tpu.memref_slice %arg4[%add3A, %dma_start3A_131, %dma_start3A_132] : memref<32x80x125xi32, #tpu.memory_space<hbm>> -> memref<1x80x125xi32, #tpu.memory_space<hbm>>
      %dma_start3A_134 = tpu.memref_squeeze %dma_start3A_133 : memref<1x80x125xi32, #tpu.memory_space<hbm>> -> memref<80x125xi32, #tpu.memory_space<hbm>>
      %dma_start3A_135 = arith.constant 0 : i32
      %dma_start3A_136 = arith.constant 0 : i32
      %dma_start3A_137 = tpu.memref_slice %arg4[%add3A, %dma_start3A_135, %dma_start3A_136] : memref<32x80x125xi32, #tpu.memory_space<hbm>> -> memref<1x80x125xi32, #tpu.memory_space<hbm>>
      %dma_start3A_138 = tpu.memref_squeeze %dma_start3A_137 : memref<1x80x125xi32, #tpu.memory_space<hbm>> -> memref<80x125xi32, #tpu.memory_space<hbm>>
      tpu.enqueue_dma source(%dma_start3A_138 : memref<80x125xi32, #tpu.memory_space<hbm>>) target(%arg8 : memref<80x125xi32, #tpu.memory_space<vmem>>) target_semaphore(%run_scoped3A_130 : memref<!tpu.dma_semaphore, #tpu.memory_space<semaphore_mem>>)
      %dma_wait3A_139 = arith.constant 0 : i32
      %dma_wait3A_140 = arith.constant 0 : i32
      %dma_wait3A_141 = tpu.memref_slice %arg4[%add3A, %dma_wait3A_139, %dma_wait3A_140] : memref<32x80x125xi32, #tpu.memory_space<hbm>> -> memref<1x80x125xi32, #tpu.memory_space<hbm>>
      %dma_wait3A_142 = tpu.memref_squeeze %dma_wait3A_141 : memref<1x80x125xi32, #tpu.memory_space<hbm>> -> memref<80x125xi32, #tpu.memory_space<hbm>>
      %dma_wait3A_143 = arith.constant 0 : i32
      %dma_wait3A_144 = arith.constant 0 : i32
      %dma_wait3A_145 = tpu.memref_slice %arg4[%add3A, %dma_wait3A_143, %dma_wait3A_144] : memref<32x80x125xi32, #tpu.memory_space<hbm>> -> memref<1x80x125xi32, #tpu.memory_space<hbm>>
      %dma_wait3A_146 = tpu.memref_squeeze %dma_wait3A_145 : memref<1x80x125xi32, #tpu.memory_space<hbm>> -> memref<80x125xi32, #tpu.memory_space<hbm>>
      tpu.wait_dma2 semaphore(%run_scoped3A_130 : memref<!tpu.dma_semaphore, #tpu.memory_space<semaphore_mem>>) src(%dma_wait3A_146 : memref<80x125xi32, #tpu.memory_space<hbm>>) dst(%arg8 : memref<80x125xi32, #tpu.memory_space<vmem>>)
      tpu.yield
    }) : () -> ()
    %barrier3A = arith.constant 0 : index
    tpu.barrier barrier_id(%barrier3A)
    %dma_start3A = arith.constant 0 : i32
    %dma_start3A_3 = arith.constant 0 : i32
    %dma_start3A_4 = tpu.memref_slice %arg7[%dma_start3A, %dma_start3A_3] : memref<80x125xi32, #tpu.memory_space<vmem>> -> memref<1x125xi32, #tpu.memory_space<vmem>>
    %dma_start3A_5 = tpu.memref_squeeze %dma_start3A_4 : memref<1x125xi32, #tpu.memory_space<vmem>> -> memref<125xi32, #tpu.memory_space<vmem>>
    %dma_start3A_6 = arith.constant 0 : i32
    %dma_start3A_7 = arith.constant 0 : i32
    %dma_start3A_8 = tpu.memref_slice %arg2[%dma_start3A_6, %dma_start3A_7] : memref<10000x32xf32, #tpu.memory_space<hbm>> -> memref<10000x32xf32, #tpu.memory_space<hbm>>
    tpu.enqueue_indirect_dma source(%dma_start3A_8 : memref<10000x32xf32, #tpu.memory_space<hbm>>) target(%arg9 : memref<125x32xf32, #tpu.memory_space<vmem>>) offsets(%dma_start3A_5 : memref<125xi32, #tpu.memory_space<vmem>>) semaphore(%arg18 : memref<!tpu.dma_semaphore, #tpu.memory_space<semaphore_mem>>)
    %dma_start3A_9 = arith.constant 1 : i32
    %dma_start3A_10 = arith.constant 0 : i32
    %dma_start3A_11 = tpu.memref_slice %arg7[%dma_start3A_9, %dma_start3A_10] : memref<80x125xi32, #tpu.memory_space<vmem>> -> memref<1x125xi32, #tpu.memory_space<vmem>>
    %dma_start3A_12 = tpu.memref_squeeze %dma_start3A_11 : memref<1x125xi32, #tpu.memory_space<vmem>> -> memref<125xi32, #tpu.memory_space<vmem>>
    %dma_start3A_13 = arith.constant 0 : i32
    %dma_start3A_14 = arith.constant 0 : i32
    %dma_start3A_15 = tpu.memref_slice %arg2[%dma_start3A_13, %dma_start3A_14] : memref<10000x32xf32, #tpu.memory_space<hbm>> -> memref<10000x32xf32, #tpu.memory_space<hbm>>
    tpu.enqueue_indirect_dma source(%dma_start3A_15 : memref<10000x32xf32, #tpu.memory_space<hbm>>) target(%arg10 : memref<125x32xf32, #tpu.memory_space<vmem>>) offsets(%dma_start3A_12 : memref<125xi32, #tpu.memory_space<vmem>>) semaphore(%arg19 : memref<!tpu.dma_semaphore, #tpu.memory_space<semaphore_mem>>)
    %dma_start3A_16 = arith.constant 2 : i32
    %dma_start3A_17 = arith.constant 0 : i32
    %dma_start3A_18 = tpu.memref_slice %arg7[%dma_start3A_16, %dma_start3A_17] : memref<80x125xi32, #tpu.memory_space<vmem>> -> memref<1x125xi32, #tpu.memory_space<vmem>>
    %dma_start3A_19 = tpu.memref_squeeze %dma_start3A_18 : memref<1x125xi32, #tpu.memory_space<vmem>> -> memref<125xi32, #tpu.memory_space<vmem>>
    %dma_start3A_20 = arith.constant 0 : i32
    %dma_start3A_21 = arith.constant 0 : i32
    %dma_start3A_22 = tpu.memref_slice %arg2[%dma_start3A_20, %dma_start3A_21] : memref<10000x32xf32, #tpu.memory_space<hbm>> -> memref<10000x32xf32, #tpu.memory_space<hbm>>
    tpu.enqueue_indirect_dma source(%dma_start3A_22 : memref<10000x32xf32, #tpu.memory_space<hbm>>) target(%arg11 : memref<125x32xf32, #tpu.memory_space<vmem>>) offsets(%dma_start3A_19 : memref<125xi32, #tpu.memory_space<vmem>>) semaphore(%arg20 : memref<!tpu.dma_semaphore, #tpu.memory_space<semaphore_mem>>)
    %dma_start3A_23 = arith.constant 3 : i32
    %dma_start3A_24 = arith.constant 0 : i32
    %dma_start3A_25 = tpu.memref_slice %arg7[%dma_start3A_23, %dma_start3A_24] : memref<80x125xi32, #tpu.memory_space<vmem>> -> memref<1x125xi32, #tpu.memory_space<vmem>>
    %dma_start3A_26 = tpu.memref_squeeze %dma_start3A_25 : memref<1x125xi32, #tpu.memory_space<vmem>> -> memref<125xi32, #tpu.memory_space<vmem>>
    %dma_start3A_27 = arith.constant 0 : i32
    %dma_start3A_28 = arith.constant 0 : i32
    %dma_start3A_29 = tpu.memref_slice %arg2[%dma_start3A_27, %dma_start3A_28] : memref<10000x32xf32, #tpu.memory_space<hbm>> -> memref<10000x32xf32, #tpu.memory_space<hbm>>
    tpu.enqueue_indirect_dma source(%dma_start3A_29 : memref<10000x32xf32, #tpu.memory_space<hbm>>) target(%arg12 : memref<125x32xf32, #tpu.memory_space<vmem>>) offsets(%dma_start3A_26 : memref<125xi32, #tpu.memory_space<vmem>>) semaphore(%arg21 : memref<!tpu.dma_semaphore, #tpu.memory_space<semaphore_mem>>)
    %dma_start3A_30 = arith.constant 4 : i32
    %dma_start3A_31 = arith.constant 0 : i32
    %dma_start3A_32 = tpu.memref_slice %arg7[%dma_start3A_30, %dma_start3A_31] : memref<80x125xi32, #tpu.memory_space<vmem>> -> memref<1x125xi32, #tpu.memory_space<vmem>>
    %dma_start3A_33 = tpu.memref_squeeze %dma_start3A_32 : memref<1x125xi32, #tpu.memory_space<vmem>> -> memref<125xi32, #tpu.memory_space<vmem>>
    %dma_start3A_34 = arith.constant 0 : i32
    %dma_start3A_35 = arith.constant 0 : i32
    %dma_start3A_36 = tpu.memref_slice %arg2[%dma_start3A_34, %dma_start3A_35] : memref<10000x32xf32, #tpu.memory_space<hbm>> -> memref<10000x32xf32, #tpu.memory_space<hbm>>
    tpu.enqueue_indirect_dma source(%dma_start3A_36 : memref<10000x32xf32, #tpu.memory_space<hbm>>) target(%arg13 : memref<125x32xf32, #tpu.memory_space<vmem>>) offsets(%dma_start3A_33 : memref<125xi32, #tpu.memory_space<vmem>>) semaphore(%arg22 : memref<!tpu.dma_semaphore, #tpu.memory_space<semaphore_mem>>)
    %dma_start3A_37 = arith.constant 5 : i32
    %dma_start3A_38 = arith.constant 0 : i32
    %dma_start3A_39 = tpu.memref_slice %arg7[%dma_start3A_37, %dma_start3A_38] : memref<80x125xi32, #tpu.memory_space<vmem>> -> memref<1x125xi32, #tpu.memory_space<vmem>>
    %dma_start3A_40 = tpu.memref_squeeze %dma_start3A_39 : memref<1x125xi32, #tpu.memory_space<vmem>> -> memref<125xi32, #tpu.memory_space<vmem>>
    %dma_start3A_41 = arith.constant 0 : i32
    %dma_start3A_42 = arith.constant 0 : i32
    %dma_start3A_43 = tpu.memref_slice %arg2[%dma_start3A_41, %dma_start3A_42] : memref<10000x32xf32, #tpu.memory_space<hbm>> -> memref<10000x32xf32, #tpu.memory_space<hbm>>
    tpu.enqueue_indirect_dma source(%dma_start3A_43 : memref<10000x32xf32, #tpu.memory_space<hbm>>) target(%arg14 : memref<125x32xf32, #tpu.memory_space<vmem>>) offsets(%dma_start3A_40 : memref<125xi32, #tpu.memory_space<vmem>>) semaphore(%arg23 : memref<!tpu.dma_semaphore, #tpu.memory_space<semaphore_mem>>)
    %dma_start3A_44 = arith.constant 6 : i32
    %dma_start3A_45 = arith.constant 0 : i32
    %dma_start3A_46 = tpu.memref_slice %arg7[%dma_start3A_44, %dma_start3A_45] : memref<80x125xi32, #tpu.memory_space<vmem>> -> memref<1x125xi32, #tpu.memory_space<vmem>>
    %dma_start3A_47 = tpu.memref_squeeze %dma_start3A_46 : memref<1x125xi32, #tpu.memory_space<vmem>> -> memref<125xi32, #tpu.memory_space<vmem>>
    %dma_start3A_48 = arith.constant 0 : i32
    %dma_start3A_49 = arith.constant 0 : i32
    %dma_start3A_50 = tpu.memref_slice %arg2[%dma_start3A_48, %dma_start3A_49] : memref<10000x32xf32, #tpu.memory_space<hbm>> -> memref<10000x32xf32, #tpu.memory_space<hbm>>
    tpu.enqueue_indirect_dma source(%dma_start3A_50 : memref<10000x32xf32, #tpu.memory_space<hbm>>) target(%arg15 : memref<125x32xf32, #tpu.memory_space<vmem>>) offsets(%dma_start3A_47 : memref<125xi32, #tpu.memory_space<vmem>>) semaphore(%arg24 : memref<!tpu.dma_semaphore, #tpu.memory_space<semaphore_mem>>)
    %scan3A = arith.constant 0 : i32
    %scan3A_51 = arith.constant 0 : i32
    %scan3A_52 = arith.constant 9 : i32
    %scan3A_53 = arith.addi %scan3A_51, %scan3A_52 : i32
    %scan3A_54 = arith.constant 1 : i32
    scf.for %scan3A_130 = %scan3A_51 to %scan3A_53 step %scan3A_54  : i32 {
      %mul3A_131 = arith.constant 8 : i32
      %mul3A_132 = arith.muli %mul3A_131, %scan3A_130 : i32
      %add3A_133 = arith.constant 0 : i32
      %add3A_134 = arith.addi %mul3A_132, %add3A_133 : i32
      %add3A_135 = arith.constant 8 : i32
      %add3A_136 = arith.addi %add3A_134, %add3A_135 : i32
      %sub3A = arith.constant 1 : i32
      %sub3A_137 = arith.subi %add3A_136, %sub3A : i32
      %dma_start3A_138 = arith.constant 0 : i32
      %dma_start3A_139 = tpu.memref_slice %arg7[%sub3A_137, %dma_start3A_138] : memref<80x125xi32, #tpu.memory_space<vmem>> -> memref<1x125xi32, #tpu.memory_space<vmem>>
      %dma_start3A_140 = tpu.memref_squeeze %dma_start3A_139 : memref<1x125xi32, #tpu.memory_space<vmem>> -> memref<125xi32, #tpu.memory_space<vmem>>
      %dma_start3A_141 = arith.constant 0 : i32
      %dma_start3A_142 = arith.constant 0 : i32
      %dma_start3A_143 = tpu.memref_slice %arg2[%dma_start3A_141, %dma_start3A_142] : memref<10000x32xf32, #tpu.memory_space<hbm>> -> memref<10000x32xf32, #tpu.memory_space<hbm>>
      tpu.enqueue_indirect_dma source(%dma_start3A_143 : memref<10000x32xf32, #tpu.memory_space<hbm>>) target(%arg16 : memref<125x32xf32, #tpu.memory_space<vmem>>) offsets(%dma_start3A_140 : memref<125xi32, #tpu.memory_space<vmem>>) semaphore(%arg25 : memref<!tpu.dma_semaphore, #tpu.memory_space<semaphore_mem>>)
      %add3A_144 = arith.constant 0 : i32
      %add3A_145 = arith.addi %mul3A_132, %add3A_144 : i32
      %dma_wait3A_146 = arith.constant 0 : i32
      %dma_wait3A_147 = tpu.memref_slice %arg7[%add3A_145, %dma_wait3A_146] : memref<80x125xi32, #tpu.memory_space<vmem>> -> memref<1x125xi32, #tpu.memory_space<vmem>>
      %dma_wait3A_148 = tpu.memref_squeeze %dma_wait3A_147 : memref<1x125xi32, #tpu.memory_space<vmem>> -> memref<125xi32, #tpu.memory_space<vmem>>
      %dma_wait3A_149 = arith.constant 0 : i32
      %dma_wait3A_150 = arith.constant 0 : i32
      %dma_wait3A_151 = tpu.memref_slice %arg2[%dma_wait3A_149, %dma_wait3A_150] : memref<10000x32xf32, #tpu.memory_space<hbm>> -> memref<10000x32xf32, #tpu.memory_space<hbm>>
      tpu.wait_indirect_dma semaphore(%arg18 : memref<!tpu.dma_semaphore, #tpu.memory_space<semaphore_mem>>) src(%dma_wait3A_151 : memref<10000x32xf32, #tpu.memory_space<hbm>>) dst(%arg9 : memref<125x32xf32, #tpu.memory_space<vmem>>)
      "tpu.region"() ({
        %run_scoped3A_292 = tpu.sem_alloc : memref<!tpu.dma_semaphore, #tpu.memory_space<semaphore_mem>>
        %dma_start3A_293 = arith.constant 0 : i32
        %dma_start3A_294 = tpu.memref_slice %arg8[%add3A_145, %dma_start3A_293] : memref<80x125xi32, #tpu.memory_space<vmem>> -> memref<1x125xi32, #tpu.memory_space<vmem>>
        %dma_start3A_295 = tpu.memref_squeeze %dma_start3A_294 : memref<1x125xi32, #tpu.memory_space<vmem>> -> memref<125xi32, #tpu.memory_space<vmem>>
        %dma_start3A_296 = arith.constant 0 : i32
        %dma_start3A_297 = arith.constant 0 : i32
        %dma_start3A_298 = tpu.memref_slice %arg17[%dma_start3A_296, %dma_start3A_297] : memref<10000x32xf32, #tpu.memory_space<vmem_shared>> -> memref<10000x32xf32, #tpu.memory_space<vmem_shared>>
        tpu.enqueue_indirect_dma source(%arg9 : memref<125x32xf32, #tpu.memory_space<vmem>>) target(%dma_start3A_298 : memref<10000x32xf32, #tpu.memory_space<vmem_shared>>) offsets(%dma_start3A_295 : memref<125xi32, #tpu.memory_space<vmem>>) semaphore(%run_scoped3A_292 : memref<!tpu.dma_semaphore, #tpu.memory_space<semaphore_mem>>) {add = true}
        %dma_wait3A_299 = arith.constant 0 : i32
        %dma_wait3A_300 = tpu.memref_slice %arg8[%add3A_145, %dma_wait3A_299] : memref<80x125xi32, #tpu.memory_space<vmem>> -> memref<1x125xi32, #tpu.memory_space<vmem>>
        %dma_wait3A_301 = tpu.memref_squeeze %dma_wait3A_300 : memref<1x125xi32, #tpu.memory_space<vmem>> -> memref<125xi32, #tpu.memory_space<vmem>>
        %dma_wait3A_302 = arith.constant 0 : i32
        %dma_wait3A_303 = arith.constant 0 : i32
        %dma_wait3A_304 = tpu.memref_slice %arg17[%dma_wait3A_302, %dma_wait3A_303] : memref<10000x32xf32, #tpu.memory_space<vmem_shared>> -> memref<10000x32xf32, #tpu.memory_space<vmem_shared>>
        tpu.wait_indirect_dma semaphore(%run_scoped3A_292 : memref<!tpu.dma_semaphore, #tpu.memory_space<semaphore_mem>>) src(%arg9 : memref<125x32xf32, #tpu.memory_space<vmem>>) dst(%dma_wait3A_304 : memref<10000x32xf32, #tpu.memory_space<vmem_shared>>)
        tpu.yield
      }) : () -> ()
      %add3A_152 = arith.constant 1 : i32
      %add3A_153 = arith.addi %mul3A_132, %add3A_152 : i32
      %add3A_154 = arith.constant 8 : i32
      %add3A_155 = arith.addi %add3A_153, %add3A_154 : i32
      %sub3A_156 = arith.constant 1 : i32
      %sub3A_157 = arith.subi %add3A_155, %sub3A_156 : i32
      %dma_start3A_158 = arith.constant 0 : i32
      %dma_start3A_159 = tpu.memref_slice %arg7[%sub3A_157, %dma_start3A_158] : memref<80x125xi32, #tpu.memory_space<vmem>> -> memref<1x125xi32, #tpu.memory_space<vmem>>
      %dma_start3A_160 = tpu.memref_squeeze %dma_start3A_159 : memref<1x125xi32, #tpu.memory_space<vmem>> -> memref<125xi32, #tpu.memory_space<vmem>>
      %dma_start3A_161 = arith.constant 0 : i32
      %dma_start3A_162 = arith.constant 0 : i32
      %dma_start3A_163 = tpu.memref_slice %arg2[%dma_start3A_161, %dma_start3A_162] : memref<10000x32xf32, #tpu.memory_space<hbm>> -> memref<10000x32xf32, #tpu.memory_space<hbm>>
      tpu.enqueue_indirect_dma source(%dma_start3A_163 : memref<10000x32xf32, #tpu.memory_space<hbm>>) target(%arg9 : memref<125x32xf32, #tpu.memory_space<vmem>>) offsets(%dma_start3A_160 : memref<125xi32, #tpu.memory_space<vmem>>) semaphore(%arg18 : memref<!tpu.dma_semaphore, #tpu.memory_space<semaphore_mem>>)
      %add3A_164 = arith.constant 1 : i32
      %add3A_165 = arith.addi %mul3A_132, %add3A_164 : i32
      %dma_wait3A_166 = arith.constant 0 : i32
      %dma_wait3A_167 = tpu.memref_slice %arg7[%add3A_165, %dma_wait3A_166] : memref<80x125xi32, #tpu.memory_space<vmem>> -> memref<1x125xi32, #tpu.memory_space<vmem>>
      %dma_wait3A_168 = tpu.memref_squeeze %dma_wait3A_167 : memref<1x125xi32, #tpu.memory_space<vmem>> -> memref<125xi32, #tpu.memory_space<vmem>>
      %dma_wait3A_169 = arith.constant 0 : i32
      %dma_wait3A_170 = arith.constant 0 : i32
      %dma_wait3A_171 = tpu.memref_slice %arg2[%dma_wait3A_169, %dma_wait3A_170] : memref<10000x32xf32, #tpu.memory_space<hbm>> -> memref<10000x32xf32, #tpu.memory_space<hbm>>
      tpu.wait_indirect_dma semaphore(%arg19 : memref<!tpu.dma_semaphore, #tpu.memory_space<semaphore_mem>>) src(%dma_wait3A_171 : memref<10000x32xf32, #tpu.memory_space<hbm>>) dst(%arg10 : memref<125x32xf32, #tpu.memory_space<vmem>>)
      "tpu.region"() ({
        %run_scoped3A_292 = tpu.sem_alloc : memref<!tpu.dma_semaphore, #tpu.memory_space<semaphore_mem>>
        %dma_start3A_293 = arith.constant 0 : i32
        %dma_start3A_294 = tpu.memref_slice %arg8[%add3A_165, %dma_start3A_293] : memref<80x125xi32, #tpu.memory_space<vmem>> -> memref<1x125xi32, #tpu.memory_space<vmem>>
        %dma_start3A_295 = tpu.memref_squeeze %dma_start3A_294 : memref<1x125xi32, #tpu.memory_space<vmem>> -> memref<125xi32, #tpu.memory_space<vmem>>
        %dma_start3A_296 = arith.constant 0 : i32
        %dma_start3A_297 = arith.constant 0 : i32
        %dma_start3A_298 = tpu.memref_slice %arg17[%dma_start3A_296, %dma_start3A_297] : memref<10000x32xf32, #tpu.memory_space<vmem_shared>> -> memref<10000x32xf32, #tpu.memory_space<vmem_shared>>
        tpu.enqueue_indirect_dma source(%arg10 : memref<125x32xf32, #tpu.memory_space<vmem>>) target(%dma_start3A_298 : memref<10000x32xf32, #tpu.memory_space<vmem_shared>>) offsets(%dma_start3A_295 : memref<125xi32, #tpu.memory_space<vmem>>) semaphore(%run_scoped3A_292 : memref<!tpu.dma_semaphore, #tpu.memory_space<semaphore_mem>>) {add = true}
        %dma_wait3A_299 = arith.constant 0 : i32
        %dma_wait3A_300 = tpu.memref_slice %arg8[%add3A_165, %dma_wait3A_299] : memref<80x125xi32, #tpu.memory_space<vmem>> -> memref<1x125xi32, #tpu.memory_space<vmem>>
        %dma_wait3A_301 = tpu.memref_squeeze %dma_wait3A_300 : memref<1x125xi32, #tpu.memory_space<vmem>> -> memref<125xi32, #tpu.memory_space<vmem>>
        %dma_wait3A_302 = arith.constant 0 : i32
        %dma_wait3A_303 = arith.constant 0 : i32
        %dma_wait3A_304 = tpu.memref_slice %arg17[%dma_wait3A_302, %dma_wait3A_303] : memref<10000x32xf32, #tpu.memory_space<vmem_shared>> -> memref<10000x32xf32, #tpu.memory_space<vmem_shared>>
        tpu.wait_indirect_dma semaphore(%run_scoped3A_292 : memref<!tpu.dma_semaphore, #tpu.memory_space<semaphore_mem>>) src(%arg10 : memref<125x32xf32, #tpu.memory_space<vmem>>) dst(%dma_wait3A_304 : memref<10000x32xf32, #tpu.memory_space<vmem_shared>>)
        tpu.yield
      }) : () -> ()
      %add3A_172 = arith.constant 2 : i32
      %add3A_173 = arith.addi %mul3A_132, %add3A_172 : i32
      %add3A_174 = arith.constant 8 : i32
      %add3A_175 = arith.addi %add3A_173, %add3A_174 : i32
      %sub3A_176 = arith.constant 1 : i32
      %sub3A_177 = arith.subi %add3A_175, %sub3A_176 : i32
      %dma_start3A_178 = arith.constant 0 : i32
      %dma_start3A_179 = tpu.memref_slice %arg7[%sub3A_177, %dma_start3A_178] : memref<80x125xi32, #tpu.memory_space<vmem>> -> memref<1x125xi32, #tpu.memory_space<vmem>>
      %dma_start3A_180 = tpu.memref_squeeze %dma_start3A_179 : memref<1x125xi32, #tpu.memory_space<vmem>> -> memref<125xi32, #tpu.memory_space<vmem>>
      %dma_start3A_181 = arith.constant 0 : i32
      %dma_start3A_182 = arith.constant 0 : i32
      %dma_start3A_183 = tpu.memref_slice %arg2[%dma_start3A_181, %dma_start3A_182] : memref<10000x32xf32, #tpu.memory_space<hbm>> -> memref<10000x32xf32, #tpu.memory_space<hbm>>
      tpu.enqueue_indirect_dma source(%dma_start3A_183 : memref<10000x32xf32, #tpu.memory_space<hbm>>) target(%arg10 : memref<125x32xf32, #tpu.memory_space<vmem>>) offsets(%dma_start3A_180 : memref<125xi32, #tpu.memory_space<vmem>>) semaphore(%arg19 : memref<!tpu.dma_semaphore, #tpu.memory_space<semaphore_mem>>)
      %add3A_184 = arith.constant 2 : i32
      %add3A_185 = arith.addi %mul3A_132, %add3A_184 : i32
      %dma_wait3A_186 = arith.constant 0 : i32
      %dma_wait3A_187 = tpu.memref_slice %arg7[%add3A_185, %dma_wait3A_186] : memref<80x125xi32, #tpu.memory_space<vmem>> -> memref<1x125xi32, #tpu.memory_space<vmem>>
      %dma_wait3A_188 = tpu.memref_squeeze %dma_wait3A_187 : memref<1x125xi32, #tpu.memory_space<vmem>> -> memref<125xi32, #tpu.memory_space<vmem>>
      %dma_wait3A_189 = arith.constant 0 : i32
      %dma_wait3A_190 = arith.constant 0 : i32
      %dma_wait3A_191 = tpu.memref_slice %arg2[%dma_wait3A_189, %dma_wait3A_190] : memref<10000x32xf32, #tpu.memory_space<hbm>> -> memref<10000x32xf32, #tpu.memory_space<hbm>>
      tpu.wait_indirect_dma semaphore(%arg20 : memref<!tpu.dma_semaphore, #tpu.memory_space<semaphore_mem>>) src(%dma_wait3A_191 : memref<10000x32xf32, #tpu.memory_space<hbm>>) dst(%arg11 : memref<125x32xf32, #tpu.memory_space<vmem>>)
      "tpu.region"() ({
        %run_scoped3A_292 = tpu.sem_alloc : memref<!tpu.dma_semaphore, #tpu.memory_space<semaphore_mem>>
        %dma_start3A_293 = arith.constant 0 : i32
        %dma_start3A_294 = tpu.memref_slice %arg8[%add3A_185, %dma_start3A_293] : memref<80x125xi32, #tpu.memory_space<vmem>> -> memref<1x125xi32, #tpu.memory_space<vmem>>
        %dma_start3A_295 = tpu.memref_squeeze %dma_start3A_294 : memref<1x125xi32, #tpu.memory_space<vmem>> -> memref<125xi32, #tpu.memory_space<vmem>>
        %dma_start3A_296 = arith.constant 0 : i32
        %dma_start3A_297 = arith.constant 0 : i32
        %dma_start3A_298 = tpu.memref_slice %arg17[%dma_start3A_296, %dma_start3A_297] : memref<10000x32xf32, #tpu.memory_space<vmem_shared>> -> memref<10000x32xf32, #tpu.memory_space<vmem_shared>>
        tpu.enqueue_indirect_dma source(%arg11 : memref<125x32xf32, #tpu.memory_space<vmem>>) target(%dma_start3A_298 : memref<10000x32xf32, #tpu.memory_space<vmem_shared>>) offsets(%dma_start3A_295 : memref<125xi32, #tpu.memory_space<vmem>>) semaphore(%run_scoped3A_292 : memref<!tpu.dma_semaphore, #tpu.memory_space<semaphore_mem>>) {add = true}
        %dma_wait3A_299 = arith.constant 0 : i32
        %dma_wait3A_300 = tpu.memref_slice %arg8[%add3A_185, %dma_wait3A_299] : memref<80x125xi32, #tpu.memory_space<vmem>> -> memref<1x125xi32, #tpu.memory_space<vmem>>
        %dma_wait3A_301 = tpu.memref_squeeze %dma_wait3A_300 : memref<1x125xi32, #tpu.memory_space<vmem>> -> memref<125xi32, #tpu.memory_space<vmem>>
        %dma_wait3A_302 = arith.constant 0 : i32
        %dma_wait3A_303 = arith.constant 0 : i32
        %dma_wait3A_304 = tpu.memref_slice %arg17[%dma_wait3A_302, %dma_wait3A_303] : memref<10000x32xf32, #tpu.memory_space<vmem_shared>> -> memref<10000x32xf32, #tpu.memory_space<vmem_shared>>
        tpu.wait_indirect_dma semaphore(%run_scoped3A_292 : memref<!tpu.dma_semaphore, #tpu.memory_space<semaphore_mem>>) src(%arg11 : memref<125x32xf32, #tpu.memory_space<vmem>>) dst(%dma_wait3A_304 : memref<10000x32xf32, #tpu.memory_space<vmem_shared>>)
        tpu.yield
      }) : () -> ()
      %add3A_192 = arith.constant 3 : i32
      %add3A_193 = arith.addi %mul3A_132, %add3A_192 : i32
      %add3A_194 = arith.constant 8 : i32
      %add3A_195 = arith.addi %add3A_193, %add3A_194 : i32
      %sub3A_196 = arith.constant 1 : i32
      %sub3A_197 = arith.subi %add3A_195, %sub3A_196 : i32
      %dma_start3A_198 = arith.constant 0 : i32
      %dma_start3A_199 = tpu.memref_slice %arg7[%sub3A_197, %dma_start3A_198] : memref<80x125xi32, #tpu.memory_space<vmem>> -> memref<1x125xi32, #tpu.memory_space<vmem>>
      %dma_start3A_200 = tpu.memref_squeeze %dma_start3A_199 : memref<1x125xi32, #tpu.memory_space<vmem>> -> memref<125xi32, #tpu.memory_space<vmem>>
      %dma_start3A_201 = arith.constant 0 : i32
      %dma_start3A_202 = arith.constant 0 : i32
      %dma_start3A_203 = tpu.memref_slice %arg2[%dma_start3A_201, %dma_start3A_202] : memref<10000x32xf32, #tpu.memory_space<hbm>> -> memref<10000x32xf32, #tpu.memory_space<hbm>>
      tpu.enqueue_indirect_dma source(%dma_start3A_203 : memref<10000x32xf32, #tpu.memory_space<hbm>>) target(%arg11 : memref<125x32xf32, #tpu.memory_space<vmem>>) offsets(%dma_start3A_200 : memref<125xi32, #tpu.memory_space<vmem>>) semaphore(%arg20 : memref<!tpu.dma_semaphore, #tpu.memory_space<semaphore_mem>>)
      %add3A_204 = arith.constant 3 : i32
      %add3A_205 = arith.addi %mul3A_132, %add3A_204 : i32
      %dma_wait3A_206 = arith.constant 0 : i32
      %dma_wait3A_207 = tpu.memref_slice %arg7[%add3A_205, %dma_wait3A_206] : memref<80x125xi32, #tpu.memory_space<vmem>> -> memref<1x125xi32, #tpu.memory_space<vmem>>
      %dma_wait3A_208 = tpu.memref_squeeze %dma_wait3A_207 : memref<1x125xi32, #tpu.memory_space<vmem>> -> memref<125xi32, #tpu.memory_space<vmem>>
      %dma_wait3A_209 = arith.constant 0 : i32
      %dma_wait3A_210 = arith.constant 0 : i32
      %dma_wait3A_211 = tpu.memref_slice %arg2[%dma_wait3A_209, %dma_wait3A_210] : memref<10000x32xf32, #tpu.memory_space<hbm>> -> memref<10000x32xf32, #tpu.memory_space<hbm>>
      tpu.wait_indirect_dma semaphore(%arg21 : memref<!tpu.dma_semaphore, #tpu.memory_space<semaphore_mem>>) src(%dma_wait3A_211 : memref<10000x32xf32, #tpu.memory_space<hbm>>) dst(%arg12 : memref<125x32xf32, #tpu.memory_space<vmem>>)
      "tpu.region"() ({
        %run_scoped3A_292 = tpu.sem_alloc : memref<!tpu.dma_semaphore, #tpu.memory_space<semaphore_mem>>
        %dma_start3A_293 = arith.constant 0 : i32
        %dma_start3A_294 = tpu.memref_slice %arg8[%add3A_205, %dma_start3A_293] : memref<80x125xi32, #tpu.memory_space<vmem>> -> memref<1x125xi32, #tpu.memory_space<vmem>>
        %dma_start3A_295 = tpu.memref_squeeze %dma_start3A_294 : memref<1x125xi32, #tpu.memory_space<vmem>> -> memref<125xi32, #tpu.memory_space<vmem>>
        %dma_start3A_296 = arith.constant 0 : i32
        %dma_start3A_297 = arith.constant 0 : i32
        %dma_start3A_298 = tpu.memref_slice %arg17[%dma_start3A_296, %dma_start3A_297] : memref<10000x32xf32, #tpu.memory_space<vmem_shared>> -> memref<10000x32xf32, #tpu.memory_space<vmem_shared>>
        tpu.enqueue_indirect_dma source(%arg12 : memref<125x32xf32, #tpu.memory_space<vmem>>) target(%dma_start3A_298 : memref<10000x32xf32, #tpu.memory_space<vmem_shared>>) offsets(%dma_start3A_295 : memref<125xi32, #tpu.memory_space<vmem>>) semaphore(%run_scoped3A_292 : memref<!tpu.dma_semaphore, #tpu.memory_space<semaphore_mem>>) {add = true}
        %dma_wait3A_299 = arith.constant 0 : i32
        %dma_wait3A_300 = tpu.memref_slice %arg8[%add3A_205, %dma_wait3A_299] : memref<80x125xi32, #tpu.memory_space<vmem>> -> memref<1x125xi32, #tpu.memory_space<vmem>>
        %dma_wait3A_301 = tpu.memref_squeeze %dma_wait3A_300 : memref<1x125xi32, #tpu.memory_space<vmem>> -> memref<125xi32, #tpu.memory_space<vmem>>
        %dma_wait3A_302 = arith.constant 0 : i32
        %dma_wait3A_303 = arith.constant 0 : i32
        %dma_wait3A_304 = tpu.memref_slice %arg17[%dma_wait3A_302, %dma_wait3A_303] : memref<10000x32xf32, #tpu.memory_space<vmem_shared>> -> memref<10000x32xf32, #tpu.memory_space<vmem_shared>>
        tpu.wait_indirect_dma semaphore(%run_scoped3A_292 : memref<!tpu.dma_semaphore, #tpu.memory_space<semaphore_mem>>) src(%arg12 : memref<125x32xf32, #tpu.memory_space<vmem>>) dst(%dma_wait3A_304 : memref<10000x32xf32, #tpu.memory_space<vmem_shared>>)
        tpu.yield
      }) : () -> ()
      %add3A_212 = arith.constant 4 : i32
      %add3A_213 = arith.addi %mul3A_132, %add3A_212 : i32
      %add3A_214 = arith.constant 8 : i32
      %add3A_215 = arith.addi %add3A_213, %add3A_214 : i32
      %sub3A_216 = arith.constant 1 : i32
      %sub3A_217 = arith.subi %add3A_215, %sub3A_216 : i32
      %dma_start3A_218 = arith.constant 0 : i32
      %dma_start3A_219 = tpu.memref_slice %arg7[%sub3A_217, %dma_start3A_218] : memref<80x125xi32, #tpu.memory_space<vmem>> -> memref<1x125xi32, #tpu.memory_space<vmem>>
      %dma_start3A_220 = tpu.memref_squeeze %dma_start3A_219 : memref<1x125xi32, #tpu.memory_space<vmem>> -> memref<125xi32, #tpu.memory_space<vmem>>
      %dma_start3A_221 = arith.constant 0 : i32
      %dma_start3A_222 = arith.constant 0 : i32
      %dma_start3A_223 = tpu.memref_slice %arg2[%dma_start3A_221, %dma_start3A_222] : memref<10000x32xf32, #tpu.memory_space<hbm>> -> memref<10000x32xf32, #tpu.memory_space<hbm>>
      tpu.enqueue_indirect_dma source(%dma_start3A_223 : memref<10000x32xf32, #tpu.memory_space<hbm>>) target(%arg12 : memref<125x32xf32, #tpu.memory_space<vmem>>) offsets(%dma_start3A_220 : memref<125xi32, #tpu.memory_space<vmem>>) semaphore(%arg21 : memref<!tpu.dma_semaphore, #tpu.memory_space<semaphore_mem>>)
      %add3A_224 = arith.constant 4 : i32
      %add3A_225 = arith.addi %mul3A_132, %add3A_224 : i32
      %dma_wait3A_226 = arith.constant 0 : i32
      %dma_wait3A_227 = tpu.memref_slice %arg7[%add3A_225, %dma_wait3A_226] : memref<80x125xi32, #tpu.memory_space<vmem>> -> memref<1x125xi32, #tpu.memory_space<vmem>>
      %dma_wait3A_228 = tpu.memref_squeeze %dma_wait3A_227 : memref<1x125xi32, #tpu.memory_space<vmem>> -> memref<125xi32, #tpu.memory_space<vmem>>
      %dma_wait3A_229 = arith.constant 0 : i32
      %dma_wait3A_230 = arith.constant 0 : i32
      %dma_wait3A_231 = tpu.memref_slice %arg2[%dma_wait3A_229, %dma_wait3A_230] : memref<10000x32xf32, #tpu.memory_space<hbm>> -> memref<10000x32xf32, #tpu.memory_space<hbm>>
      tpu.wait_indirect_dma semaphore(%arg22 : memref<!tpu.dma_semaphore, #tpu.memory_space<semaphore_mem>>) src(%dma_wait3A_231 : memref<10000x32xf32, #tpu.memory_space<hbm>>) dst(%arg13 : memref<125x32xf32, #tpu.memory_space<vmem>>)
      "tpu.region"() ({
        %run_scoped3A_292 = tpu.sem_alloc : memref<!tpu.dma_semaphore, #tpu.memory_space<semaphore_mem>>
        %dma_start3A_293 = arith.constant 0 : i32
        %dma_start3A_294 = tpu.memref_slice %arg8[%add3A_225, %dma_start3A_293] : memref<80x125xi32, #tpu.memory_space<vmem>> -> memref<1x125xi32, #tpu.memory_space<vmem>>
        %dma_start3A_295 = tpu.memref_squeeze %dma_start3A_294 : memref<1x125xi32, #tpu.memory_space<vmem>> -> memref<125xi32, #tpu.memory_space<vmem>>
        %dma_start3A_296 = arith.constant 0 : i32
        %dma_start3A_297 = arith.constant 0 : i32
        %dma_start3A_298 = tpu.memref_slice %arg17[%dma_start3A_296, %dma_start3A_297] : memref<10000x32xf32, #tpu.memory_space<vmem_shared>> -> memref<10000x32xf32, #tpu.memory_space<vmem_shared>>
        tpu.enqueue_indirect_dma source(%arg13 : memref<125x32xf32, #tpu.memory_space<vmem>>) target(%dma_start3A_298 : memref<10000x32xf32, #tpu.memory_space<vmem_shared>>) offsets(%dma_start3A_295 : memref<125xi32, #tpu.memory_space<vmem>>) semaphore(%run_scoped3A_292 : memref<!tpu.dma_semaphore, #tpu.memory_space<semaphore_mem>>) {add = true}
        %dma_wait3A_299 = arith.constant 0 : i32
        %dma_wait3A_300 = tpu.memref_slice %arg8[%add3A_225, %dma_wait3A_299] : memref<80x125xi32, #tpu.memory_space<vmem>> -> memref<1x125xi32, #tpu.memory_space<vmem>>
        %dma_wait3A_301 = tpu.memref_squeeze %dma_wait3A_300 : memref<1x125xi32, #tpu.memory_space<vmem>> -> memref<125xi32, #tpu.memory_space<vmem>>
        %dma_wait3A_302 = arith.constant 0 : i32
        %dma_wait3A_303 = arith.constant 0 : i32
        %dma_wait3A_304 = tpu.memref_slice %arg17[%dma_wait3A_302, %dma_wait3A_303] : memref<10000x32xf32, #tpu.memory_space<vmem_shared>> -> memref<10000x32xf32, #tpu.memory_space<vmem_shared>>
        tpu.wait_indirect_dma semaphore(%run_scoped3A_292 : memref<!tpu.dma_semaphore, #tpu.memory_space<semaphore_mem>>) src(%arg13 : memref<125x32xf32, #tpu.memory_space<vmem>>) dst(%dma_wait3A_304 : memref<10000x32xf32, #tpu.memory_space<vmem_shared>>)
        tpu.yield
      }) : () -> ()
      %add3A_232 = arith.constant 5 : i32
      %add3A_233 = arith.addi %mul3A_132, %add3A_232 : i32
      %add3A_234 = arith.constant 8 : i32
      %add3A_235 = arith.addi %add3A_233, %add3A_234 : i32
      %sub3A_236 = arith.constant 1 : i32
      %sub3A_237 = arith.subi %add3A_235, %sub3A_236 : i32
      %dma_start3A_238 = arith.constant 0 : i32
      %dma_start3A_239 = tpu.memref_slice %arg7[%sub3A_237, %dma_start3A_238] : memref<80x125xi32, #tpu.memory_space<vmem>> -> memref<1x125xi32, #tpu.memory_space<vmem>>
      %dma_start3A_240 = tpu.memref_squeeze %dma_start3A_239 : memref<1x125xi32, #tpu.memory_space<vmem>> -> memref<125xi32, #tpu.memory_space<vmem>>
      %dma_start3A_241 = arith.constant 0 : i32
      %dma_start3A_242 = arith.constant 0 : i32
      %dma_start3A_243 = tpu.memref_slice %arg2[%dma_start3A_241, %dma_start3A_242] : memref<10000x32xf32, #tpu.memory_space<hbm>> -> memref<10000x32xf32, #tpu.memory_space<hbm>>
      tpu.enqueue_indirect_dma source(%dma_start3A_243 : memref<10000x32xf32, #tpu.memory_space<hbm>>) target(%arg13 : memref<125x32xf32, #tpu.memory_space<vmem>>) offsets(%dma_start3A_240 : memref<125xi32, #tpu.memory_space<vmem>>) semaphore(%arg22 : memref<!tpu.dma_semaphore, #tpu.memory_space<semaphore_mem>>)
      %add3A_244 = arith.constant 5 : i32
      %add3A_245 = arith.addi %mul3A_132, %add3A_244 : i32
      %dma_wait3A_246 = arith.constant 0 : i32
      %dma_wait3A_247 = tpu.memref_slice %arg7[%add3A_245, %dma_wait3A_246] : memref<80x125xi32, #tpu.memory_space<vmem>> -> memref<1x125xi32, #tpu.memory_space<vmem>>
      %dma_wait3A_248 = tpu.memref_squeeze %dma_wait3A_247 : memref<1x125xi32, #tpu.memory_space<vmem>> -> memref<125xi32, #tpu.memory_space<vmem>>
      %dma_wait3A_249 = arith.constant 0 : i32
      %dma_wait3A_250 = arith.constant 0 : i32
      %dma_wait3A_251 = tpu.memref_slice %arg2[%dma_wait3A_249, %dma_wait3A_250] : memref<10000x32xf32, #tpu.memory_space<hbm>> -> memref<10000x32xf32, #tpu.memory_space<hbm>>
      tpu.wait_indirect_dma semaphore(%arg23 : memref<!tpu.dma_semaphore, #tpu.memory_space<semaphore_mem>>) src(%dma_wait3A_251 : memref<10000x32xf32, #tpu.memory_space<hbm>>) dst(%arg14 : memref<125x32xf32, #tpu.memory_space<vmem>>)
      "tpu.region"() ({
        %run_scoped3A_292 = tpu.sem_alloc : memref<!tpu.dma_semaphore, #tpu.memory_space<semaphore_mem>>
        %dma_start3A_293 = arith.constant 0 : i32
        %dma_start3A_294 = tpu.memref_slice %arg8[%add3A_245, %dma_start3A_293] : memref<80x125xi32, #tpu.memory_space<vmem>> -> memref<1x125xi32, #tpu.memory_space<vmem>>
        %dma_start3A_295 = tpu.memref_squeeze %dma_start3A_294 : memref<1x125xi32, #tpu.memory_space<vmem>> -> memref<125xi32, #tpu.memory_space<vmem>>
        %dma_start3A_296 = arith.constant 0 : i32
        %dma_start3A_297 = arith.constant 0 : i32
        %dma_start3A_298 = tpu.memref_slice %arg17[%dma_start3A_296, %dma_start3A_297] : memref<10000x32xf32, #tpu.memory_space<vmem_shared>> -> memref<10000x32xf32, #tpu.memory_space<vmem_shared>>
        tpu.enqueue_indirect_dma source(%arg14 : memref<125x32xf32, #tpu.memory_space<vmem>>) target(%dma_start3A_298 : memref<10000x32xf32, #tpu.memory_space<vmem_shared>>) offsets(%dma_start3A_295 : memref<125xi32, #tpu.memory_space<vmem>>) semaphore(%run_scoped3A_292 : memref<!tpu.dma_semaphore, #tpu.memory_space<semaphore_mem>>) {add = true}
        %dma_wait3A_299 = arith.constant 0 : i32
        %dma_wait3A_300 = tpu.memref_slice %arg8[%add3A_245, %dma_wait3A_299] : memref<80x125xi32, #tpu.memory_space<vmem>> -> memref<1x125xi32, #tpu.memory_space<vmem>>
        %dma_wait3A_301 = tpu.memref_squeeze %dma_wait3A_300 : memref<1x125xi32, #tpu.memory_space<vmem>> -> memref<125xi32, #tpu.memory_space<vmem>>
        %dma_wait3A_302 = arith.constant 0 : i32
        %dma_wait3A_303 = arith.constant 0 : i32
        %dma_wait3A_304 = tpu.memref_slice %arg17[%dma_wait3A_302, %dma_wait3A_303] : memref<10000x32xf32, #tpu.memory_space<vmem_shared>> -> memref<10000x32xf32, #tpu.memory_space<vmem_shared>>
        tpu.wait_indirect_dma semaphore(%run_scoped3A_292 : memref<!tpu.dma_semaphore, #tpu.memory_space<semaphore_mem>>) src(%arg14 : memref<125x32xf32, #tpu.memory_space<vmem>>) dst(%dma_wait3A_304 : memref<10000x32xf32, #tpu.memory_space<vmem_shared>>)
        tpu.yield
      }) : () -> ()
      %add3A_252 = arith.constant 6 : i32
      %add3A_253 = arith.addi %mul3A_132, %add3A_252 : i32
      %add3A_254 = arith.constant 8 : i32
      %add3A_255 = arith.addi %add3A_253, %add3A_254 : i32
      %sub3A_256 = arith.constant 1 : i32
      %sub3A_257 = arith.subi %add3A_255, %sub3A_256 : i32
      %dma_start3A_258 = arith.constant 0 : i32
      %dma_start3A_259 = tpu.memref_slice %arg7[%sub3A_257, %dma_start3A_258] : memref<80x125xi32, #tpu.memory_space<vmem>> -> memref<1x125xi32, #tpu.memory_space<vmem>>
      %dma_start3A_260 = tpu.memref_squeeze %dma_start3A_259 : memref<1x125xi32, #tpu.memory_space<vmem>> -> memref<125xi32, #tpu.memory_space<vmem>>
      %dma_start3A_261 = arith.constant 0 : i32
      %dma_start3A_262 = arith.constant 0 : i32
      %dma_start3A_263 = tpu.memref_slice %arg2[%dma_start3A_261, %dma_start3A_262] : memref<10000x32xf32, #tpu.memory_space<hbm>> -> memref<10000x32xf32, #tpu.memory_space<hbm>>
      tpu.enqueue_indirect_dma source(%dma_start3A_263 : memref<10000x32xf32, #tpu.memory_space<hbm>>) target(%arg14 : memref<125x32xf32, #tpu.memory_space<vmem>>) offsets(%dma_start3A_260 : memref<125xi32, #tpu.memory_space<vmem>>) semaphore(%arg23 : memref<!tpu.dma_semaphore, #tpu.memory_space<semaphore_mem>>)
      %add3A_264 = arith.constant 6 : i32
      %add3A_265 = arith.addi %mul3A_132, %add3A_264 : i32
      %dma_wait3A_266 = arith.constant 0 : i32
      %dma_wait3A_267 = tpu.memref_slice %arg7[%add3A_265, %dma_wait3A_266] : memref<80x125xi32, #tpu.memory_space<vmem>> -> memref<1x125xi32, #tpu.memory_space<vmem>>
      %dma_wait3A_268 = tpu.memref_squeeze %dma_wait3A_267 : memref<1x125xi32, #tpu.memory_space<vmem>> -> memref<125xi32, #tpu.memory_space<vmem>>
      %dma_wait3A_269 = arith.constant 0 : i32
      %dma_wait3A_270 = arith.constant 0 : i32
      %dma_wait3A_271 = tpu.memref_slice %arg2[%dma_wait3A_269, %dma_wait3A_270] : memref<10000x32xf32, #tpu.memory_space<hbm>> -> memref<10000x32xf32, #tpu.memory_space<hbm>>
      tpu.wait_indirect_dma semaphore(%arg24 : memref<!tpu.dma_semaphore, #tpu.memory_space<semaphore_mem>>) src(%dma_wait3A_271 : memref<10000x32xf32, #tpu.memory_space<hbm>>) dst(%arg15 : memref<125x32xf32, #tpu.memory_space<vmem>>)
      "tpu.region"() ({
        %run_scoped3A_292 = tpu.sem_alloc : memref<!tpu.dma_semaphore, #tpu.memory_space<semaphore_mem>>
        %dma_start3A_293 = arith.constant 0 : i32
        %dma_start3A_294 = tpu.memref_slice %arg8[%add3A_265, %dma_start3A_293] : memref<80x125xi32, #tpu.memory_space<vmem>> -> memref<1x125xi32, #tpu.memory_space<vmem>>
        %dma_start3A_295 = tpu.memref_squeeze %dma_start3A_294 : memref<1x125xi32, #tpu.memory_space<vmem>> -> memref<125xi32, #tpu.memory_space<vmem>>
        %dma_start3A_296 = arith.constant 0 : i32
        %dma_start3A_297 = arith.constant 0 : i32
        %dma_start3A_298 = tpu.memref_slice %arg17[%dma_start3A_296, %dma_start3A_297] : memref<10000x32xf32, #tpu.memory_space<vmem_shared>> -> memref<10000x32xf32, #tpu.memory_space<vmem_shared>>
        tpu.enqueue_indirect_dma source(%arg15 : memref<125x32xf32, #tpu.memory_space<vmem>>) target(%dma_start3A_298 : memref<10000x32xf32, #tpu.memory_space<vmem_shared>>) offsets(%dma_start3A_295 : memref<125xi32, #tpu.memory_space<vmem>>) semaphore(%run_scoped3A_292 : memref<!tpu.dma_semaphore, #tpu.memory_space<semaphore_mem>>) {add = true}
        %dma_wait3A_299 = arith.constant 0 : i32
        %dma_wait3A_300 = tpu.memref_slice %arg8[%add3A_265, %dma_wait3A_299] : memref<80x125xi32, #tpu.memory_space<vmem>> -> memref<1x125xi32, #tpu.memory_space<vmem>>
        %dma_wait3A_301 = tpu.memref_squeeze %dma_wait3A_300 : memref<1x125xi32, #tpu.memory_space<vmem>> -> memref<125xi32, #tpu.memory_space<vmem>>
        %dma_wait3A_302 = arith.constant 0 : i32
        %dma_wait3A_303 = arith.constant 0 : i32
        %dma_wait3A_304 = tpu.memref_slice %arg17[%dma_wait3A_302, %dma_wait3A_303] : memref<10000x32xf32, #tpu.memory_space<vmem_shared>> -> memref<10000x32xf32, #tpu.memory_space<vmem_shared>>
        tpu.wait_indirect_dma semaphore(%run_scoped3A_292 : memref<!tpu.dma_semaphore, #tpu.memory_space<semaphore_mem>>) src(%arg15 : memref<125x32xf32, #tpu.memory_space<vmem>>) dst(%dma_wait3A_304 : memref<10000x32xf32, #tpu.memory_space<vmem_shared>>)
        tpu.yield
      }) : () -> ()
      %add3A_272 = arith.constant 7 : i32
      %add3A_273 = arith.addi %mul3A_132, %add3A_272 : i32
      %add3A_274 = arith.constant 8 : i32
      %add3A_275 = arith.addi %add3A_273, %add3A_274 : i32
      %sub3A_276 = arith.constant 1 : i32
      %sub3A_277 = arith.subi %add3A_275, %sub3A_276 : i32
      %dma_start3A_278 = arith.constant 0 : i32
      %dma_start3A_279 = tpu.memref_slice %arg7[%sub3A_277, %dma_start3A_278] : memref<80x125xi32, #tpu.memory_space<vmem>> -> memref<1x125xi32, #tpu.memory_space<vmem>>
      %dma_start3A_280 = tpu.memref_squeeze %dma_start3A_279 : memref<1x125xi32, #tpu.memory_space<vmem>> -> memref<125xi32, #tpu.memory_space<vmem>>
      %dma_start3A_281 = arith.constant 0 : i32
      %dma_start3A_282 = arith.constant 0 : i32
      %dma_start3A_283 = tpu.memref_slice %arg2[%dma_start3A_281, %dma_start3A_282] : memref<10000x32xf32, #tpu.memory_space<hbm>> -> memref<10000x32xf32, #tpu.memory_space<hbm>>
      tpu.enqueue_indirect_dma source(%dma_start3A_283 : memref<10000x32xf32, #tpu.memory_space<hbm>>) target(%arg15 : memref<125x32xf32, #tpu.memory_space<vmem>>) offsets(%dma_start3A_280 : memref<125xi32, #tpu.memory_space<vmem>>) semaphore(%arg24 : memref<!tpu.dma_semaphore, #tpu.memory_space<semaphore_mem>>)
      %add3A_284 = arith.constant 7 : i32
      %add3A_285 = arith.addi %mul3A_132, %add3A_284 : i32
      %dma_wait3A_286 = arith.constant 0 : i32
      %dma_wait3A_287 = tpu.memref_slice %arg7[%add3A_285, %dma_wait3A_286] : memref<80x125xi32, #tpu.memory_space<vmem>> -> memref<1x125xi32, #tpu.memory_space<vmem>>
      %dma_wait3A_288 = tpu.memref_squeeze %dma_wait3A_287 : memref<1x125xi32, #tpu.memory_space<vmem>> -> memref<125xi32, #tpu.memory_space<vmem>>
      %dma_wait3A_289 = arith.constant 0 : i32
      %dma_wait3A_290 = arith.constant 0 : i32
      %dma_wait3A_291 = tpu.memref_slice %arg2[%dma_wait3A_289, %dma_wait3A_290] : memref<10000x32xf32, #tpu.memory_space<hbm>> -> memref<10000x32xf32, #tpu.memory_space<hbm>>
      tpu.wait_indirect_dma semaphore(%arg25 : memref<!tpu.dma_semaphore, #tpu.memory_space<semaphore_mem>>) src(%dma_wait3A_291 : memref<10000x32xf32, #tpu.memory_space<hbm>>) dst(%arg16 : memref<125x32xf32, #tpu.memory_space<vmem>>)
      "tpu.region"() ({
        %run_scoped3A_292 = tpu.sem_alloc : memref<!tpu.dma_semaphore, #tpu.memory_space<semaphore_mem>>
        %dma_start3A_293 = arith.constant 0 : i32
        %dma_start3A_294 = tpu.memref_slice %arg8[%add3A_285, %dma_start3A_293] : memref<80x125xi32, #tpu.memory_space<vmem>> -> memref<1x125xi32, #tpu.memory_space<vmem>>
        %dma_start3A_295 = tpu.memref_squeeze %dma_start3A_294 : memref<1x125xi32, #tpu.memory_space<vmem>> -> memref<125xi32, #tpu.memory_space<vmem>>
        %dma_start3A_296 = arith.constant 0 : i32
        %dma_start3A_297 = arith.constant 0 : i32
        %dma_start3A_298 = tpu.memref_slice %arg17[%dma_start3A_296, %dma_start3A_297] : memref<10000x32xf32, #tpu.memory_space<vmem_shared>> -> memref<10000x32xf32, #tpu.memory_space<vmem_shared>>
        tpu.enqueue_indirect_dma source(%arg16 : memref<125x32xf32, #tpu.memory_space<vmem>>) target(%dma_start3A_298 : memref<10000x32xf32, #tpu.memory_space<vmem_shared>>) offsets(%dma_start3A_295 : memref<125xi32, #tpu.memory_space<vmem>>) semaphore(%run_scoped3A_292 : memref<!tpu.dma_semaphore, #tpu.memory_space<semaphore_mem>>) {add = true}
        %dma_wait3A_299 = arith.constant 0 : i32
        %dma_wait3A_300 = tpu.memref_slice %arg8[%add3A_285, %dma_wait3A_299] : memref<80x125xi32, #tpu.memory_space<vmem>> -> memref<1x125xi32, #tpu.memory_space<vmem>>
        %dma_wait3A_301 = tpu.memref_squeeze %dma_wait3A_300 : memref<1x125xi32, #tpu.memory_space<vmem>> -> memref<125xi32, #tpu.memory_space<vmem>>
        %dma_wait3A_302 = arith.constant 0 : i32
        %dma_wait3A_303 = arith.constant 0 : i32
        %dma_wait3A_304 = tpu.memref_slice %arg17[%dma_wait3A_302, %dma_wait3A_303] : memref<10000x32xf32, #tpu.memory_space<vmem_shared>> -> memref<10000x32xf32, #tpu.memory_space<vmem_shared>>
        tpu.wait_indirect_dma semaphore(%run_scoped3A_292 : memref<!tpu.dma_semaphore, #tpu.memory_space<semaphore_mem>>) src(%arg16 : memref<125x32xf32, #tpu.memory_space<vmem>>) dst(%dma_wait3A_304 : memref<10000x32xf32, #tpu.memory_space<vmem_shared>>)
        tpu.yield
      }) : () -> ()
    }
    %scan3A_55 = arith.constant 9 : i32
    %dma_start3A_56 = arith.constant 79 : i32
    %dma_start3A_57 = arith.constant 0 : i32
    %dma_start3A_58 = tpu.memref_slice %arg7[%dma_start3A_56, %dma_start3A_57] : memref<80x125xi32, #tpu.memory_space<vmem>> -> memref<1x125xi32, #tpu.memory_space<vmem>>
    %dma_start3A_59 = tpu.memref_squeeze %dma_start3A_58 : memref<1x125xi32, #tpu.memory_space<vmem>> -> memref<125xi32, #tpu.memory_space<vmem>>
    %dma_start3A_60 = arith.constant 0 : i32
    %dma_start3A_61 = arith.constant 0 : i32
    %dma_start3A_62 = tpu.memref_slice %arg2[%dma_start3A_60, %dma_start3A_61] : memref<10000x32xf32, #tpu.memory_space<hbm>> -> memref<10000x32xf32, #tpu.memory_space<hbm>>
    tpu.enqueue_indirect_dma source(%dma_start3A_62 : memref<10000x32xf32, #tpu.memory_space<hbm>>) target(%arg16 : memref<125x32xf32, #tpu.memory_space<vmem>>) offsets(%dma_start3A_59 : memref<125xi32, #tpu.memory_space<vmem>>) semaphore(%arg25 : memref<!tpu.dma_semaphore, #tpu.memory_space<semaphore_mem>>)
    %dma_wait3A = arith.constant 72 : i32
    %dma_wait3A_63 = arith.constant 0 : i32
    %dma_wait3A_64 = tpu.memref_slice %arg7[%dma_wait3A, %dma_wait3A_63] : memref<80x125xi32, #tpu.memory_space<vmem>> -> memref<1x125xi32, #tpu.memory_space<vmem>>
    %dma_wait3A_65 = tpu.memref_squeeze %dma_wait3A_64 : memref<1x125xi32, #tpu.memory_space<vmem>> -> memref<125xi32, #tpu.memory_space<vmem>>
    %dma_wait3A_66 = arith.constant 0 : i32
    %dma_wait3A_67 = arith.constant 0 : i32
    %dma_wait3A_68 = tpu.memref_slice %arg2[%dma_wait3A_66, %dma_wait3A_67] : memref<10000x32xf32, #tpu.memory_space<hbm>> -> memref<10000x32xf32, #tpu.memory_space<hbm>>
    tpu.wait_indirect_dma semaphore(%arg18 : memref<!tpu.dma_semaphore, #tpu.memory_space<semaphore_mem>>) src(%dma_wait3A_68 : memref<10000x32xf32, #tpu.memory_space<hbm>>) dst(%arg9 : memref<125x32xf32, #tpu.memory_space<vmem>>)
    %run_scoped3A = arith.constant 72 : i32
    "tpu.region"() ({
      %run_scoped3A_130 = tpu.sem_alloc : memref<!tpu.dma_semaphore, #tpu.memory_space<semaphore_mem>>
      %dma_start3A_131 = arith.constant 0 : i32
      %dma_start3A_132 = tpu.memref_slice %arg8[%run_scoped3A, %dma_start3A_131] : memref<80x125xi32, #tpu.memory_space<vmem>> -> memref<1x125xi32, #tpu.memory_space<vmem>>
      %dma_start3A_133 = tpu.memref_squeeze %dma_start3A_132 : memref<1x125xi32, #tpu.memory_space<vmem>> -> memref<125xi32, #tpu.memory_space<vmem>>
      %dma_start3A_134 = arith.constant 0 : i32
      %dma_start3A_135 = arith.constant 0 : i32
      %dma_start3A_136 = tpu.memref_slice %arg17[%dma_start3A_134, %dma_start3A_135] : memref<10000x32xf32, #tpu.memory_space<vmem_shared>> -> memref<10000x32xf32, #tpu.memory_space<vmem_shared>>
      tpu.enqueue_indirect_dma source(%arg9 : memref<125x32xf32, #tpu.memory_space<vmem>>) target(%dma_start3A_136 : memref<10000x32xf32, #tpu.memory_space<vmem_shared>>) offsets(%dma_start3A_133 : memref<125xi32, #tpu.memory_space<vmem>>) semaphore(%run_scoped3A_130 : memref<!tpu.dma_semaphore, #tpu.memory_space<semaphore_mem>>) {add = true}
      %dma_wait3A_137 = arith.constant 0 : i32
      %dma_wait3A_138 = tpu.memref_slice %arg8[%run_scoped3A, %dma_wait3A_137] : memref<80x125xi32, #tpu.memory_space<vmem>> -> memref<1x125xi32, #tpu.memory_space<vmem>>
      %dma_wait3A_139 = tpu.memref_squeeze %dma_wait3A_138 : memref<1x125xi32, #tpu.memory_space<vmem>> -> memref<125xi32, #tpu.memory_space<vmem>>
      %dma_wait3A_140 = arith.constant 0 : i32
      %dma_wait3A_141 = arith.constant 0 : i32
      %dma_wait3A_142 = tpu.memref_slice %arg17[%dma_wait3A_140, %dma_wait3A_141] : memref<10000x32xf32, #tpu.memory_space<vmem_shared>> -> memref<10000x32xf32, #tpu.memory_space<vmem_shared>>
      tpu.wait_indirect_dma semaphore(%run_scoped3A_130 : memref<!tpu.dma_semaphore, #tpu.memory_space<semaphore_mem>>) src(%arg9 : memref<125x32xf32, #tpu.memory_space<vmem>>) dst(%dma_wait3A_142 : memref<10000x32xf32, #tpu.memory_space<vmem_shared>>)
      tpu.yield
    }) : () -> ()
    %dma_wait3A_69 = arith.constant 73 : i32
    %dma_wait3A_70 = arith.constant 0 : i32
    %dma_wait3A_71 = tpu.memref_slice %arg7[%dma_wait3A_69, %dma_wait3A_70] : memref<80x125xi32, #tpu.memory_space<vmem>> -> memref<1x125xi32, #tpu.memory_space<vmem>>
    %dma_wait3A_72 = tpu.memref_squeeze %dma_wait3A_71 : memref<1x125xi32, #tpu.memory_space<vmem>> -> memref<125xi32, #tpu.memory_space<vmem>>
    %dma_wait3A_73 = arith.constant 0 : i32
    %dma_wait3A_74 = arith.constant 0 : i32
    %dma_wait3A_75 = tpu.memref_slice %arg2[%dma_wait3A_73, %dma_wait3A_74] : memref<10000x32xf32, #tpu.memory_space<hbm>> -> memref<10000x32xf32, #tpu.memory_space<hbm>>
    tpu.wait_indirect_dma semaphore(%arg19 : memref<!tpu.dma_semaphore, #tpu.memory_space<semaphore_mem>>) src(%dma_wait3A_75 : memref<10000x32xf32, #tpu.memory_space<hbm>>) dst(%arg10 : memref<125x32xf32, #tpu.memory_space<vmem>>)
    %run_scoped3A_76 = arith.constant 73 : i32
    "tpu.region"() ({
      %run_scoped3A_130 = tpu.sem_alloc : memref<!tpu.dma_semaphore, #tpu.memory_space<semaphore_mem>>
      %dma_start3A_131 = arith.constant 0 : i32
      %dma_start3A_132 = tpu.memref_slice %arg8[%run_scoped3A_76, %dma_start3A_131] : memref<80x125xi32, #tpu.memory_space<vmem>> -> memref<1x125xi32, #tpu.memory_space<vmem>>
      %dma_start3A_133 = tpu.memref_squeeze %dma_start3A_132 : memref<1x125xi32, #tpu.memory_space<vmem>> -> memref<125xi32, #tpu.memory_space<vmem>>
      %dma_start3A_134 = arith.constant 0 : i32
      %dma_start3A_135 = arith.constant 0 : i32
      %dma_start3A_136 = tpu.memref_slice %arg17[%dma_start3A_134, %dma_start3A_135] : memref<10000x32xf32, #tpu.memory_space<vmem_shared>> -> memref<10000x32xf32, #tpu.memory_space<vmem_shared>>
      tpu.enqueue_indirect_dma source(%arg10 : memref<125x32xf32, #tpu.memory_space<vmem>>) target(%dma_start3A_136 : memref<10000x32xf32, #tpu.memory_space<vmem_shared>>) offsets(%dma_start3A_133 : memref<125xi32, #tpu.memory_space<vmem>>) semaphore(%run_scoped3A_130 : memref<!tpu.dma_semaphore, #tpu.memory_space<semaphore_mem>>) {add = true}
      %dma_wait3A_137 = arith.constant 0 : i32
      %dma_wait3A_138 = tpu.memref_slice %arg8[%run_scoped3A_76, %dma_wait3A_137] : memref<80x125xi32, #tpu.memory_space<vmem>> -> memref<1x125xi32, #tpu.memory_space<vmem>>
      %dma_wait3A_139 = tpu.memref_squeeze %dma_wait3A_138 : memref<1x125xi32, #tpu.memory_space<vmem>> -> memref<125xi32, #tpu.memory_space<vmem>>
      %dma_wait3A_140 = arith.constant 0 : i32
      %dma_wait3A_141 = arith.constant 0 : i32
      %dma_wait3A_142 = tpu.memref_slice %arg17[%dma_wait3A_140, %dma_wait3A_141] : memref<10000x32xf32, #tpu.memory_space<vmem_shared>> -> memref<10000x32xf32, #tpu.memory_space<vmem_shared>>
      tpu.wait_indirect_dma semaphore(%run_scoped3A_130 : memref<!tpu.dma_semaphore, #tpu.memory_space<semaphore_mem>>) src(%arg10 : memref<125x32xf32, #tpu.memory_space<vmem>>) dst(%dma_wait3A_142 : memref<10000x32xf32, #tpu.memory_space<vmem_shared>>)
      tpu.yield
    }) : () -> ()
    %dma_wait3A_77 = arith.constant 74 : i32
    %dma_wait3A_78 = arith.constant 0 : i32
    %dma_wait3A_79 = tpu.memref_slice %arg7[%dma_wait3A_77, %dma_wait3A_78] : memref<80x125xi32, #tpu.memory_space<vmem>> -> memref<1x125xi32, #tpu.memory_space<vmem>>
    %dma_wait3A_80 = tpu.memref_squeeze %dma_wait3A_79 : memref<1x125xi32, #tpu.memory_space<vmem>> -> memref<125xi32, #tpu.memory_space<vmem>>
    %dma_wait3A_81 = arith.constant 0 : i32
    %dma_wait3A_82 = arith.constant 0 : i32
    %dma_wait3A_83 = tpu.memref_slice %arg2[%dma_wait3A_81, %dma_wait3A_82] : memref<10000x32xf32, #tpu.memory_space<hbm>> -> memref<10000x32xf32, #tpu.memory_space<hbm>>
    tpu.wait_indirect_dma semaphore(%arg20 : memref<!tpu.dma_semaphore, #tpu.memory_space<semaphore_mem>>) src(%dma_wait3A_83 : memref<10000x32xf32, #tpu.memory_space<hbm>>) dst(%arg11 : memref<125x32xf32, #tpu.memory_space<vmem>>)
    %run_scoped3A_84 = arith.constant 74 : i32
    "tpu.region"() ({
      %run_scoped3A_130 = tpu.sem_alloc : memref<!tpu.dma_semaphore, #tpu.memory_space<semaphore_mem>>
      %dma_start3A_131 = arith.constant 0 : i32
      %dma_start3A_132 = tpu.memref_slice %arg8[%run_scoped3A_84, %dma_start3A_131] : memref<80x125xi32, #tpu.memory_space<vmem>> -> memref<1x125xi32, #tpu.memory_space<vmem>>
      %dma_start3A_133 = tpu.memref_squeeze %dma_start3A_132 : memref<1x125xi32, #tpu.memory_space<vmem>> -> memref<125xi32, #tpu.memory_space<vmem>>
      %dma_start3A_134 = arith.constant 0 : i32
      %dma_start3A_135 = arith.constant 0 : i32
      %dma_start3A_136 = tpu.memref_slice %arg17[%dma_start3A_134, %dma_start3A_135] : memref<10000x32xf32, #tpu.memory_space<vmem_shared>> -> memref<10000x32xf32, #tpu.memory_space<vmem_shared>>
      tpu.enqueue_indirect_dma source(%arg11 : memref<125x32xf32, #tpu.memory_space<vmem>>) target(%dma_start3A_136 : memref<10000x32xf32, #tpu.memory_space<vmem_shared>>) offsets(%dma_start3A_133 : memref<125xi32, #tpu.memory_space<vmem>>) semaphore(%run_scoped3A_130 : memref<!tpu.dma_semaphore, #tpu.memory_space<semaphore_mem>>) {add = true}
      %dma_wait3A_137 = arith.constant 0 : i32
      %dma_wait3A_138 = tpu.memref_slice %arg8[%run_scoped3A_84, %dma_wait3A_137] : memref<80x125xi32, #tpu.memory_space<vmem>> -> memref<1x125xi32, #tpu.memory_space<vmem>>
      %dma_wait3A_139 = tpu.memref_squeeze %dma_wait3A_138 : memref<1x125xi32, #tpu.memory_space<vmem>> -> memref<125xi32, #tpu.memory_space<vmem>>
      %dma_wait3A_140 = arith.constant 0 : i32
      %dma_wait3A_141 = arith.constant 0 : i32
      %dma_wait3A_142 = tpu.memref_slice %arg17[%dma_wait3A_140, %dma_wait3A_141] : memref<10000x32xf32, #tpu.memory_space<vmem_shared>> -> memref<10000x32xf32, #tpu.memory_space<vmem_shared>>
      tpu.wait_indirect_dma semaphore(%run_scoped3A_130 : memref<!tpu.dma_semaphore, #tpu.memory_space<semaphore_mem>>) src(%arg11 : memref<125x32xf32, #tpu.memory_space<vmem>>) dst(%dma_wait3A_142 : memref<10000x32xf32, #tpu.memory_space<vmem_shared>>)
      tpu.yield
    }) : () -> ()
    %dma_wait3A_85 = arith.constant 75 : i32
    %dma_wait3A_86 = arith.constant 0 : i32
    %dma_wait3A_87 = tpu.memref_slice %arg7[%dma_wait3A_85, %dma_wait3A_86] : memref<80x125xi32, #tpu.memory_space<vmem>> -> memref<1x125xi32, #tpu.memory_space<vmem>>
    %dma_wait3A_88 = tpu.memref_squeeze %dma_wait3A_87 : memref<1x125xi32, #tpu.memory_space<vmem>> -> memref<125xi32, #tpu.memory_space<vmem>>
    %dma_wait3A_89 = arith.constant 0 : i32
    %dma_wait3A_90 = arith.constant 0 : i32
    %dma_wait3A_91 = tpu.memref_slice %arg2[%dma_wait3A_89, %dma_wait3A_90] : memref<10000x32xf32, #tpu.memory_space<hbm>> -> memref<10000x32xf32, #tpu.memory_space<hbm>>
    tpu.wait_indirect_dma semaphore(%arg21 : memref<!tpu.dma_semaphore, #tpu.memory_space<semaphore_mem>>) src(%dma_wait3A_91 : memref<10000x32xf32, #tpu.memory_space<hbm>>) dst(%arg12 : memref<125x32xf32, #tpu.memory_space<vmem>>)
    %run_scoped3A_92 = arith.constant 75 : i32
    "tpu.region"() ({
      %run_scoped3A_130 = tpu.sem_alloc : memref<!tpu.dma_semaphore, #tpu.memory_space<semaphore_mem>>
      %dma_start3A_131 = arith.constant 0 : i32
      %dma_start3A_132 = tpu.memref_slice %arg8[%run_scoped3A_92, %dma_start3A_131] : memref<80x125xi32, #tpu.memory_space<vmem>> -> memref<1x125xi32, #tpu.memory_space<vmem>>
      %dma_start3A_133 = tpu.memref_squeeze %dma_start3A_132 : memref<1x125xi32, #tpu.memory_space<vmem>> -> memref<125xi32, #tpu.memory_space<vmem>>
      %dma_start3A_134 = arith.constant 0 : i32
      %dma_start3A_135 = arith.constant 0 : i32
      %dma_start3A_136 = tpu.memref_slice %arg17[%dma_start3A_134, %dma_start3A_135] : memref<10000x32xf32, #tpu.memory_space<vmem_shared>> -> memref<10000x32xf32, #tpu.memory_space<vmem_shared>>
      tpu.enqueue_indirect_dma source(%arg12 : memref<125x32xf32, #tpu.memory_space<vmem>>) target(%dma_start3A_136 : memref<10000x32xf32, #tpu.memory_space<vmem_shared>>) offsets(%dma_start3A_133 : memref<125xi32, #tpu.memory_space<vmem>>) semaphore(%run_scoped3A_130 : memref<!tpu.dma_semaphore, #tpu.memory_space<semaphore_mem>>) {add = true}
      %dma_wait3A_137 = arith.constant 0 : i32
      %dma_wait3A_138 = tpu.memref_slice %arg8[%run_scoped3A_92, %dma_wait3A_137] : memref<80x125xi32, #tpu.memory_space<vmem>> -> memref<1x125xi32, #tpu.memory_space<vmem>>
      %dma_wait3A_139 = tpu.memref_squeeze %dma_wait3A_138 : memref<1x125xi32, #tpu.memory_space<vmem>> -> memref<125xi32, #tpu.memory_space<vmem>>
      %dma_wait3A_140 = arith.constant 0 : i32
      %dma_wait3A_141 = arith.constant 0 : i32
      %dma_wait3A_142 = tpu.memref_slice %arg17[%dma_wait3A_140, %dma_wait3A_141] : memref<10000x32xf32, #tpu.memory_space<vmem_shared>> -> memref<10000x32xf32, #tpu.memory_space<vmem_shared>>
      tpu.wait_indirect_dma semaphore(%run_scoped3A_130 : memref<!tpu.dma_semaphore, #tpu.memory_space<semaphore_mem>>) src(%arg12 : memref<125x32xf32, #tpu.memory_space<vmem>>) dst(%dma_wait3A_142 : memref<10000x32xf32, #tpu.memory_space<vmem_shared>>)
      tpu.yield
    }) : () -> ()
    %dma_wait3A_93 = arith.constant 76 : i32
    %dma_wait3A_94 = arith.constant 0 : i32
    %dma_wait3A_95 = tpu.memref_slice %arg7[%dma_wait3A_93, %dma_wait3A_94] : memref<80x125xi32, #tpu.memory_space<vmem>> -> memref<1x125xi32, #tpu.memory_space<vmem>>
    %dma_wait3A_96 = tpu.memref_squeeze %dma_wait3A_95 : memref<1x125xi32, #tpu.memory_space<vmem>> -> memref<125xi32, #tpu.memory_space<vmem>>
    %dma_wait3A_97 = arith.constant 0 : i32
    %dma_wait3A_98 = arith.constant 0 : i32
    %dma_wait3A_99 = tpu.memref_slice %arg2[%dma_wait3A_97, %dma_wait3A_98] : memref<10000x32xf32, #tpu.memory_space<hbm>> -> memref<10000x32xf32, #tpu.memory_space<hbm>>
    tpu.wait_indirect_dma semaphore(%arg22 : memref<!tpu.dma_semaphore, #tpu.memory_space<semaphore_mem>>) src(%dma_wait3A_99 : memref<10000x32xf32, #tpu.memory_space<hbm>>) dst(%arg13 : memref<125x32xf32, #tpu.memory_space<vmem>>)
    %run_scoped3A_100 = arith.constant 76 : i32
    "tpu.region"() ({
      %run_scoped3A_130 = tpu.sem_alloc : memref<!tpu.dma_semaphore, #tpu.memory_space<semaphore_mem>>
      %dma_start3A_131 = arith.constant 0 : i32
      %dma_start3A_132 = tpu.memref_slice %arg8[%run_scoped3A_100, %dma_start3A_131] : memref<80x125xi32, #tpu.memory_space<vmem>> -> memref<1x125xi32, #tpu.memory_space<vmem>>
      %dma_start3A_133 = tpu.memref_squeeze %dma_start3A_132 : memref<1x125xi32, #tpu.memory_space<vmem>> -> memref<125xi32, #tpu.memory_space<vmem>>
      %dma_start3A_134 = arith.constant 0 : i32
      %dma_start3A_135 = arith.constant 0 : i32
      %dma_start3A_136 = tpu.memref_slice %arg17[%dma_start3A_134, %dma_start3A_135] : memref<10000x32xf32, #tpu.memory_space<vmem_shared>> -> memref<10000x32xf32, #tpu.memory_space<vmem_shared>>
      tpu.enqueue_indirect_dma source(%arg13 : memref<125x32xf32, #tpu.memory_space<vmem>>) target(%dma_start3A_136 : memref<10000x32xf32, #tpu.memory_space<vmem_shared>>) offsets(%dma_start3A_133 : memref<125xi32, #tpu.memory_space<vmem>>) semaphore(%run_scoped3A_130 : memref<!tpu.dma_semaphore, #tpu.memory_space<semaphore_mem>>) {add = true}
      %dma_wait3A_137 = arith.constant 0 : i32
      %dma_wait3A_138 = tpu.memref_slice %arg8[%run_scoped3A_100, %dma_wait3A_137] : memref<80x125xi32, #tpu.memory_space<vmem>> -> memref<1x125xi32, #tpu.memory_space<vmem>>
      %dma_wait3A_139 = tpu.memref_squeeze %dma_wait3A_138 : memref<1x125xi32, #tpu.memory_space<vmem>> -> memref<125xi32, #tpu.memory_space<vmem>>
      %dma_wait3A_140 = arith.constant 0 : i32
      %dma_wait3A_141 = arith.constant 0 : i32
      %dma_wait3A_142 = tpu.memref_slice %arg17[%dma_wait3A_140, %dma_wait3A_141] : memref<10000x32xf32, #tpu.memory_space<vmem_shared>> -> memref<10000x32xf32, #tpu.memory_space<vmem_shared>>
      tpu.wait_indirect_dma semaphore(%run_scoped3A_130 : memref<!tpu.dma_semaphore, #tpu.memory_space<semaphore_mem>>) src(%arg13 : memref<125x32xf32, #tpu.memory_space<vmem>>) dst(%dma_wait3A_142 : memref<10000x32xf32, #tpu.memory_space<vmem_shared>>)
      tpu.yield
    }) : () -> ()
    %dma_wait3A_101 = arith.constant 77 : i32
    %dma_wait3A_102 = arith.constant 0 : i32
    %dma_wait3A_103 = tpu.memref_slice %arg7[%dma_wait3A_101, %dma_wait3A_102] : memref<80x125xi32, #tpu.memory_space<vmem>> -> memref<1x125xi32, #tpu.memory_space<vmem>>
    %dma_wait3A_104 = tpu.memref_squeeze %dma_wait3A_103 : memref<1x125xi32, #tpu.memory_space<vmem>> -> memref<125xi32, #tpu.memory_space<vmem>>
    %dma_wait3A_105 = arith.constant 0 : i32
    %dma_wait3A_106 = arith.constant 0 : i32
    %dma_wait3A_107 = tpu.memref_slice %arg2[%dma_wait3A_105, %dma_wait3A_106] : memref<10000x32xf32, #tpu.memory_space<hbm>> -> memref<10000x32xf32, #tpu.memory_space<hbm>>
    tpu.wait_indirect_dma semaphore(%arg23 : memref<!tpu.dma_semaphore, #tpu.memory_space<semaphore_mem>>) src(%dma_wait3A_107 : memref<10000x32xf32, #tpu.memory_space<hbm>>) dst(%arg14 : memref<125x32xf32, #tpu.memory_space<vmem>>)
    %run_scoped3A_108 = arith.constant 77 : i32
    "tpu.region"() ({
      %run_scoped3A_130 = tpu.sem_alloc : memref<!tpu.dma_semaphore, #tpu.memory_space<semaphore_mem>>
      %dma_start3A_131 = arith.constant 0 : i32
      %dma_start3A_132 = tpu.memref_slice %arg8[%run_scoped3A_108, %dma_start3A_131] : memref<80x125xi32, #tpu.memory_space<vmem>> -> memref<1x125xi32, #tpu.memory_space<vmem>>
      %dma_start3A_133 = tpu.memref_squeeze %dma_start3A_132 : memref<1x125xi32, #tpu.memory_space<vmem>> -> memref<125xi32, #tpu.memory_space<vmem>>
      %dma_start3A_134 = arith.constant 0 : i32
      %dma_start3A_135 = arith.constant 0 : i32
      %dma_start3A_136 = tpu.memref_slice %arg17[%dma_start3A_134, %dma_start3A_135] : memref<10000x32xf32, #tpu.memory_space<vmem_shared>> -> memref<10000x32xf32, #tpu.memory_space<vmem_shared>>
      tpu.enqueue_indirect_dma source(%arg14 : memref<125x32xf32, #tpu.memory_space<vmem>>) target(%dma_start3A_136 : memref<10000x32xf32, #tpu.memory_space<vmem_shared>>) offsets(%dma_start3A_133 : memref<125xi32, #tpu.memory_space<vmem>>) semaphore(%run_scoped3A_130 : memref<!tpu.dma_semaphore, #tpu.memory_space<semaphore_mem>>) {add = true}
      %dma_wait3A_137 = arith.constant 0 : i32
      %dma_wait3A_138 = tpu.memref_slice %arg8[%run_scoped3A_108, %dma_wait3A_137] : memref<80x125xi32, #tpu.memory_space<vmem>> -> memref<1x125xi32, #tpu.memory_space<vmem>>
      %dma_wait3A_139 = tpu.memref_squeeze %dma_wait3A_138 : memref<1x125xi32, #tpu.memory_space<vmem>> -> memref<125xi32, #tpu.memory_space<vmem>>
      %dma_wait3A_140 = arith.constant 0 : i32
      %dma_wait3A_141 = arith.constant 0 : i32
      %dma_wait3A_142 = tpu.memref_slice %arg17[%dma_wait3A_140, %dma_wait3A_141] : memref<10000x32xf32, #tpu.memory_space<vmem_shared>> -> memref<10000x32xf32, #tpu.memory_space<vmem_shared>>
      tpu.wait_indirect_dma semaphore(%run_scoped3A_130 : memref<!tpu.dma_semaphore, #tpu.memory_space<semaphore_mem>>) src(%arg14 : memref<125x32xf32, #tpu.memory_space<vmem>>) dst(%dma_wait3A_142 : memref<10000x32xf32, #tpu.memory_space<vmem_shared>>)
      tpu.yield
    }) : () -> ()
    %dma_wait3A_109 = arith.constant 78 : i32
    %dma_wait3A_110 = arith.constant 0 : i32
    %dma_wait3A_111 = tpu.memref_slice %arg7[%dma_wait3A_109, %dma_wait3A_110] : memref<80x125xi32, #tpu.memory_space<vmem>> -> memref<1x125xi32, #tpu.memory_space<vmem>>
    %dma_wait3A_112 = tpu.memref_squeeze %dma_wait3A_111 : memref<1x125xi32, #tpu.memory_space<vmem>> -> memref<125xi32, #tpu.memory_space<vmem>>
    %dma_wait3A_113 = arith.constant 0 : i32
    %dma_wait3A_114 = arith.constant 0 : i32
    %dma_wait3A_115 = tpu.memref_slice %arg2[%dma_wait3A_113, %dma_wait3A_114] : memref<10000x32xf32, #tpu.memory_space<hbm>> -> memref<10000x32xf32, #tpu.memory_space<hbm>>
    tpu.wait_indirect_dma semaphore(%arg24 : memref<!tpu.dma_semaphore, #tpu.memory_space<semaphore_mem>>) src(%dma_wait3A_115 : memref<10000x32xf32, #tpu.memory_space<hbm>>) dst(%arg15 : memref<125x32xf32, #tpu.memory_space<vmem>>)
    %run_scoped3A_116 = arith.constant 78 : i32
    "tpu.region"() ({
      %run_scoped3A_130 = tpu.sem_alloc : memref<!tpu.dma_semaphore, #tpu.memory_space<semaphore_mem>>
      %dma_start3A_131 = arith.constant 0 : i32
      %dma_start3A_132 = tpu.memref_slice %arg8[%run_scoped3A_116, %dma_start3A_131] : memref<80x125xi32, #tpu.memory_space<vmem>> -> memref<1x125xi32, #tpu.memory_space<vmem>>
      %dma_start3A_133 = tpu.memref_squeeze %dma_start3A_132 : memref<1x125xi32, #tpu.memory_space<vmem>> -> memref<125xi32, #tpu.memory_space<vmem>>
      %dma_start3A_134 = arith.constant 0 : i32
      %dma_start3A_135 = arith.constant 0 : i32
      %dma_start3A_136 = tpu.memref_slice %arg17[%dma_start3A_134, %dma_start3A_135] : memref<10000x32xf32, #tpu.memory_space<vmem_shared>> -> memref<10000x32xf32, #tpu.memory_space<vmem_shared>>
      tpu.enqueue_indirect_dma source(%arg15 : memref<125x32xf32, #tpu.memory_space<vmem>>) target(%dma_start3A_136 : memref<10000x32xf32, #tpu.memory_space<vmem_shared>>) offsets(%dma_start3A_133 : memref<125xi32, #tpu.memory_space<vmem>>) semaphore(%run_scoped3A_130 : memref<!tpu.dma_semaphore, #tpu.memory_space<semaphore_mem>>) {add = true}
      %dma_wait3A_137 = arith.constant 0 : i32
      %dma_wait3A_138 = tpu.memref_slice %arg8[%run_scoped3A_116, %dma_wait3A_137] : memref<80x125xi32, #tpu.memory_space<vmem>> -> memref<1x125xi32, #tpu.memory_space<vmem>>
      %dma_wait3A_139 = tpu.memref_squeeze %dma_wait3A_138 : memref<1x125xi32, #tpu.memory_space<vmem>> -> memref<125xi32, #tpu.memory_space<vmem>>
      %dma_wait3A_140 = arith.constant 0 : i32
      %dma_wait3A_141 = arith.constant 0 : i32
      %dma_wait3A_142 = tpu.memref_slice %arg17[%dma_wait3A_140, %dma_wait3A_141] : memref<10000x32xf32, #tpu.memory_space<vmem_shared>> -> memref<10000x32xf32, #tpu.memory_space<vmem_shared>>
      tpu.wait_indirect_dma semaphore(%run_scoped3A_130 : memref<!tpu.dma_semaphore, #tpu.memory_space<semaphore_mem>>) src(%arg15 : memref<125x32xf32, #tpu.memory_space<vmem>>) dst(%dma_wait3A_142 : memref<10000x32xf32, #tpu.memory_space<vmem_shared>>)
      tpu.yield
    }) : () -> ()
    %dma_wait3A_117 = arith.constant 79 : i32
    %dma_wait3A_118 = arith.constant 0 : i32
    %dma_wait3A_119 = tpu.memref_slice %arg7[%dma_wait3A_117, %dma_wait3A_118] : memref<80x125xi32, #tpu.memory_space<vmem>> -> memref<1x125xi32, #tpu.memory_space<vmem>>
    %dma_wait3A_120 = tpu.memref_squeeze %dma_wait3A_119 : memref<1x125xi32, #tpu.memory_space<vmem>> -> memref<125xi32, #tpu.memory_space<vmem>>
    %dma_wait3A_121 = arith.constant 0 : i32
    %dma_wait3A_122 = arith.constant 0 : i32
    %dma_wait3A_123 = tpu.memref_slice %arg2[%dma_wait3A_121, %dma_wait3A_122] : memref<10000x32xf32, #tpu.memory_space<hbm>> -> memref<10000x32xf32, #tpu.memory_space<hbm>>
    tpu.wait_indirect_dma semaphore(%arg25 : memref<!tpu.dma_semaphore, #tpu.memory_space<semaphore_mem>>) src(%dma_wait3A_123 : memref<10000x32xf32, #tpu.memory_space<hbm>>) dst(%arg16 : memref<125x32xf32, #tpu.memory_space<vmem>>)
    %run_scoped3A_124 = arith.constant 79 : i32
    "tpu.region"() ({
      %run_scoped3A_130 = tpu.sem_alloc : memref<!tpu.dma_semaphore, #tpu.memory_space<semaphore_mem>>
      %dma_start3A_131 = arith.constant 0 : i32
      %dma_start3A_132 = tpu.memref_slice %arg8[%run_scoped3A_124, %dma_start3A_131] : memref<80x125xi32, #tpu.memory_space<vmem>> -> memref<1x125xi32, #tpu.memory_space<vmem>>
      %dma_start3A_133 = tpu.memref_squeeze %dma_start3A_132 : memref<1x125xi32, #tpu.memory_space<vmem>> -> memref<125xi32, #tpu.memory_space<vmem>>
      %dma_start3A_134 = arith.constant 0 : i32
      %dma_start3A_135 = arith.constant 0 : i32
      %dma_start3A_136 = tpu.memref_slice %arg17[%dma_start3A_134, %dma_start3A_135] : memref<10000x32xf32, #tpu.memory_space<vmem_shared>> -> memref<10000x32xf32, #tpu.memory_space<vmem_shared>>
      tpu.enqueue_indirect_dma source(%arg16 : memref<125x32xf32, #tpu.memory_space<vmem>>) target(%dma_start3A_136 : memref<10000x32xf32, #tpu.memory_space<vmem_shared>>) offsets(%dma_start3A_133 : memref<125xi32, #tpu.memory_space<vmem>>) semaphore(%run_scoped3A_130 : memref<!tpu.dma_semaphore, #tpu.memory_space<semaphore_mem>>) {add = true}
      %dma_wait3A_137 = arith.constant 0 : i32
      %dma_wait3A_138 = tpu.memref_slice %arg8[%run_scoped3A_124, %dma_wait3A_137] : memref<80x125xi32, #tpu.memory_space<vmem>> -> memref<1x125xi32, #tpu.memory_space<vmem>>
      %dma_wait3A_139 = tpu.memref_squeeze %dma_wait3A_138 : memref<1x125xi32, #tpu.memory_space<vmem>> -> memref<125xi32, #tpu.memory_space<vmem>>
      %dma_wait3A_140 = arith.constant 0 : i32
      %dma_wait3A_141 = arith.constant 0 : i32
      %dma_wait3A_142 = tpu.memref_slice %arg17[%dma_wait3A_140, %dma_wait3A_141] : memref<10000x32xf32, #tpu.memory_space<vmem_shared>> -> memref<10000x32xf32, #tpu.memory_space<vmem_shared>>
      tpu.wait_indirect_dma semaphore(%run_scoped3A_130 : memref<!tpu.dma_semaphore, #tpu.memory_space<semaphore_mem>>) src(%arg16 : memref<125x32xf32, #tpu.memory_space<vmem>>) dst(%dma_wait3A_142 : memref<10000x32xf32, #tpu.memory_space<vmem_shared>>)
      tpu.yield
    }) : () -> ()
    %barrier3A_125 = arith.constant 0 : index
    tpu.barrier barrier_id(%barrier3A_125)
    %mul3A_126 = arith.constant 625 : i32
    %mul3A_127 = arith.muli %arg1, %mul3A_126 : i32
    %mul3A_128 = arith.constant 625 : i32
    %mul3A_129 = arith.muli %arg1, %mul3A_128 : i32
    "tpu.region"() ({
      %run_scoped3A_130 = tpu.sem_alloc : memref<!tpu.dma_semaphore, #tpu.memory_space<semaphore_mem>>
      %dma_start3A_131 = arith.constant 0 : i32
      %dma_start3A_132 = arith.constant 0 : i32
      %dma_start3A_133 = tpu.memref_slice %arg6[%arg0, %dma_start3A_131, %dma_start3A_132] : memref<2x10000x32xf32, #tpu.memory_space<hbm>> -> memref<1x10000x32xf32, #tpu.memory_space<hbm>>
      %dma_start3A_134 = tpu.memref_squeeze %dma_start3A_133 : memref<1x10000x32xf32, #tpu.memory_space<hbm>> -> memref<10000x32xf32, #tpu.memory_space<hbm>>
      %dma_start3A_135 = arith.constant 0 : i32
      %dma_start3A_136 = tpu.memref_slice %dma_start3A_134[%mul3A_129, %dma_start3A_135] : memref<10000x32xf32, #tpu.memory_space<hbm>> -> memref<625x32xf32, #tpu.memory_space<hbm>>
      %dma_start3A_137 = arith.constant 0 : i32
      %dma_start3A_138 = tpu.memref_slice %arg17[%mul3A_127, %dma_start3A_137] : memref<10000x32xf32, #tpu.memory_space<vmem_shared>> -> memref<625x32xf32, #tpu.memory_space<vmem_shared>>
      tpu.enqueue_dma source(%dma_start3A_138 : memref<625x32xf32, #tpu.memory_space<vmem_shared>>) target(%dma_start3A_136 : memref<625x32xf32, #tpu.memory_space<hbm>>) target_semaphore(%run_scoped3A_130 : memref<!tpu.dma_semaphore, #tpu.memory_space<semaphore_mem>>)
      %dma_wait3A_139 = arith.constant 0 : i32
      %dma_wait3A_140 = arith.constant 0 : i32
      %dma_wait3A_141 = tpu.memref_slice %arg6[%arg0, %dma_wait3A_139, %dma_wait3A_140] : memref<2x10000x32xf32, #tpu.memory_space<hbm>> -> memref<1x10000x32xf32, #tpu.memory_space<hbm>>
      %dma_wait3A_142 = tpu.memref_squeeze %dma_wait3A_141 : memref<1x10000x32xf32, #tpu.memory_space<hbm>> -> memref<10000x32xf32, #tpu.memory_space<hbm>>
      %dma_wait3A_143 = arith.constant 0 : i32
      %dma_wait3A_144 = tpu.memref_slice %dma_wait3A_142[%mul3A_129, %dma_wait3A_143] : memref<10000x32xf32, #tpu.memory_space<hbm>> -> memref<625x32xf32, #tpu.memory_space<hbm>>
      %dma_wait3A_145 = arith.constant 0 : i32
      %dma_wait3A_146 = tpu.memref_slice %arg17[%mul3A_127, %dma_wait3A_145] : memref<10000x32xf32, #tpu.memory_space<vmem_shared>> -> memref<625x32xf32, #tpu.memory_space<vmem_shared>>
      tpu.wait_dma2 semaphore(%run_scoped3A_130 : memref<!tpu.dma_semaphore, #tpu.memory_space<semaphore_mem>>) src(%dma_wait3A_146 : memref<625x32xf32, #tpu.memory_space<vmem_shared>>) dst(%dma_wait3A_144 : memref<625x32xf32, #tpu.memory_space<hbm>>)
      tpu.yield
    }) : () -> ()
    return
  }
}

#map = affine_map<(d0, d1) -> (0, 0)>
#map1 = affine_map<(d0, d1) -> (0, 0, 0)>
module attributes {stable_mosaic.version = 14 : i64} {
  func.func @k(%arg0: i32, %arg1: i32, %arg2: memref<10000x32xf32, #tpu.memory_space<hbm>>, %arg3: memref<32x80x125xi32, #tpu.memory_space<hbm>>, %arg4: memref<32x80x125xi32, #tpu.memory_space<hbm>>, %arg5: memref<625x32xf32, #tpu.memory_space<hbm>>, %arg6: memref<2x10000x32xf32, #tpu.memory_space<hbm>>, %arg7: memref<80x125xi32, #tpu.memory_space<vmem>>, %arg8: memref<80x125xi32, #tpu.memory_space<vmem>>, %arg9: memref<125x32xf32, #tpu.memory_space<vmem>>, %arg10: memref<125x32xf32, #tpu.memory_space<vmem>>, %arg11: memref<125x32xf32, #tpu.memory_space<vmem>>, %arg12: memref<125x32xf32, #tpu.memory_space<vmem>>, %arg13: memref<125x32xf32, #tpu.memory_space<vmem>>, %arg14: memref<125x32xf32, #tpu.memory_space<vmem>>, %arg15: memref<125x32xf32, #tpu.memory_space<vmem>>, %arg16: memref<125x32xf32, #tpu.memory_space<vmem>>, %arg17: memref<10000x32xf32, #tpu.memory_space<vmem_shared>>, %arg18: memref<!tpu.dma_semaphore, #tpu.memory_space<semaphore_mem>>, %arg19: memref<!tpu.dma_semaphore, #tpu.memory_space<semaphore_mem>>, %arg20: memref<!tpu.dma_semaphore, #tpu.memory_space<semaphore_mem>>, %arg21: memref<!tpu.dma_semaphore, #tpu.memory_space<semaphore_mem>>, %arg22: memref<!tpu.dma_semaphore, #tpu.memory_space<semaphore_mem>>, %arg23: memref<!tpu.dma_semaphore, #tpu.memory_space<semaphore_mem>>, %arg24: memref<!tpu.dma_semaphore, #tpu.memory_space<semaphore_mem>>, %arg25: memref<!tpu.dma_semaphore, #tpu.memory_space<semaphore_mem>>) attributes {dimension_semantics = [#tpu.dimension_semantics<core_parallel>, #tpu.dimension_semantics<subcore_parallel>], iteration_bounds = array<i64: 2, 16>, scalar_prefetch = 0 : i64, scratch_operands = 19 : i64, tpu.core_type = #tpu.core_type<sc_vector_subcore>, window_params = [{transform_indices = #map}, {transform_indices = #map1}, {transform_indices = #map1}, {transform_indices = #map}, {transform_indices = #map1}]} {
    %mul3A = arith.constant 16 : i32
    %mul3A_0 = arith.muli %arg0, %mul3A : i32
    %add3A = arith.addi %mul3A_0, %arg1 : i32
    %mul3A_1 = arith.constant 625 : i32
    %mul3A_2 = arith.muli %arg1, %mul3A_1 : i32
    "tpu.region"() ({
      %run_scoped3A_130 = tpu.sem_alloc : memref<!tpu.dma_semaphore, #tpu.memory_space<semaphore_mem>>
      %dma_start3A_131 = arith.constant 0 : i32
      %dma_start3A_132 = tpu.memref_slice %arg17[%mul3A_2, %dma_start3A_131] : memref<10000x32xf32, #tpu.memory_space<vmem_shared>> -> memref<625x32xf32, #tpu.memory_space<vmem_shared>>
      tpu.enqueue_dma source(%arg5 : memref<625x32xf32, #tpu.memory_space<hbm>>) target(%dma_start3A_132 : memref<625x32xf32, #tpu.memory_space<vmem_shared>>) target_semaphore(%run_scoped3A_130 : memref<!tpu.dma_semaphore, #tpu.memory_space<semaphore_mem>>)
      %dma_wait3A_133 = arith.constant 0 : i32
      %dma_wait3A_134 = tpu.memref_slice %arg17[%mul3A_2, %dma_wait3A_133] : memref<10000x32xf32, #tpu.memory_space<vmem_shared>> -> memref<625x32xf32, #tpu.memory_space<vmem_shared>>
      tpu.wait_dma2 semaphore(%run_scoped3A_130 : memref<!tpu.dma_semaphore, #tpu.memory_space<semaphore_mem>>) src(%arg5 : memref<625x32xf32, #tpu.memory_space<hbm>>) dst(%dma_wait3A_134 : memref<625x32xf32, #tpu.memory_space<vmem_shared>>)
      tpu.yield
    }) : () -> ()
    "tpu.region"() ({
      %run_scoped3A_130 = tpu.sem_alloc : memref<!tpu.dma_semaphore, #tpu.memory_space<semaphore_mem>>
      %dma_start3A_131 = arith.constant 0 : i32
      %dma_start3A_132 = arith.constant 0 : i32
      %dma_start3A_133 = tpu.memref_slice %arg3[%add3A, %dma_start3A_131, %dma_start3A_132] : memref<32x80x125xi32, #tpu.memory_space<hbm>> -> memref<1x80x125xi32, #tpu.memory_space<hbm>>
      %dma_start3A_134 = tpu.memref_squeeze %dma_start3A_133 : memref<1x80x125xi32, #tpu.memory_space<hbm>> -> memref<80x125xi32, #tpu.memory_space<hbm>>
      %dma_start3A_135 = arith.constant 0 : i32
      %dma_start3A_136 = arith.constant 0 : i32
      %dma_start3A_137 = tpu.memref_slice %arg3[%add3A, %dma_start3A_135, %dma_start3A_136] : memref<32x80x125xi32, #tpu.memory_space<hbm>> -> memref<1x80x125xi32, #tpu.memory_space<hbm>>
      %dma_start3A_138 = tpu.memref_squeeze %dma_start3A_137 : memref<1x80x125xi32, #tpu.memory_space<hbm>> -> memref<80x125xi32, #tpu.memory_space<hbm>>
      tpu.enqueue_dma source(%dma_start3A_138 : memref<80x125xi32, #tpu.memory_space<hbm>>) target(%arg7 : memref<80x125xi32, #tpu.memory_space<vmem>>) target_semaphore(%run_scoped3A_130 : memref<!tpu.dma_semaphore, #tpu.memory_space<semaphore_mem>>)
      %dma_wait3A_139 = arith.constant 0 : i32
      %dma_wait3A_140 = arith.constant 0 : i32
      %dma_wait3A_141 = tpu.memref_slice %arg3[%add3A, %dma_wait3A_139, %dma_wait3A_140] : memref<32x80x125xi32, #tpu.memory_space<hbm>> -> memref<1x80x125xi32, #tpu.memory_space<hbm>>
      %dma_wait3A_142 = tpu.memref_squeeze %dma_wait3A_141 : memref<1x80x125xi32, #tpu.memory_space<hbm>> -> memref<80x125xi32, #tpu.memory_space<hbm>>
      %dma_wait3A_143 = arith.constant 0 : i32
      %dma_wait3A_144 = arith.constant 0 : i32
      %dma_wait3A_145 = tpu.memref_slice %arg3[%add3A, %dma_wait3A_143, %dma_wait3A_144] : memref<32x80x125xi32, #tpu.memory_space<hbm>> -> memref<1x80x125xi32, #tpu.memory_space<hbm>>
      %dma_wait3A_146 = tpu.memref_squeeze %dma_wait3A_145 : memref<1x80x125xi32, #tpu.memory_space<hbm>> -> memref<80x125xi32, #tpu.memory_space<hbm>>
      tpu.wait_dma2 semaphore(%run_scoped3A_130 : memref<!tpu.dma_semaphore, #tpu.memory_space<semaphore_mem>>) src(%dma_wait3A_146 : memref<80x125xi32, #tpu.memory_space<hbm>>) dst(%arg7 : memref<80x125xi32, #tpu.memory_space<vmem>>)
      tpu.yield
    }) : () -> ()
    "tpu.region"() ({
      %run_scoped3A_130 = tpu.sem_alloc : memref<!tpu.dma_semaphore, #tpu.memory_space<semaphore_mem>>
      %dma_start3A_131 = arith.constant 0 : i32
      %dma_start3A_132 = arith.constant 0 : i32
      %dma_start3A_133 = tpu.memref_slice %arg4[%add3A, %dma_start3A_131, %dma_start3A_132] : memref<32x80x125xi32, #tpu.memory_space<hbm>> -> memref<1x80x125xi32, #tpu.memory_space<hbm>>
      %dma_start3A_134 = tpu.memref_squeeze %dma_start3A_133 : memref<1x80x125xi32, #tpu.memory_space<hbm>> -> memref<80x125xi32, #tpu.memory_space<hbm>>
      %dma_start3A_135 = arith.constant 0 : i32
      %dma_start3A_136 = arith.constant 0 : i32
      %dma_start3A_137 = tpu.memref_slice %arg4[%add3A, %dma_start3A_135, %dma_start3A_136] : memref<32x80x125xi32, #tpu.memory_space<hbm>> -> memref<1x80x125xi32, #tpu.memory_space<hbm>>
      %dma_start3A_138 = tpu.memref_squeeze %dma_start3A_137 : memref<1x80x125xi32, #tpu.memory_space<hbm>> -> memref<80x125xi32, #tpu.memory_space<hbm>>
      tpu.enqueue_dma source(%dma_start3A_138 : memref<80x125xi32, #tpu.memory_space<hbm>>) target(%arg8 : memref<80x125xi32, #tpu.memory_space<vmem>>) target_semaphore(%run_scoped3A_130 : memref<!tpu.dma_semaphore, #tpu.memory_space<semaphore_mem>>)
      %dma_wait3A_139 = arith.constant 0 : i32
      %dma_wait3A_140 = arith.constant 0 : i32
      %dma_wait3A_141 = tpu.memref_slice %arg4[%add3A, %dma_wait3A_139, %dma_wait3A_140] : memref<32x80x125xi32, #tpu.memory_space<hbm>> -> memref<1x80x125xi32, #tpu.memory_space<hbm>>
      %dma_wait3A_142 = tpu.memref_squeeze %dma_wait3A_141 : memref<1x80x125xi32, #tpu.memory_space<hbm>> -> memref<80x125xi32, #tpu.memory_space<hbm>>
      %dma_wait3A_143 = arith.constant 0 : i32
      %dma_wait3A_144 = arith.constant 0 : i32
      %dma_wait3A_145 = tpu.memref_slice %arg4[%add3A, %dma_wait3A_143, %dma_wait3A_144] : memref<32x80x125xi32, #tpu.memory_space<hbm>> -> memref<1x80x125xi32, #tpu.memory_space<hbm>>
      %dma_wait3A_146 = tpu.memref_squeeze %dma_wait3A_145 : memref<1x80x125xi32, #tpu.memory_space<hbm>> -> memref<80x125xi32, #tpu.memory_space<hbm>>
      tpu.wait_dma2 semaphore(%run_scoped3A_130 : memref<!tpu.dma_semaphore, #tpu.memory_space<semaphore_mem>>) src(%dma_wait3A_146 : memref<80x125xi32, #tpu.memory_space<hbm>>) dst(%arg8 : memref<80x125xi32, #tpu.memory_space<vmem>>)
      tpu.yield
    }) : () -> ()
    %barrier3A = arith.constant 0 : index
    tpu.barrier barrier_id(%barrier3A)
    %dma_start3A = arith.constant 0 : i32
    %dma_start3A_3 = arith.constant 0 : i32
    %dma_start3A_4 = tpu.memref_slice %arg7[%dma_start3A, %dma_start3A_3] : memref<80x125xi32, #tpu.memory_space<vmem>> -> memref<1x125xi32, #tpu.memory_space<vmem>>
    %dma_start3A_5 = tpu.memref_squeeze %dma_start3A_4 : memref<1x125xi32, #tpu.memory_space<vmem>> -> memref<125xi32, #tpu.memory_space<vmem>>
    %dma_start3A_6 = arith.constant 0 : i32
    %dma_start3A_7 = arith.constant 0 : i32
    %dma_start3A_8 = tpu.memref_slice %arg2[%dma_start3A_6, %dma_start3A_7] : memref<10000x32xf32, #tpu.memory_space<hbm>> -> memref<10000x32xf32, #tpu.memory_space<hbm>>
    tpu.enqueue_indirect_dma source(%dma_start3A_8 : memref<10000x32xf32, #tpu.memory_space<hbm>>) target(%arg9 : memref<125x32xf32, #tpu.memory_space<vmem>>) offsets(%dma_start3A_5 : memref<125xi32, #tpu.memory_space<vmem>>) semaphore(%arg18 : memref<!tpu.dma_semaphore, #tpu.memory_space<semaphore_mem>>)
    %dma_start3A_9 = arith.constant 1 : i32
    %dma_start3A_10 = arith.constant 0 : i32
    %dma_start3A_11 = tpu.memref_slice %arg7[%dma_start3A_9, %dma_start3A_10] : memref<80x125xi32, #tpu.memory_space<vmem>> -> memref<1x125xi32, #tpu.memory_space<vmem>>
    %dma_start3A_12 = tpu.memref_squeeze %dma_start3A_11 : memref<1x125xi32, #tpu.memory_space<vmem>> -> memref<125xi32, #tpu.memory_space<vmem>>
    %dma_start3A_13 = arith.constant 0 : i32
    %dma_start3A_14 = arith.constant 0 : i32
    %dma_start3A_15 = tpu.memref_slice %arg2[%dma_start3A_13, %dma_start3A_14] : memref<10000x32xf32, #tpu.memory_space<hbm>> -> memref<10000x32xf32, #tpu.memory_space<hbm>>
    tpu.enqueue_indirect_dma source(%dma_start3A_15 : memref<10000x32xf32, #tpu.memory_space<hbm>>) target(%arg10 : memref<125x32xf32, #tpu.memory_space<vmem>>) offsets(%dma_start3A_12 : memref<125xi32, #tpu.memory_space<vmem>>) semaphore(%arg19 : memref<!tpu.dma_semaphore, #tpu.memory_space<semaphore_mem>>)
    %dma_start3A_16 = arith.constant 2 : i32
    %dma_start3A_17 = arith.constant 0 : i32
    %dma_start3A_18 = tpu.memref_slice %arg7[%dma_start3A_16, %dma_start3A_17] : memref<80x125xi32, #tpu.memory_space<vmem>> -> memref<1x125xi32, #tpu.memory_space<vmem>>
    %dma_start3A_19 = tpu.memref_squeeze %dma_start3A_18 : memref<1x125xi32, #tpu.memory_space<vmem>> -> memref<125xi32, #tpu.memory_space<vmem>>
    %dma_start3A_20 = arith.constant 0 : i32
    %dma_start3A_21 = arith.constant 0 : i32
    %dma_start3A_22 = tpu.memref_slice %arg2[%dma_start3A_20, %dma_start3A_21] : memref<10000x32xf32, #tpu.memory_space<hbm>> -> memref<10000x32xf32, #tpu.memory_space<hbm>>
    tpu.enqueue_indirect_dma source(%dma_start3A_22 : memref<10000x32xf32, #tpu.memory_space<hbm>>) target(%arg11 : memref<125x32xf32, #tpu.memory_space<vmem>>) offsets(%dma_start3A_19 : memref<125xi32, #tpu.memory_space<vmem>>) semaphore(%arg20 : memref<!tpu.dma_semaphore, #tpu.memory_space<semaphore_mem>>)
    %dma_start3A_23 = arith.constant 3 : i32
    %dma_start3A_24 = arith.constant 0 : i32
    %dma_start3A_25 = tpu.memref_slice %arg7[%dma_start3A_23, %dma_start3A_24] : memref<80x125xi32, #tpu.memory_space<vmem>> -> memref<1x125xi32, #tpu.memory_space<vmem>>
    %dma_start3A_26 = tpu.memref_squeeze %dma_start3A_25 : memref<1x125xi32, #tpu.memory_space<vmem>> -> memref<125xi32, #tpu.memory_space<vmem>>
    %dma_start3A_27 = arith.constant 0 : i32
    %dma_start3A_28 = arith.constant 0 : i32
    %dma_start3A_29 = tpu.memref_slice %arg2[%dma_start3A_27, %dma_start3A_28] : memref<10000x32xf32, #tpu.memory_space<hbm>> -> memref<10000x32xf32, #tpu.memory_space<hbm>>
    tpu.enqueue_indirect_dma source(%dma_start3A_29 : memref<10000x32xf32, #tpu.memory_space<hbm>>) target(%arg12 : memref<125x32xf32, #tpu.memory_space<vmem>>) offsets(%dma_start3A_26 : memref<125xi32, #tpu.memory_space<vmem>>) semaphore(%arg21 : memref<!tpu.dma_semaphore, #tpu.memory_space<semaphore_mem>>)
    %dma_start3A_30 = arith.constant 4 : i32
    %dma_start3A_31 = arith.constant 0 : i32
    %dma_start3A_32 = tpu.memref_slice %arg7[%dma_start3A_30, %dma_start3A_31] : memref<80x125xi32, #tpu.memory_space<vmem>> -> memref<1x125xi32, #tpu.memory_space<vmem>>
    %dma_start3A_33 = tpu.memref_squeeze %dma_start3A_32 : memref<1x125xi32, #tpu.memory_space<vmem>> -> memref<125xi32, #tpu.memory_space<vmem>>
    %dma_start3A_34 = arith.constant 0 : i32
    %dma_start3A_35 = arith.constant 0 : i32
    %dma_start3A_36 = tpu.memref_slice %arg2[%dma_start3A_34, %dma_start3A_35] : memref<10000x32xf32, #tpu.memory_space<hbm>> -> memref<10000x32xf32, #tpu.memory_space<hbm>>
    tpu.enqueue_indirect_dma source(%dma_start3A_36 : memref<10000x32xf32, #tpu.memory_space<hbm>>) target(%arg13 : memref<125x32xf32, #tpu.memory_space<vmem>>) offsets(%dma_start3A_33 : memref<125xi32, #tpu.memory_space<vmem>>) semaphore(%arg22 : memref<!tpu.dma_semaphore, #tpu.memory_space<semaphore_mem>>)
    %dma_start3A_37 = arith.constant 5 : i32
    %dma_start3A_38 = arith.constant 0 : i32
    %dma_start3A_39 = tpu.memref_slice %arg7[%dma_start3A_37, %dma_start3A_38] : memref<80x125xi32, #tpu.memory_space<vmem>> -> memref<1x125xi32, #tpu.memory_space<vmem>>
    %dma_start3A_40 = tpu.memref_squeeze %dma_start3A_39 : memref<1x125xi32, #tpu.memory_space<vmem>> -> memref<125xi32, #tpu.memory_space<vmem>>
    %dma_start3A_41 = arith.constant 0 : i32
    %dma_start3A_42 = arith.constant 0 : i32
    %dma_start3A_43 = tpu.memref_slice %arg2[%dma_start3A_41, %dma_start3A_42] : memref<10000x32xf32, #tpu.memory_space<hbm>> -> memref<10000x32xf32, #tpu.memory_space<hbm>>
    tpu.enqueue_indirect_dma source(%dma_start3A_43 : memref<10000x32xf32, #tpu.memory_space<hbm>>) target(%arg14 : memref<125x32xf32, #tpu.memory_space<vmem>>) offsets(%dma_start3A_40 : memref<125xi32, #tpu.memory_space<vmem>>) semaphore(%arg23 : memref<!tpu.dma_semaphore, #tpu.memory_space<semaphore_mem>>)
    %dma_start3A_44 = arith.constant 6 : i32
    %dma_start3A_45 = arith.constant 0 : i32
    %dma_start3A_46 = tpu.memref_slice %arg7[%dma_start3A_44, %dma_start3A_45] : memref<80x125xi32, #tpu.memory_space<vmem>> -> memref<1x125xi32, #tpu.memory_space<vmem>>
    %dma_start3A_47 = tpu.memref_squeeze %dma_start3A_46 : memref<1x125xi32, #tpu.memory_space<vmem>> -> memref<125xi32, #tpu.memory_space<vmem>>
    %dma_start3A_48 = arith.constant 0 : i32
    %dma_start3A_49 = arith.constant 0 : i32
    %dma_start3A_50 = tpu.memref_slice %arg2[%dma_start3A_48, %dma_start3A_49] : memref<10000x32xf32, #tpu.memory_space<hbm>> -> memref<10000x32xf32, #tpu.memory_space<hbm>>
    tpu.enqueue_indirect_dma source(%dma_start3A_50 : memref<10000x32xf32, #tpu.memory_space<hbm>>) target(%arg15 : memref<125x32xf32, #tpu.memory_space<vmem>>) offsets(%dma_start3A_47 : memref<125xi32, #tpu.memory_space<vmem>>) semaphore(%arg24 : memref<!tpu.dma_semaphore, #tpu.memory_space<semaphore_mem>>)
    %scan3A = arith.constant 0 : i32
    %scan3A_51 = arith.constant 0 : i32
    %scan3A_52 = arith.constant 9 : i32
    %scan3A_53 = arith.addi %scan3A_51, %scan3A_52 : i32
    %scan3A_54 = arith.constant 1 : i32
    scf.for %scan3A_130 = %scan3A_51 to %scan3A_53 step %scan3A_54  : i32 {
      %mul3A_131 = arith.constant 8 : i32
      %mul3A_132 = arith.muli %mul3A_131, %scan3A_130 : i32
      %add3A_133 = arith.constant 0 : i32
      %add3A_134 = arith.addi %mul3A_132, %add3A_133 : i32
      %add3A_135 = arith.constant 8 : i32
      %add3A_136 = arith.addi %add3A_134, %add3A_135 : i32
      %sub3A = arith.constant 1 : i32
      %sub3A_137 = arith.subi %add3A_136, %sub3A : i32
      %dma_start3A_138 = arith.constant 0 : i32
      %dma_start3A_139 = tpu.memref_slice %arg7[%sub3A_137, %dma_start3A_138] : memref<80x125xi32, #tpu.memory_space<vmem>> -> memref<1x125xi32, #tpu.memory_space<vmem>>
      %dma_start3A_140 = tpu.memref_squeeze %dma_start3A_139 : memref<1x125xi32, #tpu.memory_space<vmem>> -> memref<125xi32, #tpu.memory_space<vmem>>
      %dma_start3A_141 = arith.constant 0 : i32
      %dma_start3A_142 = arith.constant 0 : i32
      %dma_start3A_143 = tpu.memref_slice %arg2[%dma_start3A_141, %dma_start3A_142] : memref<10000x32xf32, #tpu.memory_space<hbm>> -> memref<10000x32xf32, #tpu.memory_space<hbm>>
      tpu.enqueue_indirect_dma source(%dma_start3A_143 : memref<10000x32xf32, #tpu.memory_space<hbm>>) target(%arg16 : memref<125x32xf32, #tpu.memory_space<vmem>>) offsets(%dma_start3A_140 : memref<125xi32, #tpu.memory_space<vmem>>) semaphore(%arg25 : memref<!tpu.dma_semaphore, #tpu.memory_space<semaphore_mem>>)
      %add3A_144 = arith.constant 0 : i32
      %add3A_145 = arith.addi %mul3A_132, %add3A_144 : i32
      %dma_wait3A_146 = arith.constant 0 : i32
      %dma_wait3A_147 = tpu.memref_slice %arg7[%add3A_145, %dma_wait3A_146] : memref<80x125xi32, #tpu.memory_space<vmem>> -> memref<1x125xi32, #tpu.memory_space<vmem>>
      %dma_wait3A_148 = tpu.memref_squeeze %dma_wait3A_147 : memref<1x125xi32, #tpu.memory_space<vmem>> -> memref<125xi32, #tpu.memory_space<vmem>>
      %dma_wait3A_149 = arith.constant 0 : i32
      %dma_wait3A_150 = arith.constant 0 : i32
      %dma_wait3A_151 = tpu.memref_slice %arg2[%dma_wait3A_149, %dma_wait3A_150] : memref<10000x32xf32, #tpu.memory_space<hbm>> -> memref<10000x32xf32, #tpu.memory_space<hbm>>
      tpu.wait_indirect_dma semaphore(%arg18 : memref<!tpu.dma_semaphore, #tpu.memory_space<semaphore_mem>>) src(%dma_wait3A_151 : memref<10000x32xf32, #tpu.memory_space<hbm>>) dst(%arg9 : memref<125x32xf32, #tpu.memory_space<vmem>>)
      "tpu.region"() ({
        %run_scoped3A_292 = tpu.sem_alloc : memref<!tpu.dma_semaphore, #tpu.memory_space<semaphore_mem>>
        %dma_start3A_293 = arith.constant 0 : i32
        %dma_start3A_294 = tpu.memref_slice %arg8[%add3A_145, %dma_start3A_293] : memref<80x125xi32, #tpu.memory_space<vmem>> -> memref<1x125xi32, #tpu.memory_space<vmem>>
        %dma_start3A_295 = tpu.memref_squeeze %dma_start3A_294 : memref<1x125xi32, #tpu.memory_space<vmem>> -> memref<125xi32, #tpu.memory_space<vmem>>
        %dma_start3A_296 = arith.constant 0 : i32
        %dma_start3A_297 = arith.constant 0 : i32
        %dma_start3A_298 = tpu.memref_slice %arg17[%dma_start3A_296, %dma_start3A_297] : memref<10000x32xf32, #tpu.memory_space<vmem_shared>> -> memref<10000x32xf32, #tpu.memory_space<vmem_shared>>
        tpu.enqueue_indirect_dma source(%arg9 : memref<125x32xf32, #tpu.memory_space<vmem>>) target(%dma_start3A_298 : memref<10000x32xf32, #tpu.memory_space<vmem_shared>>) offsets(%dma_start3A_295 : memref<125xi32, #tpu.memory_space<vmem>>) semaphore(%run_scoped3A_292 : memref<!tpu.dma_semaphore, #tpu.memory_space<semaphore_mem>>) {add = true}
        %dma_wait3A_299 = arith.constant 0 : i32
        %dma_wait3A_300 = tpu.memref_slice %arg8[%add3A_145, %dma_wait3A_299] : memref<80x125xi32, #tpu.memory_space<vmem>> -> memref<1x125xi32, #tpu.memory_space<vmem>>
        %dma_wait3A_301 = tpu.memref_squeeze %dma_wait3A_300 : memref<1x125xi32, #tpu.memory_space<vmem>> -> memref<125xi32, #tpu.memory_space<vmem>>
        %dma_wait3A_302 = arith.constant 0 : i32
        %dma_wait3A_303 = arith.constant 0 : i32
        %dma_wait3A_304 = tpu.memref_slice %arg17[%dma_wait3A_302, %dma_wait3A_303] : memref<10000x32xf32, #tpu.memory_space<vmem_shared>> -> memref<10000x32xf32, #tpu.memory_space<vmem_shared>>
        tpu.wait_indirect_dma semaphore(%run_scoped3A_292 : memref<!tpu.dma_semaphore, #tpu.memory_space<semaphore_mem>>) src(%arg9 : memref<125x32xf32, #tpu.memory_space<vmem>>) dst(%dma_wait3A_304 : memref<10000x32xf32, #tpu.memory_space<vmem_shared>>)
        tpu.yield
      }) : () -> ()
      %add3A_152 = arith.constant 1 : i32
      %add3A_153 = arith.addi %mul3A_132, %add3A_152 : i32
      %add3A_154 = arith.constant 8 : i32
      %add3A_155 = arith.addi %add3A_153, %add3A_154 : i32
      %sub3A_156 = arith.constant 1 : i32
      %sub3A_157 = arith.subi %add3A_155, %sub3A_156 : i32
      %dma_start3A_158 = arith.constant 0 : i32
      %dma_start3A_159 = tpu.memref_slice %arg7[%sub3A_157, %dma_start3A_158] : memref<80x125xi32, #tpu.memory_space<vmem>> -> memref<1x125xi32, #tpu.memory_space<vmem>>
      %dma_start3A_160 = tpu.memref_squeeze %dma_start3A_159 : memref<1x125xi32, #tpu.memory_space<vmem>> -> memref<125xi32, #tpu.memory_space<vmem>>
      %dma_start3A_161 = arith.constant 0 : i32
      %dma_start3A_162 = arith.constant 0 : i32
      %dma_start3A_163 = tpu.memref_slice %arg2[%dma_start3A_161, %dma_start3A_162] : memref<10000x32xf32, #tpu.memory_space<hbm>> -> memref<10000x32xf32, #tpu.memory_space<hbm>>
      tpu.enqueue_indirect_dma source(%dma_start3A_163 : memref<10000x32xf32, #tpu.memory_space<hbm>>) target(%arg9 : memref<125x32xf32, #tpu.memory_space<vmem>>) offsets(%dma_start3A_160 : memref<125xi32, #tpu.memory_space<vmem>>) semaphore(%arg18 : memref<!tpu.dma_semaphore, #tpu.memory_space<semaphore_mem>>)
      %add3A_164 = arith.constant 1 : i32
      %add3A_165 = arith.addi %mul3A_132, %add3A_164 : i32
      %dma_wait3A_166 = arith.constant 0 : i32
      %dma_wait3A_167 = tpu.memref_slice %arg7[%add3A_165, %dma_wait3A_166] : memref<80x125xi32, #tpu.memory_space<vmem>> -> memref<1x125xi32, #tpu.memory_space<vmem>>
      %dma_wait3A_168 = tpu.memref_squeeze %dma_wait3A_167 : memref<1x125xi32, #tpu.memory_space<vmem>> -> memref<125xi32, #tpu.memory_space<vmem>>
      %dma_wait3A_169 = arith.constant 0 : i32
      %dma_wait3A_170 = arith.constant 0 : i32
      %dma_wait3A_171 = tpu.memref_slice %arg2[%dma_wait3A_169, %dma_wait3A_170] : memref<10000x32xf32, #tpu.memory_space<hbm>> -> memref<10000x32xf32, #tpu.memory_space<hbm>>
      tpu.wait_indirect_dma semaphore(%arg19 : memref<!tpu.dma_semaphore, #tpu.memory_space<semaphore_mem>>) src(%dma_wait3A_171 : memref<10000x32xf32, #tpu.memory_space<hbm>>) dst(%arg10 : memref<125x32xf32, #tpu.memory_space<vmem>>)
      "tpu.region"() ({
        %run_scoped3A_292 = tpu.sem_alloc : memref<!tpu.dma_semaphore, #tpu.memory_space<semaphore_mem>>
        %dma_start3A_293 = arith.constant 0 : i32
        %dma_start3A_294 = tpu.memref_slice %arg8[%add3A_165, %dma_start3A_293] : memref<80x125xi32, #tpu.memory_space<vmem>> -> memref<1x125xi32, #tpu.memory_space<vmem>>
        %dma_start3A_295 = tpu.memref_squeeze %dma_start3A_294 : memref<1x125xi32, #tpu.memory_space<vmem>> -> memref<125xi32, #tpu.memory_space<vmem>>
        %dma_start3A_296 = arith.constant 0 : i32
        %dma_start3A_297 = arith.constant 0 : i32
        %dma_start3A_298 = tpu.memref_slice %arg17[%dma_start3A_296, %dma_start3A_297] : memref<10000x32xf32, #tpu.memory_space<vmem_shared>> -> memref<10000x32xf32, #tpu.memory_space<vmem_shared>>
        tpu.enqueue_indirect_dma source(%arg10 : memref<125x32xf32, #tpu.memory_space<vmem>>) target(%dma_start3A_298 : memref<10000x32xf32, #tpu.memory_space<vmem_shared>>) offsets(%dma_start3A_295 : memref<125xi32, #tpu.memory_space<vmem>>) semaphore(%run_scoped3A_292 : memref<!tpu.dma_semaphore, #tpu.memory_space<semaphore_mem>>) {add = true}
        %dma_wait3A_299 = arith.constant 0 : i32
        %dma_wait3A_300 = tpu.memref_slice %arg8[%add3A_165, %dma_wait3A_299] : memref<80x125xi32, #tpu.memory_space<vmem>> -> memref<1x125xi32, #tpu.memory_space<vmem>>
        %dma_wait3A_301 = tpu.memref_squeeze %dma_wait3A_300 : memref<1x125xi32, #tpu.memory_space<vmem>> -> memref<125xi32, #tpu.memory_space<vmem>>
        %dma_wait3A_302 = arith.constant 0 : i32
        %dma_wait3A_303 = arith.constant 0 : i32
        %dma_wait3A_304 = tpu.memref_slice %arg17[%dma_wait3A_302, %dma_wait3A_303] : memref<10000x32xf32, #tpu.memory_space<vmem_shared>> -> memref<10000x32xf32, #tpu.memory_space<vmem_shared>>
        tpu.wait_indirect_dma semaphore(%run_scoped3A_292 : memref<!tpu.dma_semaphore, #tpu.memory_space<semaphore_mem>>) src(%arg10 : memref<125x32xf32, #tpu.memory_space<vmem>>) dst(%dma_wait3A_304 : memref<10000x32xf32, #tpu.memory_space<vmem_shared>>)
        tpu.yield
      }) : () -> ()
      %add3A_172 = arith.constant 2 : i32
      %add3A_173 = arith.addi %mul3A_132, %add3A_172 : i32
      %add3A_174 = arith.constant 8 : i32
      %add3A_175 = arith.addi %add3A_173, %add3A_174 : i32
      %sub3A_176 = arith.constant 1 : i32
      %sub3A_177 = arith.subi %add3A_175, %sub3A_176 : i32
      %dma_start3A_178 = arith.constant 0 : i32
      %dma_start3A_179 = tpu.memref_slice %arg7[%sub3A_177, %dma_start3A_178] : memref<80x125xi32, #tpu.memory_space<vmem>> -> memref<1x125xi32, #tpu.memory_space<vmem>>
      %dma_start3A_180 = tpu.memref_squeeze %dma_start3A_179 : memref<1x125xi32, #tpu.memory_space<vmem>> -> memref<125xi32, #tpu.memory_space<vmem>>
      %dma_start3A_181 = arith.constant 0 : i32
      %dma_start3A_182 = arith.constant 0 : i32
      %dma_start3A_183 = tpu.memref_slice %arg2[%dma_start3A_181, %dma_start3A_182] : memref<10000x32xf32, #tpu.memory_space<hbm>> -> memref<10000x32xf32, #tpu.memory_space<hbm>>
      tpu.enqueue_indirect_dma source(%dma_start3A_183 : memref<10000x32xf32, #tpu.memory_space<hbm>>) target(%arg10 : memref<125x32xf32, #tpu.memory_space<vmem>>) offsets(%dma_start3A_180 : memref<125xi32, #tpu.memory_space<vmem>>) semaphore(%arg19 : memref<!tpu.dma_semaphore, #tpu.memory_space<semaphore_mem>>)
      %add3A_184 = arith.constant 2 : i32
      %add3A_185 = arith.addi %mul3A_132, %add3A_184 : i32
      %dma_wait3A_186 = arith.constant 0 : i32
      %dma_wait3A_187 = tpu.memref_slice %arg7[%add3A_185, %dma_wait3A_186] : memref<80x125xi32, #tpu.memory_space<vmem>> -> memref<1x125xi32, #tpu.memory_space<vmem>>
      %dma_wait3A_188 = tpu.memref_squeeze %dma_wait3A_187 : memref<1x125xi32, #tpu.memory_space<vmem>> -> memref<125xi32, #tpu.memory_space<vmem>>
      %dma_wait3A_189 = arith.constant 0 : i32
      %dma_wait3A_190 = arith.constant 0 : i32
      %dma_wait3A_191 = tpu.memref_slice %arg2[%dma_wait3A_189, %dma_wait3A_190] : memref<10000x32xf32, #tpu.memory_space<hbm>> -> memref<10000x32xf32, #tpu.memory_space<hbm>>
      tpu.wait_indirect_dma semaphore(%arg20 : memref<!tpu.dma_semaphore, #tpu.memory_space<semaphore_mem>>) src(%dma_wait3A_191 : memref<10000x32xf32, #tpu.memory_space<hbm>>) dst(%arg11 : memref<125x32xf32, #tpu.memory_space<vmem>>)
      "tpu.region"() ({
        %run_scoped3A_292 = tpu.sem_alloc : memref<!tpu.dma_semaphore, #tpu.memory_space<semaphore_mem>>
        %dma_start3A_293 = arith.constant 0 : i32
        %dma_start3A_294 = tpu.memref_slice %arg8[%add3A_185, %dma_start3A_293] : memref<80x125xi32, #tpu.memory_space<vmem>> -> memref<1x125xi32, #tpu.memory_space<vmem>>
        %dma_start3A_295 = tpu.memref_squeeze %dma_start3A_294 : memref<1x125xi32, #tpu.memory_space<vmem>> -> memref<125xi32, #tpu.memory_space<vmem>>
        %dma_start3A_296 = arith.constant 0 : i32
        %dma_start3A_297 = arith.constant 0 : i32
        %dma_start3A_298 = tpu.memref_slice %arg17[%dma_start3A_296, %dma_start3A_297] : memref<10000x32xf32, #tpu.memory_space<vmem_shared>> -> memref<10000x32xf32, #tpu.memory_space<vmem_shared>>
        tpu.enqueue_indirect_dma source(%arg11 : memref<125x32xf32, #tpu.memory_space<vmem>>) target(%dma_start3A_298 : memref<10000x32xf32, #tpu.memory_space<vmem_shared>>) offsets(%dma_start3A_295 : memref<125xi32, #tpu.memory_space<vmem>>) semaphore(%run_scoped3A_292 : memref<!tpu.dma_semaphore, #tpu.memory_space<semaphore_mem>>) {add = true}
        %dma_wait3A_299 = arith.constant 0 : i32
        %dma_wait3A_300 = tpu.memref_slice %arg8[%add3A_185, %dma_wait3A_299] : memref<80x125xi32, #tpu.memory_space<vmem>> -> memref<1x125xi32, #tpu.memory_space<vmem>>
        %dma_wait3A_301 = tpu.memref_squeeze %dma_wait3A_300 : memref<1x125xi32, #tpu.memory_space<vmem>> -> memref<125xi32, #tpu.memory_space<vmem>>
        %dma_wait3A_302 = arith.constant 0 : i32
        %dma_wait3A_303 = arith.constant 0 : i32
        %dma_wait3A_304 = tpu.memref_slice %arg17[%dma_wait3A_302, %dma_wait3A_303] : memref<10000x32xf32, #tpu.memory_space<vmem_shared>> -> memref<10000x32xf32, #tpu.memory_space<vmem_shared>>
        tpu.wait_indirect_dma semaphore(%run_scoped3A_292 : memref<!tpu.dma_semaphore, #tpu.memory_space<semaphore_mem>>) src(%arg11 : memref<125x32xf32, #tpu.memory_space<vmem>>) dst(%dma_wait3A_304 : memref<10000x32xf32, #tpu.memory_space<vmem_shared>>)
        tpu.yield
      }) : () -> ()
      %add3A_192 = arith.constant 3 : i32
      %add3A_193 = arith.addi %mul3A_132, %add3A_192 : i32
      %add3A_194 = arith.constant 8 : i32
      %add3A_195 = arith.addi %add3A_193, %add3A_194 : i32
      %sub3A_196 = arith.constant 1 : i32
      %sub3A_197 = arith.subi %add3A_195, %sub3A_196 : i32
      %dma_start3A_198 = arith.constant 0 : i32
      %dma_start3A_199 = tpu.memref_slice %arg7[%sub3A_197, %dma_start3A_198] : memref<80x125xi32, #tpu.memory_space<vmem>> -> memref<1x125xi32, #tpu.memory_space<vmem>>
      %dma_start3A_200 = tpu.memref_squeeze %dma_start3A_199 : memref<1x125xi32, #tpu.memory_space<vmem>> -> memref<125xi32, #tpu.memory_space<vmem>>
      %dma_start3A_201 = arith.constant 0 : i32
      %dma_start3A_202 = arith.constant 0 : i32
      %dma_start3A_203 = tpu.memref_slice %arg2[%dma_start3A_201, %dma_start3A_202] : memref<10000x32xf32, #tpu.memory_space<hbm>> -> memref<10000x32xf32, #tpu.memory_space<hbm>>
      tpu.enqueue_indirect_dma source(%dma_start3A_203 : memref<10000x32xf32, #tpu.memory_space<hbm>>) target(%arg11 : memref<125x32xf32, #tpu.memory_space<vmem>>) offsets(%dma_start3A_200 : memref<125xi32, #tpu.memory_space<vmem>>) semaphore(%arg20 : memref<!tpu.dma_semaphore, #tpu.memory_space<semaphore_mem>>)
      %add3A_204 = arith.constant 3 : i32
      %add3A_205 = arith.addi %mul3A_132, %add3A_204 : i32
      %dma_wait3A_206 = arith.constant 0 : i32
      %dma_wait3A_207 = tpu.memref_slice %arg7[%add3A_205, %dma_wait3A_206] : memref<80x125xi32, #tpu.memory_space<vmem>> -> memref<1x125xi32, #tpu.memory_space<vmem>>
      %dma_wait3A_208 = tpu.memref_squeeze %dma_wait3A_207 : memref<1x125xi32, #tpu.memory_space<vmem>> -> memref<125xi32, #tpu.memory_space<vmem>>
      %dma_wait3A_209 = arith.constant 0 : i32
      %dma_wait3A_210 = arith.constant 0 : i32
      %dma_wait3A_211 = tpu.memref_slice %arg2[%dma_wait3A_209, %dma_wait3A_210] : memref<10000x32xf32, #tpu.memory_space<hbm>> -> memref<10000x32xf32, #tpu.memory_space<hbm>>
      tpu.wait_indirect_dma semaphore(%arg21 : memref<!tpu.dma_semaphore, #tpu.memory_space<semaphore_mem>>) src(%dma_wait3A_211 : memref<10000x32xf32, #tpu.memory_space<hbm>>) dst(%arg12 : memref<125x32xf32, #tpu.memory_space<vmem>>)
      "tpu.region"() ({
        %run_scoped3A_292 = tpu.sem_alloc : memref<!tpu.dma_semaphore, #tpu.memory_space<semaphore_mem>>
        %dma_start3A_293 = arith.constant 0 : i32
        %dma_start3A_294 = tpu.memref_slice %arg8[%add3A_205, %dma_start3A_293] : memref<80x125xi32, #tpu.memory_space<vmem>> -> memref<1x125xi32, #tpu.memory_space<vmem>>
        %dma_start3A_295 = tpu.memref_squeeze %dma_start3A_294 : memref<1x125xi32, #tpu.memory_space<vmem>> -> memref<125xi32, #tpu.memory_space<vmem>>
        %dma_start3A_296 = arith.constant 0 : i32
        %dma_start3A_297 = arith.constant 0 : i32
        %dma_start3A_298 = tpu.memref_slice %arg17[%dma_start3A_296, %dma_start3A_297] : memref<10000x32xf32, #tpu.memory_space<vmem_shared>> -> memref<10000x32xf32, #tpu.memory_space<vmem_shared>>
        tpu.enqueue_indirect_dma source(%arg12 : memref<125x32xf32, #tpu.memory_space<vmem>>) target(%dma_start3A_298 : memref<10000x32xf32, #tpu.memory_space<vmem_shared>>) offsets(%dma_start3A_295 : memref<125xi32, #tpu.memory_space<vmem>>) semaphore(%run_scoped3A_292 : memref<!tpu.dma_semaphore, #tpu.memory_space<semaphore_mem>>) {add = true}
        %dma_wait3A_299 = arith.constant 0 : i32
        %dma_wait3A_300 = tpu.memref_slice %arg8[%add3A_205, %dma_wait3A_299] : memref<80x125xi32, #tpu.memory_space<vmem>> -> memref<1x125xi32, #tpu.memory_space<vmem>>
        %dma_wait3A_301 = tpu.memref_squeeze %dma_wait3A_300 : memref<1x125xi32, #tpu.memory_space<vmem>> -> memref<125xi32, #tpu.memory_space<vmem>>
        %dma_wait3A_302 = arith.constant 0 : i32
        %dma_wait3A_303 = arith.constant 0 : i32
        %dma_wait3A_304 = tpu.memref_slice %arg17[%dma_wait3A_302, %dma_wait3A_303] : memref<10000x32xf32, #tpu.memory_space<vmem_shared>> -> memref<10000x32xf32, #tpu.memory_space<vmem_shared>>
        tpu.wait_indirect_dma semaphore(%run_scoped3A_292 : memref<!tpu.dma_semaphore, #tpu.memory_space<semaphore_mem>>) src(%arg12 : memref<125x32xf32, #tpu.memory_space<vmem>>) dst(%dma_wait3A_304 : memref<10000x32xf32, #tpu.memory_space<vmem_shared>>)
        tpu.yield
      }) : () -> ()
      %add3A_212 = arith.constant 4 : i32
      %add3A_213 = arith.addi %mul3A_132, %add3A_212 : i32
      %add3A_214 = arith.constant 8 : i32
      %add3A_215 = arith.addi %add3A_213, %add3A_214 : i32
      %sub3A_216 = arith.constant 1 : i32
      %sub3A_217 = arith.subi %add3A_215, %sub3A_216 : i32
      %dma_start3A_218 = arith.constant 0 : i32
      %dma_start3A_219 = tpu.memref_slice %arg7[%sub3A_217, %dma_start3A_218] : memref<80x125xi32, #tpu.memory_space<vmem>> -> memref<1x125xi32, #tpu.memory_space<vmem>>
      %dma_start3A_220 = tpu.memref_squeeze %dma_start3A_219 : memref<1x125xi32, #tpu.memory_space<vmem>> -> memref<125xi32, #tpu.memory_space<vmem>>
      %dma_start3A_221 = arith.constant 0 : i32
      %dma_start3A_222 = arith.constant 0 : i32
      %dma_start3A_223 = tpu.memref_slice %arg2[%dma_start3A_221, %dma_start3A_222] : memref<10000x32xf32, #tpu.memory_space<hbm>> -> memref<10000x32xf32, #tpu.memory_space<hbm>>
      tpu.enqueue_indirect_dma source(%dma_start3A_223 : memref<10000x32xf32, #tpu.memory_space<hbm>>) target(%arg12 : memref<125x32xf32, #tpu.memory_space<vmem>>) offsets(%dma_start3A_220 : memref<125xi32, #tpu.memory_space<vmem>>) semaphore(%arg21 : memref<!tpu.dma_semaphore, #tpu.memory_space<semaphore_mem>>)
      %add3A_224 = arith.constant 4 : i32
      %add3A_225 = arith.addi %mul3A_132, %add3A_224 : i32
      %dma_wait3A_226 = arith.constant 0 : i32
      %dma_wait3A_227 = tpu.memref_slice %arg7[%add3A_225, %dma_wait3A_226] : memref<80x125xi32, #tpu.memory_space<vmem>> -> memref<1x125xi32, #tpu.memory_space<vmem>>
      %dma_wait3A_228 = tpu.memref_squeeze %dma_wait3A_227 : memref<1x125xi32, #tpu.memory_space<vmem>> -> memref<125xi32, #tpu.memory_space<vmem>>
      %dma_wait3A_229 = arith.constant 0 : i32
      %dma_wait3A_230 = arith.constant 0 : i32
      %dma_wait3A_231 = tpu.memref_slice %arg2[%dma_wait3A_229, %dma_wait3A_230] : memref<10000x32xf32, #tpu.memory_space<hbm>> -> memref<10000x32xf32, #tpu.memory_space<hbm>>
      tpu.wait_indirect_dma semaphore(%arg22 : memref<!tpu.dma_semaphore, #tpu.memory_space<semaphore_mem>>) src(%dma_wait3A_231 : memref<10000x32xf32, #tpu.memory_space<hbm>>) dst(%arg13 : memref<125x32xf32, #tpu.memory_space<vmem>>)
      "tpu.region"() ({
        %run_scoped3A_292 = tpu.sem_alloc : memref<!tpu.dma_semaphore, #tpu.memory_space<semaphore_mem>>
        %dma_start3A_293 = arith.constant 0 : i32
        %dma_start3A_294 = tpu.memref_slice %arg8[%add3A_225, %dma_start3A_293] : memref<80x125xi32, #tpu.memory_space<vmem>> -> memref<1x125xi32, #tpu.memory_space<vmem>>
        %dma_start3A_295 = tpu.memref_squeeze %dma_start3A_294 : memref<1x125xi32, #tpu.memory_space<vmem>> -> memref<125xi32, #tpu.memory_space<vmem>>
        %dma_start3A_296 = arith.constant 0 : i32
        %dma_start3A_297 = arith.constant 0 : i32
        %dma_start3A_298 = tpu.memref_slice %arg17[%dma_start3A_296, %dma_start3A_297] : memref<10000x32xf32, #tpu.memory_space<vmem_shared>> -> memref<10000x32xf32, #tpu.memory_space<vmem_shared>>
        tpu.enqueue_indirect_dma source(%arg13 : memref<125x32xf32, #tpu.memory_space<vmem>>) target(%dma_start3A_298 : memref<10000x32xf32, #tpu.memory_space<vmem_shared>>) offsets(%dma_start3A_295 : memref<125xi32, #tpu.memory_space<vmem>>) semaphore(%run_scoped3A_292 : memref<!tpu.dma_semaphore, #tpu.memory_space<semaphore_mem>>) {add = true}
        %dma_wait3A_299 = arith.constant 0 : i32
        %dma_wait3A_300 = tpu.memref_slice %arg8[%add3A_225, %dma_wait3A_299] : memref<80x125xi32, #tpu.memory_space<vmem>> -> memref<1x125xi32, #tpu.memory_space<vmem>>
        %dma_wait3A_301 = tpu.memref_squeeze %dma_wait3A_300 : memref<1x125xi32, #tpu.memory_space<vmem>> -> memref<125xi32, #tpu.memory_space<vmem>>
        %dma_wait3A_302 = arith.constant 0 : i32
        %dma_wait3A_303 = arith.constant 0 : i32
        %dma_wait3A_304 = tpu.memref_slice %arg17[%dma_wait3A_302, %dma_wait3A_303] : memref<10000x32xf32, #tpu.memory_space<vmem_shared>> -> memref<10000x32xf32, #tpu.memory_space<vmem_shared>>
        tpu.wait_indirect_dma semaphore(%run_scoped3A_292 : memref<!tpu.dma_semaphore, #tpu.memory_space<semaphore_mem>>) src(%arg13 : memref<125x32xf32, #tpu.memory_space<vmem>>) dst(%dma_wait3A_304 : memref<10000x32xf32, #tpu.memory_space<vmem_shared>>)
        tpu.yield
      }) : () -> ()
      %add3A_232 = arith.constant 5 : i32
      %add3A_233 = arith.addi %mul3A_132, %add3A_232 : i32
      %add3A_234 = arith.constant 8 : i32
      %add3A_235 = arith.addi %add3A_233, %add3A_234 : i32
      %sub3A_236 = arith.constant 1 : i32
      %sub3A_237 = arith.subi %add3A_235, %sub3A_236 : i32
      %dma_start3A_238 = arith.constant 0 : i32
      %dma_start3A_239 = tpu.memref_slice %arg7[%sub3A_237, %dma_start3A_238] : memref<80x125xi32, #tpu.memory_space<vmem>> -> memref<1x125xi32, #tpu.memory_space<vmem>>
      %dma_start3A_240 = tpu.memref_squeeze %dma_start3A_239 : memref<1x125xi32, #tpu.memory_space<vmem>> -> memref<125xi32, #tpu.memory_space<vmem>>
      %dma_start3A_241 = arith.constant 0 : i32
      %dma_start3A_242 = arith.constant 0 : i32
      %dma_start3A_243 = tpu.memref_slice %arg2[%dma_start3A_241, %dma_start3A_242] : memref<10000x32xf32, #tpu.memory_space<hbm>> -> memref<10000x32xf32, #tpu.memory_space<hbm>>
      tpu.enqueue_indirect_dma source(%dma_start3A_243 : memref<10000x32xf32, #tpu.memory_space<hbm>>) target(%arg13 : memref<125x32xf32, #tpu.memory_space<vmem>>) offsets(%dma_start3A_240 : memref<125xi32, #tpu.memory_space<vmem>>) semaphore(%arg22 : memref<!tpu.dma_semaphore, #tpu.memory_space<semaphore_mem>>)
      %add3A_244 = arith.constant 5 : i32
      %add3A_245 = arith.addi %mul3A_132, %add3A_244 : i32
      %dma_wait3A_246 = arith.constant 0 : i32
      %dma_wait3A_247 = tpu.memref_slice %arg7[%add3A_245, %dma_wait3A_246] : memref<80x125xi32, #tpu.memory_space<vmem>> -> memref<1x125xi32, #tpu.memory_space<vmem>>
      %dma_wait3A_248 = tpu.memref_squeeze %dma_wait3A_247 : memref<1x125xi32, #tpu.memory_space<vmem>> -> memref<125xi32, #tpu.memory_space<vmem>>
      %dma_wait3A_249 = arith.constant 0 : i32
      %dma_wait3A_250 = arith.constant 0 : i32
      %dma_wait3A_251 = tpu.memref_slice %arg2[%dma_wait3A_249, %dma_wait3A_250] : memref<10000x32xf32, #tpu.memory_space<hbm>> -> memref<10000x32xf32, #tpu.memory_space<hbm>>
      tpu.wait_indirect_dma semaphore(%arg23 : memref<!tpu.dma_semaphore, #tpu.memory_space<semaphore_mem>>) src(%dma_wait3A_251 : memref<10000x32xf32, #tpu.memory_space<hbm>>) dst(%arg14 : memref<125x32xf32, #tpu.memory_space<vmem>>)
      "tpu.region"() ({
        %run_scoped3A_292 = tpu.sem_alloc : memref<!tpu.dma_semaphore, #tpu.memory_space<semaphore_mem>>
        %dma_start3A_293 = arith.constant 0 : i32
        %dma_start3A_294 = tpu.memref_slice %arg8[%add3A_245, %dma_start3A_293] : memref<80x125xi32, #tpu.memory_space<vmem>> -> memref<1x125xi32, #tpu.memory_space<vmem>>
        %dma_start3A_295 = tpu.memref_squeeze %dma_start3A_294 : memref<1x125xi32, #tpu.memory_space<vmem>> -> memref<125xi32, #tpu.memory_space<vmem>>
        %dma_start3A_296 = arith.constant 0 : i32
        %dma_start3A_297 = arith.constant 0 : i32
        %dma_start3A_298 = tpu.memref_slice %arg17[%dma_start3A_296, %dma_start3A_297] : memref<10000x32xf32, #tpu.memory_space<vmem_shared>> -> memref<10000x32xf32, #tpu.memory_space<vmem_shared>>
        tpu.enqueue_indirect_dma source(%arg14 : memref<125x32xf32, #tpu.memory_space<vmem>>) target(%dma_start3A_298 : memref<10000x32xf32, #tpu.memory_space<vmem_shared>>) offsets(%dma_start3A_295 : memref<125xi32, #tpu.memory_space<vmem>>) semaphore(%run_scoped3A_292 : memref<!tpu.dma_semaphore, #tpu.memory_space<semaphore_mem>>) {add = true}
        %dma_wait3A_299 = arith.constant 0 : i32
        %dma_wait3A_300 = tpu.memref_slice %arg8[%add3A_245, %dma_wait3A_299] : memref<80x125xi32, #tpu.memory_space<vmem>> -> memref<1x125xi32, #tpu.memory_space<vmem>>
        %dma_wait3A_301 = tpu.memref_squeeze %dma_wait3A_300 : memref<1x125xi32, #tpu.memory_space<vmem>> -> memref<125xi32, #tpu.memory_space<vmem>>
        %dma_wait3A_302 = arith.constant 0 : i32
        %dma_wait3A_303 = arith.constant 0 : i32
        %dma_wait3A_304 = tpu.memref_slice %arg17[%dma_wait3A_302, %dma_wait3A_303] : memref<10000x32xf32, #tpu.memory_space<vmem_shared>> -> memref<10000x32xf32, #tpu.memory_space<vmem_shared>>
        tpu.wait_indirect_dma semaphore(%run_scoped3A_292 : memref<!tpu.dma_semaphore, #tpu.memory_space<semaphore_mem>>) src(%arg14 : memref<125x32xf32, #tpu.memory_space<vmem>>) dst(%dma_wait3A_304 : memref<10000x32xf32, #tpu.memory_space<vmem_shared>>)
        tpu.yield
      }) : () -> ()
      %add3A_252 = arith.constant 6 : i32
      %add3A_253 = arith.addi %mul3A_132, %add3A_252 : i32
      %add3A_254 = arith.constant 8 : i32
      %add3A_255 = arith.addi %add3A_253, %add3A_254 : i32
      %sub3A_256 = arith.constant 1 : i32
      %sub3A_257 = arith.subi %add3A_255, %sub3A_256 : i32
      %dma_start3A_258 = arith.constant 0 : i32
      %dma_start3A_259 = tpu.memref_slice %arg7[%sub3A_257, %dma_start3A_258] : memref<80x125xi32, #tpu.memory_space<vmem>> -> memref<1x125xi32, #tpu.memory_space<vmem>>
      %dma_start3A_260 = tpu.memref_squeeze %dma_start3A_259 : memref<1x125xi32, #tpu.memory_space<vmem>> -> memref<125xi32, #tpu.memory_space<vmem>>
      %dma_start3A_261 = arith.constant 0 : i32
      %dma_start3A_262 = arith.constant 0 : i32
      %dma_start3A_263 = tpu.memref_slice %arg2[%dma_start3A_261, %dma_start3A_262] : memref<10000x32xf32, #tpu.memory_space<hbm>> -> memref<10000x32xf32, #tpu.memory_space<hbm>>
      tpu.enqueue_indirect_dma source(%dma_start3A_263 : memref<10000x32xf32, #tpu.memory_space<hbm>>) target(%arg14 : memref<125x32xf32, #tpu.memory_space<vmem>>) offsets(%dma_start3A_260 : memref<125xi32, #tpu.memory_space<vmem>>) semaphore(%arg23 : memref<!tpu.dma_semaphore, #tpu.memory_space<semaphore_mem>>)
      %add3A_264 = arith.constant 6 : i32
      %add3A_265 = arith.addi %mul3A_132, %add3A_264 : i32
      %dma_wait3A_266 = arith.constant 0 : i32
      %dma_wait3A_267 = tpu.memref_slice %arg7[%add3A_265, %dma_wait3A_266] : memref<80x125xi32, #tpu.memory_space<vmem>> -> memref<1x125xi32, #tpu.memory_space<vmem>>
      %dma_wait3A_268 = tpu.memref_squeeze %dma_wait3A_267 : memref<1x125xi32, #tpu.memory_space<vmem>> -> memref<125xi32, #tpu.memory_space<vmem>>
      %dma_wait3A_269 = arith.constant 0 : i32
      %dma_wait3A_270 = arith.constant 0 : i32
      %dma_wait3A_271 = tpu.memref_slice %arg2[%dma_wait3A_269, %dma_wait3A_270] : memref<10000x32xf32, #tpu.memory_space<hbm>> -> memref<10000x32xf32, #tpu.memory_space<hbm>>
      tpu.wait_indirect_dma semaphore(%arg24 : memref<!tpu.dma_semaphore, #tpu.memory_space<semaphore_mem>>) src(%dma_wait3A_271 : memref<10000x32xf32, #tpu.memory_space<hbm>>) dst(%arg15 : memref<125x32xf32, #tpu.memory_space<vmem>>)
      "tpu.region"() ({
        %run_scoped3A_292 = tpu.sem_alloc : memref<!tpu.dma_semaphore, #tpu.memory_space<semaphore_mem>>
        %dma_start3A_293 = arith.constant 0 : i32
        %dma_start3A_294 = tpu.memref_slice %arg8[%add3A_265, %dma_start3A_293] : memref<80x125xi32, #tpu.memory_space<vmem>> -> memref<1x125xi32, #tpu.memory_space<vmem>>
        %dma_start3A_295 = tpu.memref_squeeze %dma_start3A_294 : memref<1x125xi32, #tpu.memory_space<vmem>> -> memref<125xi32, #tpu.memory_space<vmem>>
        %dma_start3A_296 = arith.constant 0 : i32
        %dma_start3A_297 = arith.constant 0 : i32
        %dma_start3A_298 = tpu.memref_slice %arg17[%dma_start3A_296, %dma_start3A_297] : memref<10000x32xf32, #tpu.memory_space<vmem_shared>> -> memref<10000x32xf32, #tpu.memory_space<vmem_shared>>
        tpu.enqueue_indirect_dma source(%arg15 : memref<125x32xf32, #tpu.memory_space<vmem>>) target(%dma_start3A_298 : memref<10000x32xf32, #tpu.memory_space<vmem_shared>>) offsets(%dma_start3A_295 : memref<125xi32, #tpu.memory_space<vmem>>) semaphore(%run_scoped3A_292 : memref<!tpu.dma_semaphore, #tpu.memory_space<semaphore_mem>>) {add = true}
        %dma_wait3A_299 = arith.constant 0 : i32
        %dma_wait3A_300 = tpu.memref_slice %arg8[%add3A_265, %dma_wait3A_299] : memref<80x125xi32, #tpu.memory_space<vmem>> -> memref<1x125xi32, #tpu.memory_space<vmem>>
        %dma_wait3A_301 = tpu.memref_squeeze %dma_wait3A_300 : memref<1x125xi32, #tpu.memory_space<vmem>> -> memref<125xi32, #tpu.memory_space<vmem>>
        %dma_wait3A_302 = arith.constant 0 : i32
        %dma_wait3A_303 = arith.constant 0 : i32
        %dma_wait3A_304 = tpu.memref_slice %arg17[%dma_wait3A_302, %dma_wait3A_303] : memref<10000x32xf32, #tpu.memory_space<vmem_shared>> -> memref<10000x32xf32, #tpu.memory_space<vmem_shared>>
        tpu.wait_indirect_dma semaphore(%run_scoped3A_292 : memref<!tpu.dma_semaphore, #tpu.memory_space<semaphore_mem>>) src(%arg15 : memref<125x32xf32, #tpu.memory_space<vmem>>) dst(%dma_wait3A_304 : memref<10000x32xf32, #tpu.memory_space<vmem_shared>>)
        tpu.yield
      }) : () -> ()
      %add3A_272 = arith.constant 7 : i32
      %add3A_273 = arith.addi %mul3A_132, %add3A_272 : i32
      %add3A_274 = arith.constant 8 : i32
      %add3A_275 = arith.addi %add3A_273, %add3A_274 : i32
      %sub3A_276 = arith.constant 1 : i32
      %sub3A_277 = arith.subi %add3A_275, %sub3A_276 : i32
      %dma_start3A_278 = arith.constant 0 : i32
      %dma_start3A_279 = tpu.memref_slice %arg7[%sub3A_277, %dma_start3A_278] : memref<80x125xi32, #tpu.memory_space<vmem>> -> memref<1x125xi32, #tpu.memory_space<vmem>>
      %dma_start3A_280 = tpu.memref_squeeze %dma_start3A_279 : memref<1x125xi32, #tpu.memory_space<vmem>> -> memref<125xi32, #tpu.memory_space<vmem>>
      %dma_start3A_281 = arith.constant 0 : i32
      %dma_start3A_282 = arith.constant 0 : i32
      %dma_start3A_283 = tpu.memref_slice %arg2[%dma_start3A_281, %dma_start3A_282] : memref<10000x32xf32, #tpu.memory_space<hbm>> -> memref<10000x32xf32, #tpu.memory_space<hbm>>
      tpu.enqueue_indirect_dma source(%dma_start3A_283 : memref<10000x32xf32, #tpu.memory_space<hbm>>) target(%arg15 : memref<125x32xf32, #tpu.memory_space<vmem>>) offsets(%dma_start3A_280 : memref<125xi32, #tpu.memory_space<vmem>>) semaphore(%arg24 : memref<!tpu.dma_semaphore, #tpu.memory_space<semaphore_mem>>)
      %add3A_284 = arith.constant 7 : i32
      %add3A_285 = arith.addi %mul3A_132, %add3A_284 : i32
      %dma_wait3A_286 = arith.constant 0 : i32
      %dma_wait3A_287 = tpu.memref_slice %arg7[%add3A_285, %dma_wait3A_286] : memref<80x125xi32, #tpu.memory_space<vmem>> -> memref<1x125xi32, #tpu.memory_space<vmem>>
      %dma_wait3A_288 = tpu.memref_squeeze %dma_wait3A_287 : memref<1x125xi32, #tpu.memory_space<vmem>> -> memref<125xi32, #tpu.memory_space<vmem>>
      %dma_wait3A_289 = arith.constant 0 : i32
      %dma_wait3A_290 = arith.constant 0 : i32
      %dma_wait3A_291 = tpu.memref_slice %arg2[%dma_wait3A_289, %dma_wait3A_290] : memref<10000x32xf32, #tpu.memory_space<hbm>> -> memref<10000x32xf32, #tpu.memory_space<hbm>>
      tpu.wait_indirect_dma semaphore(%arg25 : memref<!tpu.dma_semaphore, #tpu.memory_space<semaphore_mem>>) src(%dma_wait3A_291 : memref<10000x32xf32, #tpu.memory_space<hbm>>) dst(%arg16 : memref<125x32xf32, #tpu.memory_space<vmem>>)
      "tpu.region"() ({
        %run_scoped3A_292 = tpu.sem_alloc : memref<!tpu.dma_semaphore, #tpu.memory_space<semaphore_mem>>
        %dma_start3A_293 = arith.constant 0 : i32
        %dma_start3A_294 = tpu.memref_slice %arg8[%add3A_285, %dma_start3A_293] : memref<80x125xi32, #tpu.memory_space<vmem>> -> memref<1x125xi32, #tpu.memory_space<vmem>>
        %dma_start3A_295 = tpu.memref_squeeze %dma_start3A_294 : memref<1x125xi32, #tpu.memory_space<vmem>> -> memref<125xi32, #tpu.memory_space<vmem>>
        %dma_start3A_296 = arith.constant 0 : i32
        %dma_start3A_297 = arith.constant 0 : i32
        %dma_start3A_298 = tpu.memref_slice %arg17[%dma_start3A_296, %dma_start3A_297] : memref<10000x32xf32, #tpu.memory_space<vmem_shared>> -> memref<10000x32xf32, #tpu.memory_space<vmem_shared>>
        tpu.enqueue_indirect_dma source(%arg16 : memref<125x32xf32, #tpu.memory_space<vmem>>) target(%dma_start3A_298 : memref<10000x32xf32, #tpu.memory_space<vmem_shared>>) offsets(%dma_start3A_295 : memref<125xi32, #tpu.memory_space<vmem>>) semaphore(%run_scoped3A_292 : memref<!tpu.dma_semaphore, #tpu.memory_space<semaphore_mem>>) {add = true}
        %dma_wait3A_299 = arith.constant 0 : i32
        %dma_wait3A_300 = tpu.memref_slice %arg8[%add3A_285, %dma_wait3A_299] : memref<80x125xi32, #tpu.memory_space<vmem>> -> memref<1x125xi32, #tpu.memory_space<vmem>>
        %dma_wait3A_301 = tpu.memref_squeeze %dma_wait3A_300 : memref<1x125xi32, #tpu.memory_space<vmem>> -> memref<125xi32, #tpu.memory_space<vmem>>
        %dma_wait3A_302 = arith.constant 0 : i32
        %dma_wait3A_303 = arith.constant 0 : i32
        %dma_wait3A_304 = tpu.memref_slice %arg17[%dma_wait3A_302, %dma_wait3A_303] : memref<10000x32xf32, #tpu.memory_space<vmem_shared>> -> memref<10000x32xf32, #tpu.memory_space<vmem_shared>>
        tpu.wait_indirect_dma semaphore(%run_scoped3A_292 : memref<!tpu.dma_semaphore, #tpu.memory_space<semaphore_mem>>) src(%arg16 : memref<125x32xf32, #tpu.memory_space<vmem>>) dst(%dma_wait3A_304 : memref<10000x32xf32, #tpu.memory_space<vmem_shared>>)
        tpu.yield
      }) : () -> ()
    }
    %scan3A_55 = arith.constant 9 : i32
    %dma_start3A_56 = arith.constant 79 : i32
    %dma_start3A_57 = arith.constant 0 : i32
    %dma_start3A_58 = tpu.memref_slice %arg7[%dma_start3A_56, %dma_start3A_57] : memref<80x125xi32, #tpu.memory_space<vmem>> -> memref<1x125xi32, #tpu.memory_space<vmem>>
    %dma_start3A_59 = tpu.memref_squeeze %dma_start3A_58 : memref<1x125xi32, #tpu.memory_space<vmem>> -> memref<125xi32, #tpu.memory_space<vmem>>
    %dma_start3A_60 = arith.constant 0 : i32
    %dma_start3A_61 = arith.constant 0 : i32
    %dma_start3A_62 = tpu.memref_slice %arg2[%dma_start3A_60, %dma_start3A_61] : memref<10000x32xf32, #tpu.memory_space<hbm>> -> memref<10000x32xf32, #tpu.memory_space<hbm>>
    tpu.enqueue_indirect_dma source(%dma_start3A_62 : memref<10000x32xf32, #tpu.memory_space<hbm>>) target(%arg16 : memref<125x32xf32, #tpu.memory_space<vmem>>) offsets(%dma_start3A_59 : memref<125xi32, #tpu.memory_space<vmem>>) semaphore(%arg25 : memref<!tpu.dma_semaphore, #tpu.memory_space<semaphore_mem>>)
    %dma_wait3A = arith.constant 72 : i32
    %dma_wait3A_63 = arith.constant 0 : i32
    %dma_wait3A_64 = tpu.memref_slice %arg7[%dma_wait3A, %dma_wait3A_63] : memref<80x125xi32, #tpu.memory_space<vmem>> -> memref<1x125xi32, #tpu.memory_space<vmem>>
    %dma_wait3A_65 = tpu.memref_squeeze %dma_wait3A_64 : memref<1x125xi32, #tpu.memory_space<vmem>> -> memref<125xi32, #tpu.memory_space<vmem>>
    %dma_wait3A_66 = arith.constant 0 : i32
    %dma_wait3A_67 = arith.constant 0 : i32
    %dma_wait3A_68 = tpu.memref_slice %arg2[%dma_wait3A_66, %dma_wait3A_67] : memref<10000x32xf32, #tpu.memory_space<hbm>> -> memref<10000x32xf32, #tpu.memory_space<hbm>>
    tpu.wait_indirect_dma semaphore(%arg18 : memref<!tpu.dma_semaphore, #tpu.memory_space<semaphore_mem>>) src(%dma_wait3A_68 : memref<10000x32xf32, #tpu.memory_space<hbm>>) dst(%arg9 : memref<125x32xf32, #tpu.memory_space<vmem>>)
    %run_scoped3A = arith.constant 72 : i32
    "tpu.region"() ({
      %run_scoped3A_130 = tpu.sem_alloc : memref<!tpu.dma_semaphore, #tpu.memory_space<semaphore_mem>>
      %dma_start3A_131 = arith.constant 0 : i32
      %dma_start3A_132 = tpu.memref_slice %arg8[%run_scoped3A, %dma_start3A_131] : memref<80x125xi32, #tpu.memory_space<vmem>> -> memref<1x125xi32, #tpu.memory_space<vmem>>
      %dma_start3A_133 = tpu.memref_squeeze %dma_start3A_132 : memref<1x125xi32, #tpu.memory_space<vmem>> -> memref<125xi32, #tpu.memory_space<vmem>>
      %dma_start3A_134 = arith.constant 0 : i32
      %dma_start3A_135 = arith.constant 0 : i32
      %dma_start3A_136 = tpu.memref_slice %arg17[%dma_start3A_134, %dma_start3A_135] : memref<10000x32xf32, #tpu.memory_space<vmem_shared>> -> memref<10000x32xf32, #tpu.memory_space<vmem_shared>>
      tpu.enqueue_indirect_dma source(%arg9 : memref<125x32xf32, #tpu.memory_space<vmem>>) target(%dma_start3A_136 : memref<10000x32xf32, #tpu.memory_space<vmem_shared>>) offsets(%dma_start3A_133 : memref<125xi32, #tpu.memory_space<vmem>>) semaphore(%run_scoped3A_130 : memref<!tpu.dma_semaphore, #tpu.memory_space<semaphore_mem>>) {add = true}
      %dma_wait3A_137 = arith.constant 0 : i32
      %dma_wait3A_138 = tpu.memref_slice %arg8[%run_scoped3A, %dma_wait3A_137] : memref<80x125xi32, #tpu.memory_space<vmem>> -> memref<1x125xi32, #tpu.memory_space<vmem>>
      %dma_wait3A_139 = tpu.memref_squeeze %dma_wait3A_138 : memref<1x125xi32, #tpu.memory_space<vmem>> -> memref<125xi32, #tpu.memory_space<vmem>>
      %dma_wait3A_140 = arith.constant 0 : i32
      %dma_wait3A_141 = arith.constant 0 : i32
      %dma_wait3A_142 = tpu.memref_slice %arg17[%dma_wait3A_140, %dma_wait3A_141] : memref<10000x32xf32, #tpu.memory_space<vmem_shared>> -> memref<10000x32xf32, #tpu.memory_space<vmem_shared>>
      tpu.wait_indirect_dma semaphore(%run_scoped3A_130 : memref<!tpu.dma_semaphore, #tpu.memory_space<semaphore_mem>>) src(%arg9 : memref<125x32xf32, #tpu.memory_space<vmem>>) dst(%dma_wait3A_142 : memref<10000x32xf32, #tpu.memory_space<vmem_shared>>)
      tpu.yield
    }) : () -> ()
    %dma_wait3A_69 = arith.constant 73 : i32
    %dma_wait3A_70 = arith.constant 0 : i32
    %dma_wait3A_71 = tpu.memref_slice %arg7[%dma_wait3A_69, %dma_wait3A_70] : memref<80x125xi32, #tpu.memory_space<vmem>> -> memref<1x125xi32, #tpu.memory_space<vmem>>
    %dma_wait3A_72 = tpu.memref_squeeze %dma_wait3A_71 : memref<1x125xi32, #tpu.memory_space<vmem>> -> memref<125xi32, #tpu.memory_space<vmem>>
    %dma_wait3A_73 = arith.constant 0 : i32
    %dma_wait3A_74 = arith.constant 0 : i32
    %dma_wait3A_75 = tpu.memref_slice %arg2[%dma_wait3A_73, %dma_wait3A_74] : memref<10000x32xf32, #tpu.memory_space<hbm>> -> memref<10000x32xf32, #tpu.memory_space<hbm>>
    tpu.wait_indirect_dma semaphore(%arg19 : memref<!tpu.dma_semaphore, #tpu.memory_space<semaphore_mem>>) src(%dma_wait3A_75 : memref<10000x32xf32, #tpu.memory_space<hbm>>) dst(%arg10 : memref<125x32xf32, #tpu.memory_space<vmem>>)
    %run_scoped3A_76 = arith.constant 73 : i32
    "tpu.region"() ({
      %run_scoped3A_130 = tpu.sem_alloc : memref<!tpu.dma_semaphore, #tpu.memory_space<semaphore_mem>>
      %dma_start3A_131 = arith.constant 0 : i32
      %dma_start3A_132 = tpu.memref_slice %arg8[%run_scoped3A_76, %dma_start3A_131] : memref<80x125xi32, #tpu.memory_space<vmem>> -> memref<1x125xi32, #tpu.memory_space<vmem>>
      %dma_start3A_133 = tpu.memref_squeeze %dma_start3A_132 : memref<1x125xi32, #tpu.memory_space<vmem>> -> memref<125xi32, #tpu.memory_space<vmem>>
      %dma_start3A_134 = arith.constant 0 : i32
      %dma_start3A_135 = arith.constant 0 : i32
      %dma_start3A_136 = tpu.memref_slice %arg17[%dma_start3A_134, %dma_start3A_135] : memref<10000x32xf32, #tpu.memory_space<vmem_shared>> -> memref<10000x32xf32, #tpu.memory_space<vmem_shared>>
      tpu.enqueue_indirect_dma source(%arg10 : memref<125x32xf32, #tpu.memory_space<vmem>>) target(%dma_start3A_136 : memref<10000x32xf32, #tpu.memory_space<vmem_shared>>) offsets(%dma_start3A_133 : memref<125xi32, #tpu.memory_space<vmem>>) semaphore(%run_scoped3A_130 : memref<!tpu.dma_semaphore, #tpu.memory_space<semaphore_mem>>) {add = true}
      %dma_wait3A_137 = arith.constant 0 : i32
      %dma_wait3A_138 = tpu.memref_slice %arg8[%run_scoped3A_76, %dma_wait3A_137] : memref<80x125xi32, #tpu.memory_space<vmem>> -> memref<1x125xi32, #tpu.memory_space<vmem>>
      %dma_wait3A_139 = tpu.memref_squeeze %dma_wait3A_138 : memref<1x125xi32, #tpu.memory_space<vmem>> -> memref<125xi32, #tpu.memory_space<vmem>>
      %dma_wait3A_140 = arith.constant 0 : i32
      %dma_wait3A_141 = arith.constant 0 : i32
      %dma_wait3A_142 = tpu.memref_slice %arg17[%dma_wait3A_140, %dma_wait3A_141] : memref<10000x32xf32, #tpu.memory_space<vmem_shared>> -> memref<10000x32xf32, #tpu.memory_space<vmem_shared>>
      tpu.wait_indirect_dma semaphore(%run_scoped3A_130 : memref<!tpu.dma_semaphore, #tpu.memory_space<semaphore_mem>>) src(%arg10 : memref<125x32xf32, #tpu.memory_space<vmem>>) dst(%dma_wait3A_142 : memref<10000x32xf32, #tpu.memory_space<vmem_shared>>)
      tpu.yield
    }) : () -> ()
    %dma_wait3A_77 = arith.constant 74 : i32
    %dma_wait3A_78 = arith.constant 0 : i32
    %dma_wait3A_79 = tpu.memref_slice %arg7[%dma_wait3A_77, %dma_wait3A_78] : memref<80x125xi32, #tpu.memory_space<vmem>> -> memref<1x125xi32, #tpu.memory_space<vmem>>
    %dma_wait3A_80 = tpu.memref_squeeze %dma_wait3A_79 : memref<1x125xi32, #tpu.memory_space<vmem>> -> memref<125xi32, #tpu.memory_space<vmem>>
    %dma_wait3A_81 = arith.constant 0 : i32
    %dma_wait3A_82 = arith.constant 0 : i32
    %dma_wait3A_83 = tpu.memref_slice %arg2[%dma_wait3A_81, %dma_wait3A_82] : memref<10000x32xf32, #tpu.memory_space<hbm>> -> memref<10000x32xf32, #tpu.memory_space<hbm>>
    tpu.wait_indirect_dma semaphore(%arg20 : memref<!tpu.dma_semaphore, #tpu.memory_space<semaphore_mem>>) src(%dma_wait3A_83 : memref<10000x32xf32, #tpu.memory_space<hbm>>) dst(%arg11 : memref<125x32xf32, #tpu.memory_space<vmem>>)
    %run_scoped3A_84 = arith.constant 74 : i32
    "tpu.region"() ({
      %run_scoped3A_130 = tpu.sem_alloc : memref<!tpu.dma_semaphore, #tpu.memory_space<semaphore_mem>>
      %dma_start3A_131 = arith.constant 0 : i32
      %dma_start3A_132 = tpu.memref_slice %arg8[%run_scoped3A_84, %dma_start3A_131] : memref<80x125xi32, #tpu.memory_space<vmem>> -> memref<1x125xi32, #tpu.memory_space<vmem>>
      %dma_start3A_133 = tpu.memref_squeeze %dma_start3A_132 : memref<1x125xi32, #tpu.memory_space<vmem>> -> memref<125xi32, #tpu.memory_space<vmem>>
      %dma_start3A_134 = arith.constant 0 : i32
      %dma_start3A_135 = arith.constant 0 : i32
      %dma_start3A_136 = tpu.memref_slice %arg17[%dma_start3A_134, %dma_start3A_135] : memref<10000x32xf32, #tpu.memory_space<vmem_shared>> -> memref<10000x32xf32, #tpu.memory_space<vmem_shared>>
      tpu.enqueue_indirect_dma source(%arg11 : memref<125x32xf32, #tpu.memory_space<vmem>>) target(%dma_start3A_136 : memref<10000x32xf32, #tpu.memory_space<vmem_shared>>) offsets(%dma_start3A_133 : memref<125xi32, #tpu.memory_space<vmem>>) semaphore(%run_scoped3A_130 : memref<!tpu.dma_semaphore, #tpu.memory_space<semaphore_mem>>) {add = true}
      %dma_wait3A_137 = arith.constant 0 : i32
      %dma_wait3A_138 = tpu.memref_slice %arg8[%run_scoped3A_84, %dma_wait3A_137] : memref<80x125xi32, #tpu.memory_space<vmem>> -> memref<1x125xi32, #tpu.memory_space<vmem>>
      %dma_wait3A_139 = tpu.memref_squeeze %dma_wait3A_138 : memref<1x125xi32, #tpu.memory_space<vmem>> -> memref<125xi32, #tpu.memory_space<vmem>>
      %dma_wait3A_140 = arith.constant 0 : i32
      %dma_wait3A_141 = arith.constant 0 : i32
      %dma_wait3A_142 = tpu.memref_slice %arg17[%dma_wait3A_140, %dma_wait3A_141] : memref<10000x32xf32, #tpu.memory_space<vmem_shared>> -> memref<10000x32xf32, #tpu.memory_space<vmem_shared>>
      tpu.wait_indirect_dma semaphore(%run_scoped3A_130 : memref<!tpu.dma_semaphore, #tpu.memory_space<semaphore_mem>>) src(%arg11 : memref<125x32xf32, #tpu.memory_space<vmem>>) dst(%dma_wait3A_142 : memref<10000x32xf32, #tpu.memory_space<vmem_shared>>)
      tpu.yield
    }) : () -> ()
    %dma_wait3A_85 = arith.constant 75 : i32
    %dma_wait3A_86 = arith.constant 0 : i32
    %dma_wait3A_87 = tpu.memref_slice %arg7[%dma_wait3A_85, %dma_wait3A_86] : memref<80x125xi32, #tpu.memory_space<vmem>> -> memref<1x125xi32, #tpu.memory_space<vmem>>
    %dma_wait3A_88 = tpu.memref_squeeze %dma_wait3A_87 : memref<1x125xi32, #tpu.memory_space<vmem>> -> memref<125xi32, #tpu.memory_space<vmem>>
    %dma_wait3A_89 = arith.constant 0 : i32
    %dma_wait3A_90 = arith.constant 0 : i32
    %dma_wait3A_91 = tpu.memref_slice %arg2[%dma_wait3A_89, %dma_wait3A_90] : memref<10000x32xf32, #tpu.memory_space<hbm>> -> memref<10000x32xf32, #tpu.memory_space<hbm>>
    tpu.wait_indirect_dma semaphore(%arg21 : memref<!tpu.dma_semaphore, #tpu.memory_space<semaphore_mem>>) src(%dma_wait3A_91 : memref<10000x32xf32, #tpu.memory_space<hbm>>) dst(%arg12 : memref<125x32xf32, #tpu.memory_space<vmem>>)
    %run_scoped3A_92 = arith.constant 75 : i32
    "tpu.region"() ({
      %run_scoped3A_130 = tpu.sem_alloc : memref<!tpu.dma_semaphore, #tpu.memory_space<semaphore_mem>>
      %dma_start3A_131 = arith.constant 0 : i32
      %dma_start3A_132 = tpu.memref_slice %arg8[%run_scoped3A_92, %dma_start3A_131] : memref<80x125xi32, #tpu.memory_space<vmem>> -> memref<1x125xi32, #tpu.memory_space<vmem>>
      %dma_start3A_133 = tpu.memref_squeeze %dma_start3A_132 : memref<1x125xi32, #tpu.memory_space<vmem>> -> memref<125xi32, #tpu.memory_space<vmem>>
      %dma_start3A_134 = arith.constant 0 : i32
      %dma_start3A_135 = arith.constant 0 : i32
      %dma_start3A_136 = tpu.memref_slice %arg17[%dma_start3A_134, %dma_start3A_135] : memref<10000x32xf32, #tpu.memory_space<vmem_shared>> -> memref<10000x32xf32, #tpu.memory_space<vmem_shared>>
      tpu.enqueue_indirect_dma source(%arg12 : memref<125x32xf32, #tpu.memory_space<vmem>>) target(%dma_start3A_136 : memref<10000x32xf32, #tpu.memory_space<vmem_shared>>) offsets(%dma_start3A_133 : memref<125xi32, #tpu.memory_space<vmem>>) semaphore(%run_scoped3A_130 : memref<!tpu.dma_semaphore, #tpu.memory_space<semaphore_mem>>) {add = true}
      %dma_wait3A_137 = arith.constant 0 : i32
      %dma_wait3A_138 = tpu.memref_slice %arg8[%run_scoped3A_92, %dma_wait3A_137] : memref<80x125xi32, #tpu.memory_space<vmem>> -> memref<1x125xi32, #tpu.memory_space<vmem>>
      %dma_wait3A_139 = tpu.memref_squeeze %dma_wait3A_138 : memref<1x125xi32, #tpu.memory_space<vmem>> -> memref<125xi32, #tpu.memory_space<vmem>>
      %dma_wait3A_140 = arith.constant 0 : i32
      %dma_wait3A_141 = arith.constant 0 : i32
      %dma_wait3A_142 = tpu.memref_slice %arg17[%dma_wait3A_140, %dma_wait3A_141] : memref<10000x32xf32, #tpu.memory_space<vmem_shared>> -> memref<10000x32xf32, #tpu.memory_space<vmem_shared>>
      tpu.wait_indirect_dma semaphore(%run_scoped3A_130 : memref<!tpu.dma_semaphore, #tpu.memory_space<semaphore_mem>>) src(%arg12 : memref<125x32xf32, #tpu.memory_space<vmem>>) dst(%dma_wait3A_142 : memref<10000x32xf32, #tpu.memory_space<vmem_shared>>)
      tpu.yield
    }) : () -> ()
    %dma_wait3A_93 = arith.constant 76 : i32
    %dma_wait3A_94 = arith.constant 0 : i32
    %dma_wait3A_95 = tpu.memref_slice %arg7[%dma_wait3A_93, %dma_wait3A_94] : memref<80x125xi32, #tpu.memory_space<vmem>> -> memref<1x125xi32, #tpu.memory_space<vmem>>
    %dma_wait3A_96 = tpu.memref_squeeze %dma_wait3A_95 : memref<1x125xi32, #tpu.memory_space<vmem>> -> memref<125xi32, #tpu.memory_space<vmem>>
    %dma_wait3A_97 = arith.constant 0 : i32
    %dma_wait3A_98 = arith.constant 0 : i32
    %dma_wait3A_99 = tpu.memref_slice %arg2[%dma_wait3A_97, %dma_wait3A_98] : memref<10000x32xf32, #tpu.memory_space<hbm>> -> memref<10000x32xf32, #tpu.memory_space<hbm>>
    tpu.wait_indirect_dma semaphore(%arg22 : memref<!tpu.dma_semaphore, #tpu.memory_space<semaphore_mem>>) src(%dma_wait3A_99 : memref<10000x32xf32, #tpu.memory_space<hbm>>) dst(%arg13 : memref<125x32xf32, #tpu.memory_space<vmem>>)
    %run_scoped3A_100 = arith.constant 76 : i32
    "tpu.region"() ({
      %run_scoped3A_130 = tpu.sem_alloc : memref<!tpu.dma_semaphore, #tpu.memory_space<semaphore_mem>>
      %dma_start3A_131 = arith.constant 0 : i32
      %dma_start3A_132 = tpu.memref_slice %arg8[%run_scoped3A_100, %dma_start3A_131] : memref<80x125xi32, #tpu.memory_space<vmem>> -> memref<1x125xi32, #tpu.memory_space<vmem>>
      %dma_start3A_133 = tpu.memref_squeeze %dma_start3A_132 : memref<1x125xi32, #tpu.memory_space<vmem>> -> memref<125xi32, #tpu.memory_space<vmem>>
      %dma_start3A_134 = arith.constant 0 : i32
      %dma_start3A_135 = arith.constant 0 : i32
      %dma_start3A_136 = tpu.memref_slice %arg17[%dma_start3A_134, %dma_start3A_135] : memref<10000x32xf32, #tpu.memory_space<vmem_shared>> -> memref<10000x32xf32, #tpu.memory_space<vmem_shared>>
      tpu.enqueue_indirect_dma source(%arg13 : memref<125x32xf32, #tpu.memory_space<vmem>>) target(%dma_start3A_136 : memref<10000x32xf32, #tpu.memory_space<vmem_shared>>) offsets(%dma_start3A_133 : memref<125xi32, #tpu.memory_space<vmem>>) semaphore(%run_scoped3A_130 : memref<!tpu.dma_semaphore, #tpu.memory_space<semaphore_mem>>) {add = true}
      %dma_wait3A_137 = arith.constant 0 : i32
      %dma_wait3A_138 = tpu.memref_slice %arg8[%run_scoped3A_100, %dma_wait3A_137] : memref<80x125xi32, #tpu.memory_space<vmem>> -> memref<1x125xi32, #tpu.memory_space<vmem>>
      %dma_wait3A_139 = tpu.memref_squeeze %dma_wait3A_138 : memref<1x125xi32, #tpu.memory_space<vmem>> -> memref<125xi32, #tpu.memory_space<vmem>>
      %dma_wait3A_140 = arith.constant 0 : i32
      %dma_wait3A_141 = arith.constant 0 : i32
      %dma_wait3A_142 = tpu.memref_slice %arg17[%dma_wait3A_140, %dma_wait3A_141] : memref<10000x32xf32, #tpu.memory_space<vmem_shared>> -> memref<10000x32xf32, #tpu.memory_space<vmem_shared>>
      tpu.wait_indirect_dma semaphore(%run_scoped3A_130 : memref<!tpu.dma_semaphore, #tpu.memory_space<semaphore_mem>>) src(%arg13 : memref<125x32xf32, #tpu.memory_space<vmem>>) dst(%dma_wait3A_142 : memref<10000x32xf32, #tpu.memory_space<vmem_shared>>)
      tpu.yield
    }) : () -> ()
    %dma_wait3A_101 = arith.constant 77 : i32
    %dma_wait3A_102 = arith.constant 0 : i32
    %dma_wait3A_103 = tpu.memref_slice %arg7[%dma_wait3A_101, %dma_wait3A_102] : memref<80x125xi32, #tpu.memory_space<vmem>> -> memref<1x125xi32, #tpu.memory_space<vmem>>
    %dma_wait3A_104 = tpu.memref_squeeze %dma_wait3A_103 : memref<1x125xi32, #tpu.memory_space<vmem>> -> memref<125xi32, #tpu.memory_space<vmem>>
    %dma_wait3A_105 = arith.constant 0 : i32
    %dma_wait3A_106 = arith.constant 0 : i32
    %dma_wait3A_107 = tpu.memref_slice %arg2[%dma_wait3A_105, %dma_wait3A_106] : memref<10000x32xf32, #tpu.memory_space<hbm>> -> memref<10000x32xf32, #tpu.memory_space<hbm>>
    tpu.wait_indirect_dma semaphore(%arg23 : memref<!tpu.dma_semaphore, #tpu.memory_space<semaphore_mem>>) src(%dma_wait3A_107 : memref<10000x32xf32, #tpu.memory_space<hbm>>) dst(%arg14 : memref<125x32xf32, #tpu.memory_space<vmem>>)
    %run_scoped3A_108 = arith.constant 77 : i32
    "tpu.region"() ({
      %run_scoped3A_130 = tpu.sem_alloc : memref<!tpu.dma_semaphore, #tpu.memory_space<semaphore_mem>>
      %dma_start3A_131 = arith.constant 0 : i32
      %dma_start3A_132 = tpu.memref_slice %arg8[%run_scoped3A_108, %dma_start3A_131] : memref<80x125xi32, #tpu.memory_space<vmem>> -> memref<1x125xi32, #tpu.memory_space<vmem>>
      %dma_start3A_133 = tpu.memref_squeeze %dma_start3A_132 : memref<1x125xi32, #tpu.memory_space<vmem>> -> memref<125xi32, #tpu.memory_space<vmem>>
      %dma_start3A_134 = arith.constant 0 : i32
      %dma_start3A_135 = arith.constant 0 : i32
      %dma_start3A_136 = tpu.memref_slice %arg17[%dma_start3A_134, %dma_start3A_135] : memref<10000x32xf32, #tpu.memory_space<vmem_shared>> -> memref<10000x32xf32, #tpu.memory_space<vmem_shared>>
      tpu.enqueue_indirect_dma source(%arg14 : memref<125x32xf32, #tpu.memory_space<vmem>>) target(%dma_start3A_136 : memref<10000x32xf32, #tpu.memory_space<vmem_shared>>) offsets(%dma_start3A_133 : memref<125xi32, #tpu.memory_space<vmem>>) semaphore(%run_scoped3A_130 : memref<!tpu.dma_semaphore, #tpu.memory_space<semaphore_mem>>) {add = true}
      %dma_wait3A_137 = arith.constant 0 : i32
      %dma_wait3A_138 = tpu.memref_slice %arg8[%run_scoped3A_108, %dma_wait3A_137] : memref<80x125xi32, #tpu.memory_space<vmem>> -> memref<1x125xi32, #tpu.memory_space<vmem>>
      %dma_wait3A_139 = tpu.memref_squeeze %dma_wait3A_138 : memref<1x125xi32, #tpu.memory_space<vmem>> -> memref<125xi32, #tpu.memory_space<vmem>>
      %dma_wait3A_140 = arith.constant 0 : i32
      %dma_wait3A_141 = arith.constant 0 : i32
      %dma_wait3A_142 = tpu.memref_slice %arg17[%dma_wait3A_140, %dma_wait3A_141] : memref<10000x32xf32, #tpu.memory_space<vmem_shared>> -> memref<10000x32xf32, #tpu.memory_space<vmem_shared>>
      tpu.wait_indirect_dma semaphore(%run_scoped3A_130 : memref<!tpu.dma_semaphore, #tpu.memory_space<semaphore_mem>>) src(%arg14 : memref<125x32xf32, #tpu.memory_space<vmem>>) dst(%dma_wait3A_142 : memref<10000x32xf32, #tpu.memory_space<vmem_shared>>)
      tpu.yield
    }) : () -> ()
    %dma_wait3A_109 = arith.constant 78 : i32
    %dma_wait3A_110 = arith.constant 0 : i32
    %dma_wait3A_111 = tpu.memref_slice %arg7[%dma_wait3A_109, %dma_wait3A_110] : memref<80x125xi32, #tpu.memory_space<vmem>> -> memref<1x125xi32, #tpu.memory_space<vmem>>
    %dma_wait3A_112 = tpu.memref_squeeze %dma_wait3A_111 : memref<1x125xi32, #tpu.memory_space<vmem>> -> memref<125xi32, #tpu.memory_space<vmem>>
    %dma_wait3A_113 = arith.constant 0 : i32
    %dma_wait3A_114 = arith.constant 0 : i32
    %dma_wait3A_115 = tpu.memref_slice %arg2[%dma_wait3A_113, %dma_wait3A_114] : memref<10000x32xf32, #tpu.memory_space<hbm>> -> memref<10000x32xf32, #tpu.memory_space<hbm>>
    tpu.wait_indirect_dma semaphore(%arg24 : memref<!tpu.dma_semaphore, #tpu.memory_space<semaphore_mem>>) src(%dma_wait3A_115 : memref<10000x32xf32, #tpu.memory_space<hbm>>) dst(%arg15 : memref<125x32xf32, #tpu.memory_space<vmem>>)
    %run_scoped3A_116 = arith.constant 78 : i32
    "tpu.region"() ({
      %run_scoped3A_130 = tpu.sem_alloc : memref<!tpu.dma_semaphore, #tpu.memory_space<semaphore_mem>>
      %dma_start3A_131 = arith.constant 0 : i32
      %dma_start3A_132 = tpu.memref_slice %arg8[%run_scoped3A_116, %dma_start3A_131] : memref<80x125xi32, #tpu.memory_space<vmem>> -> memref<1x125xi32, #tpu.memory_space<vmem>>
      %dma_start3A_133 = tpu.memref_squeeze %dma_start3A_132 : memref<1x125xi32, #tpu.memory_space<vmem>> -> memref<125xi32, #tpu.memory_space<vmem>>
      %dma_start3A_134 = arith.constant 0 : i32
      %dma_start3A_135 = arith.constant 0 : i32
      %dma_start3A_136 = tpu.memref_slice %arg17[%dma_start3A_134, %dma_start3A_135] : memref<10000x32xf32, #tpu.memory_space<vmem_shared>> -> memref<10000x32xf32, #tpu.memory_space<vmem_shared>>
      tpu.enqueue_indirect_dma source(%arg15 : memref<125x32xf32, #tpu.memory_space<vmem>>) target(%dma_start3A_136 : memref<10000x32xf32, #tpu.memory_space<vmem_shared>>) offsets(%dma_start3A_133 : memref<125xi32, #tpu.memory_space<vmem>>) semaphore(%run_scoped3A_130 : memref<!tpu.dma_semaphore, #tpu.memory_space<semaphore_mem>>) {add = true}
      %dma_wait3A_137 = arith.constant 0 : i32
      %dma_wait3A_138 = tpu.memref_slice %arg8[%run_scoped3A_116, %dma_wait3A_137] : memref<80x125xi32, #tpu.memory_space<vmem>> -> memref<1x125xi32, #tpu.memory_space<vmem>>
      %dma_wait3A_139 = tpu.memref_squeeze %dma_wait3A_138 : memref<1x125xi32, #tpu.memory_space<vmem>> -> memref<125xi32, #tpu.memory_space<vmem>>
      %dma_wait3A_140 = arith.constant 0 : i32
      %dma_wait3A_141 = arith.constant 0 : i32
      %dma_wait3A_142 = tpu.memref_slice %arg17[%dma_wait3A_140, %dma_wait3A_141] : memref<10000x32xf32, #tpu.memory_space<vmem_shared>> -> memref<10000x32xf32, #tpu.memory_space<vmem_shared>>
      tpu.wait_indirect_dma semaphore(%run_scoped3A_130 : memref<!tpu.dma_semaphore, #tpu.memory_space<semaphore_mem>>) src(%arg15 : memref<125x32xf32, #tpu.memory_space<vmem>>) dst(%dma_wait3A_142 : memref<10000x32xf32, #tpu.memory_space<vmem_shared>>)
      tpu.yield
    }) : () -> ()
    %dma_wait3A_117 = arith.constant 79 : i32
    %dma_wait3A_118 = arith.constant 0 : i32
    %dma_wait3A_119 = tpu.memref_slice %arg7[%dma_wait3A_117, %dma_wait3A_118] : memref<80x125xi32, #tpu.memory_space<vmem>> -> memref<1x125xi32, #tpu.memory_space<vmem>>
    %dma_wait3A_120 = tpu.memref_squeeze %dma_wait3A_119 : memref<1x125xi32, #tpu.memory_space<vmem>> -> memref<125xi32, #tpu.memory_space<vmem>>
    %dma_wait3A_121 = arith.constant 0 : i32
    %dma_wait3A_122 = arith.constant 0 : i32
    %dma_wait3A_123 = tpu.memref_slice %arg2[%dma_wait3A_121, %dma_wait3A_122] : memref<10000x32xf32, #tpu.memory_space<hbm>> -> memref<10000x32xf32, #tpu.memory_space<hbm>>
    tpu.wait_indirect_dma semaphore(%arg25 : memref<!tpu.dma_semaphore, #tpu.memory_space<semaphore_mem>>) src(%dma_wait3A_123 : memref<10000x32xf32, #tpu.memory_space<hbm>>) dst(%arg16 : memref<125x32xf32, #tpu.memory_space<vmem>>)
    %run_scoped3A_124 = arith.constant 79 : i32
    "tpu.region"() ({
      %run_scoped3A_130 = tpu.sem_alloc : memref<!tpu.dma_semaphore, #tpu.memory_space<semaphore_mem>>
      %dma_start3A_131 = arith.constant 0 : i32
      %dma_start3A_132 = tpu.memref_slice %arg8[%run_scoped3A_124, %dma_start3A_131] : memref<80x125xi32, #tpu.memory_space<vmem>> -> memref<1x125xi32, #tpu.memory_space<vmem>>
      %dma_start3A_133 = tpu.memref_squeeze %dma_start3A_132 : memref<1x125xi32, #tpu.memory_space<vmem>> -> memref<125xi32, #tpu.memory_space<vmem>>
      %dma_start3A_134 = arith.constant 0 : i32
      %dma_start3A_135 = arith.constant 0 : i32
      %dma_start3A_136 = tpu.memref_slice %arg17[%dma_start3A_134, %dma_start3A_135] : memref<10000x32xf32, #tpu.memory_space<vmem_shared>> -> memref<10000x32xf32, #tpu.memory_space<vmem_shared>>
      tpu.enqueue_indirect_dma source(%arg16 : memref<125x32xf32, #tpu.memory_space<vmem>>) target(%dma_start3A_136 : memref<10000x32xf32, #tpu.memory_space<vmem_shared>>) offsets(%dma_start3A_133 : memref<125xi32, #tpu.memory_space<vmem>>) semaphore(%run_scoped3A_130 : memref<!tpu.dma_semaphore, #tpu.memory_space<semaphore_mem>>) {add = true}
      %dma_wait3A_137 = arith.constant 0 : i32
      %dma_wait3A_138 = tpu.memref_slice %arg8[%run_scoped3A_124, %dma_wait3A_137] : memref<80x125xi32, #tpu.memory_space<vmem>> -> memref<1x125xi32, #tpu.memory_space<vmem>>
      %dma_wait3A_139 = tpu.memref_squeeze %dma_wait3A_138 : memref<1x125xi32, #tpu.memory_space<vmem>> -> memref<125xi32, #tpu.memory_space<vmem>>
      %dma_wait3A_140 = arith.constant 0 : i32
      %dma_wait3A_141 = arith.constant 0 : i32
      %dma_wait3A_142 = tpu.memref_slice %arg17[%dma_wait3A_140, %dma_wait3A_141] : memref<10000x32xf32, #tpu.memory_space<vmem_shared>> -> memref<10000x32xf32, #tpu.memory_space<vmem_shared>>
      tpu.wait_indirect_dma semaphore(%run_scoped3A_130 : memref<!tpu.dma_semaphore, #tpu.memory_space<semaphore_mem>>) src(%arg16 : memref<125x32xf32, #tpu.memory_space<vmem>>) dst(%dma_wait3A_142 : memref<10000x32xf32, #tpu.memory_space<vmem_shared>>)
      tpu.yield
    }) : () -> ()
    %barrier3A_125 = arith.constant 0 : index
    tpu.barrier barrier_id(%barrier3A_125)
    %mul3A_126 = arith.constant 625 : i32
    %mul3A_127 = arith.muli %arg1, %mul3A_126 : i32
    %mul3A_128 = arith.constant 625 : i32
    %mul3A_129 = arith.muli %arg1, %mul3A_128 : i32
    "tpu.region"() ({
      %run_scoped3A_130 = tpu.sem_alloc : memref<!tpu.dma_semaphore, #tpu.memory_space<semaphore_mem>>
      %dma_start3A_131 = arith.constant 0 : i32
      %dma_start3A_132 = arith.constant 0 : i32
      %dma_start3A_133 = tpu.memref_slice %arg6[%arg0, %dma_start3A_131, %dma_start3A_132] : memref<2x10000x32xf32, #tpu.memory_space<hbm>> -> memref<1x10000x32xf32, #tpu.memory_space<hbm>>
      %dma_start3A_134 = tpu.memref_squeeze %dma_start3A_133 : memref<1x10000x32xf32, #tpu.memory_space<hbm>> -> memref<10000x32xf32, #tpu.memory_space<hbm>>
      %dma_start3A_135 = arith.constant 0 : i32
      %dma_start3A_136 = tpu.memref_slice %dma_start3A_134[%mul3A_129, %dma_start3A_135] : memref<10000x32xf32, #tpu.memory_space<hbm>> -> memref<625x32xf32, #tpu.memory_space<hbm>>
      %dma_start3A_137 = arith.constant 0 : i32
      %dma_start3A_138 = tpu.memref_slice %arg17[%mul3A_127, %dma_start3A_137] : memref<10000x32xf32, #tpu.memory_space<vmem_shared>> -> memref<625x32xf32, #tpu.memory_space<vmem_shared>>
      tpu.enqueue_dma source(%dma_start3A_138 : memref<625x32xf32, #tpu.memory_space<vmem_shared>>) target(%dma_start3A_136 : memref<625x32xf32, #tpu.memory_space<hbm>>) target_semaphore(%run_scoped3A_130 : memref<!tpu.dma_semaphore, #tpu.memory_space<semaphore_mem>>)
      %dma_wait3A_139 = arith.constant 0 : i32
      %dma_wait3A_140 = arith.constant 0 : i32
      %dma_wait3A_141 = tpu.memref_slice %arg6[%arg0, %dma_wait3A_139, %dma_wait3A_140] : memref<2x10000x32xf32, #tpu.memory_space<hbm>> -> memref<1x10000x32xf32, #tpu.memory_space<hbm>>
      %dma_wait3A_142 = tpu.memref_squeeze %dma_wait3A_141 : memref<1x10000x32xf32, #tpu.memory_space<hbm>> -> memref<10000x32xf32, #tpu.memory_space<hbm>>
      %dma_wait3A_143 = arith.constant 0 : i32
      %dma_wait3A_144 = tpu.memref_slice %dma_wait3A_142[%mul3A_129, %dma_wait3A_143] : memref<10000x32xf32, #tpu.memory_space<hbm>> -> memref<625x32xf32, #tpu.memory_space<hbm>>
      %dma_wait3A_145 = arith.constant 0 : i32
      %dma_wait3A_146 = tpu.memref_slice %arg17[%mul3A_127, %dma_wait3A_145] : memref<10000x32xf32, #tpu.memory_space<vmem_shared>> -> memref<625x32xf32, #tpu.memory_space<vmem_shared>>
      tpu.wait_dma2 semaphore(%run_scoped3A_130 : memref<!tpu.dma_semaphore, #tpu.memory_space<semaphore_mem>>) src(%dma_wait3A_146 : memref<625x32xf32, #tpu.memory_space<vmem_shared>>) dst(%dma_wait3A_144 : memref<625x32xf32, #tpu.memory_space<hbm>>)
      tpu.yield
    }) : () -> ()
    return
  }
}

module attributes {stable_mosaic.version = 14 : i64} {
  func.func @body(%arg0: memref<2500x512xf32, #tpu.memory_space<vmem>>, %arg1: memref<128x64xf32, #tpu.memory_space<vmem>>, %arg2: memref<1x64xf32, #tpu.memory_space<vmem>>, %arg3: memref<64x64xf32, #tpu.memory_space<vmem>>, %arg4: memref<1x64xf32, #tpu.memory_space<vmem>>, %arg5: memref<64x32xf32, #tpu.memory_space<vmem>>, %arg6: memref<1x32xf32, #tpu.memory_space<vmem>>, %arg7: memref<1x32xf32, #tpu.memory_space<vmem>>, %arg8: memref<1x32xf32, #tpu.memory_space<vmem>>, %arg9: memref<2500x128xf32, #tpu.memory_space<vmem>>) attributes {dimension_semantics = [], scalar_prefetch = 0 : i64, scratch_operands = 0 : i64, tpu.core_type = #tpu.core_type<tc>} {
    %get3A = arith.constant 0 : index
    %get3A_0 = arith.constant 0 : index
    %get3A_1 = vector.load %arg0[%get3A, %get3A_0] : memref<2500x512xf32, #tpu.memory_space<vmem>>, vector<2500x512xf32>
    %get3A_2 = arith.constant 0 : index
    %get3A_3 = arith.constant 0 : index
    %get3A_4 = vector.load %arg1[%get3A_2, %get3A_3] : memref<128x64xf32, #tpu.memory_space<vmem>>, vector<128x64xf32>
    %iota3A = tpu.iota {dimensions = array<i32: 0>} : vector<512x256xi32>
    %iota3A_5 = tpu.iota {dimensions = array<i32: 1>} : vector<512x256xi32>
    %jit3A = arith.constant 128 : i32
    %div3A = vector.broadcast %jit3A : i32 to vector<512x256xi32>
    %div3A_6 = arith.divsi %iota3A, %div3A : vector<512x256xi32>
    %sign3A = arith.constant 0 : i32
    %sign3A_7 = vector.broadcast %sign3A : i32 to vector<512x256xi32>
    %sign3A_8 = arith.cmpi sgt, %iota3A, %sign3A_7 : vector<512x256xi32>
    %sign3A_9 = arith.extui %sign3A_8 : vector<512x256xi1> to vector<512x256xi32>
    %sign3A_10 = arith.constant 0 : i32
    %sign3A_11 = vector.broadcast %sign3A_10 : i32 to vector<512x256xi32>
    %sign3A_12 = arith.cmpi slt, %iota3A, %sign3A_11 : vector<512x256xi32>
    %sign3A_13 = arith.extui %sign3A_12 : vector<512x256xi1> to vector<512x256xi32>
    %sign3A_14 = arith.subi %sign3A_9, %sign3A_13 : vector<512x256xi32>
    %sign3A_15 = arith.constant 0 : i32
    %sign3A_16 = arith.cmpi sgt, %jit3A, %sign3A_15 : i32
    %sign3A_17 = arith.extui %sign3A_16 : i1 to i32
    %sign3A_18 = arith.constant 0 : i32
    %sign3A_19 = arith.cmpi slt, %jit3A, %sign3A_18 : i32
    %sign3A_20 = arith.extui %sign3A_19 : i1 to i32
    %sign3A_21 = arith.subi %sign3A_17, %sign3A_20 : i32
    %ne3A = vector.broadcast %sign3A_21 : i32 to vector<512x256xi32>
    %ne3A_22 = arith.cmpi ne, %sign3A_14, %ne3A : vector<512x256xi32>
    %rem3A = vector.broadcast %jit3A : i32 to vector<512x256xi32>
    %rem3A_23 = arith.remsi %iota3A, %rem3A : vector<512x256xi32>
    %ne3A_24 = arith.constant 0 : i32
    %ne3A_25 = vector.broadcast %ne3A_24 : i32 to vector<512x256xi32>
    %ne3A_26 = arith.cmpi ne, %rem3A_23, %ne3A_25 : vector<512x256xi32>
    %and3A = arith.andi %ne3A_22, %ne3A_26 : vector<512x256xi1>
    %sub3A = arith.constant 1 : i32
    %sub3A_27 = vector.broadcast %sub3A : i32 to vector<512x256xi32>
    %sub3A_28 = arith.subi %div3A_6, %sub3A_27 : vector<512x256xi32>
    %select_n3A = arith.select %and3A, %sub3A_28, %div3A_6 : vector<512x256xi1>, vector<512x256xi32>
    %jit3A_29 = arith.constant 64 : i32
    %div3A_30 = vector.broadcast %jit3A_29 : i32 to vector<512x256xi32>
    %div3A_31 = arith.divsi %iota3A_5, %div3A_30 : vector<512x256xi32>
    %sign3A_32 = arith.constant 0 : i32
    %sign3A_33 = vector.broadcast %sign3A_32 : i32 to vector<512x256xi32>
    %sign3A_34 = arith.cmpi sgt, %iota3A_5, %sign3A_33 : vector<512x256xi32>
    %sign3A_35 = arith.extui %sign3A_34 : vector<512x256xi1> to vector<512x256xi32>
    %sign3A_36 = arith.constant 0 : i32
    %sign3A_37 = vector.broadcast %sign3A_36 : i32 to vector<512x256xi32>
    %sign3A_38 = arith.cmpi slt, %iota3A_5, %sign3A_37 : vector<512x256xi32>
    %sign3A_39 = arith.extui %sign3A_38 : vector<512x256xi1> to vector<512x256xi32>
    %sign3A_40 = arith.subi %sign3A_35, %sign3A_39 : vector<512x256xi32>
    %sign3A_41 = arith.constant 0 : i32
    %sign3A_42 = arith.cmpi sgt, %jit3A_29, %sign3A_41 : i32
    %sign3A_43 = arith.extui %sign3A_42 : i1 to i32
    %sign3A_44 = arith.constant 0 : i32
    %sign3A_45 = arith.cmpi slt, %jit3A_29, %sign3A_44 : i32
    %sign3A_46 = arith.extui %sign3A_45 : i1 to i32
    %sign3A_47 = arith.subi %sign3A_43, %sign3A_46 : i32
    %ne3A_48 = vector.broadcast %sign3A_47 : i32 to vector<512x256xi32>
    %ne3A_49 = arith.cmpi ne, %sign3A_40, %ne3A_48 : vector<512x256xi32>
    %rem3A_50 = vector.broadcast %jit3A_29 : i32 to vector<512x256xi32>
    %rem3A_51 = arith.remsi %iota3A_5, %rem3A_50 : vector<512x256xi32>
    %ne3A_52 = arith.constant 0 : i32
    %ne3A_53 = vector.broadcast %ne3A_52 : i32 to vector<512x256xi32>
    %ne3A_54 = arith.cmpi ne, %rem3A_51, %ne3A_53 : vector<512x256xi32>
    %and3A_55 = arith.andi %ne3A_49, %ne3A_54 : vector<512x256xi1>
    %sub3A_56 = arith.constant 1 : i32
    %sub3A_57 = vector.broadcast %sub3A_56 : i32 to vector<512x256xi32>
    %sub3A_58 = arith.subi %div3A_31, %sub3A_57 : vector<512x256xi32>
    %select_n3A_59 = arith.select %and3A_55, %sub3A_58, %div3A_31 : vector<512x256xi1>, vector<512x256xi32>
    %eq3A = arith.cmpi eq, %select_n3A, %select_n3A_59 : vector<512x256xi32>
    %tile3A = tpu.concatenate %get3A_4, %get3A_4, %get3A_4, %get3A_4 in 0 : vector<128x64xf32>, vector<128x64xf32>, vector<128x64xf32>, vector<128x64xf32> -> vector<512x64xf32>
    %tile3A_60 = tpu.concatenate %tile3A, %tile3A, %tile3A, %tile3A in 1 : vector<512x64xf32>, vector<512x64xf32>, vector<512x64xf32>, vector<512x64xf32> -> vector<512x256xf32>
    %jit3A_61 = arith.constant 0.000000e+00 : f32
    %broadcast_in_dim3A = vector.broadcast %jit3A_61 : f32 to vector<512x256xf32>
    %select_n3A_62 = arith.select %eq3A, %tile3A_60, %broadcast_in_dim3A : vector<512x256xi1>, vector<512x256xf32>
    %dot_general3A = arith.constant dense<0.000000e+00> : vector<2500x256xf32>
    %dot_general3A_63 = tpu.matmul %get3A_1, %select_n3A_62, %dot_general3A {dimension_numbers = #tpu.dot_dimension_numbers<[1], [0], [0], [1], [0, 0, 1, 1], [], []>, transpose_lhs_hint = false} : vector<2500x512xf32>, vector<512x256xf32>, vector<2500x256xf32> -> vector<2500x256xf32>
    %get3A_64 = arith.constant 0 : index
    %get3A_65 = arith.constant 0 : index
    %get3A_66 = vector.load %arg2[%get3A_64, %get3A_65] : memref<1x64xf32, #tpu.memory_space<vmem>>, vector<1x64xf32>
    %tile3A_67 = tpu.concatenate %get3A_66, %get3A_66, %get3A_66, %get3A_66 in 1 : vector<1x64xf32>, vector<1x64xf32>, vector<1x64xf32>, vector<1x64xf32> -> vector<1x256xf32>
    %add3A = vector.broadcast %tile3A_67 : vector<1x256xf32> to vector<2500x256xf32>
    %add3A_68 = arith.addf %dot_general3A_63, %add3A : vector<2500x256xf32>
    %ge3A = arith.constant 0.000000e+00 : f32
    %ge3A_69 = vector.broadcast %ge3A : f32 to vector<2500x256xf32>
    %ge3A_70 = arith.cmpf oge, %add3A_68, %ge3A_69 : vector<2500x256xf32>
    %mul3A = arith.constant 0.00999999977 : f32
    %mul3A_71 = vector.broadcast %mul3A : f32 to vector<2500x256xf32>
    %mul3A_72 = arith.mulf %mul3A_71, %add3A_68 : vector<2500x256xf32>
    %select_n3A_73 = arith.select %ge3A_70, %add3A_68, %mul3A_72 : vector<2500x256xi1>, vector<2500x256xf32>
    %get3A_74 = arith.constant 0 : index
    %get3A_75 = arith.constant 0 : index
    %get3A_76 = vector.load %arg3[%get3A_74, %get3A_75] : memref<64x64xf32, #tpu.memory_space<vmem>>, vector<64x64xf32>
    %iota3A_77 = tpu.iota {dimensions = array<i32: 0>} : vector<256x256xi32>
    %iota3A_78 = tpu.iota {dimensions = array<i32: 1>} : vector<256x256xi32>
    %jit3A_79 = arith.constant 64 : i32
    %div3A_80 = vector.broadcast %jit3A_79 : i32 to vector<256x256xi32>
    %div3A_81 = arith.divsi %iota3A_77, %div3A_80 : vector<256x256xi32>
    %sign3A_82 = arith.constant 0 : i32
    %sign3A_83 = vector.broadcast %sign3A_82 : i32 to vector<256x256xi32>
    %sign3A_84 = arith.cmpi sgt, %iota3A_77, %sign3A_83 : vector<256x256xi32>
    %sign3A_85 = arith.extui %sign3A_84 : vector<256x256xi1> to vector<256x256xi32>
    %sign3A_86 = arith.constant 0 : i32
    %sign3A_87 = vector.broadcast %sign3A_86 : i32 to vector<256x256xi32>
    %sign3A_88 = arith.cmpi slt, %iota3A_77, %sign3A_87 : vector<256x256xi32>
    %sign3A_89 = arith.extui %sign3A_88 : vector<256x256xi1> to vector<256x256xi32>
    %sign3A_90 = arith.subi %sign3A_85, %sign3A_89 : vector<256x256xi32>
    %sign3A_91 = arith.constant 0 : i32
    %sign3A_92 = arith.cmpi sgt, %jit3A_79, %sign3A_91 : i32
    %sign3A_93 = arith.extui %sign3A_92 : i1 to i32
    %sign3A_94 = arith.constant 0 : i32
    %sign3A_95 = arith.cmpi slt, %jit3A_79, %sign3A_94 : i32
    %sign3A_96 = arith.extui %sign3A_95 : i1 to i32
    %sign3A_97 = arith.subi %sign3A_93, %sign3A_96 : i32
    %ne3A_98 = vector.broadcast %sign3A_97 : i32 to vector<256x256xi32>
    %ne3A_99 = arith.cmpi ne, %sign3A_90, %ne3A_98 : vector<256x256xi32>
    %rem3A_100 = vector.broadcast %jit3A_79 : i32 to vector<256x256xi32>
    %rem3A_101 = arith.remsi %iota3A_77, %rem3A_100 : vector<256x256xi32>
    %ne3A_102 = arith.constant 0 : i32
    %ne3A_103 = vector.broadcast %ne3A_102 : i32 to vector<256x256xi32>
    %ne3A_104 = arith.cmpi ne, %rem3A_101, %ne3A_103 : vector<256x256xi32>
    %and3A_105 = arith.andi %ne3A_99, %ne3A_104 : vector<256x256xi1>
    %sub3A_106 = arith.constant 1 : i32
    %sub3A_107 = vector.broadcast %sub3A_106 : i32 to vector<256x256xi32>
    %sub3A_108 = arith.subi %div3A_81, %sub3A_107 : vector<256x256xi32>
    %select_n3A_109 = arith.select %and3A_105, %sub3A_108, %div3A_81 : vector<256x256xi1>, vector<256x256xi32>
    %jit3A_110 = arith.constant 64 : i32
    %div3A_111 = vector.broadcast %jit3A_110 : i32 to vector<256x256xi32>
    %div3A_112 = arith.divsi %iota3A_78, %div3A_111 : vector<256x256xi32>
    %sign3A_113 = arith.constant 0 : i32
    %sign3A_114 = vector.broadcast %sign3A_113 : i32 to vector<256x256xi32>
    %sign3A_115 = arith.cmpi sgt, %iota3A_78, %sign3A_114 : vector<256x256xi32>
    %sign3A_116 = arith.extui %sign3A_115 : vector<256x256xi1> to vector<256x256xi32>
    %sign3A_117 = arith.constant 0 : i32
    %sign3A_118 = vector.broadcast %sign3A_117 : i32 to vector<256x256xi32>
    %sign3A_119 = arith.cmpi slt, %iota3A_78, %sign3A_118 : vector<256x256xi32>
    %sign3A_120 = arith.extui %sign3A_119 : vector<256x256xi1> to vector<256x256xi32>
    %sign3A_121 = arith.subi %sign3A_116, %sign3A_120 : vector<256x256xi32>
    %sign3A_122 = arith.constant 0 : i32
    %sign3A_123 = arith.cmpi sgt, %jit3A_110, %sign3A_122 : i32
    %sign3A_124 = arith.extui %sign3A_123 : i1 to i32
    %sign3A_125 = arith.constant 0 : i32
    %sign3A_126 = arith.cmpi slt, %jit3A_110, %sign3A_125 : i32
    %sign3A_127 = arith.extui %sign3A_126 : i1 to i32
    %sign3A_128 = arith.subi %sign3A_124, %sign3A_127 : i32
    %ne3A_129 = vector.broadcast %sign3A_128 : i32 to vector<256x256xi32>
    %ne3A_130 = arith.cmpi ne, %sign3A_121, %ne3A_129 : vector<256x256xi32>
    %rem3A_131 = vector.broadcast %jit3A_110 : i32 to vector<256x256xi32>
    %rem3A_132 = arith.remsi %iota3A_78, %rem3A_131 : vector<256x256xi32>
    %ne3A_133 = arith.constant 0 : i32
    %ne3A_134 = vector.broadcast %ne3A_133 : i32 to vector<256x256xi32>
    %ne3A_135 = arith.cmpi ne, %rem3A_132, %ne3A_134 : vector<256x256xi32>
    %and3A_136 = arith.andi %ne3A_130, %ne3A_135 : vector<256x256xi1>
    %sub3A_137 = arith.constant 1 : i32
    %sub3A_138 = vector.broadcast %sub3A_137 : i32 to vector<256x256xi32>
    %sub3A_139 = arith.subi %div3A_112, %sub3A_138 : vector<256x256xi32>
    %select_n3A_140 = arith.select %and3A_136, %sub3A_139, %div3A_112 : vector<256x256xi1>, vector<256x256xi32>
    %eq3A_141 = arith.cmpi eq, %select_n3A_109, %select_n3A_140 : vector<256x256xi32>
    %tile3A_142 = tpu.concatenate %get3A_76, %get3A_76, %get3A_76, %get3A_76 in 0 : vector<64x64xf32>, vector<64x64xf32>, vector<64x64xf32>, vector<64x64xf32> -> vector<256x64xf32>
    %tile3A_143 = tpu.concatenate %tile3A_142, %tile3A_142, %tile3A_142, %tile3A_142 in 1 : vector<256x64xf32>, vector<256x64xf32>, vector<256x64xf32>, vector<256x64xf32> -> vector<256x256xf32>
    %jit3A_144 = arith.constant 0.000000e+00 : f32
    %broadcast_in_dim3A_145 = vector.broadcast %jit3A_144 : f32 to vector<256x256xf32>
    %select_n3A_146 = arith.select %eq3A_141, %tile3A_143, %broadcast_in_dim3A_145 : vector<256x256xi1>, vector<256x256xf32>
    %dot_general3A_147 = arith.constant dense<0.000000e+00> : vector<2500x256xf32>
    %dot_general3A_148 = tpu.matmul %select_n3A_73, %select_n3A_146, %dot_general3A_147 {dimension_numbers = #tpu.dot_dimension_numbers<[1], [0], [0], [1], [0, 0, 1, 1], [], []>, transpose_lhs_hint = false} : vector<2500x256xf32>, vector<256x256xf32>, vector<2500x256xf32> -> vector<2500x256xf32>
    %get3A_149 = arith.constant 0 : index
    %get3A_150 = arith.constant 0 : index
    %get3A_151 = vector.load %arg4[%get3A_149, %get3A_150] : memref<1x64xf32, #tpu.memory_space<vmem>>, vector<1x64xf32>
    %tile3A_152 = tpu.concatenate %get3A_151, %get3A_151, %get3A_151, %get3A_151 in 1 : vector<1x64xf32>, vector<1x64xf32>, vector<1x64xf32>, vector<1x64xf32> -> vector<1x256xf32>
    %add3A_153 = vector.broadcast %tile3A_152 : vector<1x256xf32> to vector<2500x256xf32>
    %add3A_154 = arith.addf %dot_general3A_148, %add3A_153 : vector<2500x256xf32>
    %ge3A_155 = arith.constant 0.000000e+00 : f32
    %ge3A_156 = vector.broadcast %ge3A_155 : f32 to vector<2500x256xf32>
    %ge3A_157 = arith.cmpf oge, %add3A_154, %ge3A_156 : vector<2500x256xf32>
    %mul3A_158 = arith.constant 0.00999999977 : f32
    %mul3A_159 = vector.broadcast %mul3A_158 : f32 to vector<2500x256xf32>
    %mul3A_160 = arith.mulf %mul3A_159, %add3A_154 : vector<2500x256xf32>
    %select_n3A_161 = arith.select %ge3A_157, %add3A_154, %mul3A_160 : vector<2500x256xi1>, vector<2500x256xf32>
    %get3A_162 = arith.constant 0 : index
    %get3A_163 = arith.constant 0 : index
    %get3A_164 = vector.load %arg5[%get3A_162, %get3A_163] : memref<64x32xf32, #tpu.memory_space<vmem>>, vector<64x32xf32>
    %iota3A_165 = tpu.iota {dimensions = array<i32: 0>} : vector<256x128xi32>
    %iota3A_166 = tpu.iota {dimensions = array<i32: 1>} : vector<256x128xi32>
    %jit3A_167 = arith.constant 64 : i32
    %div3A_168 = vector.broadcast %jit3A_167 : i32 to vector<256x128xi32>
    %div3A_169 = arith.divsi %iota3A_165, %div3A_168 : vector<256x128xi32>
    %sign3A_170 = arith.constant 0 : i32
    %sign3A_171 = vector.broadcast %sign3A_170 : i32 to vector<256x128xi32>
    %sign3A_172 = arith.cmpi sgt, %iota3A_165, %sign3A_171 : vector<256x128xi32>
    %sign3A_173 = arith.extui %sign3A_172 : vector<256x128xi1> to vector<256x128xi32>
    %sign3A_174 = arith.constant 0 : i32
    %sign3A_175 = vector.broadcast %sign3A_174 : i32 to vector<256x128xi32>
    %sign3A_176 = arith.cmpi slt, %iota3A_165, %sign3A_175 : vector<256x128xi32>
    %sign3A_177 = arith.extui %sign3A_176 : vector<256x128xi1> to vector<256x128xi32>
    %sign3A_178 = arith.subi %sign3A_173, %sign3A_177 : vector<256x128xi32>
    %sign3A_179 = arith.constant 0 : i32
    %sign3A_180 = arith.cmpi sgt, %jit3A_167, %sign3A_179 : i32
    %sign3A_181 = arith.extui %sign3A_180 : i1 to i32
    %sign3A_182 = arith.constant 0 : i32
    %sign3A_183 = arith.cmpi slt, %jit3A_167, %sign3A_182 : i32
    %sign3A_184 = arith.extui %sign3A_183 : i1 to i32
    %sign3A_185 = arith.subi %sign3A_181, %sign3A_184 : i32
    %ne3A_186 = vector.broadcast %sign3A_185 : i32 to vector<256x128xi32>
    %ne3A_187 = arith.cmpi ne, %sign3A_178, %ne3A_186 : vector<256x128xi32>
    %rem3A_188 = vector.broadcast %jit3A_167 : i32 to vector<256x128xi32>
    %rem3A_189 = arith.remsi %iota3A_165, %rem3A_188 : vector<256x128xi32>
    %ne3A_190 = arith.constant 0 : i32
    %ne3A_191 = vector.broadcast %ne3A_190 : i32 to vector<256x128xi32>
    %ne3A_192 = arith.cmpi ne, %rem3A_189, %ne3A_191 : vector<256x128xi32>
    %and3A_193 = arith.andi %ne3A_187, %ne3A_192 : vector<256x128xi1>
    %sub3A_194 = arith.constant 1 : i32
    %sub3A_195 = vector.broadcast %sub3A_194 : i32 to vector<256x128xi32>
    %sub3A_196 = arith.subi %div3A_169, %sub3A_195 : vector<256x128xi32>
    %select_n3A_197 = arith.select %and3A_193, %sub3A_196, %div3A_169 : vector<256x128xi1>, vector<256x128xi32>
    %jit3A_198 = arith.constant 32 : i32
    %div3A_199 = vector.broadcast %jit3A_198 : i32 to vector<256x128xi32>
    %div3A_200 = arith.divsi %iota3A_166, %div3A_199 : vector<256x128xi32>
    %sign3A_201 = arith.constant 0 : i32
    %sign3A_202 = vector.broadcast %sign3A_201 : i32 to vector<256x128xi32>
    %sign3A_203 = arith.cmpi sgt, %iota3A_166, %sign3A_202 : vector<256x128xi32>
    %sign3A_204 = arith.extui %sign3A_203 : vector<256x128xi1> to vector<256x128xi32>
    %sign3A_205 = arith.constant 0 : i32
    %sign3A_206 = vector.broadcast %sign3A_205 : i32 to vector<256x128xi32>
    %sign3A_207 = arith.cmpi slt, %iota3A_166, %sign3A_206 : vector<256x128xi32>
    %sign3A_208 = arith.extui %sign3A_207 : vector<256x128xi1> to vector<256x128xi32>
    %sign3A_209 = arith.subi %sign3A_204, %sign3A_208 : vector<256x128xi32>
    %sign3A_210 = arith.constant 0 : i32
    %sign3A_211 = arith.cmpi sgt, %jit3A_198, %sign3A_210 : i32
    %sign3A_212 = arith.extui %sign3A_211 : i1 to i32
    %sign3A_213 = arith.constant 0 : i32
    %sign3A_214 = arith.cmpi slt, %jit3A_198, %sign3A_213 : i32
    %sign3A_215 = arith.extui %sign3A_214 : i1 to i32
    %sign3A_216 = arith.subi %sign3A_212, %sign3A_215 : i32
    %ne3A_217 = vector.broadcast %sign3A_216 : i32 to vector<256x128xi32>
    %ne3A_218 = arith.cmpi ne, %sign3A_209, %ne3A_217 : vector<256x128xi32>
    %rem3A_219 = vector.broadcast %jit3A_198 : i32 to vector<256x128xi32>
    %rem3A_220 = arith.remsi %iota3A_166, %rem3A_219 : vector<256x128xi32>
    %ne3A_221 = arith.constant 0 : i32
    %ne3A_222 = vector.broadcast %ne3A_221 : i32 to vector<256x128xi32>
    %ne3A_223 = arith.cmpi ne, %rem3A_220, %ne3A_222 : vector<256x128xi32>
    %and3A_224 = arith.andi %ne3A_218, %ne3A_223 : vector<256x128xi1>
    %sub3A_225 = arith.constant 1 : i32
    %sub3A_226 = vector.broadcast %sub3A_225 : i32 to vector<256x128xi32>
    %sub3A_227 = arith.subi %div3A_200, %sub3A_226 : vector<256x128xi32>
    %select_n3A_228 = arith.select %and3A_224, %sub3A_227, %div3A_200 : vector<256x128xi1>, vector<256x128xi32>
    %eq3A_229 = arith.cmpi eq, %select_n3A_197, %select_n3A_228 : vector<256x128xi32>
    %tile3A_230 = tpu.concatenate %get3A_164, %get3A_164, %get3A_164, %get3A_164 in 0 : vector<64x32xf32>, vector<64x32xf32>, vector<64x32xf32>, vector<64x32xf32> -> vector<256x32xf32>
    %tile3A_231 = tpu.concatenate %tile3A_230, %tile3A_230, %tile3A_230, %tile3A_230 in 1 : vector<256x32xf32>, vector<256x32xf32>, vector<256x32xf32>, vector<256x32xf32> -> vector<256x128xf32>
    %jit3A_232 = arith.constant 0.000000e+00 : f32
    %broadcast_in_dim3A_233 = vector.broadcast %jit3A_232 : f32 to vector<256x128xf32>
    %select_n3A_234 = arith.select %eq3A_229, %tile3A_231, %broadcast_in_dim3A_233 : vector<256x128xi1>, vector<256x128xf32>
    %dot_general3A_235 = arith.constant dense<0.000000e+00> : vector<2500x128xf32>
    %dot_general3A_236 = tpu.matmul %select_n3A_161, %select_n3A_234, %dot_general3A_235 {dimension_numbers = #tpu.dot_dimension_numbers<[1], [0], [0], [1], [0, 0, 1, 1], [], []>, transpose_lhs_hint = false} : vector<2500x256xf32>, vector<256x128xf32>, vector<2500x128xf32> -> vector<2500x128xf32>
    %get3A_237 = arith.constant 0 : index
    %get3A_238 = arith.constant 0 : index
    %get3A_239 = vector.load %arg6[%get3A_237, %get3A_238] : memref<1x32xf32, #tpu.memory_space<vmem>>, vector<1x32xf32>
    %tile3A_240 = tpu.concatenate %get3A_239, %get3A_239, %get3A_239, %get3A_239 in 1 : vector<1x32xf32>, vector<1x32xf32>, vector<1x32xf32>, vector<1x32xf32> -> vector<1x128xf32>
    %add3A_241 = vector.broadcast %tile3A_240 : vector<1x128xf32> to vector<2500x128xf32>
    %add3A_242 = arith.addf %dot_general3A_236, %add3A_241 : vector<2500x128xf32>
    %get3A_243 = arith.constant 0 : index
    %get3A_244 = arith.constant 0 : index
    %get3A_245 = vector.load %arg7[%get3A_243, %get3A_244] : memref<1x32xf32, #tpu.memory_space<vmem>>, vector<1x32xf32>
    %tile3A_246 = tpu.concatenate %get3A_245, %get3A_245, %get3A_245, %get3A_245 in 1 : vector<1x32xf32>, vector<1x32xf32>, vector<1x32xf32>, vector<1x32xf32> -> vector<1x128xf32>
    %get3A_247 = arith.constant 0 : index
    %get3A_248 = arith.constant 0 : index
    %get3A_249 = vector.load %arg8[%get3A_247, %get3A_248] : memref<1x32xf32, #tpu.memory_space<vmem>>, vector<1x32xf32>
    %tile3A_250 = tpu.concatenate %get3A_249, %get3A_249, %get3A_249, %get3A_249 in 1 : vector<1x32xf32>, vector<1x32xf32>, vector<1x32xf32>, vector<1x32xf32> -> vector<1x128xf32>
    %iota3A_251 = tpu.iota {dimensions = array<i32: 0>} : vector<128x128xi32>
    %iota3A_252 = tpu.iota {dimensions = array<i32: 1>} : vector<128x128xi32>
    %jit3A_253 = arith.constant 32 : i32
    %div3A_254 = vector.broadcast %jit3A_253 : i32 to vector<128x128xi32>
    %div3A_255 = arith.divsi %iota3A_251, %div3A_254 : vector<128x128xi32>
    %sign3A_256 = arith.constant 0 : i32
    %sign3A_257 = vector.broadcast %sign3A_256 : i32 to vector<128x128xi32>
    %sign3A_258 = arith.cmpi sgt, %iota3A_251, %sign3A_257 : vector<128x128xi32>
    %sign3A_259 = arith.extui %sign3A_258 : vector<128x128xi1> to vector<128x128xi32>
    %sign3A_260 = arith.constant 0 : i32
    %sign3A_261 = vector.broadcast %sign3A_260 : i32 to vector<128x128xi32>
    %sign3A_262 = arith.cmpi slt, %iota3A_251, %sign3A_261 : vector<128x128xi32>
    %sign3A_263 = arith.extui %sign3A_262 : vector<128x128xi1> to vector<128x128xi32>
    %sign3A_264 = arith.subi %sign3A_259, %sign3A_263 : vector<128x128xi32>
    %sign3A_265 = arith.constant 0 : i32
    %sign3A_266 = arith.cmpi sgt, %jit3A_253, %sign3A_265 : i32
    %sign3A_267 = arith.extui %sign3A_266 : i1 to i32
    %sign3A_268 = arith.constant 0 : i32
    %sign3A_269 = arith.cmpi slt, %jit3A_253, %sign3A_268 : i32
    %sign3A_270 = arith.extui %sign3A_269 : i1 to i32
    %sign3A_271 = arith.subi %sign3A_267, %sign3A_270 : i32
    %ne3A_272 = vector.broadcast %sign3A_271 : i32 to vector<128x128xi32>
    %ne3A_273 = arith.cmpi ne, %sign3A_264, %ne3A_272 : vector<128x128xi32>
    %rem3A_274 = vector.broadcast %jit3A_253 : i32 to vector<128x128xi32>
    %rem3A_275 = arith.remsi %iota3A_251, %rem3A_274 : vector<128x128xi32>
    %ne3A_276 = arith.constant 0 : i32
    %ne3A_277 = vector.broadcast %ne3A_276 : i32 to vector<128x128xi32>
    %ne3A_278 = arith.cmpi ne, %rem3A_275, %ne3A_277 : vector<128x128xi32>
    %and3A_279 = arith.andi %ne3A_273, %ne3A_278 : vector<128x128xi1>
    %sub3A_280 = arith.constant 1 : i32
    %sub3A_281 = vector.broadcast %sub3A_280 : i32 to vector<128x128xi32>
    %sub3A_282 = arith.subi %div3A_255, %sub3A_281 : vector<128x128xi32>
    %select_n3A_283 = arith.select %and3A_279, %sub3A_282, %div3A_255 : vector<128x128xi1>, vector<128x128xi32>
    %jit3A_284 = arith.constant 32 : i32
    %div3A_285 = vector.broadcast %jit3A_284 : i32 to vector<128x128xi32>
    %div3A_286 = arith.divsi %iota3A_252, %div3A_285 : vector<128x128xi32>
    %sign3A_287 = arith.constant 0 : i32
    %sign3A_288 = vector.broadcast %sign3A_287 : i32 to vector<128x128xi32>
    %sign3A_289 = arith.cmpi sgt, %iota3A_252, %sign3A_288 : vector<128x128xi32>
    %sign3A_290 = arith.extui %sign3A_289 : vector<128x128xi1> to vector<128x128xi32>
    %sign3A_291 = arith.constant 0 : i32
    %sign3A_292 = vector.broadcast %sign3A_291 : i32 to vector<128x128xi32>
    %sign3A_293 = arith.cmpi slt, %iota3A_252, %sign3A_292 : vector<128x128xi32>
    %sign3A_294 = arith.extui %sign3A_293 : vector<128x128xi1> to vector<128x128xi32>
    %sign3A_295 = arith.subi %sign3A_290, %sign3A_294 : vector<128x128xi32>
    %sign3A_296 = arith.constant 0 : i32
    %sign3A_297 = arith.cmpi sgt, %jit3A_284, %sign3A_296 : i32
    %sign3A_298 = arith.extui %sign3A_297 : i1 to i32
    %sign3A_299 = arith.constant 0 : i32
    %sign3A_300 = arith.cmpi slt, %jit3A_284, %sign3A_299 : i32
    %sign3A_301 = arith.extui %sign3A_300 : i1 to i32
    %sign3A_302 = arith.subi %sign3A_298, %sign3A_301 : i32
    %ne3A_303 = vector.broadcast %sign3A_302 : i32 to vector<128x128xi32>
    %ne3A_304 = arith.cmpi ne, %sign3A_295, %ne3A_303 : vector<128x128xi32>
    %rem3A_305 = vector.broadcast %jit3A_284 : i32 to vector<128x128xi32>
    %rem3A_306 = arith.remsi %iota3A_252, %rem3A_305 : vector<128x128xi32>
    %ne3A_307 = arith.constant 0 : i32
    %ne3A_308 = vector.broadcast %ne3A_307 : i32 to vector<128x128xi32>
    %ne3A_309 = arith.cmpi ne, %rem3A_306, %ne3A_308 : vector<128x128xi32>
    %and3A_310 = arith.andi %ne3A_304, %ne3A_309 : vector<128x128xi1>
    %sub3A_311 = arith.constant 1 : i32
    %sub3A_312 = vector.broadcast %sub3A_311 : i32 to vector<128x128xi32>
    %sub3A_313 = arith.subi %div3A_286, %sub3A_312 : vector<128x128xi32>
    %select_n3A_314 = arith.select %and3A_310, %sub3A_313, %div3A_286 : vector<128x128xi1>, vector<128x128xi32>
    %eq3A_315 = arith.cmpi eq, %select_n3A_283, %select_n3A_314 : vector<128x128xi32>
    %jit3A_316 = arith.constant 3.125000e-02 : f32
    %jit3A_317 = arith.constant 0.000000e+00 : f32
    %broadcast_in_dim3A_318 = vector.broadcast %jit3A_316 : f32 to vector<128x128xf32>
    %broadcast_in_dim3A_319 = vector.broadcast %jit3A_317 : f32 to vector<128x128xf32>
    %select_n3A_320 = arith.select %eq3A_315, %broadcast_in_dim3A_318, %broadcast_in_dim3A_319 : vector<128x128xi1>, vector<128x128xf32>
    %dot_general3A_321 = arith.constant dense<0.000000e+00> : vector<2500x128xf32>
    %dot_general3A_322 = tpu.matmul %add3A_242, %select_n3A_320, %dot_general3A_321 {dimension_numbers = #tpu.dot_dimension_numbers<[1], [0], [0], [1], [0, 0, 1, 1], [], []>, precision = #tpu.contract_precision<fp32>, transpose_lhs_hint = false} : vector<2500x128xf32>, vector<128x128xf32>, vector<2500x128xf32> -> vector<2500x128xf32>
    %sub3A_323 = arith.subf %add3A_242, %dot_general3A_322 : vector<2500x128xf32>
    %mul3A_324 = arith.mulf %sub3A_323, %sub3A_323 : vector<2500x128xf32>
    %dot_general3A_325 = arith.constant dense<0.000000e+00> : vector<2500x128xf32>
    %dot_general3A_326 = tpu.matmul %mul3A_324, %select_n3A_320, %dot_general3A_325 {dimension_numbers = #tpu.dot_dimension_numbers<[1], [0], [0], [1], [0, 0, 1, 1], [], []>, precision = #tpu.contract_precision<fp32>, transpose_lhs_hint = false} : vector<2500x128xf32>, vector<128x128xf32>, vector<2500x128xf32> -> vector<2500x128xf32>
    %add3A_327 = arith.constant 9.99999974E-6 : f32
    %add3A_328 = vector.broadcast %add3A_327 : f32 to vector<2500x128xf32>
    %add3A_329 = arith.addf %dot_general3A_326, %add3A_328 : vector<2500x128xf32>
    %rsqrt3A = math.rsqrt %add3A_329 : vector<2500x128xf32>
    %mul3A_330 = arith.mulf %sub3A_323, %rsqrt3A : vector<2500x128xf32>
    %mul3A_331 = vector.broadcast %tile3A_246 : vector<1x128xf32> to vector<2500x128xf32>
    %mul3A_332 = arith.mulf %mul3A_330, %mul3A_331 : vector<2500x128xf32>
    %add3A_333 = vector.broadcast %tile3A_250 : vector<1x128xf32> to vector<2500x128xf32>
    %add3A_334 = arith.addf %mul3A_332, %add3A_333 : vector<2500x128xf32>
    %swap3A = arith.constant 0 : index
    %swap3A_335 = arith.constant 0 : index
    %swap3A_336 = vector.load %arg9[%swap3A, %swap3A_335] : memref<2500x128xf32, #tpu.memory_space<vmem>>, vector<2500x128xf32>
    tpu.vector_store %arg9[%swap3A, %swap3A_335], %add3A_334 {strides = array<i32>} : memref<2500x128xf32, #tpu.memory_space<vmem>>, vector<2500x128xf32>,
    return
  }
}

module attributes {stable_mosaic.version = 14 : i64} {
  func.func @body(%arg0: memref<2500x128xf32, #tpu.memory_space<vmem>>, %arg1: memref<2x2500x128xf32, #tpu.memory_space<vmem>>, %arg2: memref<2500x128xf32, #tpu.memory_space<vmem>>, %arg3: memref<32x64xf32, #tpu.memory_space<vmem>>, %arg4: memref<32x64xf32, #tpu.memory_space<vmem>>, %arg5: memref<1x64xf32, #tpu.memory_space<vmem>>, %arg6: memref<64x64xf32, #tpu.memory_space<vmem>>, %arg7: memref<1x64xf32, #tpu.memory_space<vmem>>, %arg8: memref<64x32xf32, #tpu.memory_space<vmem>>, %arg9: memref<1x32xf32, #tpu.memory_space<vmem>>, %arg10: memref<1x32xf32, #tpu.memory_space<vmem>>, %arg11: memref<1x32xf32, #tpu.memory_space<vmem>>, %arg12: memref<2500x128xf32, #tpu.memory_space<vmem>>) attributes {dimension_semantics = [], scalar_prefetch = 0 : i64, scratch_operands = 0 : i64, tpu.core_type = #tpu.core_type<tc>} {
    %get3A = arith.constant 0 : index
    %get3A_0 = arith.constant 0 : index
    %get3A_1 = vector.load %arg0[%get3A, %get3A_0] : memref<2500x128xf32, #tpu.memory_space<vmem>>, vector<2500x128xf32>
    %get3A_2 = arith.constant 0 : index
    %get3A_3 = arith.constant 0 : index
    %get3A_4 = arith.constant 0 : index
    %get3A_5 = vector.load %arg1[%get3A_2, %get3A_3, %get3A_4] : memref<2x2500x128xf32, #tpu.memory_space<vmem>>, vector<1x2500x128xf32>
    %get3A_6 = vector.shape_cast %get3A_5 : vector<1x2500x128xf32> to vector<2500x128xf32>
    %get3A_7 = arith.constant 1 : index
    %get3A_8 = arith.constant 0 : index
    %get3A_9 = arith.constant 0 : index
    %get3A_10 = vector.load %arg1[%get3A_7, %get3A_8, %get3A_9] : memref<2x2500x128xf32, #tpu.memory_space<vmem>>, vector<1x2500x128xf32>
    %get3A_11 = vector.shape_cast %get3A_10 : vector<1x2500x128xf32> to vector<2500x128xf32>
    %add3A = arith.addf %get3A_6, %get3A_11 : vector<2500x128xf32>
    %get3A_12 = arith.constant 0 : index
    %get3A_13 = arith.constant 0 : index
    %get3A_14 = vector.load %arg2[%get3A_12, %get3A_13] : memref<2500x128xf32, #tpu.memory_space<vmem>>, vector<2500x128xf32>
    %mul3A = arith.mulf %get3A_14, %get3A_1 : vector<2500x128xf32>
    %add3A_15 = arith.addf %add3A, %mul3A : vector<2500x128xf32>
    %get3A_16 = arith.constant 0 : index
    %get3A_17 = arith.constant 0 : index
    %get3A_18 = vector.load %arg3[%get3A_16, %get3A_17] : memref<32x64xf32, #tpu.memory_space<vmem>>, vector<32x64xf32>
    %iota3A = tpu.iota {dimensions = array<i32: 0>} : vector<128x256xi32>
    %iota3A_19 = tpu.iota {dimensions = array<i32: 1>} : vector<128x256xi32>
    %jit3A = arith.constant 32 : i32
    %div3A = vector.broadcast %jit3A : i32 to vector<128x256xi32>
    %div3A_20 = arith.divsi %iota3A, %div3A : vector<128x256xi32>
    %sign3A = arith.constant 0 : i32
    %sign3A_21 = vector.broadcast %sign3A : i32 to vector<128x256xi32>
    %sign3A_22 = arith.cmpi sgt, %iota3A, %sign3A_21 : vector<128x256xi32>
    %sign3A_23 = arith.extui %sign3A_22 : vector<128x256xi1> to vector<128x256xi32>
    %sign3A_24 = arith.constant 0 : i32
    %sign3A_25 = vector.broadcast %sign3A_24 : i32 to vector<128x256xi32>
    %sign3A_26 = arith.cmpi slt, %iota3A, %sign3A_25 : vector<128x256xi32>
    %sign3A_27 = arith.extui %sign3A_26 : vector<128x256xi1> to vector<128x256xi32>
    %sign3A_28 = arith.subi %sign3A_23, %sign3A_27 : vector<128x256xi32>
    %sign3A_29 = arith.constant 0 : i32
    %sign3A_30 = arith.cmpi sgt, %jit3A, %sign3A_29 : i32
    %sign3A_31 = arith.extui %sign3A_30 : i1 to i32
    %sign3A_32 = arith.constant 0 : i32
    %sign3A_33 = arith.cmpi slt, %jit3A, %sign3A_32 : i32
    %sign3A_34 = arith.extui %sign3A_33 : i1 to i32
    %sign3A_35 = arith.subi %sign3A_31, %sign3A_34 : i32
    %ne3A = vector.broadcast %sign3A_35 : i32 to vector<128x256xi32>
    %ne3A_36 = arith.cmpi ne, %sign3A_28, %ne3A : vector<128x256xi32>
    %rem3A = vector.broadcast %jit3A : i32 to vector<128x256xi32>
    %rem3A_37 = arith.remsi %iota3A, %rem3A : vector<128x256xi32>
    %ne3A_38 = arith.constant 0 : i32
    %ne3A_39 = vector.broadcast %ne3A_38 : i32 to vector<128x256xi32>
    %ne3A_40 = arith.cmpi ne, %rem3A_37, %ne3A_39 : vector<128x256xi32>
    %and3A = arith.andi %ne3A_36, %ne3A_40 : vector<128x256xi1>
    %sub3A = arith.constant 1 : i32
    %sub3A_41 = vector.broadcast %sub3A : i32 to vector<128x256xi32>
    %sub3A_42 = arith.subi %div3A_20, %sub3A_41 : vector<128x256xi32>
    %select_n3A = arith.select %and3A, %sub3A_42, %div3A_20 : vector<128x256xi1>, vector<128x256xi32>
    %jit3A_43 = arith.constant 64 : i32
    %div3A_44 = vector.broadcast %jit3A_43 : i32 to vector<128x256xi32>
    %div3A_45 = arith.divsi %iota3A_19, %div3A_44 : vector<128x256xi32>
    %sign3A_46 = arith.constant 0 : i32
    %sign3A_47 = vector.broadcast %sign3A_46 : i32 to vector<128x256xi32>
    %sign3A_48 = arith.cmpi sgt, %iota3A_19, %sign3A_47 : vector<128x256xi32>
    %sign3A_49 = arith.extui %sign3A_48 : vector<128x256xi1> to vector<128x256xi32>
    %sign3A_50 = arith.constant 0 : i32
    %sign3A_51 = vector.broadcast %sign3A_50 : i32 to vector<128x256xi32>
    %sign3A_52 = arith.cmpi slt, %iota3A_19, %sign3A_51 : vector<128x256xi32>
    %sign3A_53 = arith.extui %sign3A_52 : vector<128x256xi1> to vector<128x256xi32>
    %sign3A_54 = arith.subi %sign3A_49, %sign3A_53 : vector<128x256xi32>
    %sign3A_55 = arith.constant 0 : i32
    %sign3A_56 = arith.cmpi sgt, %jit3A_43, %sign3A_55 : i32
    %sign3A_57 = arith.extui %sign3A_56 : i1 to i32
    %sign3A_58 = arith.constant 0 : i32
    %sign3A_59 = arith.cmpi slt, %jit3A_43, %sign3A_58 : i32
    %sign3A_60 = arith.extui %sign3A_59 : i1 to i32
    %sign3A_61 = arith.subi %sign3A_57, %sign3A_60 : i32
    %ne3A_62 = vector.broadcast %sign3A_61 : i32 to vector<128x256xi32>
    %ne3A_63 = arith.cmpi ne, %sign3A_54, %ne3A_62 : vector<128x256xi32>
    %rem3A_64 = vector.broadcast %jit3A_43 : i32 to vector<128x256xi32>
    %rem3A_65 = arith.remsi %iota3A_19, %rem3A_64 : vector<128x256xi32>
    %ne3A_66 = arith.constant 0 : i32
    %ne3A_67 = vector.broadcast %ne3A_66 : i32 to vector<128x256xi32>
    %ne3A_68 = arith.cmpi ne, %rem3A_65, %ne3A_67 : vector<128x256xi32>
    %and3A_69 = arith.andi %ne3A_63, %ne3A_68 : vector<128x256xi1>
    %sub3A_70 = arith.constant 1 : i32
    %sub3A_71 = vector.broadcast %sub3A_70 : i32 to vector<128x256xi32>
    %sub3A_72 = arith.subi %div3A_45, %sub3A_71 : vector<128x256xi32>
    %select_n3A_73 = arith.select %and3A_69, %sub3A_72, %div3A_45 : vector<128x256xi1>, vector<128x256xi32>
    %eq3A = arith.cmpi eq, %select_n3A, %select_n3A_73 : vector<128x256xi32>
    %tile3A = tpu.concatenate %get3A_18, %get3A_18, %get3A_18, %get3A_18 in 0 : vector<32x64xf32>, vector<32x64xf32>, vector<32x64xf32>, vector<32x64xf32> -> vector<128x64xf32>
    %tile3A_74 = tpu.concatenate %tile3A, %tile3A, %tile3A, %tile3A in 1 : vector<128x64xf32>, vector<128x64xf32>, vector<128x64xf32>, vector<128x64xf32> -> vector<128x256xf32>
    %jit3A_75 = arith.constant 0.000000e+00 : f32
    %broadcast_in_dim3A = vector.broadcast %jit3A_75 : f32 to vector<128x256xf32>
    %select_n3A_76 = arith.select %eq3A, %tile3A_74, %broadcast_in_dim3A : vector<128x256xi1>, vector<128x256xf32>
    %dot_general3A = arith.constant dense<0.000000e+00> : vector<2500x256xf32>
    %dot_general3A_77 = tpu.matmul %get3A_1, %select_n3A_76, %dot_general3A {dimension_numbers = #tpu.dot_dimension_numbers<[1], [0], [0], [1], [0, 0, 1, 1], [], []>, transpose_lhs_hint = false} : vector<2500x128xf32>, vector<128x256xf32>, vector<2500x256xf32> -> vector<2500x256xf32>
    %get3A_78 = arith.constant 0 : index
    %get3A_79 = arith.constant 0 : index
    %get3A_80 = vector.load %arg4[%get3A_78, %get3A_79] : memref<32x64xf32, #tpu.memory_space<vmem>>, vector<32x64xf32>
    %iota3A_81 = tpu.iota {dimensions = array<i32: 0>} : vector<128x256xi32>
    %iota3A_82 = tpu.iota {dimensions = array<i32: 1>} : vector<128x256xi32>
    %jit3A_83 = arith.constant 32 : i32
    %div3A_84 = vector.broadcast %jit3A_83 : i32 to vector<128x256xi32>
    %div3A_85 = arith.divsi %iota3A_81, %div3A_84 : vector<128x256xi32>
    %sign3A_86 = arith.constant 0 : i32
    %sign3A_87 = vector.broadcast %sign3A_86 : i32 to vector<128x256xi32>
    %sign3A_88 = arith.cmpi sgt, %iota3A_81, %sign3A_87 : vector<128x256xi32>
    %sign3A_89 = arith.extui %sign3A_88 : vector<128x256xi1> to vector<128x256xi32>
    %sign3A_90 = arith.constant 0 : i32
    %sign3A_91 = vector.broadcast %sign3A_90 : i32 to vector<128x256xi32>
    %sign3A_92 = arith.cmpi slt, %iota3A_81, %sign3A_91 : vector<128x256xi32>
    %sign3A_93 = arith.extui %sign3A_92 : vector<128x256xi1> to vector<128x256xi32>
    %sign3A_94 = arith.subi %sign3A_89, %sign3A_93 : vector<128x256xi32>
    %sign3A_95 = arith.constant 0 : i32
    %sign3A_96 = arith.cmpi sgt, %jit3A_83, %sign3A_95 : i32
    %sign3A_97 = arith.extui %sign3A_96 : i1 to i32
    %sign3A_98 = arith.constant 0 : i32
    %sign3A_99 = arith.cmpi slt, %jit3A_83, %sign3A_98 : i32
    %sign3A_100 = arith.extui %sign3A_99 : i1 to i32
    %sign3A_101 = arith.subi %sign3A_97, %sign3A_100 : i32
    %ne3A_102 = vector.broadcast %sign3A_101 : i32 to vector<128x256xi32>
    %ne3A_103 = arith.cmpi ne, %sign3A_94, %ne3A_102 : vector<128x256xi32>
    %rem3A_104 = vector.broadcast %jit3A_83 : i32 to vector<128x256xi32>
    %rem3A_105 = arith.remsi %iota3A_81, %rem3A_104 : vector<128x256xi32>
    %ne3A_106 = arith.constant 0 : i32
    %ne3A_107 = vector.broadcast %ne3A_106 : i32 to vector<128x256xi32>
    %ne3A_108 = arith.cmpi ne, %rem3A_105, %ne3A_107 : vector<128x256xi32>
    %and3A_109 = arith.andi %ne3A_103, %ne3A_108 : vector<128x256xi1>
    %sub3A_110 = arith.constant 1 : i32
    %sub3A_111 = vector.broadcast %sub3A_110 : i32 to vector<128x256xi32>
    %sub3A_112 = arith.subi %div3A_85, %sub3A_111 : vector<128x256xi32>
    %select_n3A_113 = arith.select %and3A_109, %sub3A_112, %div3A_85 : vector<128x256xi1>, vector<128x256xi32>
    %jit3A_114 = arith.constant 64 : i32
    %div3A_115 = vector.broadcast %jit3A_114 : i32 to vector<128x256xi32>
    %div3A_116 = arith.divsi %iota3A_82, %div3A_115 : vector<128x256xi32>
    %sign3A_117 = arith.constant 0 : i32
    %sign3A_118 = vector.broadcast %sign3A_117 : i32 to vector<128x256xi32>
    %sign3A_119 = arith.cmpi sgt, %iota3A_82, %sign3A_118 : vector<128x256xi32>
    %sign3A_120 = arith.extui %sign3A_119 : vector<128x256xi1> to vector<128x256xi32>
    %sign3A_121 = arith.constant 0 : i32
    %sign3A_122 = vector.broadcast %sign3A_121 : i32 to vector<128x256xi32>
    %sign3A_123 = arith.cmpi slt, %iota3A_82, %sign3A_122 : vector<128x256xi32>
    %sign3A_124 = arith.extui %sign3A_123 : vector<128x256xi1> to vector<128x256xi32>
    %sign3A_125 = arith.subi %sign3A_120, %sign3A_124 : vector<128x256xi32>
    %sign3A_126 = arith.constant 0 : i32
    %sign3A_127 = arith.cmpi sgt, %jit3A_114, %sign3A_126 : i32
    %sign3A_128 = arith.extui %sign3A_127 : i1 to i32
    %sign3A_129 = arith.constant 0 : i32
    %sign3A_130 = arith.cmpi slt, %jit3A_114, %sign3A_129 : i32
    %sign3A_131 = arith.extui %sign3A_130 : i1 to i32
    %sign3A_132 = arith.subi %sign3A_128, %sign3A_131 : i32
    %ne3A_133 = vector.broadcast %sign3A_132 : i32 to vector<128x256xi32>
    %ne3A_134 = arith.cmpi ne, %sign3A_125, %ne3A_133 : vector<128x256xi32>
    %rem3A_135 = vector.broadcast %jit3A_114 : i32 to vector<128x256xi32>
    %rem3A_136 = arith.remsi %iota3A_82, %rem3A_135 : vector<128x256xi32>
    %ne3A_137 = arith.constant 0 : i32
    %ne3A_138 = vector.broadcast %ne3A_137 : i32 to vector<128x256xi32>
    %ne3A_139 = arith.cmpi ne, %rem3A_136, %ne3A_138 : vector<128x256xi32>
    %and3A_140 = arith.andi %ne3A_134, %ne3A_139 : vector<128x256xi1>
    %sub3A_141 = arith.constant 1 : i32
    %sub3A_142 = vector.broadcast %sub3A_141 : i32 to vector<128x256xi32>
    %sub3A_143 = arith.subi %div3A_116, %sub3A_142 : vector<128x256xi32>
    %select_n3A_144 = arith.select %and3A_140, %sub3A_143, %div3A_116 : vector<128x256xi1>, vector<128x256xi32>
    %eq3A_145 = arith.cmpi eq, %select_n3A_113, %select_n3A_144 : vector<128x256xi32>
    %tile3A_146 = tpu.concatenate %get3A_80, %get3A_80, %get3A_80, %get3A_80 in 0 : vector<32x64xf32>, vector<32x64xf32>, vector<32x64xf32>, vector<32x64xf32> -> vector<128x64xf32>
    %tile3A_147 = tpu.concatenate %tile3A_146, %tile3A_146, %tile3A_146, %tile3A_146 in 1 : vector<128x64xf32>, vector<128x64xf32>, vector<128x64xf32>, vector<128x64xf32> -> vector<128x256xf32>
    %jit3A_148 = arith.constant 0.000000e+00 : f32
    %broadcast_in_dim3A_149 = vector.broadcast %jit3A_148 : f32 to vector<128x256xf32>
    %select_n3A_150 = arith.select %eq3A_145, %tile3A_147, %broadcast_in_dim3A_149 : vector<128x256xi1>, vector<128x256xf32>
    %dot_general3A_151 = arith.constant dense<0.000000e+00> : vector<2500x256xf32>
    %dot_general3A_152 = tpu.matmul %add3A_15, %select_n3A_150, %dot_general3A_151 {dimension_numbers = #tpu.dot_dimension_numbers<[1], [0], [0], [1], [0, 0, 1, 1], [], []>, transpose_lhs_hint = false} : vector<2500x128xf32>, vector<128x256xf32>, vector<2500x256xf32> -> vector<2500x256xf32>
    %add3A_153 = arith.addf %dot_general3A_77, %dot_general3A_152 : vector<2500x256xf32>
    %get3A_154 = arith.constant 0 : index
    %get3A_155 = arith.constant 0 : index
    %get3A_156 = vector.load %arg5[%get3A_154, %get3A_155] : memref<1x64xf32, #tpu.memory_space<vmem>>, vector<1x64xf32>
    %tile3A_157 = tpu.concatenate %get3A_156, %get3A_156, %get3A_156, %get3A_156 in 1 : vector<1x64xf32>, vector<1x64xf32>, vector<1x64xf32>, vector<1x64xf32> -> vector<1x256xf32>
    %add3A_158 = vector.broadcast %tile3A_157 : vector<1x256xf32> to vector<2500x256xf32>
    %add3A_159 = arith.addf %add3A_153, %add3A_158 : vector<2500x256xf32>
    %ge3A = arith.constant 0.000000e+00 : f32
    %ge3A_160 = vector.broadcast %ge3A : f32 to vector<2500x256xf32>
    %ge3A_161 = arith.cmpf oge, %add3A_159, %ge3A_160 : vector<2500x256xf32>
    %mul3A_162 = arith.constant 0.00999999977 : f32
    %mul3A_163 = vector.broadcast %mul3A_162 : f32 to vector<2500x256xf32>
    %mul3A_164 = arith.mulf %mul3A_163, %add3A_159 : vector<2500x256xf32>
    %select_n3A_165 = arith.select %ge3A_161, %add3A_159, %mul3A_164 : vector<2500x256xi1>, vector<2500x256xf32>
    %get3A_166 = arith.constant 0 : index
    %get3A_167 = arith.constant 0 : index
    %get3A_168 = vector.load %arg6[%get3A_166, %get3A_167] : memref<64x64xf32, #tpu.memory_space<vmem>>, vector<64x64xf32>
    %iota3A_169 = tpu.iota {dimensions = array<i32: 0>} : vector<256x256xi32>
    %iota3A_170 = tpu.iota {dimensions = array<i32: 1>} : vector<256x256xi32>
    %jit3A_171 = arith.constant 64 : i32
    %div3A_172 = vector.broadcast %jit3A_171 : i32 to vector<256x256xi32>
    %div3A_173 = arith.divsi %iota3A_169, %div3A_172 : vector<256x256xi32>
    %sign3A_174 = arith.constant 0 : i32
    %sign3A_175 = vector.broadcast %sign3A_174 : i32 to vector<256x256xi32>
    %sign3A_176 = arith.cmpi sgt, %iota3A_169, %sign3A_175 : vector<256x256xi32>
    %sign3A_177 = arith.extui %sign3A_176 : vector<256x256xi1> to vector<256x256xi32>
    %sign3A_178 = arith.constant 0 : i32
    %sign3A_179 = vector.broadcast %sign3A_178 : i32 to vector<256x256xi32>
    %sign3A_180 = arith.cmpi slt, %iota3A_169, %sign3A_179 : vector<256x256xi32>
    %sign3A_181 = arith.extui %sign3A_180 : vector<256x256xi1> to vector<256x256xi32>
    %sign3A_182 = arith.subi %sign3A_177, %sign3A_181 : vector<256x256xi32>
    %sign3A_183 = arith.constant 0 : i32
    %sign3A_184 = arith.cmpi sgt, %jit3A_171, %sign3A_183 : i32
    %sign3A_185 = arith.extui %sign3A_184 : i1 to i32
    %sign3A_186 = arith.constant 0 : i32
    %sign3A_187 = arith.cmpi slt, %jit3A_171, %sign3A_186 : i32
    %sign3A_188 = arith.extui %sign3A_187 : i1 to i32
    %sign3A_189 = arith.subi %sign3A_185, %sign3A_188 : i32
    %ne3A_190 = vector.broadcast %sign3A_189 : i32 to vector<256x256xi32>
    %ne3A_191 = arith.cmpi ne, %sign3A_182, %ne3A_190 : vector<256x256xi32>
    %rem3A_192 = vector.broadcast %jit3A_171 : i32 to vector<256x256xi32>
    %rem3A_193 = arith.remsi %iota3A_169, %rem3A_192 : vector<256x256xi32>
    %ne3A_194 = arith.constant 0 : i32
    %ne3A_195 = vector.broadcast %ne3A_194 : i32 to vector<256x256xi32>
    %ne3A_196 = arith.cmpi ne, %rem3A_193, %ne3A_195 : vector<256x256xi32>
    %and3A_197 = arith.andi %ne3A_191, %ne3A_196 : vector<256x256xi1>
    %sub3A_198 = arith.constant 1 : i32
    %sub3A_199 = vector.broadcast %sub3A_198 : i32 to vector<256x256xi32>
    %sub3A_200 = arith.subi %div3A_173, %sub3A_199 : vector<256x256xi32>
    %select_n3A_201 = arith.select %and3A_197, %sub3A_200, %div3A_173 : vector<256x256xi1>, vector<256x256xi32>
    %jit3A_202 = arith.constant 64 : i32
    %div3A_203 = vector.broadcast %jit3A_202 : i32 to vector<256x256xi32>
    %div3A_204 = arith.divsi %iota3A_170, %div3A_203 : vector<256x256xi32>
    %sign3A_205 = arith.constant 0 : i32
    %sign3A_206 = vector.broadcast %sign3A_205 : i32 to vector<256x256xi32>
    %sign3A_207 = arith.cmpi sgt, %iota3A_170, %sign3A_206 : vector<256x256xi32>
    %sign3A_208 = arith.extui %sign3A_207 : vector<256x256xi1> to vector<256x256xi32>
    %sign3A_209 = arith.constant 0 : i32
    %sign3A_210 = vector.broadcast %sign3A_209 : i32 to vector<256x256xi32>
    %sign3A_211 = arith.cmpi slt, %iota3A_170, %sign3A_210 : vector<256x256xi32>
    %sign3A_212 = arith.extui %sign3A_211 : vector<256x256xi1> to vector<256x256xi32>
    %sign3A_213 = arith.subi %sign3A_208, %sign3A_212 : vector<256x256xi32>
    %sign3A_214 = arith.constant 0 : i32
    %sign3A_215 = arith.cmpi sgt, %jit3A_202, %sign3A_214 : i32
    %sign3A_216 = arith.extui %sign3A_215 : i1 to i32
    %sign3A_217 = arith.constant 0 : i32
    %sign3A_218 = arith.cmpi slt, %jit3A_202, %sign3A_217 : i32
    %sign3A_219 = arith.extui %sign3A_218 : i1 to i32
    %sign3A_220 = arith.subi %sign3A_216, %sign3A_219 : i32
    %ne3A_221 = vector.broadcast %sign3A_220 : i32 to vector<256x256xi32>
    %ne3A_222 = arith.cmpi ne, %sign3A_213, %ne3A_221 : vector<256x256xi32>
    %rem3A_223 = vector.broadcast %jit3A_202 : i32 to vector<256x256xi32>
    %rem3A_224 = arith.remsi %iota3A_170, %rem3A_223 : vector<256x256xi32>
    %ne3A_225 = arith.constant 0 : i32
    %ne3A_226 = vector.broadcast %ne3A_225 : i32 to vector<256x256xi32>
    %ne3A_227 = arith.cmpi ne, %rem3A_224, %ne3A_226 : vector<256x256xi32>
    %and3A_228 = arith.andi %ne3A_222, %ne3A_227 : vector<256x256xi1>
    %sub3A_229 = arith.constant 1 : i32
    %sub3A_230 = vector.broadcast %sub3A_229 : i32 to vector<256x256xi32>
    %sub3A_231 = arith.subi %div3A_204, %sub3A_230 : vector<256x256xi32>
    %select_n3A_232 = arith.select %and3A_228, %sub3A_231, %div3A_204 : vector<256x256xi1>, vector<256x256xi32>
    %eq3A_233 = arith.cmpi eq, %select_n3A_201, %select_n3A_232 : vector<256x256xi32>
    %tile3A_234 = tpu.concatenate %get3A_168, %get3A_168, %get3A_168, %get3A_168 in 0 : vector<64x64xf32>, vector<64x64xf32>, vector<64x64xf32>, vector<64x64xf32> -> vector<256x64xf32>
    %tile3A_235 = tpu.concatenate %tile3A_234, %tile3A_234, %tile3A_234, %tile3A_234 in 1 : vector<256x64xf32>, vector<256x64xf32>, vector<256x64xf32>, vector<256x64xf32> -> vector<256x256xf32>
    %jit3A_236 = arith.constant 0.000000e+00 : f32
    %broadcast_in_dim3A_237 = vector.broadcast %jit3A_236 : f32 to vector<256x256xf32>
    %select_n3A_238 = arith.select %eq3A_233, %tile3A_235, %broadcast_in_dim3A_237 : vector<256x256xi1>, vector<256x256xf32>
    %dot_general3A_239 = arith.constant dense<0.000000e+00> : vector<2500x256xf32>
    %dot_general3A_240 = tpu.matmul %select_n3A_165, %select_n3A_238, %dot_general3A_239 {dimension_numbers = #tpu.dot_dimension_numbers<[1], [0], [0], [1], [0, 0, 1, 1], [], []>, transpose_lhs_hint = false} : vector<2500x256xf32>, vector<256x256xf32>, vector<2500x256xf32> -> vector<2500x256xf32>
    %get3A_241 = arith.constant 0 : index
    %get3A_242 = arith.constant 0 : index
    %get3A_243 = vector.load %arg7[%get3A_241, %get3A_242] : memref<1x64xf32, #tpu.memory_space<vmem>>, vector<1x64xf32>
    %tile3A_244 = tpu.concatenate %get3A_243, %get3A_243, %get3A_243, %get3A_243 in 1 : vector<1x64xf32>, vector<1x64xf32>, vector<1x64xf32>, vector<1x64xf32> -> vector<1x256xf32>
    %add3A_245 = vector.broadcast %tile3A_244 : vector<1x256xf32> to vector<2500x256xf32>
    %add3A_246 = arith.addf %dot_general3A_240, %add3A_245 : vector<2500x256xf32>
    %ge3A_247 = arith.constant 0.000000e+00 : f32
    %ge3A_248 = vector.broadcast %ge3A_247 : f32 to vector<2500x256xf32>
    %ge3A_249 = arith.cmpf oge, %add3A_246, %ge3A_248 : vector<2500x256xf32>
    %mul3A_250 = arith.constant 0.00999999977 : f32
    %mul3A_251 = vector.broadcast %mul3A_250 : f32 to vector<2500x256xf32>
    %mul3A_252 = arith.mulf %mul3A_251, %add3A_246 : vector<2500x256xf32>
    %select_n3A_253 = arith.select %ge3A_249, %add3A_246, %mul3A_252 : vector<2500x256xi1>, vector<2500x256xf32>
    %get3A_254 = arith.constant 0 : index
    %get3A_255 = arith.constant 0 : index
    %get3A_256 = vector.load %arg8[%get3A_254, %get3A_255] : memref<64x32xf32, #tpu.memory_space<vmem>>, vector<64x32xf32>
    %iota3A_257 = tpu.iota {dimensions = array<i32: 0>} : vector<256x128xi32>
    %iota3A_258 = tpu.iota {dimensions = array<i32: 1>} : vector<256x128xi32>
    %jit3A_259 = arith.constant 64 : i32
    %div3A_260 = vector.broadcast %jit3A_259 : i32 to vector<256x128xi32>
    %div3A_261 = arith.divsi %iota3A_257, %div3A_260 : vector<256x128xi32>
    %sign3A_262 = arith.constant 0 : i32
    %sign3A_263 = vector.broadcast %sign3A_262 : i32 to vector<256x128xi32>
    %sign3A_264 = arith.cmpi sgt, %iota3A_257, %sign3A_263 : vector<256x128xi32>
    %sign3A_265 = arith.extui %sign3A_264 : vector<256x128xi1> to vector<256x128xi32>
    %sign3A_266 = arith.constant 0 : i32
    %sign3A_267 = vector.broadcast %sign3A_266 : i32 to vector<256x128xi32>
    %sign3A_268 = arith.cmpi slt, %iota3A_257, %sign3A_267 : vector<256x128xi32>
    %sign3A_269 = arith.extui %sign3A_268 : vector<256x128xi1> to vector<256x128xi32>
    %sign3A_270 = arith.subi %sign3A_265, %sign3A_269 : vector<256x128xi32>
    %sign3A_271 = arith.constant 0 : i32
    %sign3A_272 = arith.cmpi sgt, %jit3A_259, %sign3A_271 : i32
    %sign3A_273 = arith.extui %sign3A_272 : i1 to i32
    %sign3A_274 = arith.constant 0 : i32
    %sign3A_275 = arith.cmpi slt, %jit3A_259, %sign3A_274 : i32
    %sign3A_276 = arith.extui %sign3A_275 : i1 to i32
    %sign3A_277 = arith.subi %sign3A_273, %sign3A_276 : i32
    %ne3A_278 = vector.broadcast %sign3A_277 : i32 to vector<256x128xi32>
    %ne3A_279 = arith.cmpi ne, %sign3A_270, %ne3A_278 : vector<256x128xi32>
    %rem3A_280 = vector.broadcast %jit3A_259 : i32 to vector<256x128xi32>
    %rem3A_281 = arith.remsi %iota3A_257, %rem3A_280 : vector<256x128xi32>
    %ne3A_282 = arith.constant 0 : i32
    %ne3A_283 = vector.broadcast %ne3A_282 : i32 to vector<256x128xi32>
    %ne3A_284 = arith.cmpi ne, %rem3A_281, %ne3A_283 : vector<256x128xi32>
    %and3A_285 = arith.andi %ne3A_279, %ne3A_284 : vector<256x128xi1>
    %sub3A_286 = arith.constant 1 : i32
    %sub3A_287 = vector.broadcast %sub3A_286 : i32 to vector<256x128xi32>
    %sub3A_288 = arith.subi %div3A_261, %sub3A_287 : vector<256x128xi32>
    %select_n3A_289 = arith.select %and3A_285, %sub3A_288, %div3A_261 : vector<256x128xi1>, vector<256x128xi32>
    %jit3A_290 = arith.constant 32 : i32
    %div3A_291 = vector.broadcast %jit3A_290 : i32 to vector<256x128xi32>
    %div3A_292 = arith.divsi %iota3A_258, %div3A_291 : vector<256x128xi32>
    %sign3A_293 = arith.constant 0 : i32
    %sign3A_294 = vector.broadcast %sign3A_293 : i32 to vector<256x128xi32>
    %sign3A_295 = arith.cmpi sgt, %iota3A_258, %sign3A_294 : vector<256x128xi32>
    %sign3A_296 = arith.extui %sign3A_295 : vector<256x128xi1> to vector<256x128xi32>
    %sign3A_297 = arith.constant 0 : i32
    %sign3A_298 = vector.broadcast %sign3A_297 : i32 to vector<256x128xi32>
    %sign3A_299 = arith.cmpi slt, %iota3A_258, %sign3A_298 : vector<256x128xi32>
    %sign3A_300 = arith.extui %sign3A_299 : vector<256x128xi1> to vector<256x128xi32>
    %sign3A_301 = arith.subi %sign3A_296, %sign3A_300 : vector<256x128xi32>
    %sign3A_302 = arith.constant 0 : i32
    %sign3A_303 = arith.cmpi sgt, %jit3A_290, %sign3A_302 : i32
    %sign3A_304 = arith.extui %sign3A_303 : i1 to i32
    %sign3A_305 = arith.constant 0 : i32
    %sign3A_306 = arith.cmpi slt, %jit3A_290, %sign3A_305 : i32
    %sign3A_307 = arith.extui %sign3A_306 : i1 to i32
    %sign3A_308 = arith.subi %sign3A_304, %sign3A_307 : i32
    %ne3A_309 = vector.broadcast %sign3A_308 : i32 to vector<256x128xi32>
    %ne3A_310 = arith.cmpi ne, %sign3A_301, %ne3A_309 : vector<256x128xi32>
    %rem3A_311 = vector.broadcast %jit3A_290 : i32 to vector<256x128xi32>
    %rem3A_312 = arith.remsi %iota3A_258, %rem3A_311 : vector<256x128xi32>
    %ne3A_313 = arith.constant 0 : i32
    %ne3A_314 = vector.broadcast %ne3A_313 : i32 to vector<256x128xi32>
    %ne3A_315 = arith.cmpi ne, %rem3A_312, %ne3A_314 : vector<256x128xi32>
    %and3A_316 = arith.andi %ne3A_310, %ne3A_315 : vector<256x128xi1>
    %sub3A_317 = arith.constant 1 : i32
    %sub3A_318 = vector.broadcast %sub3A_317 : i32 to vector<256x128xi32>
    %sub3A_319 = arith.subi %div3A_292, %sub3A_318 : vector<256x128xi32>
    %select_n3A_320 = arith.select %and3A_316, %sub3A_319, %div3A_292 : vector<256x128xi1>, vector<256x128xi32>
    %eq3A_321 = arith.cmpi eq, %select_n3A_289, %select_n3A_320 : vector<256x128xi32>
    %tile3A_322 = tpu.concatenate %get3A_256, %get3A_256, %get3A_256, %get3A_256 in 0 : vector<64x32xf32>, vector<64x32xf32>, vector<64x32xf32>, vector<64x32xf32> -> vector<256x32xf32>
    %tile3A_323 = tpu.concatenate %tile3A_322, %tile3A_322, %tile3A_322, %tile3A_322 in 1 : vector<256x32xf32>, vector<256x32xf32>, vector<256x32xf32>, vector<256x32xf32> -> vector<256x128xf32>
    %jit3A_324 = arith.constant 0.000000e+00 : f32
    %broadcast_in_dim3A_325 = vector.broadcast %jit3A_324 : f32 to vector<256x128xf32>
    %select_n3A_326 = arith.select %eq3A_321, %tile3A_323, %broadcast_in_dim3A_325 : vector<256x128xi1>, vector<256x128xf32>
    %dot_general3A_327 = arith.constant dense<0.000000e+00> : vector<2500x128xf32>
    %dot_general3A_328 = tpu.matmul %select_n3A_253, %select_n3A_326, %dot_general3A_327 {dimension_numbers = #tpu.dot_dimension_numbers<[1], [0], [0], [1], [0, 0, 1, 1], [], []>, transpose_lhs_hint = false} : vector<2500x256xf32>, vector<256x128xf32>, vector<2500x128xf32> -> vector<2500x128xf32>
    %get3A_329 = arith.constant 0 : index
    %get3A_330 = arith.constant 0 : index
    %get3A_331 = vector.load %arg9[%get3A_329, %get3A_330] : memref<1x32xf32, #tpu.memory_space<vmem>>, vector<1x32xf32>
    %tile3A_332 = tpu.concatenate %get3A_331, %get3A_331, %get3A_331, %get3A_331 in 1 : vector<1x32xf32>, vector<1x32xf32>, vector<1x32xf32>, vector<1x32xf32> -> vector<1x128xf32>
    %add3A_333 = vector.broadcast %tile3A_332 : vector<1x128xf32> to vector<2500x128xf32>
    %add3A_334 = arith.addf %dot_general3A_328, %add3A_333 : vector<2500x128xf32>
    %get3A_335 = arith.constant 0 : index
    %get3A_336 = arith.constant 0 : index
    %get3A_337 = vector.load %arg10[%get3A_335, %get3A_336] : memref<1x32xf32, #tpu.memory_space<vmem>>, vector<1x32xf32>
    %tile3A_338 = tpu.concatenate %get3A_337, %get3A_337, %get3A_337, %get3A_337 in 1 : vector<1x32xf32>, vector<1x32xf32>, vector<1x32xf32>, vector<1x32xf32> -> vector<1x128xf32>
    %get3A_339 = arith.constant 0 : index
    %get3A_340 = arith.constant 0 : index
    %get3A_341 = vector.load %arg11[%get3A_339, %get3A_340] : memref<1x32xf32, #tpu.memory_space<vmem>>, vector<1x32xf32>
    %tile3A_342 = tpu.concatenate %get3A_341, %get3A_341, %get3A_341, %get3A_341 in 1 : vector<1x32xf32>, vector<1x32xf32>, vector<1x32xf32>, vector<1x32xf32> -> vector<1x128xf32>
    %iota3A_343 = tpu.iota {dimensions = array<i32: 0>} : vector<128x128xi32>
    %iota3A_344 = tpu.iota {dimensions = array<i32: 1>} : vector<128x128xi32>
    %jit3A_345 = arith.constant 32 : i32
    %div3A_346 = vector.broadcast %jit3A_345 : i32 to vector<128x128xi32>
    %div3A_347 = arith.divsi %iota3A_343, %div3A_346 : vector<128x128xi32>
    %sign3A_348 = arith.constant 0 : i32
    %sign3A_349 = vector.broadcast %sign3A_348 : i32 to vector<128x128xi32>
    %sign3A_350 = arith.cmpi sgt, %iota3A_343, %sign3A_349 : vector<128x128xi32>
    %sign3A_351 = arith.extui %sign3A_350 : vector<128x128xi1> to vector<128x128xi32>
    %sign3A_352 = arith.constant 0 : i32
    %sign3A_353 = vector.broadcast %sign3A_352 : i32 to vector<128x128xi32>
    %sign3A_354 = arith.cmpi slt, %iota3A_343, %sign3A_353 : vector<128x128xi32>
    %sign3A_355 = arith.extui %sign3A_354 : vector<128x128xi1> to vector<128x128xi32>
    %sign3A_356 = arith.subi %sign3A_351, %sign3A_355 : vector<128x128xi32>
    %sign3A_357 = arith.constant 0 : i32
    %sign3A_358 = arith.cmpi sgt, %jit3A_345, %sign3A_357 : i32
    %sign3A_359 = arith.extui %sign3A_358 : i1 to i32
    %sign3A_360 = arith.constant 0 : i32
    %sign3A_361 = arith.cmpi slt, %jit3A_345, %sign3A_360 : i32
    %sign3A_362 = arith.extui %sign3A_361 : i1 to i32
    %sign3A_363 = arith.subi %sign3A_359, %sign3A_362 : i32
    %ne3A_364 = vector.broadcast %sign3A_363 : i32 to vector<128x128xi32>
    %ne3A_365 = arith.cmpi ne, %sign3A_356, %ne3A_364 : vector<128x128xi32>
    %rem3A_366 = vector.broadcast %jit3A_345 : i32 to vector<128x128xi32>
    %rem3A_367 = arith.remsi %iota3A_343, %rem3A_366 : vector<128x128xi32>
    %ne3A_368 = arith.constant 0 : i32
    %ne3A_369 = vector.broadcast %ne3A_368 : i32 to vector<128x128xi32>
    %ne3A_370 = arith.cmpi ne, %rem3A_367, %ne3A_369 : vector<128x128xi32>
    %and3A_371 = arith.andi %ne3A_365, %ne3A_370 : vector<128x128xi1>
    %sub3A_372 = arith.constant 1 : i32
    %sub3A_373 = vector.broadcast %sub3A_372 : i32 to vector<128x128xi32>
    %sub3A_374 = arith.subi %div3A_347, %sub3A_373 : vector<128x128xi32>
    %select_n3A_375 = arith.select %and3A_371, %sub3A_374, %div3A_347 : vector<128x128xi1>, vector<128x128xi32>
    %jit3A_376 = arith.constant 32 : i32
    %div3A_377 = vector.broadcast %jit3A_376 : i32 to vector<128x128xi32>
    %div3A_378 = arith.divsi %iota3A_344, %div3A_377 : vector<128x128xi32>
    %sign3A_379 = arith.constant 0 : i32
    %sign3A_380 = vector.broadcast %sign3A_379 : i32 to vector<128x128xi32>
    %sign3A_381 = arith.cmpi sgt, %iota3A_344, %sign3A_380 : vector<128x128xi32>
    %sign3A_382 = arith.extui %sign3A_381 : vector<128x128xi1> to vector<128x128xi32>
    %sign3A_383 = arith.constant 0 : i32
    %sign3A_384 = vector.broadcast %sign3A_383 : i32 to vector<128x128xi32>
    %sign3A_385 = arith.cmpi slt, %iota3A_344, %sign3A_384 : vector<128x128xi32>
    %sign3A_386 = arith.extui %sign3A_385 : vector<128x128xi1> to vector<128x128xi32>
    %sign3A_387 = arith.subi %sign3A_382, %sign3A_386 : vector<128x128xi32>
    %sign3A_388 = arith.constant 0 : i32
    %sign3A_389 = arith.cmpi sgt, %jit3A_376, %sign3A_388 : i32
    %sign3A_390 = arith.extui %sign3A_389 : i1 to i32
    %sign3A_391 = arith.constant 0 : i32
    %sign3A_392 = arith.cmpi slt, %jit3A_376, %sign3A_391 : i32
    %sign3A_393 = arith.extui %sign3A_392 : i1 to i32
    %sign3A_394 = arith.subi %sign3A_390, %sign3A_393 : i32
    %ne3A_395 = vector.broadcast %sign3A_394 : i32 to vector<128x128xi32>
    %ne3A_396 = arith.cmpi ne, %sign3A_387, %ne3A_395 : vector<128x128xi32>
    %rem3A_397 = vector.broadcast %jit3A_376 : i32 to vector<128x128xi32>
    %rem3A_398 = arith.remsi %iota3A_344, %rem3A_397 : vector<128x128xi32>
    %ne3A_399 = arith.constant 0 : i32
    %ne3A_400 = vector.broadcast %ne3A_399 : i32 to vector<128x128xi32>
    %ne3A_401 = arith.cmpi ne, %rem3A_398, %ne3A_400 : vector<128x128xi32>
    %and3A_402 = arith.andi %ne3A_396, %ne3A_401 : vector<128x128xi1>
    %sub3A_403 = arith.constant 1 : i32
    %sub3A_404 = vector.broadcast %sub3A_403 : i32 to vector<128x128xi32>
    %sub3A_405 = arith.subi %div3A_378, %sub3A_404 : vector<128x128xi32>
    %select_n3A_406 = arith.select %and3A_402, %sub3A_405, %div3A_378 : vector<128x128xi1>, vector<128x128xi32>
    %eq3A_407 = arith.cmpi eq, %select_n3A_375, %select_n3A_406 : vector<128x128xi32>
    %jit3A_408 = arith.constant 3.125000e-02 : f32
    %jit3A_409 = arith.constant 0.000000e+00 : f32
    %broadcast_in_dim3A_410 = vector.broadcast %jit3A_408 : f32 to vector<128x128xf32>
    %broadcast_in_dim3A_411 = vector.broadcast %jit3A_409 : f32 to vector<128x128xf32>
    %select_n3A_412 = arith.select %eq3A_407, %broadcast_in_dim3A_410, %broadcast_in_dim3A_411 : vector<128x128xi1>, vector<128x128xf32>
    %dot_general3A_413 = arith.constant dense<0.000000e+00> : vector<2500x128xf32>
    %dot_general3A_414 = tpu.matmul %add3A_334, %select_n3A_412, %dot_general3A_413 {dimension_numbers = #tpu.dot_dimension_numbers<[1], [0], [0], [1], [0, 0, 1, 1], [], []>, precision = #tpu.contract_precision<fp32>, transpose_lhs_hint = false} : vector<2500x128xf32>, vector<128x128xf32>, vector<2500x128xf32> -> vector<2500x128xf32>
    %sub3A_415 = arith.subf %add3A_334, %dot_general3A_414 : vector<2500x128xf32>
    %mul3A_416 = arith.mulf %sub3A_415, %sub3A_415 : vector<2500x128xf32>
    %dot_general3A_417 = arith.constant dense<0.000000e+00> : vector<2500x128xf32>
    %dot_general3A_418 = tpu.matmul %mul3A_416, %select_n3A_412, %dot_general3A_417 {dimension_numbers = #tpu.dot_dimension_numbers<[1], [0], [0], [1], [0, 0, 1, 1], [], []>, precision = #tpu.contract_precision<fp32>, transpose_lhs_hint = false} : vector<2500x128xf32>, vector<128x128xf32>, vector<2500x128xf32> -> vector<2500x128xf32>
    %add3A_419 = arith.constant 9.99999974E-6 : f32
    %add3A_420 = vector.broadcast %add3A_419 : f32 to vector<2500x128xf32>
    %add3A_421 = arith.addf %dot_general3A_418, %add3A_420 : vector<2500x128xf32>
    %rsqrt3A = math.rsqrt %add3A_421 : vector<2500x128xf32>
    %mul3A_422 = arith.mulf %sub3A_415, %rsqrt3A : vector<2500x128xf32>
    %mul3A_423 = vector.broadcast %tile3A_338 : vector<1x128xf32> to vector<2500x128xf32>
    %mul3A_424 = arith.mulf %mul3A_422, %mul3A_423 : vector<2500x128xf32>
    %add3A_425 = vector.broadcast %tile3A_342 : vector<1x128xf32> to vector<2500x128xf32>
    %add3A_426 = arith.addf %mul3A_424, %add3A_425 : vector<2500x128xf32>
    %add3A_427 = arith.addf %add3A_426, %get3A_1 : vector<2500x128xf32>
    %swap3A = arith.constant 0 : index
    %swap3A_428 = arith.constant 0 : index
    %swap3A_429 = vector.load %arg12[%swap3A, %swap3A_428] : memref<2500x128xf32, #tpu.memory_space<vmem>>, vector<2500x128xf32>
    tpu.vector_store %arg12[%swap3A, %swap3A_428], %add3A_427 {strides = array<i32>} : memref<2500x128xf32, #tpu.memory_space<vmem>>, vector<2500x128xf32>,
    return
  }
}

module attributes {stable_mosaic.version = 14 : i64} {
  func.func @body(%arg0: memref<2500x128xf32, #tpu.memory_space<vmem>>, %arg1: memref<32x64xf32, #tpu.memory_space<vmem>>, %arg2: memref<1x64xf32, #tpu.memory_space<vmem>>, %arg3: memref<64x64xf32, #tpu.memory_space<vmem>>, %arg4: memref<1x64xf32, #tpu.memory_space<vmem>>, %arg5: memref<64x8xf32, #tpu.memory_space<vmem>>, %arg6: memref<1x8xf32, #tpu.memory_space<vmem>>, %arg7: memref<2500x32xf32, #tpu.memory_space<vmem>>) attributes {dimension_semantics = [], scalar_prefetch = 0 : i64, scratch_operands = 0 : i64, tpu.core_type = #tpu.core_type<tc>} {
    %get3A = arith.constant 0 : index
    %get3A_0 = arith.constant 0 : index
    %get3A_1 = vector.load %arg0[%get3A, %get3A_0] : memref<2500x128xf32, #tpu.memory_space<vmem>>, vector<2500x128xf32>
    %get3A_2 = arith.constant 0 : index
    %get3A_3 = arith.constant 0 : index
    %get3A_4 = vector.load %arg1[%get3A_2, %get3A_3] : memref<32x64xf32, #tpu.memory_space<vmem>>, vector<32x64xf32>
    %iota3A = tpu.iota {dimensions = array<i32: 0>} : vector<128x256xi32>
    %iota3A_5 = tpu.iota {dimensions = array<i32: 1>} : vector<128x256xi32>
    %jit3A = arith.constant 32 : i32
    %div3A = vector.broadcast %jit3A : i32 to vector<128x256xi32>
    %div3A_6 = arith.divsi %iota3A, %div3A : vector<128x256xi32>
    %sign3A = arith.constant 0 : i32
    %sign3A_7 = vector.broadcast %sign3A : i32 to vector<128x256xi32>
    %sign3A_8 = arith.cmpi sgt, %iota3A, %sign3A_7 : vector<128x256xi32>
    %sign3A_9 = arith.extui %sign3A_8 : vector<128x256xi1> to vector<128x256xi32>
    %sign3A_10 = arith.constant 0 : i32
    %sign3A_11 = vector.broadcast %sign3A_10 : i32 to vector<128x256xi32>
    %sign3A_12 = arith.cmpi slt, %iota3A, %sign3A_11 : vector<128x256xi32>
    %sign3A_13 = arith.extui %sign3A_12 : vector<128x256xi1> to vector<128x256xi32>
    %sign3A_14 = arith.subi %sign3A_9, %sign3A_13 : vector<128x256xi32>
    %sign3A_15 = arith.constant 0 : i32
    %sign3A_16 = arith.cmpi sgt, %jit3A, %sign3A_15 : i32
    %sign3A_17 = arith.extui %sign3A_16 : i1 to i32
    %sign3A_18 = arith.constant 0 : i32
    %sign3A_19 = arith.cmpi slt, %jit3A, %sign3A_18 : i32
    %sign3A_20 = arith.extui %sign3A_19 : i1 to i32
    %sign3A_21 = arith.subi %sign3A_17, %sign3A_20 : i32
    %ne3A = vector.broadcast %sign3A_21 : i32 to vector<128x256xi32>
    %ne3A_22 = arith.cmpi ne, %sign3A_14, %ne3A : vector<128x256xi32>
    %rem3A = vector.broadcast %jit3A : i32 to vector<128x256xi32>
    %rem3A_23 = arith.remsi %iota3A, %rem3A : vector<128x256xi32>
    %ne3A_24 = arith.constant 0 : i32
    %ne3A_25 = vector.broadcast %ne3A_24 : i32 to vector<128x256xi32>
    %ne3A_26 = arith.cmpi ne, %rem3A_23, %ne3A_25 : vector<128x256xi32>
    %and3A = arith.andi %ne3A_22, %ne3A_26 : vector<128x256xi1>
    %sub3A = arith.constant 1 : i32
    %sub3A_27 = vector.broadcast %sub3A : i32 to vector<128x256xi32>
    %sub3A_28 = arith.subi %div3A_6, %sub3A_27 : vector<128x256xi32>
    %select_n3A = arith.select %and3A, %sub3A_28, %div3A_6 : vector<128x256xi1>, vector<128x256xi32>
    %jit3A_29 = arith.constant 64 : i32
    %div3A_30 = vector.broadcast %jit3A_29 : i32 to vector<128x256xi32>
    %div3A_31 = arith.divsi %iota3A_5, %div3A_30 : vector<128x256xi32>
    %sign3A_32 = arith.constant 0 : i32
    %sign3A_33 = vector.broadcast %sign3A_32 : i32 to vector<128x256xi32>
    %sign3A_34 = arith.cmpi sgt, %iota3A_5, %sign3A_33 : vector<128x256xi32>
    %sign3A_35 = arith.extui %sign3A_34 : vector<128x256xi1> to vector<128x256xi32>
    %sign3A_36 = arith.constant 0 : i32
    %sign3A_37 = vector.broadcast %sign3A_36 : i32 to vector<128x256xi32>
    %sign3A_38 = arith.cmpi slt, %iota3A_5, %sign3A_37 : vector<128x256xi32>
    %sign3A_39 = arith.extui %sign3A_38 : vector<128x256xi1> to vector<128x256xi32>
    %sign3A_40 = arith.subi %sign3A_35, %sign3A_39 : vector<128x256xi32>
    %sign3A_41 = arith.constant 0 : i32
    %sign3A_42 = arith.cmpi sgt, %jit3A_29, %sign3A_41 : i32
    %sign3A_43 = arith.extui %sign3A_42 : i1 to i32
    %sign3A_44 = arith.constant 0 : i32
    %sign3A_45 = arith.cmpi slt, %jit3A_29, %sign3A_44 : i32
    %sign3A_46 = arith.extui %sign3A_45 : i1 to i32
    %sign3A_47 = arith.subi %sign3A_43, %sign3A_46 : i32
    %ne3A_48 = vector.broadcast %sign3A_47 : i32 to vector<128x256xi32>
    %ne3A_49 = arith.cmpi ne, %sign3A_40, %ne3A_48 : vector<128x256xi32>
    %rem3A_50 = vector.broadcast %jit3A_29 : i32 to vector<128x256xi32>
    %rem3A_51 = arith.remsi %iota3A_5, %rem3A_50 : vector<128x256xi32>
    %ne3A_52 = arith.constant 0 : i32
    %ne3A_53 = vector.broadcast %ne3A_52 : i32 to vector<128x256xi32>
    %ne3A_54 = arith.cmpi ne, %rem3A_51, %ne3A_53 : vector<128x256xi32>
    %and3A_55 = arith.andi %ne3A_49, %ne3A_54 : vector<128x256xi1>
    %sub3A_56 = arith.constant 1 : i32
    %sub3A_57 = vector.broadcast %sub3A_56 : i32 to vector<128x256xi32>
    %sub3A_58 = arith.subi %div3A_31, %sub3A_57 : vector<128x256xi32>
    %select_n3A_59 = arith.select %and3A_55, %sub3A_58, %div3A_31 : vector<128x256xi1>, vector<128x256xi32>
    %eq3A = arith.cmpi eq, %select_n3A, %select_n3A_59 : vector<128x256xi32>
    %tile3A = tpu.concatenate %get3A_4, %get3A_4, %get3A_4, %get3A_4 in 0 : vector<32x64xf32>, vector<32x64xf32>, vector<32x64xf32>, vector<32x64xf32> -> vector<128x64xf32>
    %tile3A_60 = tpu.concatenate %tile3A, %tile3A, %tile3A, %tile3A in 1 : vector<128x64xf32>, vector<128x64xf32>, vector<128x64xf32>, vector<128x64xf32> -> vector<128x256xf32>
    %jit3A_61 = arith.constant 0.000000e+00 : f32
    %broadcast_in_dim3A = vector.broadcast %jit3A_61 : f32 to vector<128x256xf32>
    %select_n3A_62 = arith.select %eq3A, %tile3A_60, %broadcast_in_dim3A : vector<128x256xi1>, vector<128x256xf32>
    %dot_general3A = arith.constant dense<0.000000e+00> : vector<2500x256xf32>
    %dot_general3A_63 = tpu.matmul %get3A_1, %select_n3A_62, %dot_general3A {dimension_numbers = #tpu.dot_dimension_numbers<[1], [0], [0], [1], [0, 0, 1, 1], [], []>, transpose_lhs_hint = false} : vector<2500x128xf32>, vector<128x256xf32>, vector<2500x256xf32> -> vector<2500x256xf32>
    %get3A_64 = arith.constant 0 : index
    %get3A_65 = arith.constant 0 : index
    %get3A_66 = vector.load %arg2[%get3A_64, %get3A_65] : memref<1x64xf32, #tpu.memory_space<vmem>>, vector<1x64xf32>
    %tile3A_67 = tpu.concatenate %get3A_66, %get3A_66, %get3A_66, %get3A_66 in 1 : vector<1x64xf32>, vector<1x64xf32>, vector<1x64xf32>, vector<1x64xf32> -> vector<1x256xf32>
    %add3A = vector.broadcast %tile3A_67 : vector<1x256xf32> to vector<2500x256xf32>
    %add3A_68 = arith.addf %dot_general3A_63, %add3A : vector<2500x256xf32>
    %ge3A = arith.constant 0.000000e+00 : f32
    %ge3A_69 = vector.broadcast %ge3A : f32 to vector<2500x256xf32>
    %ge3A_70 = arith.cmpf oge, %add3A_68, %ge3A_69 : vector<2500x256xf32>
    %mul3A = arith.constant 0.00999999977 : f32
    %mul3A_71 = vector.broadcast %mul3A : f32 to vector<2500x256xf32>
    %mul3A_72 = arith.mulf %mul3A_71, %add3A_68 : vector<2500x256xf32>
    %select_n3A_73 = arith.select %ge3A_70, %add3A_68, %mul3A_72 : vector<2500x256xi1>, vector<2500x256xf32>
    %get3A_74 = arith.constant 0 : index
    %get3A_75 = arith.constant 0 : index
    %get3A_76 = vector.load %arg3[%get3A_74, %get3A_75] : memref<64x64xf32, #tpu.memory_space<vmem>>, vector<64x64xf32>
    %iota3A_77 = tpu.iota {dimensions = array<i32: 0>} : vector<256x256xi32>
    %iota3A_78 = tpu.iota {dimensions = array<i32: 1>} : vector<256x256xi32>
    %jit3A_79 = arith.constant 64 : i32
    %div3A_80 = vector.broadcast %jit3A_79 : i32 to vector<256x256xi32>
    %div3A_81 = arith.divsi %iota3A_77, %div3A_80 : vector<256x256xi32>
    %sign3A_82 = arith.constant 0 : i32
    %sign3A_83 = vector.broadcast %sign3A_82 : i32 to vector<256x256xi32>
    %sign3A_84 = arith.cmpi sgt, %iota3A_77, %sign3A_83 : vector<256x256xi32>
    %sign3A_85 = arith.extui %sign3A_84 : vector<256x256xi1> to vector<256x256xi32>
    %sign3A_86 = arith.constant 0 : i32
    %sign3A_87 = vector.broadcast %sign3A_86 : i32 to vector<256x256xi32>
    %sign3A_88 = arith.cmpi slt, %iota3A_77, %sign3A_87 : vector<256x256xi32>
    %sign3A_89 = arith.extui %sign3A_88 : vector<256x256xi1> to vector<256x256xi32>
    %sign3A_90 = arith.subi %sign3A_85, %sign3A_89 : vector<256x256xi32>
    %sign3A_91 = arith.constant 0 : i32
    %sign3A_92 = arith.cmpi sgt, %jit3A_79, %sign3A_91 : i32
    %sign3A_93 = arith.extui %sign3A_92 : i1 to i32
    %sign3A_94 = arith.constant 0 : i32
    %sign3A_95 = arith.cmpi slt, %jit3A_79, %sign3A_94 : i32
    %sign3A_96 = arith.extui %sign3A_95 : i1 to i32
    %sign3A_97 = arith.subi %sign3A_93, %sign3A_96 : i32
    %ne3A_98 = vector.broadcast %sign3A_97 : i32 to vector<256x256xi32>
    %ne3A_99 = arith.cmpi ne, %sign3A_90, %ne3A_98 : vector<256x256xi32>
    %rem3A_100 = vector.broadcast %jit3A_79 : i32 to vector<256x256xi32>
    %rem3A_101 = arith.remsi %iota3A_77, %rem3A_100 : vector<256x256xi32>
    %ne3A_102 = arith.constant 0 : i32
    %ne3A_103 = vector.broadcast %ne3A_102 : i32 to vector<256x256xi32>
    %ne3A_104 = arith.cmpi ne, %rem3A_101, %ne3A_103 : vector<256x256xi32>
    %and3A_105 = arith.andi %ne3A_99, %ne3A_104 : vector<256x256xi1>
    %sub3A_106 = arith.constant 1 : i32
    %sub3A_107 = vector.broadcast %sub3A_106 : i32 to vector<256x256xi32>
    %sub3A_108 = arith.subi %div3A_81, %sub3A_107 : vector<256x256xi32>
    %select_n3A_109 = arith.select %and3A_105, %sub3A_108, %div3A_81 : vector<256x256xi1>, vector<256x256xi32>
    %jit3A_110 = arith.constant 64 : i32
    %div3A_111 = vector.broadcast %jit3A_110 : i32 to vector<256x256xi32>
    %div3A_112 = arith.divsi %iota3A_78, %div3A_111 : vector<256x256xi32>
    %sign3A_113 = arith.constant 0 : i32
    %sign3A_114 = vector.broadcast %sign3A_113 : i32 to vector<256x256xi32>
    %sign3A_115 = arith.cmpi sgt, %iota3A_78, %sign3A_114 : vector<256x256xi32>
    %sign3A_116 = arith.extui %sign3A_115 : vector<256x256xi1> to vector<256x256xi32>
    %sign3A_117 = arith.constant 0 : i32
    %sign3A_118 = vector.broadcast %sign3A_117 : i32 to vector<256x256xi32>
    %sign3A_119 = arith.cmpi slt, %iota3A_78, %sign3A_118 : vector<256x256xi32>
    %sign3A_120 = arith.extui %sign3A_119 : vector<256x256xi1> to vector<256x256xi32>
    %sign3A_121 = arith.subi %sign3A_116, %sign3A_120 : vector<256x256xi32>
    %sign3A_122 = arith.constant 0 : i32
    %sign3A_123 = arith.cmpi sgt, %jit3A_110, %sign3A_122 : i32
    %sign3A_124 = arith.extui %sign3A_123 : i1 to i32
    %sign3A_125 = arith.constant 0 : i32
    %sign3A_126 = arith.cmpi slt, %jit3A_110, %sign3A_125 : i32
    %sign3A_127 = arith.extui %sign3A_126 : i1 to i32
    %sign3A_128 = arith.subi %sign3A_124, %sign3A_127 : i32
    %ne3A_129 = vector.broadcast %sign3A_128 : i32 to vector<256x256xi32>
    %ne3A_130 = arith.cmpi ne, %sign3A_121, %ne3A_129 : vector<256x256xi32>
    %rem3A_131 = vector.broadcast %jit3A_110 : i32 to vector<256x256xi32>
    %rem3A_132 = arith.remsi %iota3A_78, %rem3A_131 : vector<256x256xi32>
    %ne3A_133 = arith.constant 0 : i32
    %ne3A_134 = vector.broadcast %ne3A_133 : i32 to vector<256x256xi32>
    %ne3A_135 = arith.cmpi ne, %rem3A_132, %ne3A_134 : vector<256x256xi32>
    %and3A_136 = arith.andi %ne3A_130, %ne3A_135 : vector<256x256xi1>
    %sub3A_137 = arith.constant 1 : i32
    %sub3A_138 = vector.broadcast %sub3A_137 : i32 to vector<256x256xi32>
    %sub3A_139 = arith.subi %div3A_112, %sub3A_138 : vector<256x256xi32>
    %select_n3A_140 = arith.select %and3A_136, %sub3A_139, %div3A_112 : vector<256x256xi1>, vector<256x256xi32>
    %eq3A_141 = arith.cmpi eq, %select_n3A_109, %select_n3A_140 : vector<256x256xi32>
    %tile3A_142 = tpu.concatenate %get3A_76, %get3A_76, %get3A_76, %get3A_76 in 0 : vector<64x64xf32>, vector<64x64xf32>, vector<64x64xf32>, vector<64x64xf32> -> vector<256x64xf32>
    %tile3A_143 = tpu.concatenate %tile3A_142, %tile3A_142, %tile3A_142, %tile3A_142 in 1 : vector<256x64xf32>, vector<256x64xf32>, vector<256x64xf32>, vector<256x64xf32> -> vector<256x256xf32>
    %jit3A_144 = arith.constant 0.000000e+00 : f32
    %broadcast_in_dim3A_145 = vector.broadcast %jit3A_144 : f32 to vector<256x256xf32>
    %select_n3A_146 = arith.select %eq3A_141, %tile3A_143, %broadcast_in_dim3A_145 : vector<256x256xi1>, vector<256x256xf32>
    %dot_general3A_147 = arith.constant dense<0.000000e+00> : vector<2500x256xf32>
    %dot_general3A_148 = tpu.matmul %select_n3A_73, %select_n3A_146, %dot_general3A_147 {dimension_numbers = #tpu.dot_dimension_numbers<[1], [0], [0], [1], [0, 0, 1, 1], [], []>, transpose_lhs_hint = false} : vector<2500x256xf32>, vector<256x256xf32>, vector<2500x256xf32> -> vector<2500x256xf32>
    %get3A_149 = arith.constant 0 : index
    %get3A_150 = arith.constant 0 : index
    %get3A_151 = vector.load %arg4[%get3A_149, %get3A_150] : memref<1x64xf32, #tpu.memory_space<vmem>>, vector<1x64xf32>
    %tile3A_152 = tpu.concatenate %get3A_151, %get3A_151, %get3A_151, %get3A_151 in 1 : vector<1x64xf32>, vector<1x64xf32>, vector<1x64xf32>, vector<1x64xf32> -> vector<1x256xf32>
    %add3A_153 = vector.broadcast %tile3A_152 : vector<1x256xf32> to vector<2500x256xf32>
    %add3A_154 = arith.addf %dot_general3A_148, %add3A_153 : vector<2500x256xf32>
    %ge3A_155 = arith.constant 0.000000e+00 : f32
    %ge3A_156 = vector.broadcast %ge3A_155 : f32 to vector<2500x256xf32>
    %ge3A_157 = arith.cmpf oge, %add3A_154, %ge3A_156 : vector<2500x256xf32>
    %mul3A_158 = arith.constant 0.00999999977 : f32
    %mul3A_159 = vector.broadcast %mul3A_158 : f32 to vector<2500x256xf32>
    %mul3A_160 = arith.mulf %mul3A_159, %add3A_154 : vector<2500x256xf32>
    %select_n3A_161 = arith.select %ge3A_157, %add3A_154, %mul3A_160 : vector<2500x256xi1>, vector<2500x256xf32>
    %get3A_162 = arith.constant 0 : index
    %get3A_163 = arith.constant 0 : index
    %get3A_164 = vector.load %arg5[%get3A_162, %get3A_163] : memref<64x8xf32, #tpu.memory_space<vmem>>, vector<64x8xf32>
    %iota3A_165 = tpu.iota {dimensions = array<i32: 0>} : vector<256x32xi32>
    %iota3A_166 = tpu.iota {dimensions = array<i32: 1>} : vector<256x32xi32>
    %jit3A_167 = arith.constant 64 : i32
    %div3A_168 = vector.broadcast %jit3A_167 : i32 to vector<256x32xi32>
    %div3A_169 = arith.divsi %iota3A_165, %div3A_168 : vector<256x32xi32>
    %sign3A_170 = arith.constant 0 : i32
    %sign3A_171 = vector.broadcast %sign3A_170 : i32 to vector<256x32xi32>
    %sign3A_172 = arith.cmpi sgt, %iota3A_165, %sign3A_171 : vector<256x32xi32>
    %sign3A_173 = arith.extui %sign3A_172 : vector<256x32xi1> to vector<256x32xi32>
    %sign3A_174 = arith.constant 0 : i32
    %sign3A_175 = vector.broadcast %sign3A_174 : i32 to vector<256x32xi32>
    %sign3A_176 = arith.cmpi slt, %iota3A_165, %sign3A_175 : vector<256x32xi32>
    %sign3A_177 = arith.extui %sign3A_176 : vector<256x32xi1> to vector<256x32xi32>
    %sign3A_178 = arith.subi %sign3A_173, %sign3A_177 : vector<256x32xi32>
    %sign3A_179 = arith.constant 0 : i32
    %sign3A_180 = arith.cmpi sgt, %jit3A_167, %sign3A_179 : i32
    %sign3A_181 = arith.extui %sign3A_180 : i1 to i32
    %sign3A_182 = arith.constant 0 : i32
    %sign3A_183 = arith.cmpi slt, %jit3A_167, %sign3A_182 : i32
    %sign3A_184 = arith.extui %sign3A_183 : i1 to i32
    %sign3A_185 = arith.subi %sign3A_181, %sign3A_184 : i32
    %ne3A_186 = vector.broadcast %sign3A_185 : i32 to vector<256x32xi32>
    %ne3A_187 = arith.cmpi ne, %sign3A_178, %ne3A_186 : vector<256x32xi32>
    %rem3A_188 = vector.broadcast %jit3A_167 : i32 to vector<256x32xi32>
    %rem3A_189 = arith.remsi %iota3A_165, %rem3A_188 : vector<256x32xi32>
    %ne3A_190 = arith.constant 0 : i32
    %ne3A_191 = vector.broadcast %ne3A_190 : i32 to vector<256x32xi32>
    %ne3A_192 = arith.cmpi ne, %rem3A_189, %ne3A_191 : vector<256x32xi32>
    %and3A_193 = arith.andi %ne3A_187, %ne3A_192 : vector<256x32xi1>
    %sub3A_194 = arith.constant 1 : i32
    %sub3A_195 = vector.broadcast %sub3A_194 : i32 to vector<256x32xi32>
    %sub3A_196 = arith.subi %div3A_169, %sub3A_195 : vector<256x32xi32>
    %select_n3A_197 = arith.select %and3A_193, %sub3A_196, %div3A_169 : vector<256x32xi1>, vector<256x32xi32>
    %jit3A_198 = arith.constant 8 : i32
    %div3A_199 = vector.broadcast %jit3A_198 : i32 to vector<256x32xi32>
    %div3A_200 = arith.divsi %iota3A_166, %div3A_199 : vector<256x32xi32>
    %sign3A_201 = arith.constant 0 : i32
    %sign3A_202 = vector.broadcast %sign3A_201 : i32 to vector<256x32xi32>
    %sign3A_203 = arith.cmpi sgt, %iota3A_166, %sign3A_202 : vector<256x32xi32>
    %sign3A_204 = arith.extui %sign3A_203 : vector<256x32xi1> to vector<256x32xi32>
    %sign3A_205 = arith.constant 0 : i32
    %sign3A_206 = vector.broadcast %sign3A_205 : i32 to vector<256x32xi32>
    %sign3A_207 = arith.cmpi slt, %iota3A_166, %sign3A_206 : vector<256x32xi32>
    %sign3A_208 = arith.extui %sign3A_207 : vector<256x32xi1> to vector<256x32xi32>
    %sign3A_209 = arith.subi %sign3A_204, %sign3A_208 : vector<256x32xi32>
    %sign3A_210 = arith.constant 0 : i32
    %sign3A_211 = arith.cmpi sgt, %jit3A_198, %sign3A_210 : i32
    %sign3A_212 = arith.extui %sign3A_211 : i1 to i32
    %sign3A_213 = arith.constant 0 : i32
    %sign3A_214 = arith.cmpi slt, %jit3A_198, %sign3A_213 : i32
    %sign3A_215 = arith.extui %sign3A_214 : i1 to i32
    %sign3A_216 = arith.subi %sign3A_212, %sign3A_215 : i32
    %ne3A_217 = vector.broadcast %sign3A_216 : i32 to vector<256x32xi32>
    %ne3A_218 = arith.cmpi ne, %sign3A_209, %ne3A_217 : vector<256x32xi32>
    %rem3A_219 = vector.broadcast %jit3A_198 : i32 to vector<256x32xi32>
    %rem3A_220 = arith.remsi %iota3A_166, %rem3A_219 : vector<256x32xi32>
    %ne3A_221 = arith.constant 0 : i32
    %ne3A_222 = vector.broadcast %ne3A_221 : i32 to vector<256x32xi32>
    %ne3A_223 = arith.cmpi ne, %rem3A_220, %ne3A_222 : vector<256x32xi32>
    %and3A_224 = arith.andi %ne3A_218, %ne3A_223 : vector<256x32xi1>
    %sub3A_225 = arith.constant 1 : i32
    %sub3A_226 = vector.broadcast %sub3A_225 : i32 to vector<256x32xi32>
    %sub3A_227 = arith.subi %div3A_200, %sub3A_226 : vector<256x32xi32>
    %select_n3A_228 = arith.select %and3A_224, %sub3A_227, %div3A_200 : vector<256x32xi1>, vector<256x32xi32>
    %eq3A_229 = arith.cmpi eq, %select_n3A_197, %select_n3A_228 : vector<256x32xi32>
    %tile3A_230 = tpu.concatenate %get3A_164, %get3A_164, %get3A_164, %get3A_164 in 0 : vector<64x8xf32>, vector<64x8xf32>, vector<64x8xf32>, vector<64x8xf32> -> vector<256x8xf32>
    %tile3A_231 = tpu.concatenate %tile3A_230, %tile3A_230, %tile3A_230, %tile3A_230 in 1 : vector<256x8xf32>, vector<256x8xf32>, vector<256x8xf32>, vector<256x8xf32> -> vector<256x32xf32>
    %jit3A_232 = arith.constant 0.000000e+00 : f32
    %broadcast_in_dim3A_233 = vector.broadcast %jit3A_232 : f32 to vector<256x32xf32>
    %select_n3A_234 = arith.select %eq3A_229, %tile3A_231, %broadcast_in_dim3A_233 : vector<256x32xi1>, vector<256x32xf32>
    %dot_general3A_235 = arith.constant dense<0.000000e+00> : vector<2500x32xf32>
    %dot_general3A_236 = tpu.matmul %select_n3A_161, %select_n3A_234, %dot_general3A_235 {dimension_numbers = #tpu.dot_dimension_numbers<[1], [0], [0], [1], [0, 0, 1, 1], [], []>, transpose_lhs_hint = false} : vector<2500x256xf32>, vector<256x32xf32>, vector<2500x32xf32> -> vector<2500x32xf32>
    %get3A_237 = arith.constant 0 : index
    %get3A_238 = arith.constant 0 : index
    %get3A_239 = vector.load %arg6[%get3A_237, %get3A_238] : memref<1x8xf32, #tpu.memory_space<vmem>>, vector<1x8xf32>
    %tile3A_240 = tpu.concatenate %get3A_239, %get3A_239, %get3A_239, %get3A_239 in 1 : vector<1x8xf32>, vector<1x8xf32>, vector<1x8xf32>, vector<1x8xf32> -> vector<1x32xf32>
    %add3A_241 = vector.broadcast %tile3A_240 : vector<1x32xf32> to vector<2500x32xf32>
    %add3A_242 = arith.addf %dot_general3A_236, %add3A_241 : vector<2500x32xf32>
    %swap3A = arith.constant 0 : index
    %swap3A_243 = arith.constant 0 : index
    %swap3A_244 = vector.load %arg7[%swap3A, %swap3A_243] : memref<2500x32xf32, #tpu.memory_space<vmem>>, vector<2500x32xf32>
    tpu.vector_store %arg7[%swap3A, %swap3A_243], %add3A_242 {strides = array<i32>} : memref<2500x32xf32, #tpu.memory_space<vmem>>, vector<2500x32xf32>,
    return
  }
}

</mosaic_0001>

<sc_bundles>
// kernel: kernel.11.cloned.1.call-start
scs
__scs_entry_jumppad:
0x0: {  	(pc) =	sbr.rel $0x88, $3  }
0x1: {  	(tag) =	ssettag $0x0;
	lr =	simm.s32 $0x1  }
0x2: {  	[smem:$0x3F79] =	sst lr;
	_ =	strace $0xD0000000  }
0x3: {  	_ = 	snop  }
0x4: {  	_ = 	snop  }
0x5: {  	_ = 	snop  }
0x6: {  	_ = 	snop  }
0x7: {  	_ = 	snop  }
__scs_overlays_trampoline_lowered:
0x8: {  	[smem:$0x3F88] =	sst s0  }
0x9: {  	[smem:$0x3F89] =	sst s1  }
0xa: {  	[smem:$0x3F8A] =	sst s2  }
0xb: {  	[smem:$0x3F8B] =	sst s3  }
0xc: {  	[smem:$0x3F8C] =	sst s4  }
0xd: {  	[smem:$0x3F8D] =	sst s5  }
0xe: {  	[smem:$0x3F8E] =	sst s6  }
0xf: {  	[smem:$0x3F8F] =	sst s7  }
0x10: {  	[smem:$0x3F90] =	sst s8  }
0x11: {  	[smem:$0x3F91] =	sst s9;
	s0 =	simm.s32 @!p0 $0x0  }
0x12: {  	s1 =	sld [smem:$0x3F77];
	s0 =	simm.s32 @p0 $0x1  }
0x13: {  	[smem:$0x3F92] =	sst s0;
	s0 =	simm.s32 @!p1 $0x0  }
0x14: {  	s2 =	sld [smem:$0x3F76];
	s0 =	simm.s32 @p1 $0x1  }
0x15: {  	[smem:$0x3F93] =	sst s0;
	s0 =	simm.s32 @!p2 $0x0  }
0x16: {  	s3 =	sld [smem:$0x3FDB];
	s0 =	simm.s32 @p2 $0x1  }
0x17: {  	s4 =	simm.s32 $0x1BF5;
	[smem:$0x3F95] =	sst s0  }
0x18: {  	s0 =	sld [smem:$0x3F78];
	_ =	swait.ge [sflag:s4], $0x0  }
0x19: {  	s7 =	sld [smem:$0x3F79]  }
0x1a: {  	s8 =	sadd.s32 $0xFFFFE003, lr  }
0x1b: {  	s9 =	sadd.s32 $0xFFFFFEF7, lr;
	s5 =	simm.s32 $0xFFFFFFFF;
	p2 =	slt.u32 s8, $0xFFFFF086  }
0x1c: {  	p1 =	slt.u32 s9, $0xF7A;
	s5 =	simm.s32 @!p2 $0x0  }
0x1d: {  	s5 =	simm.s32 @p1 $0x1;
	p0 =	seq.s32 s7, s2  }
0x1e: {  	s7 =	smul.u32 @!p0 $0xF7A, s2;
	p2 =	seq.s32 @!p0 s5, $0x0  }
0x1f: {  	s9 =	smul.u32 $0xF7A, s1;
	s8 =	simm.s32 @!p0 $0x1BF5;
	p2 =	por !p2, p0  }
0x20: {  	[sflag:s8] =	ssyncset.s32 @!p0 $0xFFFFF086;
	s6 =	sadd.s32 @!p0 s3, s7;
	s7 =	simm.s32 @!p0 $0x108  }
0x21: {  	s3 =	sadd.s32 s3, s9;
	s6 =	sadd.s32 @!p0 $0x88, s6;
	s7 =	simm.s32 @p2 $0x1082  }
0x22: {  	[simem:s7], [sflag:s8] =	dma.local @!p0 [hbm:s6], $0xF7A  }
0x23: {  	s9 =	sor.u32 $0xD0000000, s2;
	s6 =	simm.s32 $0x108;
	_ =	swait.ge @!p0 [sflag:s8], $0x0  }
0x24: {  	s3 =	sadd.s32 $0x88, s3;
	s6 =	simm.s32 @!p1 $0x1082;
	[sflag:s4] =	ssyncset.s32 $0xFFFFF086  }
0x25: {  	[simem:s6], [sflag:s4] =	dma.local [hbm:s3], $0xF7A  }
0x26: {  	[smem:$0x3F79] =	sst s1;
	(tag) =	ssettag s2;
	_ =	strace s9  }
0x27: {  	s1 =	sld [smem:$0x3F89]  }
0x28: {  	s2 =	sld [smem:$0x3F8A]  }
0x29: {  	s4 =	sld [smem:$0x3F8C]  }
0x2a: {  	p0 =	seq.s32 s5, $0x0;
	s5 =	sld [smem:$0x3F8D]  }
0x2b: {  	s6 =	sld [smem:$0x3F8E]  }
0x2c: {  	s7 =	sld [smem:$0x3F8F]  }
0x2d: {  	s3 =	simm.s32 $0x108;
	s8 =	sld [smem:$0x3F90]  }
0x2e: {  	s3 =	simm.s32 @!p0 $0x1082;
	s9 =	sld [smem:$0x3F91]  }
0x2f: {  	lr =	sadd.s32 s0, s3;
	s0 =	sld [smem:$0x3F88]  }
0x30: {  	s3 =	sld [smem:$0x3F8B]  }
0x31: {  	[smem:$0x3F94] =	sst s10  }
0x32: {  	s10 =	sld [smem:$0x3F92];
	_ =	sdelay $0x3  }
0x33: {  	p0 =	seq.s32 s10, $0x1;
	s10 =	sld [smem:$0x3F94];
	_ =	sdelay $0x3  }
0x34: {  	[smem:$0x3F94] =	sst s10  }
0x35: {  	s10 =	sld [smem:$0x3F93];
	_ =	sdelay $0x3  }
0x36: {  	p1 =	seq.s32 s10, $0x1;
	s10 =	sld [smem:$0x3F94];
	_ =	sdelay $0x3  }
0x37: {  	[smem:$0x3F94] =	sst s10  }
0x38: {  	s10 =	sld [smem:$0x3F95]  }
0x39: {  	_ = 	snop;
	(pc) =	sbr.ind lr, $3  }
0x3a: {  	_ = 	snop  }
0x3b: {  	_ = 	snop  }
0x3c: {  	p2 =	seq.s32 s10, $0x1;
	s10 =	sld [smem:$0x3F94]  }
0x3d: {  	_ =	shalt  }
0x3e: {  	_ =	shalt  }
0x3f: {  	_ =	shalt  }
0x40: {  	_ =	shalt  }
0x41: {  	_ =	shalt  }
0x42: {  	_ =	shalt  }
0x43: {  	_ =	shalt  }
0x44: {  	_ =	shalt  }
0x45: {  	_ =	shalt  }
0x46: {  	_ =	shalt  }
0x47: {  	_ =	shalt  }
0x48: {  	_ =	shalt  }
0x49: {  	_ =	shalt  }
0x4a: {  	_ =	shalt  }
0x4b: {  	_ =	shalt  }
0x4c: {  	_ =	shalt  }
0x4d: {  	_ =	shalt  }
0x4e: {  	_ =	shalt  }
0x4f: {  	_ =	shalt  }
0x50: {  	_ =	shalt  }
0x51: {  	_ =	shalt  }
0x52: {  	_ =	shalt  }
0x53: {  	_ =	shalt  }
0x54: {  	_ =	shalt  }
0x55: {  	_ =	shalt  }
0x56: {  	_ =	shalt  }
0x57: {  	_ =	shalt  }
0x58: {  	_ =	shalt  }
0x59: {  	_ =	shalt  }
0x5a: {  	_ =	shalt  }
0x5b: {  	_ =	shalt  }
0x5c: {  	_ =	shalt  }
0x5d: {  	_ =	shalt  }
0x5e: {  	_ =	shalt  }
0x5f: {  	_ =	shalt  }
0x60: {  	_ =	shalt  }
0x61: {  	_ =	shalt  }
0x62: {  	_ =	shalt  }
0x63: {  	_ =	shalt  }
0x64: {  	_ =	shalt  }
0x65: {  	_ =	shalt  }
0x66: {  	_ =	shalt  }
0x67: {  	_ =	shalt  }
0x68: {  	_ =	shalt  }
0x69: {  	_ =	shalt  }
0x6a: {  	_ =	shalt  }
0x6b: {  	_ =	shalt  }
0x6c: {  	_ =	shalt  }
0x6d: {  	_ =	shalt  }
0x6e: {  	_ =	shalt  }
0x6f: {  	_ =	shalt  }
0x70: {  	_ =	shalt  }
0x71: {  	_ =	shalt  }
0x72: {  	_ =	shalt  }
0x73: {  	_ =	shalt  }
0x74: {  	_ =	shalt  }
0x75: {  	_ =	shalt  }
0x76: {  	_ =	shalt  }
0x77: {  	_ =	shalt  }
0x78: {  	_ =	shalt  }
0x79: {  	_ =	shalt  }
0x7a: {  	_ =	shalt  }
0x7b: {  	_ =	shalt  }
0x7c: {  	_ =	shalt  }
0x7d: {  	_ =	shalt  }
0x7e: {  	_ =	shalt  }
0x7f: {  	_ =	shalt  }
0x80: {  	_ =	shalt  }
0x81: {  	_ =	shalt  }
0x82: {  	_ =	shalt  }
0x83: {  	_ =	shalt  }
0x84: {  	_ =	shalt  }
0x85: {  	_ =	shalt  }
0x86: {  	_ =	shalt  }
0x87: {  	_ =	shalt  }
.Lfunc_end0:
.L_simem_size_0:
called_computation_lowered:
.L_overlay_start_0:
0x88: {  	s2 =	sld [smem:$0x3FD9]  }
0x89: {  	s3 =	sld [smem:$0x3FFE];
	_ =	sdelay $0x1  }
0x8a: {  	s1 =	srdreg.scid  }
0x8b: {  	s0 =	sand.u32 $0x1, s1  }
0x8c: {  	s17 =	sshll.u32 s0, $0xA;
	s2 =	sadd.s32 s3, s2  }
0x8d: {  	s2 =	sadd.s32 s2, s17  }
0x8e: {  	[smem:$0x3FA0] =	sst s2  }
0x8f: {  	_ = 	snop  }
0x90: {  	s2 =	sld [smem:$0x3FD0];
	(tm) =	ssettm $0x1  }
0x91: {  	s18 =	sld [smem:$0x3FFB];
	_ =	sdelay $0x3  }
0x92: {  	_ =	strace s18  }
0x93: {  	s3 =	sld [smem:$0x3FFC];
	_ =	sdelay $0x3  }
0x94: {  	_ =	strace s3  }
0x95: {  	s3 =	sld [smem:$0x3FFD];
	_ =	sdelay $0x3  }
0x96: {  	_ =	strace s3  }
0x97: {  	_ =	strace $0x8FFFFFFF  }
0x98: {  	s19 =	sld [smem:$0x3FDB];
	_ =	sdelay $0x1  }
0x99: {  	s4 =	simm.s32 $_scs_section_size  }
0x9a: {  	s5 =	simm.s32 $_size__tile_overlayer_lowered;
	s6 =	simm.s32 $_tile_overlayer_lowered  }
0x9b: {  	s22 =	simm.s32 $0x1BFF;
	s21 =	sshll.u32 s6, $0x1;
	s3 =	sadd.s32 s4, s19  }
0x9c: {  	s7 =	simm.s32 $0x0;
	s20 =	sshll.u32 s5, $0x1;
	s5 =	sadd.s32 s21, s3  }
0x9d: {  	[timem:s7], [sflag:s22] =	dma.local [hbm:s5], s20  }
0x9e: {  	_ =	swait.ge [sflag:s22], s20  }
0x9f: {  	s4 =	ssub.s32 $0x0, s20;
	[sflag:s22] =	ssyncset.done $0x0  }
0xa0: {  	[sflag:s22] =	ssyncadd.s32 s4;
	_ =	sdelay $0x1  }
0xa1: {  	s23 =	simm.s32 $0x1B8B  }
0xa2: {  	_ =	swait.ge [sflag:s23], $0x1  }
0xa3: {  	[sflag:s23] =	ssyncset.done $0x0  }
0xa4: {  	s25 =	simm.s32 $0x1B8E;
	s24 =	sld [smem:$0x3FFE];
	[sflag:s23] =	ssyncadd.s32 $0xFFFFFFFF  }
0xa5: {  	s26 =	simm.s32 $execute0_lowered;
	[smem:$0x3FD2] =	sst s25  }
0xa6: {  	s5 =	sshll.u32 s26, $0x1;
	_ =	strace $0x80000046;
	[dreg:$0x1] =	wrdreg $0xFFFFFFFF  }
0xa7: {  	s28 =	simm.s32 $_size_execute0_lowered;
	s3 =	sadd.s32 s3, s5;
	[dreg:$0x0] =	wrdreg $0x0  }
0xa8: {  	s5 =	sshll.u32 s28, $0x1;
	[dreg:$0x2] =	wrdreg s3  }
0xa9: {  	[dreg:$0x3] =	wrdreg s5  }
0xaa: {  	[dreg:$0x4] =	wrdreg $0xC0  }
0xab: {  	_ =	task [dreg:s7], $0x5FFFF  }
0xac: {  	[dreg:$0x1] =	wrdreg $0xFFFFFFFF  }
0xad: {  	[dreg:$0x0] =	wrdreg $0x60  }
0xae: {  	[dreg:$0x2] =	wrdreg s24  }
0xaf: {  	[dreg:$0x3] =	wrdreg s2  }
0xb0: {  	[dreg:$0x4] =	wrdreg $0x28800  }
0xb1: {  	[dreg:$0x5] =	wrdreg $0x9  }
0xb2: {  	_ =	task.clear_ibuf [dreg:s7], $0x6FFFF;
	_ =	strace $0x90000046  }
0xb3: {  	s29 =	simm.s32 $0x9;
	_ =	strace $0x80000048  }
0xb4: {  	_ =	swait.ge [sflag:s29], $0x1  }
0xb5: {  	[sflag:s29] =	ssyncadd.s32 $0xFFFFFFFF  }
0xb6: {  	_ =	strace $0x90000048  }
0xb7: {  	_ =	sfence  }
0xb8: {  	s30 =	sld [smem:$0x0];
	_ =	sdelay $0x2  }
0xb9: {  	s31 =	sshll.u32 s1, $0xD;
	s1 =	sshrl.u32 s1, $0x2  }
0xba: {  	s3 =	sand.u32 $0x4000, s31;
	s1 =	sadd.s32 s1, s30  }
0xbb: {  	s0 =	sor.u32 s3, s0;
	s1 =	sshll.u32 s1, $0x11  }
0xbc: {  	s0 =	sor.u32 s1, s0  }
0xbd: {  	s0 =	sadd.s32 $0x8F2B, s0  }
0xbe: {  	[sflag:s0] =	ssyncadd.remote.s32 $0x1  }
0xbf: {  	_ =	sfence.sel $0xFFFF  }
0xc0: {  	[dreg:$0x0] =	wrdreg $0xFFFFFFFF;
	(pc) =	sbr.abs _section_cstart, $3  }
0xc1: {  	[dreg:$0x1] =	wrdreg $0xFFFFFFFF  }
0xc2: {  	_ =	task.clear_ibuf [dreg:s7], $0x2FFFF;
	_ =	strace $0x9FFFFFFF  }
0xc3: {  	(tm) =	ssettm $0x7FFFFFFF  }
tec
execute0_lowered:
.L_overlay_start_1:
0x0: {  	(tag) =	ssettag $0x1  }
0x1: {  	s5 =	rddreg [dreg:$0x0]  }
0x2: {  	s0 =	srdreg.scid;
	s8 =	rddreg [dreg:$0x1]  }
0x3: {  	s2 =	rddreg [dreg:$0x2];
	s1 =	stileid.u32  }
0x4: {  	s3 =	simm.s32 $0x0;
	s6 =	sand.u32 $0x1, s0;
	s0 =	rddreg [dreg:$0x3]  }
0x5: {  	[smem:$0x7FF] =	sst s3;
	s11 =	smul.u32 $0x280, s1  }
0x6: {  	s31 =	sshll.u32 s1, $0x6;
	s4 =	sshll.u32 s6, $0x4;
	_ =	strace $0x80000047  }
0x7: {  	s9 =	ssub.s32 $0x2, s6;
	s12 =	smul.u32 $0x500, s6;
	s6 =	sor.u32 $0x1C01, s31  }
0x8: {  	s4 =	sor.u32 s1, s4;
	s10 =	sshrl.u32 s9, $0x1;
	s13 =	sadd.s32 s11, s2  }
0x9: {  	s15 =	sshrl.u32 s11, $0x3;
	s11 =	simm.s32 $0x2800;
	s4 =	smul.u32 $0x500, s4  }
0xa: {  	s9 =	ssub.s32 s9, s10;
	s14 =	sadd.s32 s8, s12;
	s10 =	simm.s32 $0x1  }
0xb: {  	s12 =	simm.s32 $0x7D;
	s8 =	smax.u32 s9, $0x1;
	s9 =	sshrl.u32 s13, $0x3  }
0xc: {  	s13 =	sadd.s32 s15, s14;
	s14 =	simm.s32 $0x0;
	s7 =	sadd.s32 s4, s5  }
0xd: {  	s4 =	sadd.s32 $0x10800, s5;
	s5 =	sadd.s32 $0x10A00, s5;
	s7 =	sadd.s32 $0x6800, s7  }
.LBB2_1:
0xe: {  	[spmem:s9], [sflag:s6] =	dma.local [hbm:s4], $0x50  }
0xf: {  	_ =	swait.ge [sflag:s10], $0x50  }
0x10: {  	[sflag:s10] =	ssyncset.done $0x0  }
0x11: {  	[sflag:s10] =	ssyncadd.s32 $0xFFFFFFB0  }
0x12: {  	[tilespmem:s3], [sflag:$0x1] =	stream.linear.gather [hbm4b:s7+s3], $0x2800, $0x38;
	[tilespmem:$0x2B00] =	vst v63  }
0x13: {  	_ =	swait.ge [sflag:s10], $0x2800  }
0x14: {  	[sflag:s10] =	ssyncset.done $0x0  }
0x15: {  	[sflag:s10] =	ssyncadd.s32 $0xFFFFD800  }
0x16: {  	[tilespmem:s11], [sflag:$0x1] =	stream.linear.gather [hbm4b:s5+s3], $0x80, $0x38;
	[tilespmem:$0x2B00] =	vst v63  }
0x17: {  	_ =	swait.ge [sflag:s10], $0x80  }
0x18: {  	[sflag:s10] =	ssyncset.done $0x0  }
0x19: {  	[sflag:s10] =	ssyncadd.s32 $0xFFFFFF80  }
0x1a: {  	s15 =	simm.s32 $0x0;
	[bflag:$0x0] =	sbarrier.arrive $0xFFFF  }
0x1b: {  	[spmem:s2] =	stream.indirect.scatter.add.f32 [tilespmem:s11], [sflag:$0x1], $0x1, s15, s12, $0xb8;
	[tilespmem:$0x2B00] =	vst v63  }
0x1c: {  	_ =	swait.ge [sflag:s10], $0x7D  }
0x1d: {  	s15 =	simm.s32 $0x200;
	[sflag:s10] =	ssyncset.done $0x0  }
.LBB2_2:
0x1e: {  	s16 =	sshra.s32 s15, $0x2;
	[sflag:s10] =	ssyncadd.s32 $0xFFFFFF83;
	p0 =	sne.s32 s15, $0x9E00  }
0x1f: {  	[spmem:s2] =	stream.indirect.scatter.add.f32 [tilespmem:s11], [sflag:$0x1], $0x1, s16, s12, $0xb8;
	[tilespmem:$0x2B00] =	vst v63  }
.Ltmp0:
0x20: {  	_ = 	snop;
	(pc) =	sbr.rel @p0 .LBB2_2-.Ltmp0, $4  }
0x21: {  	_ = 	snop  }
0x22: {  	s15 =	sadd.s32 $0x200, s15  }
0x23: {  	_ =	swait.ge [sflag:s10], $0x7D  }
0x24: {  	[sflag:s10] =	ssyncset.done $0x0  }
0x25: {  	s14 =	sadd.s32 $0x1, s14  }
0x26: {  	[sflag:s10] =	ssyncadd.s32 $0xFFFFFF83;
	p0 =	sne.s32 s14, s8  }
.Ltmp1:
0x27: {  	[bflag:$0x0] =	sbarrier.arrive $0xFFFF;
	(pc) =	sbr.rel @p0 .LBB2_1-.Ltmp1, $4  }
0x28: {  	[hbm:s13], [sflag:s6] =	dma.local [spmem:s9], $0x50  }
0x29: {  	_ =	swait.ge [sflag:s10], $0x50  }
0x2a: {  	[sflag:s10] =	ssyncset.done $0x0  }
0x2b: {  	[sflag:s10] =	ssyncadd.s32 $0xFFFFFFB0  }
0x2c: {  	_ =	sfence.sel $0x180000  }
0x2d: {  	[bflag:$0x0] =	sbarrier.arrive $0xFFFF  }
0x2e: {  	p0 =	sne.s32 s1, $0x0;
	_ =	strace $0x90000047  }
0x2f: {  	s0 =	sadd.s32 @!p0 $0x100000, s0;
	[bflag:$0x2] =	sbarrier.arrive $0xFFFF  }
0x30: {  	[sflag:s0] =	ssyncadd.tile.s32 @!p0 $0x1;
	_ =	shalt  }
.Lfunc_end2:
_tile_overlayer_lowered:
.L_overlay_start_2:
0x31: {  	(tag) =	ssettag $0x2  }
0x32: {  	s0 =	rddreg [dreg:$0x0];
	s2 =	stileid.u32  }
0x33: {  	s1 =	rddreg [dreg:$0x1];
	p0 =	sne.s32 s2, $0x0  }
0x34: {  	s3 =	rddreg [dreg:$0x2];
	[bflag:$0x3] =	sbarrier.arrive $0xFFFF;
	s2 =	simm.s32 @!p0 $0x1C01  }
0x35: {  	[timem:s3], [sflag:s2] =	dma.local @!p0 [hbm:s0], s1  }
0x36: {  	s0 =	simm.s32 @!p0 $0x1  }
0x37: {  	_ =	swait.ge @!p0 [sflag:s0], s1  }
0x38: {  	s1 =	ssub.s32 @!p0 $0x0, s1;
	[sflag:s0] =	ssyncset.done @!p0 $0x0  }
0x39: {  	[sflag:s0] =	ssyncadd.s32 @!p0 s1  }
0x3a: {  	[bflag:$0x3] =	sbarrier.arrive $0xFFFF  }
0x3b: {  	_ =	shalt  }

// kernel: kernel.14.cloned.1.call-start
scs
__scs_entry_jumppad:
0x0: {  	(pc) =	sbr.rel $0x88, $3  }
0x1: {  	(tag) =	ssettag $0x0;
	lr =	simm.s32 $0x1  }
0x2: {  	[smem:$0x3F79] =	sst lr;
	_ =	strace $0xD0000000  }
0x3: {  	_ = 	snop  }
0x4: {  	_ = 	snop  }
0x5: {  	_ = 	snop  }
0x6: {  	_ = 	snop  }
0x7: {  	_ = 	snop  }
__scs_overlays_trampoline_lowered:
0x8: {  	[smem:$0x3F88] =	sst s0  }
0x9: {  	[smem:$0x3F89] =	sst s1  }
0xa: {  	[smem:$0x3F8A] =	sst s2  }
0xb: {  	[smem:$0x3F8B] =	sst s3  }
0xc: {  	[smem:$0x3F8C] =	sst s4  }
0xd: {  	[smem:$0x3F8D] =	sst s5  }
0xe: {  	[smem:$0x3F8E] =	sst s6  }
0xf: {  	[smem:$0x3F8F] =	sst s7  }
0x10: {  	[smem:$0x3F90] =	sst s8  }
0x11: {  	[smem:$0x3F91] =	sst s9;
	s0 =	simm.s32 @!p0 $0x0  }
0x12: {  	s1 =	sld [smem:$0x3F77];
	s0 =	simm.s32 @p0 $0x1  }
0x13: {  	[smem:$0x3F92] =	sst s0;
	s0 =	simm.s32 @!p1 $0x0  }
0x14: {  	s2 =	sld [smem:$0x3F76];
	s0 =	simm.s32 @p1 $0x1  }
0x15: {  	[smem:$0x3F93] =	sst s0;
	s0 =	simm.s32 @!p2 $0x0  }
0x16: {  	s3 =	sld [smem:$0x3FDB];
	s0 =	simm.s32 @p2 $0x1  }
0x17: {  	s4 =	simm.s32 $0x1BF5;
	[smem:$0x3F95] =	sst s0  }
0x18: {  	s0 =	sld [smem:$0x3F78];
	_ =	swait.ge [sflag:s4], $0x0  }
0x19: {  	s7 =	sld [smem:$0x3F79]  }
0x1a: {  	s8 =	sadd.s32 $0xFFFFE003, lr  }
0x1b: {  	s9 =	sadd.s32 $0xFFFFFEF7, lr;
	s5 =	simm.s32 $0xFFFFFFFF;
	p2 =	slt.u32 s8, $0xFFFFF086  }
0x1c: {  	p1 =	slt.u32 s9, $0xF7A;
	s5 =	simm.s32 @!p2 $0x0  }
0x1d: {  	s5 =	simm.s32 @p1 $0x1;
	p0 =	seq.s32 s7, s2  }
0x1e: {  	s7 =	smul.u32 @!p0 $0xF7A, s2;
	p2 =	seq.s32 @!p0 s5, $0x0  }
0x1f: {  	s9 =	smul.u32 $0xF7A, s1;
	s8 =	simm.s32 @!p0 $0x1BF5;
	p2 =	por !p2, p0  }
0x20: {  	[sflag:s8] =	ssyncset.s32 @!p0 $0xFFFFF086;
	s6 =	sadd.s32 @!p0 s3, s7;
	s7 =	simm.s32 @!p0 $0x108  }
0x21: {  	s3 =	sadd.s32 s3, s9;
	s6 =	sadd.s32 @!p0 $0x88, s6;
	s7 =	simm.s32 @p2 $0x1082  }
0x22: {  	[simem:s7], [sflag:s8] =	dma.local @!p0 [hbm:s6], $0xF7A  }
0x23: {  	s9 =	sor.u32 $0xD0000000, s2;
	s6 =	simm.s32 $0x108;
	_ =	swait.ge @!p0 [sflag:s8], $0x0  }
0x24: {  	s3 =	sadd.s32 $0x88, s3;
	s6 =	simm.s32 @!p1 $0x1082;
	[sflag:s4] =	ssyncset.s32 $0xFFFFF086  }
0x25: {  	[simem:s6], [sflag:s4] =	dma.local [hbm:s3], $0xF7A  }
0x26: {  	[smem:$0x3F79] =	sst s1;
	(tag) =	ssettag s2;
	_ =	strace s9  }
0x27: {  	s1 =	sld [smem:$0x3F89]  }
0x28: {  	s2 =	sld [smem:$0x3F8A]  }
0x29: {  	s4 =	sld [smem:$0x3F8C]  }
0x2a: {  	p0 =	seq.s32 s5, $0x0;
	s5 =	sld [smem:$0x3F8D]  }
0x2b: {  	s6 =	sld [smem:$0x3F8E]  }
0x2c: {  	s7 =	sld [smem:$0x3F8F]  }
0x2d: {  	s3 =	simm.s32 $0x108;
	s8 =	sld [smem:$0x3F90]  }
0x2e: {  	s3 =	simm.s32 @!p0 $0x1082;
	s9 =	sld [smem:$0x3F91]  }
0x2f: {  	lr =	sadd.s32 s0, s3;
	s0 =	sld [smem:$0x3F88]  }
0x30: {  	s3 =	sld [smem:$0x3F8B]  }
0x31: {  	[smem:$0x3F94] =	sst s10  }
0x32: {  	s10 =	sld [smem:$0x3F92];
	_ =	sdelay $0x3  }
0x33: {  	p0 =	seq.s32 s10, $0x1;
	s10 =	sld [smem:$0x3F94];
	_ =	sdelay $0x3  }
0x34: {  	[smem:$0x3F94] =	sst s10  }
0x35: {  	s10 =	sld [smem:$0x3F93];
	_ =	sdelay $0x3  }
0x36: {  	p1 =	seq.s32 s10, $0x1;
	s10 =	sld [smem:$0x3F94];
	_ =	sdelay $0x3  }
0x37: {  	[smem:$0x3F94] =	sst s10  }
0x38: {  	s10 =	sld [smem:$0x3F95]  }
0x39: {  	_ = 	snop;
	(pc) =	sbr.ind lr, $3  }
0x3a: {  	_ = 	snop  }
0x3b: {  	_ = 	snop  }
0x3c: {  	p2 =	seq.s32 s10, $0x1;
	s10 =	sld [smem:$0x3F94]  }
0x3d: {  	_ =	shalt  }
0x3e: {  	_ =	shalt  }
0x3f: {  	_ =	shalt  }
0x40: {  	_ =	shalt  }
0x41: {  	_ =	shalt  }
0x42: {  	_ =	shalt  }
0x43: {  	_ =	shalt  }
0x44: {  	_ =	shalt  }
0x45: {  	_ =	shalt  }
0x46: {  	_ =	shalt  }
0x47: {  	_ =	shalt  }
0x48: {  	_ =	shalt  }
0x49: {  	_ =	shalt  }
0x4a: {  	_ =	shalt  }
0x4b: {  	_ =	shalt  }
0x4c: {  	_ =	shalt  }
0x4d: {  	_ =	shalt  }
0x4e: {  	_ =	shalt  }
0x4f: {  	_ =	shalt  }
0x50: {  	_ =	shalt  }
0x51: {  	_ =	shalt  }
0x52: {  	_ =	shalt  }
0x53: {  	_ =	shalt  }
0x54: {  	_ =	shalt  }
0x55: {  	_ =	shalt  }
0x56: {  	_ =	shalt  }
0x57: {  	_ =	shalt  }
0x58: {  	_ =	shalt  }
0x59: {  	_ =	shalt  }
0x5a: {  	_ =	shalt  }
0x5b: {  	_ =	shalt  }
0x5c: {  	_ =	shalt  }
0x5d: {  	_ =	shalt  }
0x5e: {  	_ =	shalt  }
0x5f: {  	_ =	shalt  }
0x60: {  	_ =	shalt  }
0x61: {  	_ =	shalt  }
0x62: {  	_ =	shalt  }
0x63: {  	_ =	shalt  }
0x64: {  	_ =	shalt  }
0x65: {  	_ =	shalt  }
0x66: {  	_ =	shalt  }
0x67: {  	_ =	shalt  }
0x68: {  	_ =	shalt  }
0x69: {  	_ =	shalt  }
0x6a: {  	_ =	shalt  }
0x6b: {  	_ =	shalt  }
0x6c: {  	_ =	shalt  }
0x6d: {  	_ =	shalt  }
0x6e: {  	_ =	shalt  }
0x6f: {  	_ =	shalt  }
0x70: {  	_ =	shalt  }
0x71: {  	_ =	shalt  }
0x72: {  	_ =	shalt  }
0x73: {  	_ =	shalt  }
0x74: {  	_ =	shalt  }
0x75: {  	_ =	shalt  }
0x76: {  	_ =	shalt  }
0x77: {  	_ =	shalt  }
0x78: {  	_ =	shalt  }
0x79: {  	_ =	shalt  }
0x7a: {  	_ =	shalt  }
0x7b: {  	_ =	shalt  }
0x7c: {  	_ =	shalt  }
0x7d: {  	_ =	shalt  }
0x7e: {  	_ =	shalt  }
0x7f: {  	_ =	shalt  }
0x80: {  	_ =	shalt  }
0x81: {  	_ =	shalt  }
0x82: {  	_ =	shalt  }
0x83: {  	_ =	shalt  }
0x84: {  	_ =	shalt  }
0x85: {  	_ =	shalt  }
0x86: {  	_ =	shalt  }
0x87: {  	_ =	shalt  }
.Lfunc_end0:
.L_simem_size_0:
called_computation.1_lowered:
.L_overlay_start_0:
0x88: {  	s2 =	sld [smem:$0x3FD9]  }
0x89: {  	s3 =	sld [smem:$0x3FFE];
	_ =	sdelay $0x1  }
0x8a: {  	s1 =	srdreg.scid  }
0x8b: {  	s0 =	sand.u32 $0x1, s1  }
0x8c: {  	s17 =	sshll.u32 s0, $0xA;
	s2 =	sadd.s32 s3, s2  }
0x8d: {  	s2 =	sadd.s32 s2, s17  }
0x8e: {  	[smem:$0x3FA0] =	sst s2  }
0x8f: {  	_ = 	snop  }
0x90: {  	s2 =	sld [smem:$0x3FD0];
	(tm) =	ssettm $0x1  }
0x91: {  	s18 =	sld [smem:$0x3FFB];
	_ =	sdelay $0x3  }
0x92: {  	_ =	strace s18  }
0x93: {  	s3 =	sld [smem:$0x3FFC];
	_ =	sdelay $0x3  }
0x94: {  	_ =	strace s3  }
0x95: {  	s3 =	sld [smem:$0x3FFD];
	_ =	sdelay $0x3  }
0x96: {  	_ =	strace s3  }
0x97: {  	_ =	strace $0x8FFFFFFF  }
0x98: {  	s19 =	sld [smem:$0x3FDB];
	_ =	sdelay $0x1  }
0x99: {  	s4 =	simm.s32 $_scs_section_size  }
0x9a: {  	s5 =	simm.s32 $_size__tile_overlayer_lowered;
	s6 =	simm.s32 $_tile_overlayer_lowered  }
0x9b: {  	s22 =	simm.s32 $0x1BFF;
	s21 =	sshll.u32 s6, $0x1;
	s3 =	sadd.s32 s4, s19  }
0x9c: {  	s7 =	simm.s32 $0x0;
	s20 =	sshll.u32 s5, $0x1;
	s5 =	sadd.s32 s21, s3  }
0x9d: {  	[timem:s7], [sflag:s22] =	dma.local [hbm:s5], s20  }
0x9e: {  	_ =	swait.ge [sflag:s22], s20  }
0x9f: {  	s4 =	ssub.s32 $0x0, s20;
	[sflag:s22] =	ssyncset.done $0x0  }
0xa0: {  	[sflag:s22] =	ssyncadd.s32 s4;
	_ =	sdelay $0x1  }
0xa1: {  	s23 =	simm.s32 $0x1B8B  }
0xa2: {  	_ =	swait.ge [sflag:s23], $0x1  }
0xa3: {  	[sflag:s23] =	ssyncset.done $0x0  }
0xa4: {  	s25 =	simm.s32 $0x1B8E;
	s24 =	sld [smem:$0x3FFE];
	[sflag:s23] =	ssyncadd.s32 $0xFFFFFFFF  }
0xa5: {  	s26 =	simm.s32 $execute0_lowered;
	[smem:$0x3FD2] =	sst s25  }
0xa6: {  	s5 =	sshll.u32 s26, $0x1;
	_ =	strace $0x80000049;
	[dreg:$0x1] =	wrdreg $0xFFFFFFFF  }
0xa7: {  	s28 =	simm.s32 $_size_execute0_lowered;
	s3 =	sadd.s32 s3, s5;
	[dreg:$0x0] =	wrdreg $0x0  }
0xa8: {  	s5 =	sshll.u32 s28, $0x1;
	[dreg:$0x2] =	wrdreg s3  }
0xa9: {  	[dreg:$0x3] =	wrdreg s5  }
0xaa: {  	[dreg:$0x4] =	wrdreg $0xC0  }
0xab: {  	_ =	task [dreg:s7], $0x5FFFF  }
0xac: {  	[dreg:$0x1] =	wrdreg $0xFFFFFFFF  }
0xad: {  	[dreg:$0x0] =	wrdreg $0x60  }
0xae: {  	[dreg:$0x2] =	wrdreg s24  }
0xaf: {  	[dreg:$0x3] =	wrdreg s2  }
0xb0: {  	[dreg:$0x4] =	wrdreg $0xCD000  }
0xb1: {  	[dreg:$0x5] =	wrdreg $0x9  }
0xb2: {  	_ =	task.clear_ibuf [dreg:s7], $0x6FFFF;
	_ =	strace $0x90000049  }
0xb3: {  	s29 =	simm.s32 $0x9;
	_ =	strace $0x8000004B  }
0xb4: {  	_ =	swait.ge [sflag:s29], $0x1  }
0xb5: {  	[sflag:s29] =	ssyncadd.s32 $0xFFFFFFFF  }
0xb6: {  	_ =	strace $0x9000004B  }
0xb7: {  	_ =	sfence  }
0xb8: {  	s30 =	sld [smem:$0x0];
	_ =	sdelay $0x2  }
0xb9: {  	s31 =	sshll.u32 s1, $0xD;
	s1 =	sshrl.u32 s1, $0x2  }
0xba: {  	s3 =	sand.u32 $0x4000, s31;
	s1 =	sadd.s32 s1, s30  }
0xbb: {  	s0 =	sor.u32 s3, s0;
	s1 =	sshll.u32 s1, $0x11  }
0xbc: {  	s0 =	sor.u32 s1, s0  }
0xbd: {  	s0 =	sadd.s32 $0x8F2B, s0  }
0xbe: {  	[sflag:s0] =	ssyncadd.remote.s32 $0x1  }
0xbf: {  	_ =	sfence.sel $0xFFFF  }
0xc0: {  	[dreg:$0x0] =	wrdreg $0xFFFFFFFF;
	(pc) =	sbr.abs _section_cstart, $3  }
0xc1: {  	[dreg:$0x1] =	wrdreg $0xFFFFFFFF  }
0xc2: {  	_ =	task.clear_ibuf [dreg:s7], $0x2FFFF;
	_ =	strace $0x9FFFFFFF  }
0xc3: {  	(tm) =	ssettm $0x7FFFFFFF  }
tec
execute0_lowered:
.L_overlay_start_1:
0x0: {  	(tag) =	ssettag $0x1  }
0x1: {  	s0 =	rddreg [dreg:$0x0];
	s1 =	srdreg.scid  }
0x2: {  	s3 =	rddreg [dreg:$0x2];
	s8 =	stileid.u32;
	s4 =	simm.s32 $0x0  }
0x3: {  	s11 =	simm.s32 $0x9;
	s13 =	simm.s32 $0x7D;
	s14 =	simm.s32 $0x5000  }
0x4: {  	s16 =	simm.s32 $0x5FA0;
	s18 =	simm.s32 $0x6F40;
	s20 =	simm.s32 $0x7EE0  }
0x5: {  	s22 =	simm.s32 $0x8E80;
	s28 =	simm.s32 $0xADC0;
	s29 =	simm.s32 $0xBD60  }
0x6: {  	s30 =	simm.s32 $0x1;
	s31 =	simm.s32 $0x2;
	s12 =	simm.s32 $0x6  }
0x7: {  	s15 =	simm.s32 $0x7;
	s17 =	simm.s32 $0x8;
	s21 =	simm.s32 $0x0  }
0x8: {  	s1 =	sand.u32 $0x1, s1;
	[smem:$0x7FF] =	sst s4;
	s5 =	sadd.s32 $0x1AC00, s0  }
0x9: {  	s7 =	smul.u32 $0x4E20, s8;
	s2 =	sshll.u32 s1, $0x4;
	_ =	strace $0x8000004A  }
0xa: {  	s6 =	smul.u32 $0x9C40, s1;
	s1 =	ssub.s32 $0x2, s1;
	s2 =	sor.u32 s8, s2  }
0xb: {  	s24 =	sshrl.u32 s1, $0x1;
	s8 =	sshll.u32 s8, $0x6;
	s2 =	smul.u32 $0x500, s2  }
0xc: {  	s10 =	sadd.s32 s7, s3;
	s26 =	sshrl.u32 s7, $0x3;
	s1 =	ssub.s32 s1, s24  }
0xd: {  	s10 =	sshrl.u32 s10, $0x3;
	s9 =	smax.u32 s1, $0x1;
	s2 =	sadd.s32 s2, s0  }
0xe: {  	s1 =	simm.s32 $0x4;
	s0 =	sadd.s32 s6, s0;
	s25 =	sadd.s32 $0x10C00, s2  }
0xf: {  	s2 =	sadd.s32 $0x6800, s2;
	s0 =	sadd.s32 $0x24A00, s0;
	[dreg:$0x4] =	wrdreg s25  }
0x10: {  	s6 =	sor.u32 $0x1C09, s8;
	[dreg:$0x5] =	wrdreg s2;
	s24 =	sadd.s32 s26, s0  }
0x11: {  	s25 =	simm.s32 $0x9E20;
	s0 =	simm.s32 $0x3;
	s2 =	simm.s32 $0x5  }
.LBB2_1:
0x12: {  	s7 =	rddreg [dreg:$0x1]  }
0x13: {  	[spmem:s10], [sflag:s6] =	dma.local [hbm:s7], $0x9C4  }
0x14: {  	_ =	swait.ge [sflag:s11], $0x9C4  }
0x15: {  	[sflag:s11] =	ssyncset.done $0x0  }
0x16: {  	s8 =	rddreg [dreg:$0x4];
	[sflag:s11] =	ssyncadd.s32 $0xFFFFF63C  }
0x17: {  	[tilespmem:s4], [sflag:$0x9] =	stream.linear.gather [hbm4b:s8+s4], $0x2800, $0x38;
	[tilespmem:$0x11B20] =	vst v63  }
0x18: {  	_ =	swait.ge [sflag:s11], $0x2800  }
0x19: {  	[sflag:s11] =	ssyncset.done $0x0  }
0x1a: {  	s8 =	simm.s32 $0x2800;
	s19 =	rddreg [dreg:$0x5];
	[sflag:s11] =	ssyncadd.s32 $0xFFFFD800  }
0x1b: {  	[tilespmem:s8], [sflag:$0x9] =	stream.linear.gather [hbm4b:s19+s4], $0x2800, $0x38;
	[tilespmem:$0x11B20] =	vst v63  }
0x1c: {  	_ =	swait.ge [sflag:s11], $0x2800  }
0x1d: {  	[sflag:s11] =	ssyncset.done $0x0  }
0x1e: {  	[sflag:s11] =	ssyncadd.s32 $0xFFFFD800  }
0x1f: {  	[bflag:$0x0] =	sbarrier.arrive $0xFFFF  }
0x20: {  	[tilespmem:s14], [sflag:$0x1] =	stream.indirect.gather [hbm4b:s5+s13], $0x20, s4, s13, $0xb8;
	[tilespmem:$0x11B20] =	vst v63  }
0x21: {  	s23 =	simm.s32 $0x80  }
0x22: {  	[tilespmem:s16], [sflag:$0x2] =	stream.indirect.gather [hbm4b:s5+s13], $0x20, s23, s13, $0xb8;
	[tilespmem:$0x11B20] =	vst v63  }
0x23: {  	s26 =	simm.s32 $0x100  }
0x24: {  	[tilespmem:s18], [sflag:$0x3] =	stream.indirect.gather [hbm4b:s5+s13], $0x20, s26, s13, $0xb8;
	[tilespmem:$0x11B20] =	vst v63  }
0x25: {  	s8 =	simm.s32 $0x180  }
0x26: {  	[tilespmem:s20], [sflag:$0x4] =	stream.indirect.gather [hbm4b:s5+s13], $0x20, s8, s13, $0xb8;
	[tilespmem:$0x11B20] =	vst v63  }
0x27: {  	s19 =	simm.s32 $0x200  }
0x28: {  	[tilespmem:s22], [sflag:$0x5] =	stream.indirect.gather [hbm4b:s5+s13], $0x20, s19, s13, $0xb8;
	[tilespmem:$0x11B20] =	vst v63  }
0x29: {  	s23 =	simm.s32 $0x280  }
0x2a: {  	[tilespmem:s25], [sflag:$0x6] =	stream.indirect.gather [hbm4b:s5+s13], $0x20, s23, s13, $0xb8;
	[tilespmem:$0x11B20] =	vst v63  }
0x2b: {  	s26 =	simm.s32 $0x300  }
0x2c: {  	[tilespmem:s28], [sflag:$0x7] =	stream.indirect.gather [hbm4b:s5+s13], $0x20, s26, s13, $0xb8;
	[tilespmem:$0x11B20] =	vst v63  }
0x2d: {  	s8 =	simm.s32 $0x380  }
0x2e: {  	[tilespmem:s29], [sflag:$0x8] =	stream.indirect.gather [hbm4b:s5+s13], $0x20, s8, s13, $0xb8;
	[tilespmem:$0x11B20] =	vst v63  }
0x2f: {  	_ =	swait.ge [sflag:s30], $0xFA0  }
0x30: {  	[sflag:s30] =	ssyncset.done $0x0  }
0x31: {  	s19 =	simm.s32 $0x2800;
	[sflag:s30] =	ssyncadd.s32 $0xFFFFF060  }
0x32: {  	[spmem:s3] =	stream.indirect.scatter.add.f32 [tilespmem:s14], [sflag:$0x9], $0x20, s19, s13, $0xb8;
	[tilespmem:$0x11B20] =	vst v63  }
0x33: {  	_ =	swait.ge [sflag:s11], $0xFA0  }
0x34: {  	[sflag:s11] =	ssyncset.done $0x0  }
0x35: {  	s23 =	simm.s32 $0x400;
	[sflag:s11] =	ssyncadd.s32 $0xFFFFF060  }
0x36: {  	[tilespmem:s14], [sflag:$0x1] =	stream.indirect.gather [hbm4b:s5+s13], $0x20, s23, s13, $0xb8;
	[tilespmem:$0x11B20] =	vst v63  }
0x37: {  	_ =	swait.ge [sflag:s31], $0xFA0  }
0x38: {  	[sflag:s31] =	ssyncset.done $0x0  }
0x39: {  	s26 =	simm.s32 $0x2880;
	[sflag:s31] =	ssyncadd.s32 $0xFFFFF060  }
0x3a: {  	[spmem:s3] =	stream.indirect.scatter.add.f32 [tilespmem:s16], [sflag:$0x9], $0x20, s26, s13, $0xb8;
	[tilespmem:$0x11B20] =	vst v63  }
0x3b: {  	_ =	swait.ge [sflag:s11], $0xFA0  }
0x3c: {  	[sflag:s11] =	ssyncset.done $0x0  }
0x3d: {  	s8 =	simm.s32 $0x480;
	[sflag:s11] =	ssyncadd.s32 $0xFFFFF060  }
0x3e: {  	[tilespmem:s16], [sflag:$0x2] =	stream.indirect.gather [hbm4b:s5+s13], $0x20, s8, s13, $0xb8;
	[tilespmem:$0x11B20] =	vst v63  }
0x3f: {  	_ =	swait.ge [sflag:s0], $0xFA0  }
0x40: {  	[sflag:s0] =	ssyncset.done $0x0  }
0x41: {  	s19 =	simm.s32 $0x2900;
	[sflag:s0] =	ssyncadd.s32 $0xFFFFF060  }
0x42: {  	[spmem:s3] =	stream.indirect.scatter.add.f32 [tilespmem:s18], [sflag:$0x9], $0x20, s19, s13, $0xb8;
	[tilespmem:$0x11B20] =	vst v63  }
0x43: {  	_ =	swait.ge [sflag:s11], $0xFA0  }
0x44: {  	[sflag:s11] =	ssyncset.done $0x0  }
0x45: {  	s23 =	simm.s32 $0x500;
	[sflag:s11] =	ssyncadd.s32 $0xFFFFF060  }
0x46: {  	[tilespmem:s18], [sflag:$0x3] =	stream.indirect.gather [hbm4b:s5+s13], $0x20, s23, s13, $0xb8;
	[tilespmem:$0x11B20] =	vst v63  }
0x47: {  	_ =	swait.ge [sflag:s1], $0xFA0  }
0x48: {  	[sflag:s1] =	ssyncset.done $0x0  }
0x49: {  	s26 =	simm.s32 $0x2980;
	[sflag:s1] =	ssyncadd.s32 $0xFFFFF060  }
0x4a: {  	[spmem:s3] =	stream.indirect.scatter.add.f32 [tilespmem:s20], [sflag:$0x9], $0x20, s26, s13, $0xb8;
	[tilespmem:$0x11B20] =	vst v63  }
0x4b: {  	_ =	swait.ge [sflag:s11], $0xFA0  }
0x4c: {  	[sflag:s11] =	ssyncset.done $0x0  }
0x4d: {  	s8 =	simm.s32 $0x580;
	[sflag:s11] =	ssyncadd.s32 $0xFFFFF060  }
0x4e: {  	[tilespmem:s20], [sflag:$0x4] =	stream.indirect.gather [hbm4b:s5+s13], $0x20, s8, s13, $0xb8;
	[tilespmem:$0x11B20] =	vst v63  }
0x4f: {  	_ =	swait.ge [sflag:s2], $0xFA0  }
0x50: {  	[sflag:s2] =	ssyncset.done $0x0  }
0x51: {  	s19 =	simm.s32 $0x2A00;
	[sflag:s2] =	ssyncadd.s32 $0xFFFFF060  }
0x52: {  	[spmem:s3] =	stream.indirect.scatter.add.f32 [tilespmem:s22], [sflag:$0x9], $0x20, s19, s13, $0xb8;
	[tilespmem:$0x11B20] =	vst v63  }
0x53: {  	_ =	swait.ge [sflag:s11], $0xFA0  }
0x54: {  	[sflag:s11] =	ssyncset.done $0x0  }
0x55: {  	s23 =	simm.s32 $0x600;
	[sflag:s11] =	ssyncadd.s32 $0xFFFFF060  }
0x56: {  	[tilespmem:s22], [sflag:$0x5] =	stream.indirect.gather [hbm4b:s5+s13], $0x20, s23, s13, $0xb8;
	[tilespmem:$0x11B20] =	vst v63  }
0x57: {  	_ =	swait.ge [sflag:s12], $0xFA0  }
0x58: {  	[sflag:s12] =	ssyncset.done $0x0  }
0x59: {  	s26 =	simm.s32 $0x2A80;
	[sflag:s12] =	ssyncadd.s32 $0xFFFFF060  }
0x5a: {  	[spmem:s3] =	stream.indirect.scatter.add.f32 [tilespmem:s25], [sflag:$0x9], $0x20, s26, s13, $0xb8;
	[tilespmem:$0x11B20] =	vst v63  }
0x5b: {  	_ =	swait.ge [sflag:s11], $0xFA0  }
0x5c: {  	[sflag:s11] =	ssyncset.done $0x0  }
0x5d: {  	s8 =	simm.s32 $0x680;
	[sflag:s11] =	ssyncadd.s32 $0xFFFFF060  }
0x5e: {  	[tilespmem:s25], [sflag:$0x6] =	stream.indirect.gather [hbm4b:s5+s13], $0x20, s8, s13, $0xb8;
	[tilespmem:$0x11B20] =	vst v63  }
0x5f: {  	_ =	swait.ge [sflag:s15], $0xFA0  }
0x60: {  	[sflag:s15] =	ssyncset.done $0x0  }
0x61: {  	s19 =	simm.s32 $0x2B00;
	[sflag:s15] =	ssyncadd.s32 $0xFFFFF060  }
0x62: {  	[spmem:s3] =	stream.indirect.scatter.add.f32 [tilespmem:s28], [sflag:$0x9], $0x20, s19, s13, $0xb8;
	[tilespmem:$0x11B20] =	vst v63  }
0x63: {  	_ =	swait.ge [sflag:s11], $0xFA0  }
0x64: {  	[sflag:s11] =	ssyncset.done $0x0  }
0x65: {  	s23 =	simm.s32 $0x700;
	[sflag:s11] =	ssyncadd.s32 $0xFFFFF060  }
0x66: {  	[tilespmem:s28], [sflag:$0x7] =	stream.indirect.gather [hbm4b:s5+s13], $0x20, s23, s13, $0xb8;
	[tilespmem:$0x11B20] =	vst v63  }
0x67: {  	_ =	swait.ge [sflag:s17], $0xFA0  }
0x68: {  	[sflag:s17] =	ssyncset.done $0x0  }
0x69: {  	s26 =	simm.s32 $0x2B80;
	[sflag:s17] =	ssyncadd.s32 $0xFFFFF060  }
0x6a: {  	[spmem:s3] =	stream.indirect.scatter.add.f32 [tilespmem:s29], [sflag:$0x9], $0x20, s26, s13, $0xb8;
	[tilespmem:$0x11B20] =	vst v63  }
0x6b: {  	_ =	swait.ge [sflag:s11], $0xFA0  }
0x6c: {  	s23 =	simm.s32 $0x400;
	s26 =	simm.s32 $0x2000;
	[sflag:s11] =	ssyncset.done $0x0  }
.LBB2_2:
0x6d: {  	s8 =	sadd.s32 $0x380, s23  }
0x6e: {  	[sflag:s11] =	ssyncadd.s32 $0xFFFFF060;
	s19 =	smov.u32 s26;
	s7 =	sadd.s32 $0x1000, s26  }
0x6f: {  	[tilespmem:s29], [sflag:$0x8] =	stream.indirect.gather [hbm4b:s5+s13], $0x20, s8, s13, $0xb8;
	[tilespmem:$0x11B20] =	vst v63  }
0x70: {  	p0 =	sne.s32 s26, $0x8000;
	_ =	swait.ge [sflag:s30], $0xFA0  }
0x71: {  	[sflag:s30] =	ssyncset.done $0x0  }
0x72: {  	s8 =	sadd.s32 $0x2800, s23;
	[sflag:s30] =	ssyncadd.s32 $0xFFFFF060  }
0x73: {  	[spmem:s3] =	stream.indirect.scatter.add.f32 [tilespmem:s14], [sflag:$0x9], $0x20, s8, s13, $0xb8;
	[tilespmem:$0x11B20] =	vst v63  }
0x74: {  	_ =	swait.ge [sflag:s11], $0xFA0  }
0x75: {  	[sflag:s11] =	ssyncset.done $0x0  }
0x76: {  	s8 =	sadd.s32 $0x400, s23;
	[sflag:s11] =	ssyncadd.s32 $0xFFFFF060  }
0x77: {  	[tilespmem:s14], [sflag:$0x1] =	stream.indirect.gather [hbm4b:s5+s13], $0x20, s8, s13, $0xb8;
	[tilespmem:$0x11B20] =	vst v63  }
0x78: {  	_ =	swait.ge [sflag:s31], $0xFA0  }
0x79: {  	[sflag:s31] =	ssyncset.done $0x0  }
0x7a: {  	s8 =	sadd.s32 $0x2880, s23;
	[sflag:s31] =	ssyncadd.s32 $0xFFFFF060  }
0x7b: {  	[spmem:s3] =	stream.indirect.scatter.add.f32 [tilespmem:s16], [sflag:$0x9], $0x20, s8, s13, $0xb8;
	[tilespmem:$0x11B20] =	vst v63  }
0x7c: {  	_ =	swait.ge [sflag:s11], $0xFA0  }
0x7d: {  	[sflag:s11] =	ssyncset.done $0x0  }
0x7e: {  	s8 =	sadd.s32 $0x480, s23;
	[sflag:s11] =	ssyncadd.s32 $0xFFFFF060  }
0x7f: {  	[tilespmem:s16], [sflag:$0x2] =	stream.indirect.gather [hbm4b:s5+s13], $0x20, s8, s13, $0xb8;
	[tilespmem:$0x11B20] =	vst v63  }
0x80: {  	_ =	swait.ge [sflag:s0], $0xFA0  }
0x81: {  	[sflag:s0] =	ssyncset.done $0x0  }
0x82: {  	s8 =	sadd.s32 $0x2900, s23;
	[sflag:s0] =	ssyncadd.s32 $0xFFFFF060  }
0x83: {  	[spmem:s3] =	stream.indirect.scatter.add.f32 [tilespmem:s18], [sflag:$0x9], $0x20, s8, s13, $0xb8;
	[tilespmem:$0x11B20] =	vst v63  }
0x84: {  	_ =	swait.ge [sflag:s11], $0xFA0  }
0x85: {  	[sflag:s11] =	ssyncset.done $0x0  }
0x86: {  	s8 =	sadd.s32 $0x500, s23;
	[sflag:s11] =	ssyncadd.s32 $0xFFFFF060  }
0x87: {  	[tilespmem:s18], [sflag:$0x3] =	stream.indirect.gather [hbm4b:s5+s13], $0x20, s8, s13, $0xb8;
	[tilespmem:$0x11B20] =	vst v63  }
0x88: {  	_ =	swait.ge [sflag:s1], $0xFA0  }
0x89: {  	[sflag:s1] =	ssyncset.done $0x0  }
0x8a: {  	s8 =	sadd.s32 $0x2980, s23;
	[sflag:s1] =	ssyncadd.s32 $0xFFFFF060  }
0x8b: {  	[spmem:s3] =	stream.indirect.scatter.add.f32 [tilespmem:s20], [sflag:$0x9], $0x20, s8, s13, $0xb8;
	[tilespmem:$0x11B20] =	vst v63  }
0x8c: {  	_ =	swait.ge [sflag:s11], $0xFA0  }
0x8d: {  	[sflag:s11] =	ssyncset.done $0x0  }
0x8e: {  	s8 =	sadd.s32 $0x580, s23;
	[sflag:s11] =	ssyncadd.s32 $0xFFFFF060  }
0x8f: {  	[tilespmem:s20], [sflag:$0x4] =	stream.indirect.gather [hbm4b:s5+s13], $0x20, s8, s13, $0xb8;
	[tilespmem:$0x11B20] =	vst v63  }
0x90: {  	_ =	swait.ge [sflag:s2], $0xFA0  }
0x91: {  	[sflag:s2] =	ssyncset.done $0x0  }
0x92: {  	s8 =	sadd.s32 $0x2A00, s23;
	[sflag:s2] =	ssyncadd.s32 $0xFFFFF060  }
0x93: {  	[spmem:s3] =	stream.indirect.scatter.add.f32 [tilespmem:s22], [sflag:$0x9], $0x20, s8, s13, $0xb8;
	[tilespmem:$0x11B20] =	vst v63  }
0x94: {  	_ =	swait.ge [sflag:s11], $0xFA0  }
0x95: {  	[sflag:s11] =	ssyncset.done $0x0  }
0x96: {  	s8 =	sadd.s32 $0x600, s23;
	[sflag:s11] =	ssyncadd.s32 $0xFFFFF060  }
0x97: {  	[tilespmem:s22], [sflag:$0x5] =	stream.indirect.gather [hbm4b:s5+s13], $0x20, s8, s13, $0xb8;
	[tilespmem:$0x11B20] =	vst v63  }
0x98: {  	_ =	swait.ge [sflag:s12], $0xFA0  }
0x99: {  	[sflag:s12] =	ssyncset.done $0x0  }
0x9a: {  	s8 =	sadd.s32 $0x2A80, s23;
	[sflag:s12] =	ssyncadd.s32 $0xFFFFF060  }
0x9b: {  	[spmem:s3] =	stream.indirect.scatter.add.f32 [tilespmem:s25], [sflag:$0x9], $0x20, s8, s13, $0xb8;
	[tilespmem:$0x11B20] =	vst v63  }
0x9c: {  	_ =	swait.ge [sflag:s11], $0xFA0  }
0x9d: {  	[sflag:s11] =	ssyncset.done $0x0  }
0x9e: {  	s8 =	sadd.s32 $0x680, s23;
	[sflag:s11] =	ssyncadd.s32 $0xFFFFF060  }
0x9f: {  	[tilespmem:s25], [sflag:$0x6] =	stream.indirect.gather [hbm4b:s5+s13], $0x20, s8, s13, $0xb8;
	[tilespmem:$0x11B20] =	vst v63  }
0xa0: {  	_ =	swait.ge [sflag:s15], $0xFA0  }
0xa1: {  	[sflag:s15] =	ssyncset.done $0x0  }
0xa2: {  	s8 =	sadd.s32 $0x2B00, s23;
	[sflag:s15] =	ssyncadd.s32 $0xFFFFF060  }
0xa3: {  	[spmem:s3] =	stream.indirect.scatter.add.f32 [tilespmem:s28], [sflag:$0x9], $0x20, s8, s13, $0xb8;
	[tilespmem:$0x11B20] =	vst v63  }
0xa4: {  	_ =	swait.ge [sflag:s11], $0xFA0  }
0xa5: {  	[sflag:s11] =	ssyncset.done $0x0  }
0xa6: {  	s8 =	sadd.s32 $0x700, s23;
	[sflag:s11] =	ssyncadd.s32 $0xFFFFF060  }
0xa7: {  	[tilespmem:s28], [sflag:$0x7] =	stream.indirect.gather [hbm4b:s5+s13], $0x20, s8, s13, $0xb8;
	[tilespmem:$0x11B20] =	vst v63  }
0xa8: {  	_ =	swait.ge [sflag:s17], $0xFA0  }
.Ltmp0:
0xa9: {  	[sflag:s17] =	ssyncset.done $0x0;
	(pc) =	sbr.rel @p0 .LBB2_2-.Ltmp0, $4  }
0xaa: {  	s8 =	sadd.s32 $0x2B80, s23;
	[sflag:s17] =	ssyncadd.s32 $0xFFFFF060  }
0xab: {  	[spmem:s3] =	stream.indirect.scatter.add.f32 [tilespmem:s29], [sflag:$0x9], $0x20, s8, s13, $0xb8;
	[tilespmem:$0x11B20] =	vst v63  }
0xac: {  	_ =	swait.ge [sflag:s11], $0xFA0  }
0xad: {  	s26 =	smov.u32 s7;
	s23 =	sshra.s32 s19, $0x2;
	[sflag:s11] =	ssyncset.done $0x0  }
0xae: {  	s7 =	sadd.s32 $0x380, s23;
	[sflag:s11] =	ssyncadd.s32 $0xFFFFF060  }
0xaf: {  	[tilespmem:s29], [sflag:$0x8] =	stream.indirect.gather [hbm4b:s5+s13], $0x20, s7, s13, $0xb8;
	[tilespmem:$0x11B20] =	vst v63  }
0xb0: {  	_ =	swait.ge [sflag:s30], $0xFA0  }
0xb1: {  	[sflag:s30] =	ssyncset.done $0x0  }
0xb2: {  	s8 =	sadd.s32 $0x2800, s23;
	[sflag:s30] =	ssyncadd.s32 $0xFFFFF060  }
0xb3: {  	[spmem:s3] =	stream.indirect.scatter.add.f32 [tilespmem:s14], [sflag:$0x9], $0x20, s8, s13, $0xb8;
	[tilespmem:$0x11B20] =	vst v63  }
0xb4: {  	_ =	swait.ge [sflag:s11], $0xFA0  }
0xb5: {  	[sflag:s11] =	ssyncset.done $0x0  }
0xb6: {  	s19 =	sadd.s32 $0x400, s23;
	[sflag:s11] =	ssyncadd.s32 $0xFFFFF060  }
0xb7: {  	[tilespmem:s14], [sflag:$0x1] =	stream.indirect.gather [hbm4b:s5+s13], $0x20, s19, s13, $0xb8;
	[tilespmem:$0x11B20] =	vst v63  }
0xb8: {  	_ =	swait.ge [sflag:s31], $0xFA0  }
0xb9: {  	[sflag:s31] =	ssyncset.done $0x0  }
0xba: {  	s26 =	sadd.s32 $0x2880, s23;
	[sflag:s31] =	ssyncadd.s32 $0xFFFFF060  }
0xbb: {  	[spmem:s3] =	stream.indirect.scatter.add.f32 [tilespmem:s16], [sflag:$0x9], $0x20, s26, s13, $0xb8;
	[tilespmem:$0x11B20] =	vst v63  }
0xbc: {  	_ =	swait.ge [sflag:s11], $0xFA0  }
0xbd: {  	[sflag:s11] =	ssyncset.done $0x0  }
0xbe: {  	s8 =	sadd.s32 $0x480, s23;
	[sflag:s11] =	ssyncadd.s32 $0xFFFFF060  }
0xbf: {  	[tilespmem:s16], [sflag:$0x2] =	stream.indirect.gather [hbm4b:s5+s13], $0x20, s8, s13, $0xb8;
	[tilespmem:$0x11B20] =	vst v63  }
0xc0: {  	_ =	swait.ge [sflag:s0], $0xFA0  }
0xc1: {  	[sflag:s0] =	ssyncset.done $0x0  }
0xc2: {  	s19 =	sadd.s32 $0x2900, s23;
	[sflag:s0] =	ssyncadd.s32 $0xFFFFF060  }
0xc3: {  	[spmem:s3] =	stream.indirect.scatter.add.f32 [tilespmem:s18], [sflag:$0x9], $0x20, s19, s13, $0xb8;
	[tilespmem:$0x11B20] =	vst v63  }
0xc4: {  	_ =	swait.ge [sflag:s11], $0xFA0  }
0xc5: {  	[sflag:s11] =	ssyncset.done $0x0  }
0xc6: {  	s26 =	sadd.s32 $0x500, s23;
	[sflag:s11] =	ssyncadd.s32 $0xFFFFF060  }
0xc7: {  	[tilespmem:s18], [sflag:$0x3] =	stream.indirect.gather [hbm4b:s5+s13], $0x20, s26, s13, $0xb8;
	[tilespmem:$0x11B20] =	vst v63  }
0xc8: {  	_ =	swait.ge [sflag:s1], $0xFA0  }
0xc9: {  	[sflag:s1] =	ssyncset.done $0x0  }
0xca: {  	s8 =	sadd.s32 $0x2980, s23;
	[sflag:s1] =	ssyncadd.s32 $0xFFFFF060  }
0xcb: {  	[spmem:s3] =	stream.indirect.scatter.add.f32 [tilespmem:s20], [sflag:$0x9], $0x20, s8, s13, $0xb8;
	[tilespmem:$0x11B20] =	vst v63  }
0xcc: {  	_ =	swait.ge [sflag:s11], $0xFA0  }
0xcd: {  	[sflag:s11] =	ssyncset.done $0x0  }
0xce: {  	s19 =	sadd.s32 $0x580, s23;
	[sflag:s11] =	ssyncadd.s32 $0xFFFFF060  }
0xcf: {  	[tilespmem:s20], [sflag:$0x4] =	stream.indirect.gather [hbm4b:s5+s13], $0x20, s19, s13, $0xb8;
	[tilespmem:$0x11B20] =	vst v63  }
0xd0: {  	_ =	swait.ge [sflag:s2], $0xFA0  }
0xd1: {  	[sflag:s2] =	ssyncset.done $0x0  }
0xd2: {  	s26 =	sadd.s32 $0x2A00, s23;
	[sflag:s2] =	ssyncadd.s32 $0xFFFFF060  }
0xd3: {  	[spmem:s3] =	stream.indirect.scatter.add.f32 [tilespmem:s22], [sflag:$0x9], $0x20, s26, s13, $0xb8;
	[tilespmem:$0x11B20] =	vst v63  }
0xd4: {  	_ =	swait.ge [sflag:s11], $0xFA0  }
0xd5: {  	[sflag:s11] =	ssyncset.done $0x0  }
0xd6: {  	s8 =	sadd.s32 $0x600, s23;
	[sflag:s11] =	ssyncadd.s32 $0xFFFFF060  }
0xd7: {  	[tilespmem:s22], [sflag:$0x5] =	stream.indirect.gather [hbm4b:s5+s13], $0x20, s8, s13, $0xb8;
	[tilespmem:$0x11B20] =	vst v63  }
0xd8: {  	_ =	swait.ge [sflag:s12], $0xFA0  }
0xd9: {  	[sflag:s12] =	ssyncset.done $0x0  }
0xda: {  	s19 =	sadd.s32 $0x2A80, s23;
	[sflag:s12] =	ssyncadd.s32 $0xFFFFF060  }
0xdb: {  	[spmem:s3] =	stream.indirect.scatter.add.f32 [tilespmem:s25], [sflag:$0x9], $0x20, s19, s13, $0xb8;
	[tilespmem:$0x11B20] =	vst v63  }
0xdc: {  	_ =	swait.ge [sflag:s11], $0xFA0  }
0xdd: {  	[sflag:s11] =	ssyncset.done $0x0  }
0xde: {  	s26 =	sadd.s32 $0x680, s23;
	[sflag:s11] =	ssyncadd.s32 $0xFFFFF060  }
0xdf: {  	[tilespmem:s25], [sflag:$0x6] =	stream.indirect.gather [hbm4b:s5+s13], $0x20, s26, s13, $0xb8;
	[tilespmem:$0x11B20] =	vst v63  }
0xe0: {  	_ =	swait.ge [sflag:s15], $0xFA0  }
0xe1: {  	[sflag:s15] =	ssyncset.done $0x0  }
0xe2: {  	s8 =	sadd.s32 $0x2B00, s23;
	[sflag:s15] =	ssyncadd.s32 $0xFFFFF060  }
0xe3: {  	[spmem:s3] =	stream.indirect.scatter.add.f32 [tilespmem:s28], [sflag:$0x9], $0x20, s8, s13, $0xb8;
	[tilespmem:$0x11B20] =	vst v63  }
0xe4: {  	_ =	swait.ge [sflag:s11], $0xFA0  }
0xe5: {  	[sflag:s11] =	ssyncset.done $0x0  }
0xe6: {  	s19 =	sadd.s32 $0x700, s23;
	[sflag:s11] =	ssyncadd.s32 $0xFFFFF060  }
0xe7: {  	[tilespmem:s28], [sflag:$0x7] =	stream.indirect.gather [hbm4b:s5+s13], $0x20, s19, s13, $0xb8;
	[tilespmem:$0x11B20] =	vst v63  }
0xe8: {  	_ =	swait.ge [sflag:s17], $0xFA0  }
0xe9: {  	[sflag:s17] =	ssyncset.done $0x0  }
0xea: {  	s23 =	sadd.s32 $0x2B80, s23;
	[sflag:s17] =	ssyncadd.s32 $0xFFFFF060  }
0xeb: {  	[spmem:s3] =	stream.indirect.scatter.add.f32 [tilespmem:s29], [sflag:$0x9], $0x20, s23, s13, $0xb8;
	[tilespmem:$0x11B20] =	vst v63  }
0xec: {  	_ =	swait.ge [sflag:s11], $0xFA0  }
0xed: {  	[sflag:s11] =	ssyncset.done $0x0  }
0xee: {  	s26 =	simm.s32 $0x2780;
	[sflag:s11] =	ssyncadd.s32 $0xFFFFF060  }
0xef: {  	[tilespmem:s29], [sflag:$0x8] =	stream.indirect.gather [hbm4b:s5+s13], $0x20, s26, s13, $0xb8;
	[tilespmem:$0x11B20] =	vst v63  }
0xf0: {  	_ =	swait.ge [sflag:s30], $0xFA0  }
0xf1: {  	[sflag:s30] =	ssyncset.done $0x0  }
0xf2: {  	s8 =	simm.s32 $0x4C00;
	[sflag:s30] =	ssyncadd.s32 $0xFFFFF060  }
0xf3: {  	[spmem:s3] =	stream.indirect.scatter.add.f32 [tilespmem:s14], [sflag:$0x9], $0x20, s8, s13, $0xb8;
	[tilespmem:$0x11B20] =	vst v63  }
0xf4: {  	_ =	swait.ge [sflag:s11], $0xFA0  }
0xf5: {  	[sflag:s11] =	ssyncset.done $0x0  }
0xf6: {  	[sflag:s11] =	ssyncadd.s32 $0xFFFFF060  }
0xf7: {  	_ =	swait.ge [sflag:s31], $0xFA0  }
0xf8: {  	[sflag:s31] =	ssyncset.done $0x0  }
0xf9: {  	s19 =	simm.s32 $0x4C80;
	[sflag:s31] =	ssyncadd.s32 $0xFFFFF060  }
0xfa: {  	[spmem:s3] =	stream.indirect.scatter.add.f32 [tilespmem:s16], [sflag:$0x9], $0x20, s19, s13, $0xb8;
	[tilespmem:$0x11B20] =	vst v63  }
0xfb: {  	_ =	swait.ge [sflag:s11], $0xFA0  }
0xfc: {  	[sflag:s11] =	ssyncset.done $0x0  }
0xfd: {  	[sflag:s11] =	ssyncadd.s32 $0xFFFFF060  }
0xfe: {  	_ =	swait.ge [sflag:s0], $0xFA0  }
0xff: {  	[sflag:s0] =	ssyncset.done $0x0  }
0x100: {  	s23 =	simm.s32 $0x4D00;
	[sflag:s0] =	ssyncadd.s32 $0xFFFFF060  }
0x101: {  	[spmem:s3] =	stream.indirect.scatter.add.f32 [tilespmem:s18], [sflag:$0x9], $0x20, s23, s13, $0xb8;
	[tilespmem:$0x11B20] =	vst v63  }
0x102: {  	_ =	swait.ge [sflag:s11], $0xFA0  }
0x103: {  	[sflag:s11] =	ssyncset.done $0x0  }
0x104: {  	[sflag:s11] =	ssyncadd.s32 $0xFFFFF060  }
0x105: {  	_ =	swait.ge [sflag:s1], $0xFA0  }
0x106: {  	[sflag:s1] =	ssyncset.done $0x0  }
0x107: {  	s26 =	simm.s32 $0x4D80;
	[sflag:s1] =	ssyncadd.s32 $0xFFFFF060  }
0x108: {  	[spmem:s3] =	stream.indirect.scatter.add.f32 [tilespmem:s20], [sflag:$0x9], $0x20, s26, s13, $0xb8;
	[tilespmem:$0x11B20] =	vst v63  }
0x109: {  	_ =	swait.ge [sflag:s11], $0xFA0  }
0x10a: {  	[sflag:s11] =	ssyncset.done $0x0  }
0x10b: {  	[sflag:s11] =	ssyncadd.s32 $0xFFFFF060  }
0x10c: {  	_ =	swait.ge [sflag:s2], $0xFA0  }
0x10d: {  	[sflag:s2] =	ssyncset.done $0x0  }
0x10e: {  	s8 =	simm.s32 $0x4E00;
	[sflag:s2] =	ssyncadd.s32 $0xFFFFF060  }
0x10f: {  	[spmem:s3] =	stream.indirect.scatter.add.f32 [tilespmem:s22], [sflag:$0x9], $0x20, s8, s13, $0xb8;
	[tilespmem:$0x11B20] =	vst v63  }
0x110: {  	_ =	swait.ge [sflag:s11], $0xFA0  }
0x111: {  	[sflag:s11] =	ssyncset.done $0x0  }
0x112: {  	[sflag:s11] =	ssyncadd.s32 $0xFFFFF060  }
0x113: {  	_ =	swait.ge [sflag:s12], $0xFA0  }
0x114: {  	[sflag:s12] =	ssyncset.done $0x0  }
0x115: {  	s19 =	simm.s32 $0x4E80;
	[sflag:s12] =	ssyncadd.s32 $0xFFFFF060  }
0x116: {  	[spmem:s3] =	stream.indirect.scatter.add.f32 [tilespmem:s25], [sflag:$0x9], $0x20, s19, s13, $0xb8;
	[tilespmem:$0x11B20] =	vst v63  }
0x117: {  	_ =	swait.ge [sflag:s11], $0xFA0  }
0x118: {  	[sflag:s11] =	ssyncset.done $0x0  }
0x119: {  	[sflag:s11] =	ssyncadd.s32 $0xFFFFF060  }
0x11a: {  	_ =	swait.ge [sflag:s15], $0xFA0  }
0x11b: {  	[sflag:s15] =	ssyncset.done $0x0  }
0x11c: {  	s23 =	simm.s32 $0x4F00;
	[sflag:s15] =	ssyncadd.s32 $0xFFFFF060  }
0x11d: {  	[spmem:s3] =	stream.indirect.scatter.add.f32 [tilespmem:s28], [sflag:$0x9], $0x20, s23, s13, $0xb8;
	[tilespmem:$0x11B20] =	vst v63  }
0x11e: {  	_ =	swait.ge [sflag:s11], $0xFA0  }
0x11f: {  	[sflag:s11] =	ssyncset.done $0x0  }
0x120: {  	[sflag:s11] =	ssyncadd.s32 $0xFFFFF060  }
0x121: {  	_ =	swait.ge [sflag:s17], $0xFA0  }
0x122: {  	[sflag:s17] =	ssyncset.done $0x0  }
0x123: {  	s26 =	simm.s32 $0x4F80;
	[sflag:s17] =	ssyncadd.s32 $0xFFFFF060  }
0x124: {  	[spmem:s3] =	stream.indirect.scatter.add.f32 [tilespmem:s29], [sflag:$0x9], $0x20, s26, s13, $0xb8;
	[tilespmem:$0x11B20] =	vst v63  }
0x125: {  	_ =	swait.ge [sflag:s11], $0xFA0  }
0x126: {  	s21 =	sadd.s32 $0x1, s21;
	[sflag:s11] =	ssyncset.done $0x0  }
0x127: {  	p0 =	sne.s32 s21, s9;
	[sflag:s11] =	ssyncadd.s32 $0xFFFFF060  }
.Ltmp1:
0x128: {  	[bflag:$0x0] =	sbarrier.arrive $0xFFFF;
	(pc) =	sbr.rel @p0 .LBB2_1-.Ltmp1, $4  }
0x129: {  	[hbm:s24], [sflag:s6] =	dma.local [spmem:s10], $0x9C4  }
0x12a: {  	_ =	swait.ge [sflag:s11], $0x9C4  }
0x12b: {  	[sflag:s11] =	ssyncset.done $0x0  }
0x12c: {  	[sflag:s11] =	ssyncadd.s32 $0xFFFFF63C  }
0x12d: {  	_ =	sfence.sel $0x180000  }
0x12e: {  	[bflag:$0x0] =	sbarrier.arrive $0xFFFF  }
0x12f: {  	_ =	strace $0x9000004A  }
0x130: {  	s0 =	stileid.u32;
	[bflag:$0x2] =	sbarrier.arrive $0xFFFF  }
0x131: {  	p0 =	sne.s32 s0, $0x0;
	s0 =	rddreg [dreg:$0x3]  }
0x132: {  	s0 =	sadd.s32 @!p0 $0x100000, s0  }
0x133: {  	[sflag:s0] =	ssyncadd.tile.s32 @!p0 $0x1;
	_ =	shalt  }
.Lfunc_end2:
_tile_overlayer_lowered:
.L_overlay_start_2:
0x134: {  	(tag) =	ssettag $0x2  }
0x135: {  	s0 =	rddreg [dreg:$0x0];
	s2 =	stileid.u32  }
0x136: {  	s1 =	rddreg [dreg:$0x1];
	p0 =	sne.s32 s2, $0x0  }
0x137: {  	s3 =	rddreg [dreg:$0x2];
	[bflag:$0x3] =	sbarrier.arrive $0xFFFF;
	s2 =	simm.s32 @!p0 $0x1C09  }
0x138: {  	[timem:s3], [sflag:s2] =	dma.local @!p0 [hbm:s0], s1  }
0x139: {  	s0 =	simm.s32 @!p0 $0x9  }
0x13a: {  	_ =	swait.ge @!p0 [sflag:s0], s1  }
0x13b: {  	s1 =	ssub.s32 @!p0 $0x0, s1;
	[sflag:s0] =	ssyncset.done @!p0 $0x0  }
0x13c: {  	[sflag:s0] =	ssyncadd.s32 @!p0 s1  }
0x13d: {  	[bflag:$0x3] =	sbarrier.arrive $0xFFFF  }
0x13e: {  	_ =	shalt  }

// kernel: kernel.17.cloned.1.call-start
scs
__scs_entry_jumppad:
0x0: {  	(pc) =	sbr.rel $0x88, $3  }
0x1: {  	(tag) =	ssettag $0x0;
	lr =	simm.s32 $0x1  }
0x2: {  	[smem:$0x3F79] =	sst lr;
	_ =	strace $0xD0000000  }
0x3: {  	_ = 	snop  }
0x4: {  	_ = 	snop  }
0x5: {  	_ = 	snop  }
0x6: {  	_ = 	snop  }
0x7: {  	_ = 	snop  }
__scs_overlays_trampoline_lowered:
0x8: {  	[smem:$0x3F88] =	sst s0  }
0x9: {  	[smem:$0x3F89] =	sst s1  }
0xa: {  	[smem:$0x3F8A] =	sst s2  }
0xb: {  	[smem:$0x3F8B] =	sst s3  }
0xc: {  	[smem:$0x3F8C] =	sst s4  }
0xd: {  	[smem:$0x3F8D] =	sst s5  }
0xe: {  	[smem:$0x3F8E] =	sst s6  }
0xf: {  	[smem:$0x3F8F] =	sst s7  }
0x10: {  	[smem:$0x3F90] =	sst s8  }
0x11: {  	[smem:$0x3F91] =	sst s9;
	s0 =	simm.s32 @!p0 $0x0  }
0x12: {  	s1 =	sld [smem:$0x3F77];
	s0 =	simm.s32 @p0 $0x1  }
0x13: {  	[smem:$0x3F92] =	sst s0;
	s0 =	simm.s32 @!p1 $0x0  }
0x14: {  	s2 =	sld [smem:$0x3F76];
	s0 =	simm.s32 @p1 $0x1  }
0x15: {  	[smem:$0x3F93] =	sst s0;
	s0 =	simm.s32 @!p2 $0x0  }
0x16: {  	s3 =	sld [smem:$0x3FDB];
	s0 =	simm.s32 @p2 $0x1  }
0x17: {  	s4 =	simm.s32 $0x1BF5;
	[smem:$0x3F95] =	sst s0  }
0x18: {  	s0 =	sld [smem:$0x3F78];
	_ =	swait.ge [sflag:s4], $0x0  }
0x19: {  	s7 =	sld [smem:$0x3F79]  }
0x1a: {  	s8 =	sadd.s32 $0xFFFFE003, lr  }
0x1b: {  	s9 =	sadd.s32 $0xFFFFFEF7, lr;
	s5 =	simm.s32 $0xFFFFFFFF;
	p2 =	slt.u32 s8, $0xFFFFF086  }
0x1c: {  	p1 =	slt.u32 s9, $0xF7A;
	s5 =	simm.s32 @!p2 $0x0  }
0x1d: {  	s5 =	simm.s32 @p1 $0x1;
	p0 =	seq.s32 s7, s2  }
0x1e: {  	s7 =	smul.u32 @!p0 $0xF7A, s2;
	p2 =	seq.s32 @!p0 s5, $0x0  }
0x1f: {  	s9 =	smul.u32 $0xF7A, s1;
	s8 =	simm.s32 @!p0 $0x1BF5;
	p2 =	por !p2, p0  }
0x20: {  	[sflag:s8] =	ssyncset.s32 @!p0 $0xFFFFF086;
	s6 =	sadd.s32 @!p0 s3, s7;
	s7 =	simm.s32 @!p0 $0x108  }
0x21: {  	s3 =	sadd.s32 s3, s9;
	s6 =	sadd.s32 @!p0 $0x88, s6;
	s7 =	simm.s32 @p2 $0x1082  }
0x22: {  	[simem:s7], [sflag:s8] =	dma.local @!p0 [hbm:s6], $0xF7A  }
0x23: {  	s9 =	sor.u32 $0xD0000000, s2;
	s6 =	simm.s32 $0x108;
	_ =	swait.ge @!p0 [sflag:s8], $0x0  }
0x24: {  	s3 =	sadd.s32 $0x88, s3;
	s6 =	simm.s32 @!p1 $0x1082;
	[sflag:s4] =	ssyncset.s32 $0xFFFFF086  }
0x25: {  	[simem:s6], [sflag:s4] =	dma.local [hbm:s3], $0xF7A  }
0x26: {  	[smem:$0x3F79] =	sst s1;
	(tag) =	ssettag s2;
	_ =	strace s9  }
0x27: {  	s1 =	sld [smem:$0x3F89]  }
0x28: {  	s2 =	sld [smem:$0x3F8A]  }
0x29: {  	s4 =	sld [smem:$0x3F8C]  }
0x2a: {  	p0 =	seq.s32 s5, $0x0;
	s5 =	sld [smem:$0x3F8D]  }
0x2b: {  	s6 =	sld [smem:$0x3F8E]  }
0x2c: {  	s7 =	sld [smem:$0x3F8F]  }
0x2d: {  	s3 =	simm.s32 $0x108;
	s8 =	sld [smem:$0x3F90]  }
0x2e: {  	s3 =	simm.s32 @!p0 $0x1082;
	s9 =	sld [smem:$0x3F91]  }
0x2f: {  	lr =	sadd.s32 s0, s3;
	s0 =	sld [smem:$0x3F88]  }
0x30: {  	s3 =	sld [smem:$0x3F8B]  }
0x31: {  	[smem:$0x3F94] =	sst s10  }
0x32: {  	s10 =	sld [smem:$0x3F92];
	_ =	sdelay $0x3  }
0x33: {  	p0 =	seq.s32 s10, $0x1;
	s10 =	sld [smem:$0x3F94];
	_ =	sdelay $0x3  }
0x34: {  	[smem:$0x3F94] =	sst s10  }
0x35: {  	s10 =	sld [smem:$0x3F93];
	_ =	sdelay $0x3  }
0x36: {  	p1 =	seq.s32 s10, $0x1;
	s10 =	sld [smem:$0x3F94];
	_ =	sdelay $0x3  }
0x37: {  	[smem:$0x3F94] =	sst s10  }
0x38: {  	s10 =	sld [smem:$0x3F95]  }
0x39: {  	_ = 	snop;
	(pc) =	sbr.ind lr, $3  }
0x3a: {  	_ = 	snop  }
0x3b: {  	_ = 	snop  }
0x3c: {  	p2 =	seq.s32 s10, $0x1;
	s10 =	sld [smem:$0x3F94]  }
0x3d: {  	_ =	shalt  }
0x3e: {  	_ =	shalt  }
0x3f: {  	_ =	shalt  }
0x40: {  	_ =	shalt  }
0x41: {  	_ =	shalt  }
0x42: {  	_ =	shalt  }
0x43: {  	_ =	shalt  }
0x44: {  	_ =	shalt  }
0x45: {  	_ =	shalt  }
0x46: {  	_ =	shalt  }
0x47: {  	_ =	shalt  }
0x48: {  	_ =	shalt  }
0x49: {  	_ =	shalt  }
0x4a: {  	_ =	shalt  }
0x4b: {  	_ =	shalt  }
0x4c: {  	_ =	shalt  }
0x4d: {  	_ =	shalt  }
0x4e: {  	_ =	shalt  }
0x4f: {  	_ =	shalt  }
0x50: {  	_ =	shalt  }
0x51: {  	_ =	shalt  }
0x52: {  	_ =	shalt  }
0x53: {  	_ =	shalt  }
0x54: {  	_ =	shalt  }
0x55: {  	_ =	shalt  }
0x56: {  	_ =	shalt  }
0x57: {  	_ =	shalt  }
0x58: {  	_ =	shalt  }
0x59: {  	_ =	shalt  }
0x5a: {  	_ =	shalt  }
0x5b: {  	_ =	shalt  }
0x5c: {  	_ =	shalt  }
0x5d: {  	_ =	shalt  }
0x5e: {  	_ =	shalt  }
0x5f: {  	_ =	shalt  }
0x60: {  	_ =	shalt  }
0x61: {  	_ =	shalt  }
0x62: {  	_ =	shalt  }
0x63: {  	_ =	shalt  }
0x64: {  	_ =	shalt  }
0x65: {  	_ =	shalt  }
0x66: {  	_ =	shalt  }
0x67: {  	_ =	shalt  }
0x68: {  	_ =	shalt  }
0x69: {  	_ =	shalt  }
0x6a: {  	_ =	shalt  }
0x6b: {  	_ =	shalt  }
0x6c: {  	_ =	shalt  }
0x6d: {  	_ =	shalt  }
0x6e: {  	_ =	shalt  }
0x6f: {  	_ =	shalt  }
0x70: {  	_ =	shalt  }
0x71: {  	_ =	shalt  }
0x72: {  	_ =	shalt  }
0x73: {  	_ =	shalt  }
0x74: {  	_ =	shalt  }
0x75: {  	_ =	shalt  }
0x76: {  	_ =	shalt  }
0x77: {  	_ =	shalt  }
0x78: {  	_ =	shalt  }
0x79: {  	_ =	shalt  }
0x7a: {  	_ =	shalt  }
0x7b: {  	_ =	shalt  }
0x7c: {  	_ =	shalt  }
0x7d: {  	_ =	shalt  }
0x7e: {  	_ =	shalt  }
0x7f: {  	_ =	shalt  }
0x80: {  	_ =	shalt  }
0x81: {  	_ =	shalt  }
0x82: {  	_ =	shalt  }
0x83: {  	_ =	shalt  }
0x84: {  	_ =	shalt  }
0x85: {  	_ =	shalt  }
0x86: {  	_ =	shalt  }
0x87: {  	_ =	shalt  }
.Lfunc_end0:
.L_simem_size_0:
called_computation.2_lowered:
.L_overlay_start_0:
0x88: {  	s2 =	sld [smem:$0x3FD9]  }
0x89: {  	s3 =	sld [smem:$0x3FFE];
	_ =	sdelay $0x1  }
0x8a: {  	s1 =	srdreg.scid  }
0x8b: {  	s0 =	sand.u32 $0x1, s1  }
0x8c: {  	s17 =	sshll.u32 s0, $0xA;
	s2 =	sadd.s32 s3, s2  }
0x8d: {  	s2 =	sadd.s32 s2, s17  }
0x8e: {  	[smem:$0x3FA0] =	sst s2  }
0x8f: {  	_ = 	snop  }
0x90: {  	s2 =	sld [smem:$0x3FD0];
	(tm) =	ssettm $0x1  }
0x91: {  	s18 =	sld [smem:$0x3FFB];
	_ =	sdelay $0x3  }
0x92: {  	_ =	strace s18  }
0x93: {  	s3 =	sld [smem:$0x3FFC];
	_ =	sdelay $0x3  }
0x94: {  	_ =	strace s3  }
0x95: {  	s3 =	sld [smem:$0x3FFD];
	_ =	sdelay $0x3  }
0x96: {  	_ =	strace s3  }
0x97: {  	_ =	strace $0x8FFFFFFF  }
0x98: {  	s19 =	sld [smem:$0x3FDB];
	_ =	sdelay $0x1  }
0x99: {  	s4 =	simm.s32 $_scs_section_size  }
0x9a: {  	s5 =	simm.s32 $_size__tile_overlayer_lowered;
	s6 =	simm.s32 $_tile_overlayer_lowered  }
0x9b: {  	s22 =	simm.s32 $0x1BFF;
	s21 =	sshll.u32 s6, $0x1;
	s3 =	sadd.s32 s4, s19  }
0x9c: {  	s7 =	simm.s32 $0x0;
	s20 =	sshll.u32 s5, $0x1;
	s5 =	sadd.s32 s21, s3  }
0x9d: {  	[timem:s7], [sflag:s22] =	dma.local [hbm:s5], s20  }
0x9e: {  	_ =	swait.ge [sflag:s22], s20  }
0x9f: {  	s4 =	ssub.s32 $0x0, s20;
	[sflag:s22] =	ssyncset.done $0x0  }
0xa0: {  	[sflag:s22] =	ssyncadd.s32 s4;
	_ =	sdelay $0x1  }
0xa1: {  	s23 =	simm.s32 $0x1B8B  }
0xa2: {  	_ =	swait.ge [sflag:s23], $0x1  }
0xa3: {  	[sflag:s23] =	ssyncset.done $0x0  }
0xa4: {  	s25 =	simm.s32 $0x1B8E;
	s24 =	sld [smem:$0x3FFE];
	[sflag:s23] =	ssyncadd.s32 $0xFFFFFFFF  }
0xa5: {  	s26 =	simm.s32 $execute0_lowered;
	[smem:$0x3FD2] =	sst s25  }
0xa6: {  	s5 =	sshll.u32 s26, $0x1;
	_ =	strace $0x8000004C;
	[dreg:$0x1] =	wrdreg $0xFFFFFFFF  }
0xa7: {  	s28 =	simm.s32 $_size_execute0_lowered;
	s3 =	sadd.s32 s3, s5;
	[dreg:$0x0] =	wrdreg $0x0  }
0xa8: {  	s5 =	sshll.u32 s28, $0x1;
	[dreg:$0x2] =	wrdreg s3  }
0xa9: {  	[dreg:$0x3] =	wrdreg s5  }
0xaa: {  	[dreg:$0x4] =	wrdreg $0xC0  }
0xab: {  	_ =	task [dreg:s7], $0x5FFFF  }
0xac: {  	[dreg:$0x1] =	wrdreg $0xFFFFFFFF  }
0xad: {  	[dreg:$0x0] =	wrdreg $0x60  }
0xae: {  	[dreg:$0x2] =	wrdreg s24  }
0xaf: {  	[dreg:$0x3] =	wrdreg s2  }
0xb0: {  	[dreg:$0x4] =	wrdreg $0xCD000  }
0xb1: {  	[dreg:$0x5] =	wrdreg $0x9  }
0xb2: {  	_ =	task.clear_ibuf [dreg:s7], $0x6FFFF;
	_ =	strace $0x9000004C  }
0xb3: {  	s29 =	simm.s32 $0x9;
	_ =	strace $0x8000004E  }
0xb4: {  	_ =	swait.ge [sflag:s29], $0x1  }
0xb5: {  	[sflag:s29] =	ssyncadd.s32 $0xFFFFFFFF  }
0xb6: {  	_ =	strace $0x9000004E  }
0xb7: {  	_ =	sfence  }
0xb8: {  	s30 =	sld [smem:$0x0];
	_ =	sdelay $0x2  }
0xb9: {  	s31 =	sshll.u32 s1, $0xD;
	s1 =	sshrl.u32 s1, $0x2  }
0xba: {  	s3 =	sand.u32 $0x4000, s31;
	s1 =	sadd.s32 s1, s30  }
0xbb: {  	s0 =	sor.u32 s3, s0;
	s1 =	sshll.u32 s1, $0x11  }
0xbc: {  	s0 =	sor.u32 s1, s0  }
0xbd: {  	s0 =	sadd.s32 $0x8F2B, s0  }
0xbe: {  	[sflag:s0] =	ssyncadd.remote.s32 $0x1  }
0xbf: {  	_ =	sfence.sel $0xFFFF  }
0xc0: {  	[dreg:$0x0] =	wrdreg $0xFFFFFFFF;
	(pc) =	sbr.abs _section_cstart, $3  }
0xc1: {  	[dreg:$0x1] =	wrdreg $0xFFFFFFFF  }
0xc2: {  	_ =	task.clear_ibuf [dreg:s7], $0x2FFFF;
	_ =	strace $0x9FFFFFFF  }
0xc3: {  	(tm) =	ssettm $0x7FFFFFFF  }
tec
execute0_lowered:
.L_overlay_start_1:
0x0: {  	(tag) =	ssettag $0x1  }
0x1: {  	s0 =	rddreg [dreg:$0x0];
	s1 =	srdreg.scid  }
0x2: {  	s3 =	rddreg [dreg:$0x2];
	s8 =	stileid.u32;
	s4 =	simm.s32 $0x0  }
0x3: {  	s11 =	simm.s32 $0x9;
	s13 =	simm.s32 $0x7D;
	s14 =	simm.s32 $0x5000  }
0x4: {  	s16 =	simm.s32 $0x5FA0;
	s18 =	simm.s32 $0x6F40;
	s20 =	simm.s32 $0x7EE0  }
0x5: {  	s22 =	simm.s32 $0x8E80;
	s28 =	simm.s32 $0xADC0;
	s29 =	simm.s32 $0xBD60  }
0x6: {  	s30 =	simm.s32 $0x1;
	s31 =	simm.s32 $0x2;
	s12 =	simm.s32 $0x6  }
0x7: {  	s15 =	simm.s32 $0x7;
	s17 =	simm.s32 $0x8;
	s21 =	simm.s32 $0x0  }
0x8: {  	s1 =	sand.u32 $0x1, s1;
	[smem:$0x7FF] =	sst s4;
	s5 =	sadd.s32 $0x1AC00, s0  }
0x9: {  	s7 =	smul.u32 $0x4E20, s8;
	s2 =	sshll.u32 s1, $0x4;
	_ =	strace $0x8000004D  }
0xa: {  	s6 =	smul.u32 $0x9C40, s1;
	s1 =	ssub.s32 $0x2, s1;
	s2 =	sor.u32 s8, s2  }
0xb: {  	s24 =	sshrl.u32 s1, $0x1;
	s8 =	sshll.u32 s8, $0x6;
	s2 =	smul.u32 $0x500, s2  }
0xc: {  	s10 =	sadd.s32 s7, s3;
	s26 =	sshrl.u32 s7, $0x3;
	s1 =	ssub.s32 s1, s24  }
0xd: {  	s10 =	sshrl.u32 s10, $0x3;
	s9 =	smax.u32 s1, $0x1;
	s2 =	sadd.s32 s2, s0  }
0xe: {  	s1 =	simm.s32 $0x4;
	s0 =	sadd.s32 s6, s0;
	s25 =	sadd.s32 $0x10C00, s2  }
0xf: {  	s2 =	sadd.s32 $0x6800, s2;
	s0 =	sadd.s32 $0x24A00, s0;
	[dreg:$0x4] =	wrdreg s25  }
0x10: {  	s6 =	sor.u32 $0x1C09, s8;
	[dreg:$0x5] =	wrdreg s2;
	s24 =	sadd.s32 s26, s0  }
0x11: {  	s25 =	simm.s32 $0x9E20;
	s0 =	simm.s32 $0x3;
	s2 =	simm.s32 $0x5  }
.LBB2_1:
0x12: {  	s7 =	rddreg [dreg:$0x1]  }
0x13: {  	[spmem:s10], [sflag:s6] =	dma.local [hbm:s7], $0x9C4  }
0x14: {  	_ =	swait.ge [sflag:s11], $0x9C4  }
0x15: {  	[sflag:s11] =	ssyncset.done $0x0  }
0x16: {  	s8 =	rddreg [dreg:$0x4];
	[sflag:s11] =	ssyncadd.s32 $0xFFFFF63C  }
0x17: {  	[tilespmem:s4], [sflag:$0x9] =	stream.linear.gather [hbm4b:s8+s4], $0x2800, $0x38;
	[tilespmem:$0x11B20] =	vst v63  }
0x18: {  	_ =	swait.ge [sflag:s11], $0x2800  }
0x19: {  	[sflag:s11] =	ssyncset.done $0x0  }
0x1a: {  	s8 =	simm.s32 $0x2800;
	s19 =	rddreg [dreg:$0x5];
	[sflag:s11] =	ssyncadd.s32 $0xFFFFD800  }
0x1b: {  	[tilespmem:s8], [sflag:$0x9] =	stream.linear.gather [hbm4b:s19+s4], $0x2800, $0x38;
	[tilespmem:$0x11B20] =	vst v63  }
0x1c: {  	_ =	swait.ge [sflag:s11], $0x2800  }
0x1d: {  	[sflag:s11] =	ssyncset.done $0x0  }
0x1e: {  	[sflag:s11] =	ssyncadd.s32 $0xFFFFD800  }
0x1f: {  	[bflag:$0x0] =	sbarrier.arrive $0xFFFF  }
0x20: {  	[tilespmem:s14], [sflag:$0x1] =	stream.indirect.gather [hbm4b:s5+s13], $0x20, s4, s13, $0xb8;
	[tilespmem:$0x11B20] =	vst v63  }
0x21: {  	s23 =	simm.s32 $0x80  }
0x22: {  	[tilespmem:s16], [sflag:$0x2] =	stream.indirect.gather [hbm4b:s5+s13], $0x20, s23, s13, $0xb8;
	[tilespmem:$0x11B20] =	vst v63  }
0x23: {  	s26 =	simm.s32 $0x100  }
0x24: {  	[tilespmem:s18], [sflag:$0x3] =	stream.indirect.gather [hbm4b:s5+s13], $0x20, s26, s13, $0xb8;
	[tilespmem:$0x11B20] =	vst v63  }
0x25: {  	s8 =	simm.s32 $0x180  }
0x26: {  	[tilespmem:s20], [sflag:$0x4] =	stream.indirect.gather [hbm4b:s5+s13], $0x20, s8, s13, $0xb8;
	[tilespmem:$0x11B20] =	vst v63  }
0x27: {  	s19 =	simm.s32 $0x200  }
0x28: {  	[tilespmem:s22], [sflag:$0x5] =	stream.indirect.gather [hbm4b:s5+s13], $0x20, s19, s13, $0xb8;
	[tilespmem:$0x11B20] =	vst v63  }
0x29: {  	s23 =	simm.s32 $0x280  }
0x2a: {  	[tilespmem:s25], [sflag:$0x6] =	stream.indirect.gather [hbm4b:s5+s13], $0x20, s23, s13, $0xb8;
	[tilespmem:$0x11B20] =	vst v63  }
0x2b: {  	s26 =	simm.s32 $0x300  }
0x2c: {  	[tilespmem:s28], [sflag:$0x7] =	stream.indirect.gather [hbm4b:s5+s13], $0x20, s26, s13, $0xb8;
	[tilespmem:$0x11B20] =	vst v63  }
0x2d: {  	s8 =	simm.s32 $0x380  }
0x2e: {  	[tilespmem:s29], [sflag:$0x8] =	stream.indirect.gather [hbm4b:s5+s13], $0x20, s8, s13, $0xb8;
	[tilespmem:$0x11B20] =	vst v63  }
0x2f: {  	_ =	swait.ge [sflag:s30], $0xFA0  }
0x30: {  	[sflag:s30] =	ssyncset.done $0x0  }
0x31: {  	s19 =	simm.s32 $0x2800;
	[sflag:s30] =	ssyncadd.s32 $0xFFFFF060  }
0x32: {  	[spmem:s3] =	stream.indirect.scatter.add.f32 [tilespmem:s14], [sflag:$0x9], $0x20, s19, s13, $0xb8;
	[tilespmem:$0x11B20] =	vst v63  }
0x33: {  	_ =	swait.ge [sflag:s11], $0xFA0  }
0x34: {  	[sflag:s11] =	ssyncset.done $0x0  }
0x35: {  	s23 =	simm.s32 $0x400;
	[sflag:s11] =	ssyncadd.s32 $0xFFFFF060  }
0x36: {  	[tilespmem:s14], [sflag:$0x1] =	stream.indirect.gather [hbm4b:s5+s13], $0x20, s23, s13, $0xb8;
	[tilespmem:$0x11B20] =	vst v63  }
0x37: {  	_ =	swait.ge [sflag:s31], $0xFA0  }
0x38: {  	[sflag:s31] =	ssyncset.done $0x0  }
0x39: {  	s26 =	simm.s32 $0x2880;
	[sflag:s31] =	ssyncadd.s32 $0xFFFFF060  }
0x3a: {  	[spmem:s3] =	stream.indirect.scatter.add.f32 [tilespmem:s16], [sflag:$0x9], $0x20, s26, s13, $0xb8;
	[tilespmem:$0x11B20] =	vst v63  }
0x3b: {  	_ =	swait.ge [sflag:s11], $0xFA0  }
0x3c: {  	[sflag:s11] =	ssyncset.done $0x0  }
0x3d: {  	s8 =	simm.s32 $0x480;
	[sflag:s11] =	ssyncadd.s32 $0xFFFFF060  }
0x3e: {  	[tilespmem:s16], [sflag:$0x2] =	stream.indirect.gather [hbm4b:s5+s13], $0x20, s8, s13, $0xb8;
	[tilespmem:$0x11B20] =	vst v63  }
0x3f: {  	_ =	swait.ge [sflag:s0], $0xFA0  }
0x40: {  	[sflag:s0] =	ssyncset.done $0x0  }
0x41: {  	s19 =	simm.s32 $0x2900;
	[sflag:s0] =	ssyncadd.s32 $0xFFFFF060  }
0x42: {  	[spmem:s3] =	stream.indirect.scatter.add.f32 [tilespmem:s18], [sflag:$0x9], $0x20, s19, s13, $0xb8;
	[tilespmem:$0x11B20] =	vst v63  }
0x43: {  	_ =	swait.ge [sflag:s11], $0xFA0  }
0x44: {  	[sflag:s11] =	ssyncset.done $0x0  }
0x45: {  	s23 =	simm.s32 $0x500;
	[sflag:s11] =	ssyncadd.s32 $0xFFFFF060  }
0x46: {  	[tilespmem:s18], [sflag:$0x3] =	stream.indirect.gather [hbm4b:s5+s13], $0x20, s23, s13, $0xb8;
	[tilespmem:$0x11B20] =	vst v63  }
0x47: {  	_ =	swait.ge [sflag:s1], $0xFA0  }
0x48: {  	[sflag:s1] =	ssyncset.done $0x0  }
0x49: {  	s26 =	simm.s32 $0x2980;
	[sflag:s1] =	ssyncadd.s32 $0xFFFFF060  }
0x4a: {  	[spmem:s3] =	stream.indirect.scatter.add.f32 [tilespmem:s20], [sflag:$0x9], $0x20, s26, s13, $0xb8;
	[tilespmem:$0x11B20] =	vst v63  }
0x4b: {  	_ =	swait.ge [sflag:s11], $0xFA0  }
0x4c: {  	[sflag:s11] =	ssyncset.done $0x0  }
0x4d: {  	s8 =	simm.s32 $0x580;
	[sflag:s11] =	ssyncadd.s32 $0xFFFFF060  }
0x4e: {  	[tilespmem:s20], [sflag:$0x4] =	stream.indirect.gather [hbm4b:s5+s13], $0x20, s8, s13, $0xb8;
	[tilespmem:$0x11B20] =	vst v63  }
0x4f: {  	_ =	swait.ge [sflag:s2], $0xFA0  }
0x50: {  	[sflag:s2] =	ssyncset.done $0x0  }
0x51: {  	s19 =	simm.s32 $0x2A00;
	[sflag:s2] =	ssyncadd.s32 $0xFFFFF060  }
0x52: {  	[spmem:s3] =	stream.indirect.scatter.add.f32 [tilespmem:s22], [sflag:$0x9], $0x20, s19, s13, $0xb8;
	[tilespmem:$0x11B20] =	vst v63  }
0x53: {  	_ =	swait.ge [sflag:s11], $0xFA0  }
0x54: {  	[sflag:s11] =	ssyncset.done $0x0  }
0x55: {  	s23 =	simm.s32 $0x600;
	[sflag:s11] =	ssyncadd.s32 $0xFFFFF060  }
0x56: {  	[tilespmem:s22], [sflag:$0x5] =	stream.indirect.gather [hbm4b:s5+s13], $0x20, s23, s13, $0xb8;
	[tilespmem:$0x11B20] =	vst v63  }
0x57: {  	_ =	swait.ge [sflag:s12], $0xFA0  }
0x58: {  	[sflag:s12] =	ssyncset.done $0x0  }
0x59: {  	s26 =	simm.s32 $0x2A80;
	[sflag:s12] =	ssyncadd.s32 $0xFFFFF060  }
0x5a: {  	[spmem:s3] =	stream.indirect.scatter.add.f32 [tilespmem:s25], [sflag:$0x9], $0x20, s26, s13, $0xb8;
	[tilespmem:$0x11B20] =	vst v63  }
0x5b: {  	_ =	swait.ge [sflag:s11], $0xFA0  }
0x5c: {  	[sflag:s11] =	ssyncset.done $0x0  }
0x5d: {  	s8 =	simm.s32 $0x680;
	[sflag:s11] =	ssyncadd.s32 $0xFFFFF060  }
0x5e: {  	[tilespmem:s25], [sflag:$0x6] =	stream.indirect.gather [hbm4b:s5+s13], $0x20, s8, s13, $0xb8;
	[tilespmem:$0x11B20] =	vst v63  }
0x5f: {  	_ =	swait.ge [sflag:s15], $0xFA0  }
0x60: {  	[sflag:s15] =	ssyncset.done $0x0  }
0x61: {  	s19 =	simm.s32 $0x2B00;
	[sflag:s15] =	ssyncadd.s32 $0xFFFFF060  }
0x62: {  	[spmem:s3] =	stream.indirect.scatter.add.f32 [tilespmem:s28], [sflag:$0x9], $0x20, s19, s13, $0xb8;
	[tilespmem:$0x11B20] =	vst v63  }
0x63: {  	_ =	swait.ge [sflag:s11], $0xFA0  }
0x64: {  	[sflag:s11] =	ssyncset.done $0x0  }
0x65: {  	s23 =	simm.s32 $0x700;
	[sflag:s11] =	ssyncadd.s32 $0xFFFFF060  }
0x66: {  	[tilespmem:s28], [sflag:$0x7] =	stream.indirect.gather [hbm4b:s5+s13], $0x20, s23, s13, $0xb8;
	[tilespmem:$0x11B20] =	vst v63  }
0x67: {  	_ =	swait.ge [sflag:s17], $0xFA0  }
0x68: {  	[sflag:s17] =	ssyncset.done $0x0  }
0x69: {  	s26 =	simm.s32 $0x2B80;
	[sflag:s17] =	ssyncadd.s32 $0xFFFFF060  }
0x6a: {  	[spmem:s3] =	stream.indirect.scatter.add.f32 [tilespmem:s29], [sflag:$0x9], $0x20, s26, s13, $0xb8;
	[tilespmem:$0x11B20] =	vst v63  }
0x6b: {  	_ =	swait.ge [sflag:s11], $0xFA0  }
0x6c: {  	s23 =	simm.s32 $0x400;
	s26 =	simm.s32 $0x2000;
	[sflag:s11] =	ssyncset.done $0x0  }
.LBB2_2:
0x6d: {  	s8 =	sadd.s32 $0x380, s23  }
0x6e: {  	[sflag:s11] =	ssyncadd.s32 $0xFFFFF060;
	s19 =	smov.u32 s26;
	s7 =	sadd.s32 $0x1000, s26  }
0x6f: {  	[tilespmem:s29], [sflag:$0x8] =	stream.indirect.gather [hbm4b:s5+s13], $0x20, s8, s13, $0xb8;
	[tilespmem:$0x11B20] =	vst v63  }
0x70: {  	p0 =	sne.s32 s26, $0x8000;
	_ =	swait.ge [sflag:s30], $0xFA0  }
0x71: {  	[sflag:s30] =	ssyncset.done $0x0  }
0x72: {  	s8 =	sadd.s32 $0x2800, s23;
	[sflag:s30] =	ssyncadd.s32 $0xFFFFF060  }
0x73: {  	[spmem:s3] =	stream.indirect.scatter.add.f32 [tilespmem:s14], [sflag:$0x9], $0x20, s8, s13, $0xb8;
	[tilespmem:$0x11B20] =	vst v63  }
0x74: {  	_ =	swait.ge [sflag:s11], $0xFA0  }
0x75: {  	[sflag:s11] =	ssyncset.done $0x0  }
0x76: {  	s8 =	sadd.s32 $0x400, s23;
	[sflag:s11] =	ssyncadd.s32 $0xFFFFF060  }
0x77: {  	[tilespmem:s14], [sflag:$0x1] =	stream.indirect.gather [hbm4b:s5+s13], $0x20, s8, s13, $0xb8;
	[tilespmem:$0x11B20] =	vst v63  }
0x78: {  	_ =	swait.ge [sflag:s31], $0xFA0  }
0x79: {  	[sflag:s31] =	ssyncset.done $0x0  }
0x7a: {  	s8 =	sadd.s32 $0x2880, s23;
	[sflag:s31] =	ssyncadd.s32 $0xFFFFF060  }
0x7b: {  	[spmem:s3] =	stream.indirect.scatter.add.f32 [tilespmem:s16], [sflag:$0x9], $0x20, s8, s13, $0xb8;
	[tilespmem:$0x11B20] =	vst v63  }
0x7c: {  	_ =	swait.ge [sflag:s11], $0xFA0  }
0x7d: {  	[sflag:s11] =	ssyncset.done $0x0  }
0x7e: {  	s8 =	sadd.s32 $0x480, s23;
	[sflag:s11] =	ssyncadd.s32 $0xFFFFF060  }
0x7f: {  	[tilespmem:s16], [sflag:$0x2] =	stream.indirect.gather [hbm4b:s5+s13], $0x20, s8, s13, $0xb8;
	[tilespmem:$0x11B20] =	vst v63  }
0x80: {  	_ =	swait.ge [sflag:s0], $0xFA0  }
0x81: {  	[sflag:s0] =	ssyncset.done $0x0  }
0x82: {  	s8 =	sadd.s32 $0x2900, s23;
	[sflag:s0] =	ssyncadd.s32 $0xFFFFF060  }
0x83: {  	[spmem:s3] =	stream.indirect.scatter.add.f32 [tilespmem:s18], [sflag:$0x9], $0x20, s8, s13, $0xb8;
	[tilespmem:$0x11B20] =	vst v63  }
0x84: {  	_ =	swait.ge [sflag:s11], $0xFA0  }
0x85: {  	[sflag:s11] =	ssyncset.done $0x0  }
0x86: {  	s8 =	sadd.s32 $0x500, s23;
	[sflag:s11] =	ssyncadd.s32 $0xFFFFF060  }
0x87: {  	[tilespmem:s18], [sflag:$0x3] =	stream.indirect.gather [hbm4b:s5+s13], $0x20, s8, s13, $0xb8;
	[tilespmem:$0x11B20] =	vst v63  }
0x88: {  	_ =	swait.ge [sflag:s1], $0xFA0  }
0x89: {  	[sflag:s1] =	ssyncset.done $0x0  }
0x8a: {  	s8 =	sadd.s32 $0x2980, s23;
	[sflag:s1] =	ssyncadd.s32 $0xFFFFF060  }
0x8b: {  	[spmem:s3] =	stream.indirect.scatter.add.f32 [tilespmem:s20], [sflag:$0x9], $0x20, s8, s13, $0xb8;
	[tilespmem:$0x11B20] =	vst v63  }
0x8c: {  	_ =	swait.ge [sflag:s11], $0xFA0  }
0x8d: {  	[sflag:s11] =	ssyncset.done $0x0  }
0x8e: {  	s8 =	sadd.s32 $0x580, s23;
	[sflag:s11] =	ssyncadd.s32 $0xFFFFF060  }
0x8f: {  	[tilespmem:s20], [sflag:$0x4] =	stream.indirect.gather [hbm4b:s5+s13], $0x20, s8, s13, $0xb8;
	[tilespmem:$0x11B20] =	vst v63  }
0x90: {  	_ =	swait.ge [sflag:s2], $0xFA0  }
0x91: {  	[sflag:s2] =	ssyncset.done $0x0  }
0x92: {  	s8 =	sadd.s32 $0x2A00, s23;
	[sflag:s2] =	ssyncadd.s32 $0xFFFFF060  }
0x93: {  	[spmem:s3] =	stream.indirect.scatter.add.f32 [tilespmem:s22], [sflag:$0x9], $0x20, s8, s13, $0xb8;
	[tilespmem:$0x11B20] =	vst v63  }
0x94: {  	_ =	swait.ge [sflag:s11], $0xFA0  }
0x95: {  	[sflag:s11] =	ssyncset.done $0x0  }
0x96: {  	s8 =	sadd.s32 $0x600, s23;
	[sflag:s11] =	ssyncadd.s32 $0xFFFFF060  }
0x97: {  	[tilespmem:s22], [sflag:$0x5] =	stream.indirect.gather [hbm4b:s5+s13], $0x20, s8, s13, $0xb8;
	[tilespmem:$0x11B20] =	vst v63  }
0x98: {  	_ =	swait.ge [sflag:s12], $0xFA0  }
0x99: {  	[sflag:s12] =	ssyncset.done $0x0  }
0x9a: {  	s8 =	sadd.s32 $0x2A80, s23;
	[sflag:s12] =	ssyncadd.s32 $0xFFFFF060  }
0x9b: {  	[spmem:s3] =	stream.indirect.scatter.add.f32 [tilespmem:s25], [sflag:$0x9], $0x20, s8, s13, $0xb8;
	[tilespmem:$0x11B20] =	vst v63  }
0x9c: {  	_ =	swait.ge [sflag:s11], $0xFA0  }
0x9d: {  	[sflag:s11] =	ssyncset.done $0x0  }
0x9e: {  	s8 =	sadd.s32 $0x680, s23;
	[sflag:s11] =	ssyncadd.s32 $0xFFFFF060  }
0x9f: {  	[tilespmem:s25], [sflag:$0x6] =	stream.indirect.gather [hbm4b:s5+s13], $0x20, s8, s13, $0xb8;
	[tilespmem:$0x11B20] =	vst v63  }
0xa0: {  	_ =	swait.ge [sflag:s15], $0xFA0  }
0xa1: {  	[sflag:s15] =	ssyncset.done $0x0  }
0xa2: {  	s8 =	sadd.s32 $0x2B00, s23;
	[sflag:s15] =	ssyncadd.s32 $0xFFFFF060  }
0xa3: {  	[spmem:s3] =	stream.indirect.scatter.add.f32 [tilespmem:s28], [sflag:$0x9], $0x20, s8, s13, $0xb8;
	[tilespmem:$0x11B20] =	vst v63  }
0xa4: {  	_ =	swait.ge [sflag:s11], $0xFA0  }
0xa5: {  	[sflag:s11] =	ssyncset.done $0x0  }
0xa6: {  	s8 =	sadd.s32 $0x700, s23;
	[sflag:s11] =	ssyncadd.s32 $0xFFFFF060  }
0xa7: {  	[tilespmem:s28], [sflag:$0x7] =	stream.indirect.gather [hbm4b:s5+s13], $0x20, s8, s13, $0xb8;
	[tilespmem:$0x11B20] =	vst v63  }
0xa8: {  	_ =	swait.ge [sflag:s17], $0xFA0  }
.Ltmp0:
0xa9: {  	[sflag:s17] =	ssyncset.done $0x0;
	(pc) =	sbr.rel @p0 .LBB2_2-.Ltmp0, $4  }
0xaa: {  	s8 =	sadd.s32 $0x2B80, s23;
	[sflag:s17] =	ssyncadd.s32 $0xFFFFF060  }
0xab: {  	[spmem:s3] =	stream.indirect.scatter.add.f32 [tilespmem:s29], [sflag:$0x9], $0x20, s8, s13, $0xb8;
	[tilespmem:$0x11B20] =	vst v63  }
0xac: {  	_ =	swait.ge [sflag:s11], $0xFA0  }
0xad: {  	s26 =	smov.u32 s7;
	s23 =	sshra.s32 s19, $0x2;
	[sflag:s11] =	ssyncset.done $0x0  }
0xae: {  	s7 =	sadd.s32 $0x380, s23;
	[sflag:s11] =	ssyncadd.s32 $0xFFFFF060  }
0xaf: {  	[tilespmem:s29], [sflag:$0x8] =	stream.indirect.gather [hbm4b:s5+s13], $0x20, s7, s13, $0xb8;
	[tilespmem:$0x11B20] =	vst v63  }
0xb0: {  	_ =	swait.ge [sflag:s30], $0xFA0  }
0xb1: {  	[sflag:s30] =	ssyncset.done $0x0  }
0xb2: {  	s8 =	sadd.s32 $0x2800, s23;
	[sflag:s30] =	ssyncadd.s32 $0xFFFFF060  }
0xb3: {  	[spmem:s3] =	stream.indirect.scatter.add.f32 [tilespmem:s14], [sflag:$0x9], $0x20, s8, s13, $0xb8;
	[tilespmem:$0x11B20] =	vst v63  }
0xb4: {  	_ =	swait.ge [sflag:s11], $0xFA0  }
0xb5: {  	[sflag:s11] =	ssyncset.done $0x0  }
0xb6: {  	s19 =	sadd.s32 $0x400, s23;
	[sflag:s11] =	ssyncadd.s32 $0xFFFFF060  }
0xb7: {  	[tilespmem:s14], [sflag:$0x1] =	stream.indirect.gather [hbm4b:s5+s13], $0x20, s19, s13, $0xb8;
	[tilespmem:$0x11B20] =	vst v63  }
0xb8: {  	_ =	swait.ge [sflag:s31], $0xFA0  }
0xb9: {  	[sflag:s31] =	ssyncset.done $0x0  }
0xba: {  	s26 =	sadd.s32 $0x2880, s23;
	[sflag:s31] =	ssyncadd.s32 $0xFFFFF060  }
0xbb: {  	[spmem:s3] =	stream.indirect.scatter.add.f32 [tilespmem:s16], [sflag:$0x9], $0x20, s26, s13, $0xb8;
	[tilespmem:$0x11B20] =	vst v63  }
0xbc: {  	_ =	swait.ge [sflag:s11], $0xFA0  }
0xbd: {  	[sflag:s11] =	ssyncset.done $0x0  }
0xbe: {  	s8 =	sadd.s32 $0x480, s23;
	[sflag:s11] =	ssyncadd.s32 $0xFFFFF060  }
0xbf: {  	[tilespmem:s16], [sflag:$0x2] =	stream.indirect.gather [hbm4b:s5+s13], $0x20, s8, s13, $0xb8;
	[tilespmem:$0x11B20] =	vst v63  }
0xc0: {  	_ =	swait.ge [sflag:s0], $0xFA0  }
0xc1: {  	[sflag:s0] =	ssyncset.done $0x0  }
0xc2: {  	s19 =	sadd.s32 $0x2900, s23;
	[sflag:s0] =	ssyncadd.s32 $0xFFFFF060  }
0xc3: {  	[spmem:s3] =	stream.indirect.scatter.add.f32 [tilespmem:s18], [sflag:$0x9], $0x20, s19, s13, $0xb8;
	[tilespmem:$0x11B20] =	vst v63  }
0xc4: {  	_ =	swait.ge [sflag:s11], $0xFA0  }
0xc5: {  	[sflag:s11] =	ssyncset.done $0x0  }
0xc6: {  	s26 =	sadd.s32 $0x500, s23;
	[sflag:s11] =	ssyncadd.s32 $0xFFFFF060  }
0xc7: {  	[tilespmem:s18], [sflag:$0x3] =	stream.indirect.gather [hbm4b:s5+s13], $0x20, s26, s13, $0xb8;
	[tilespmem:$0x11B20] =	vst v63  }
0xc8: {  	_ =	swait.ge [sflag:s1], $0xFA0  }
0xc9: {  	[sflag:s1] =	ssyncset.done $0x0  }
0xca: {  	s8 =	sadd.s32 $0x2980, s23;
	[sflag:s1] =	ssyncadd.s32 $0xFFFFF060  }
0xcb: {  	[spmem:s3] =	stream.indirect.scatter.add.f32 [tilespmem:s20], [sflag:$0x9], $0x20, s8, s13, $0xb8;
	[tilespmem:$0x11B20] =	vst v63  }
0xcc: {  	_ =	swait.ge [sflag:s11], $0xFA0  }
0xcd: {  	[sflag:s11] =	ssyncset.done $0x0  }
0xce: {  	s19 =	sadd.s32 $0x580, s23;
	[sflag:s11] =	ssyncadd.s32 $0xFFFFF060  }
0xcf: {  	[tilespmem:s20], [sflag:$0x4] =	stream.indirect.gather [hbm4b:s5+s13], $0x20, s19, s13, $0xb8;
	[tilespmem:$0x11B20] =	vst v63  }
0xd0: {  	_ =	swait.ge [sflag:s2], $0xFA0  }
0xd1: {  	[sflag:s2] =	ssyncset.done $0x0  }
0xd2: {  	s26 =	sadd.s32 $0x2A00, s23;
	[sflag:s2] =	ssyncadd.s32 $0xFFFFF060  }
0xd3: {  	[spmem:s3] =	stream.indirect.scatter.add.f32 [tilespmem:s22], [sflag:$0x9], $0x20, s26, s13, $0xb8;
	[tilespmem:$0x11B20] =	vst v63  }
0xd4: {  	_ =	swait.ge [sflag:s11], $0xFA0  }
0xd5: {  	[sflag:s11] =	ssyncset.done $0x0  }
0xd6: {  	s8 =	sadd.s32 $0x600, s23;
	[sflag:s11] =	ssyncadd.s32 $0xFFFFF060  }
0xd7: {  	[tilespmem:s22], [sflag:$0x5] =	stream.indirect.gather [hbm4b:s5+s13], $0x20, s8, s13, $0xb8;
	[tilespmem:$0x11B20] =	vst v63  }
0xd8: {  	_ =	swait.ge [sflag:s12], $0xFA0  }
0xd9: {  	[sflag:s12] =	ssyncset.done $0x0  }
0xda: {  	s19 =	sadd.s32 $0x2A80, s23;
	[sflag:s12] =	ssyncadd.s32 $0xFFFFF060  }
0xdb: {  	[spmem:s3] =	stream.indirect.scatter.add.f32 [tilespmem:s25], [sflag:$0x9], $0x20, s19, s13, $0xb8;
	[tilespmem:$0x11B20] =	vst v63  }
0xdc: {  	_ =	swait.ge [sflag:s11], $0xFA0  }
0xdd: {  	[sflag:s11] =	ssyncset.done $0x0  }
0xde: {  	s26 =	sadd.s32 $0x680, s23;
	[sflag:s11] =	ssyncadd.s32 $0xFFFFF060  }
0xdf: {  	[tilespmem:s25], [sflag:$0x6] =	stream.indirect.gather [hbm4b:s5+s13], $0x20, s26, s13, $0xb8;
	[tilespmem:$0x11B20] =	vst v63  }
0xe0: {  	_ =	swait.ge [sflag:s15], $0xFA0  }
0xe1: {  	[sflag:s15] =	ssyncset.done $0x0  }
0xe2: {  	s8 =	sadd.s32 $0x2B00, s23;
	[sflag:s15] =	ssyncadd.s32 $0xFFFFF060  }
0xe3: {  	[spmem:s3] =	stream.indirect.scatter.add.f32 [tilespmem:s28], [sflag:$0x9], $0x20, s8, s13, $0xb8;
	[tilespmem:$0x11B20] =	vst v63  }
0xe4: {  	_ =	swait.ge [sflag:s11], $0xFA0  }
0xe5: {  	[sflag:s11] =	ssyncset.done $0x0  }
0xe6: {  	s19 =	sadd.s32 $0x700, s23;
	[sflag:s11] =	ssyncadd.s32 $0xFFFFF060  }
0xe7: {  	[tilespmem:s28], [sflag:$0x7] =	stream.indirect.gather [hbm4b:s5+s13], $0x20, s19, s13, $0xb8;
	[tilespmem:$0x11B20] =	vst v63  }
0xe8: {  	_ =	swait.ge [sflag:s17], $0xFA0  }
0xe9: {  	[sflag:s17] =	ssyncset.done $0x0  }
0xea: {  	s23 =	sadd.s32 $0x2B80, s23;
	[sflag:s17] =	ssyncadd.s32 $0xFFFFF060  }
0xeb: {  	[spmem:s3] =	stream.indirect.scatter.add.f32 [tilespmem:s29], [sflag:$0x9], $0x20, s23, s13, $0xb8;
	[tilespmem:$0x11B20] =	vst v63  }
0xec: {  	_ =	swait.ge [sflag:s11], $0xFA0  }
0xed: {  	[sflag:s11] =	ssyncset.done $0x0  }
0xee: {  	s26 =	simm.s32 $0x2780;
	[sflag:s11] =	ssyncadd.s32 $0xFFFFF060  }
0xef: {  	[tilespmem:s29], [sflag:$0x8] =	stream.indirect.gather [hbm4b:s5+s13], $0x20, s26, s13, $0xb8;
	[tilespmem:$0x11B20] =	vst v63  }
0xf0: {  	_ =	swait.ge [sflag:s30], $0xFA0  }
0xf1: {  	[sflag:s30] =	ssyncset.done $0x0  }
0xf2: {  	s8 =	simm.s32 $0x4C00;
	[sflag:s30] =	ssyncadd.s32 $0xFFFFF060  }
0xf3: {  	[spmem:s3] =	stream.indirect.scatter.add.f32 [tilespmem:s14], [sflag:$0x9], $0x20, s8, s13, $0xb8;
	[tilespmem:$0x11B20] =	vst v63  }
0xf4: {  	_ =	swait.ge [sflag:s11], $0xFA0  }
0xf5: {  	[sflag:s11] =	ssyncset.done $0x0  }
0xf6: {  	[sflag:s11] =	ssyncadd.s32 $0xFFFFF060  }
0xf7: {  	_ =	swait.ge [sflag:s31], $0xFA0  }
0xf8: {  	[sflag:s31] =	ssyncset.done $0x0  }
0xf9: {  	s19 =	simm.s32 $0x4C80;
	[sflag:s31] =	ssyncadd.s32 $0xFFFFF060  }
0xfa: {  	[spmem:s3] =	stream.indirect.scatter.add.f32 [tilespmem:s16], [sflag:$0x9], $0x20, s19, s13, $0xb8;
	[tilespmem:$0x11B20] =	vst v63  }
0xfb: {  	_ =	swait.ge [sflag:s11], $0xFA0  }
0xfc: {  	[sflag:s11] =	ssyncset.done $0x0  }
0xfd: {  	[sflag:s11] =	ssyncadd.s32 $0xFFFFF060  }
0xfe: {  	_ =	swait.ge [sflag:s0], $0xFA0  }
0xff: {  	[sflag:s0] =	ssyncset.done $0x0  }
0x100: {  	s23 =	simm.s32 $0x4D00;
	[sflag:s0] =	ssyncadd.s32 $0xFFFFF060  }
0x101: {  	[spmem:s3] =	stream.indirect.scatter.add.f32 [tilespmem:s18], [sflag:$0x9], $0x20, s23, s13, $0xb8;
	[tilespmem:$0x11B20] =	vst v63  }
0x102: {  	_ =	swait.ge [sflag:s11], $0xFA0  }
0x103: {  	[sflag:s11] =	ssyncset.done $0x0  }
0x104: {  	[sflag:s11] =	ssyncadd.s32 $0xFFFFF060  }
0x105: {  	_ =	swait.ge [sflag:s1], $0xFA0  }
0x106: {  	[sflag:s1] =	ssyncset.done $0x0  }
0x107: {  	s26 =	simm.s32 $0x4D80;
	[sflag:s1] =	ssyncadd.s32 $0xFFFFF060  }
0x108: {  	[spmem:s3] =	stream.indirect.scatter.add.f32 [tilespmem:s20], [sflag:$0x9], $0x20, s26, s13, $0xb8;
	[tilespmem:$0x11B20] =	vst v63  }
0x109: {  	_ =	swait.ge [sflag:s11], $0xFA0  }
0x10a: {  	[sflag:s11] =	ssyncset.done $0x0  }
0x10b: {  	[sflag:s11] =	ssyncadd.s32 $0xFFFFF060  }
0x10c: {  	_ =	swait.ge [sflag:s2], $0xFA0  }
0x10d: {  	[sflag:s2] =	ssyncset.done $0x0  }
0x10e: {  	s8 =	simm.s32 $0x4E00;
	[sflag:s2] =	ssyncadd.s32 $0xFFFFF060  }
0x10f: {  	[spmem:s3] =	stream.indirect.scatter.add.f32 [tilespmem:s22], [sflag:$0x9], $0x20, s8, s13, $0xb8;
	[tilespmem:$0x11B20] =	vst v63  }
0x110: {  	_ =	swait.ge [sflag:s11], $0xFA0  }
0x111: {  	[sflag:s11] =	ssyncset.done $0x0  }
0x112: {  	[sflag:s11] =	ssyncadd.s32 $0xFFFFF060  }
0x113: {  	_ =	swait.ge [sflag:s12], $0xFA0  }
0x114: {  	[sflag:s12] =	ssyncset.done $0x0  }
0x115: {  	s19 =	simm.s32 $0x4E80;
	[sflag:s12] =	ssyncadd.s32 $0xFFFFF060  }
0x116: {  	[spmem:s3] =	stream.indirect.scatter.add.f32 [tilespmem:s25], [sflag:$0x9], $0x20, s19, s13, $0xb8;
	[tilespmem:$0x11B20] =	vst v63  }
0x117: {  	_ =	swait.ge [sflag:s11], $0xFA0  }
0x118: {  	[sflag:s11] =	ssyncset.done $0x0  }
0x119: {  	[sflag:s11] =	ssyncadd.s32 $0xFFFFF060  }
0x11a: {  	_ =	swait.ge [sflag:s15], $0xFA0  }
0x11b: {  	[sflag:s15] =	ssyncset.done $0x0  }
0x11c: {  	s23 =	simm.s32 $0x4F00;
	[sflag:s15] =	ssyncadd.s32 $0xFFFFF060  }
0x11d: {  	[spmem:s3] =	stream.indirect.scatter.add.f32 [tilespmem:s28], [sflag:$0x9], $0x20, s23, s13, $0xb8;
	[tilespmem:$0x11B20] =	vst v63  }
0x11e: {  	_ =	swait.ge [sflag:s11], $0xFA0  }
0x11f: {  	[sflag:s11] =	ssyncset.done $0x0  }
0x120: {  	[sflag:s11] =	ssyncadd.s32 $0xFFFFF060  }
0x121: {  	_ =	swait.ge [sflag:s17], $0xFA0  }
0x122: {  	[sflag:s17] =	ssyncset.done $0x0  }
0x123: {  	s26 =	simm.s32 $0x4F80;
	[sflag:s17] =	ssyncadd.s32 $0xFFFFF060  }
0x124: {  	[spmem:s3] =	stream.indirect.scatter.add.f32 [tilespmem:s29], [sflag:$0x9], $0x20, s26, s13, $0xb8;
	[tilespmem:$0x11B20] =	vst v63  }
0x125: {  	_ =	swait.ge [sflag:s11], $0xFA0  }
0x126: {  	s21 =	sadd.s32 $0x1, s21;
	[sflag:s11] =	ssyncset.done $0x0  }
0x127: {  	p0 =	sne.s32 s21, s9;
	[sflag:s11] =	ssyncadd.s32 $0xFFFFF060  }
.Ltmp1:
0x128: {  	[bflag:$0x0] =	sbarrier.arrive $0xFFFF;
	(pc) =	sbr.rel @p0 .LBB2_1-.Ltmp1, $4  }
0x129: {  	[hbm:s24], [sflag:s6] =	dma.local [spmem:s10], $0x9C4  }
0x12a: {  	_ =	swait.ge [sflag:s11], $0x9C4  }
0x12b: {  	[sflag:s11] =	ssyncset.done $0x0  }
0x12c: {  	[sflag:s11] =	ssyncadd.s32 $0xFFFFF63C  }
0x12d: {  	_ =	sfence.sel $0x180000  }
0x12e: {  	[bflag:$0x0] =	sbarrier.arrive $0xFFFF  }
0x12f: {  	_ =	strace $0x9000004D  }
0x130: {  	s0 =	stileid.u32;
	[bflag:$0x2] =	sbarrier.arrive $0xFFFF  }
0x131: {  	p0 =	sne.s32 s0, $0x0;
	s0 =	rddreg [dreg:$0x3]  }
0x132: {  	s0 =	sadd.s32 @!p0 $0x100000, s0  }
0x133: {  	[sflag:s0] =	ssyncadd.tile.s32 @!p0 $0x1;
	_ =	shalt  }
.Lfunc_end2:
_tile_overlayer_lowered:
.L_overlay_start_2:
0x134: {  	(tag) =	ssettag $0x2  }
0x135: {  	s0 =	rddreg [dreg:$0x0];
	s2 =	stileid.u32  }
0x136: {  	s1 =	rddreg [dreg:$0x1];
	p0 =	sne.s32 s2, $0x0  }
0x137: {  	s3 =	rddreg [dreg:$0x2];
	[bflag:$0x3] =	sbarrier.arrive $0xFFFF;
	s2 =	simm.s32 @!p0 $0x1C09  }
0x138: {  	[timem:s3], [sflag:s2] =	dma.local @!p0 [hbm:s0], s1  }
0x139: {  	s0 =	simm.s32 @!p0 $0x9  }
0x13a: {  	_ =	swait.ge @!p0 [sflag:s0], s1  }
0x13b: {  	s1 =	ssub.s32 @!p0 $0x0, s1;
	[sflag:s0] =	ssyncset.done @!p0 $0x0  }
0x13c: {  	[sflag:s0] =	ssyncadd.s32 @!p0 s1  }
0x13d: {  	[bflag:$0x3] =	sbarrier.arrive $0xFFFF  }
0x13e: {  	_ =	shalt  }

// kernel: kernel.20.cloned.1.call-start
scs
__scs_entry_jumppad:
0x0: {  	(pc) =	sbr.rel $0x88, $3  }
0x1: {  	(tag) =	ssettag $0x0;
	lr =	simm.s32 $0x1  }
0x2: {  	[smem:$0x3F79] =	sst lr;
	_ =	strace $0xD0000000  }
0x3: {  	_ = 	snop  }
0x4: {  	_ = 	snop  }
0x5: {  	_ = 	snop  }
0x6: {  	_ = 	snop  }
0x7: {  	_ = 	snop  }
__scs_overlays_trampoline_lowered:
0x8: {  	[smem:$0x3F88] =	sst s0  }
0x9: {  	[smem:$0x3F89] =	sst s1  }
0xa: {  	[smem:$0x3F8A] =	sst s2  }
0xb: {  	[smem:$0x3F8B] =	sst s3  }
0xc: {  	[smem:$0x3F8C] =	sst s4  }
0xd: {  	[smem:$0x3F8D] =	sst s5  }
0xe: {  	[smem:$0x3F8E] =	sst s6  }
0xf: {  	[smem:$0x3F8F] =	sst s7  }
0x10: {  	[smem:$0x3F90] =	sst s8  }
0x11: {  	[smem:$0x3F91] =	sst s9;
	s0 =	simm.s32 @!p0 $0x0  }
0x12: {  	s1 =	sld [smem:$0x3F77];
	s0 =	simm.s32 @p0 $0x1  }
0x13: {  	[smem:$0x3F92] =	sst s0;
	s0 =	simm.s32 @!p1 $0x0  }
0x14: {  	s2 =	sld [smem:$0x3F76];
	s0 =	simm.s32 @p1 $0x1  }
0x15: {  	[smem:$0x3F93] =	sst s0;
	s0 =	simm.s32 @!p2 $0x0  }
0x16: {  	s3 =	sld [smem:$0x3FDB];
	s0 =	simm.s32 @p2 $0x1  }
0x17: {  	s4 =	simm.s32 $0x1BF5;
	[smem:$0x3F95] =	sst s0  }
0x18: {  	s0 =	sld [smem:$0x3F78];
	_ =	swait.ge [sflag:s4], $0x0  }
0x19: {  	s7 =	sld [smem:$0x3F79]  }
0x1a: {  	s8 =	sadd.s32 $0xFFFFE003, lr  }
0x1b: {  	s9 =	sadd.s32 $0xFFFFFEF7, lr;
	s5 =	simm.s32 $0xFFFFFFFF;
	p2 =	slt.u32 s8, $0xFFFFF086  }
0x1c: {  	p1 =	slt.u32 s9, $0xF7A;
	s5 =	simm.s32 @!p2 $0x0  }
0x1d: {  	s5 =	simm.s32 @p1 $0x1;
	p0 =	seq.s32 s7, s2  }
0x1e: {  	s7 =	smul.u32 @!p0 $0xF7A, s2;
	p2 =	seq.s32 @!p0 s5, $0x0  }
0x1f: {  	s9 =	smul.u32 $0xF7A, s1;
	s8 =	simm.s32 @!p0 $0x1BF5;
	p2 =	por !p2, p0  }
0x20: {  	[sflag:s8] =	ssyncset.s32 @!p0 $0xFFFFF086;
	s6 =	sadd.s32 @!p0 s3, s7;
	s7 =	simm.s32 @!p0 $0x108  }
0x21: {  	s3 =	sadd.s32 s3, s9;
	s6 =	sadd.s32 @!p0 $0x88, s6;
	s7 =	simm.s32 @p2 $0x1082  }
0x22: {  	[simem:s7], [sflag:s8] =	dma.local @!p0 [hbm:s6], $0xF7A  }
0x23: {  	s9 =	sor.u32 $0xD0000000, s2;
	s6 =	simm.s32 $0x108;
	_ =	swait.ge @!p0 [sflag:s8], $0x0  }
0x24: {  	s3 =	sadd.s32 $0x88, s3;
	s6 =	simm.s32 @!p1 $0x1082;
	[sflag:s4] =	ssyncset.s32 $0xFFFFF086  }
0x25: {  	[simem:s6], [sflag:s4] =	dma.local [hbm:s3], $0xF7A  }
0x26: {  	[smem:$0x3F79] =	sst s1;
	(tag) =	ssettag s2;
	_ =	strace s9  }
0x27: {  	s1 =	sld [smem:$0x3F89]  }
0x28: {  	s2 =	sld [smem:$0x3F8A]  }
0x29: {  	s4 =	sld [smem:$0x3F8C]  }
0x2a: {  	p0 =	seq.s32 s5, $0x0;
	s5 =	sld [smem:$0x3F8D]  }
0x2b: {  	s6 =	sld [smem:$0x3F8E]  }
0x2c: {  	s7 =	sld [smem:$0x3F8F]  }
0x2d: {  	s3 =	simm.s32 $0x108;
	s8 =	sld [smem:$0x3F90]  }
0x2e: {  	s3 =	simm.s32 @!p0 $0x1082;
	s9 =	sld [smem:$0x3F91]  }
0x2f: {  	lr =	sadd.s32 s0, s3;
	s0 =	sld [smem:$0x3F88]  }
0x30: {  	s3 =	sld [smem:$0x3F8B]  }
0x31: {  	[smem:$0x3F94] =	sst s10  }
0x32: {  	s10 =	sld [smem:$0x3F92];
	_ =	sdelay $0x3  }
0x33: {  	p0 =	seq.s32 s10, $0x1;
	s10 =	sld [smem:$0x3F94];
	_ =	sdelay $0x3  }
0x34: {  	[smem:$0x3F94] =	sst s10  }
0x35: {  	s10 =	sld [smem:$0x3F93];
	_ =	sdelay $0x3  }
0x36: {  	p1 =	seq.s32 s10, $0x1;
	s10 =	sld [smem:$0x3F94];
	_ =	sdelay $0x3  }
0x37: {  	[smem:$0x3F94] =	sst s10  }
0x38: {  	s10 =	sld [smem:$0x3F95]  }
0x39: {  	_ = 	snop;
	(pc) =	sbr.ind lr, $3  }
0x3a: {  	_ = 	snop  }
0x3b: {  	_ = 	snop  }
0x3c: {  	p2 =	seq.s32 s10, $0x1;
	s10 =	sld [smem:$0x3F94]  }
0x3d: {  	_ =	shalt  }
0x3e: {  	_ =	shalt  }
0x3f: {  	_ =	shalt  }
0x40: {  	_ =	shalt  }
0x41: {  	_ =	shalt  }
0x42: {  	_ =	shalt  }
0x43: {  	_ =	shalt  }
0x44: {  	_ =	shalt  }
0x45: {  	_ =	shalt  }
0x46: {  	_ =	shalt  }
0x47: {  	_ =	shalt  }
0x48: {  	_ =	shalt  }
0x49: {  	_ =	shalt  }
0x4a: {  	_ =	shalt  }
0x4b: {  	_ =	shalt  }
0x4c: {  	_ =	shalt  }
0x4d: {  	_ =	shalt  }
0x4e: {  	_ =	shalt  }
0x4f: {  	_ =	shalt  }
0x50: {  	_ =	shalt  }
0x51: {  	_ =	shalt  }
0x52: {  	_ =	shalt  }
0x53: {  	_ =	shalt  }
0x54: {  	_ =	shalt  }
0x55: {  	_ =	shalt  }
0x56: {  	_ =	shalt  }
0x57: {  	_ =	shalt  }
0x58: {  	_ =	shalt  }
0x59: {  	_ =	shalt  }
0x5a: {  	_ =	shalt  }
0x5b: {  	_ =	shalt  }
0x5c: {  	_ =	shalt  }
0x5d: {  	_ =	shalt  }
0x5e: {  	_ =	shalt  }
0x5f: {  	_ =	shalt  }
0x60: {  	_ =	shalt  }
0x61: {  	_ =	shalt  }
0x62: {  	_ =	shalt  }
0x63: {  	_ =	shalt  }
0x64: {  	_ =	shalt  }
0x65: {  	_ =	shalt  }
0x66: {  	_ =	shalt  }
0x67: {  	_ =	shalt  }
0x68: {  	_ =	shalt  }
0x69: {  	_ =	shalt  }
0x6a: {  	_ =	shalt  }
0x6b: {  	_ =	shalt  }
0x6c: {  	_ =	shalt  }
0x6d: {  	_ =	shalt  }
0x6e: {  	_ =	shalt  }
0x6f: {  	_ =	shalt  }
0x70: {  	_ =	shalt  }
0x71: {  	_ =	shalt  }
0x72: {  	_ =	shalt  }
0x73: {  	_ =	shalt  }
0x74: {  	_ =	shalt  }
0x75: {  	_ =	shalt  }
0x76: {  	_ =	shalt  }
0x77: {  	_ =	shalt  }
0x78: {  	_ =	shalt  }
0x79: {  	_ =	shalt  }
0x7a: {  	_ =	shalt  }
0x7b: {  	_ =	shalt  }
0x7c: {  	_ =	shalt  }
0x7d: {  	_ =	shalt  }
0x7e: {  	_ =	shalt  }
0x7f: {  	_ =	shalt  }
0x80: {  	_ =	shalt  }
0x81: {  	_ =	shalt  }
0x82: {  	_ =	shalt  }
0x83: {  	_ =	shalt  }
0x84: {  	_ =	shalt  }
0x85: {  	_ =	shalt  }
0x86: {  	_ =	shalt  }
0x87: {  	_ =	shalt  }
.Lfunc_end0:
.L_simem_size_0:
called_computation.3_lowered:
.L_overlay_start_0:
0x88: {  	s2 =	sld [smem:$0x3FD9]  }
0x89: {  	s3 =	sld [smem:$0x3FFE];
	_ =	sdelay $0x1  }
0x8a: {  	s1 =	srdreg.scid  }
0x8b: {  	s0 =	sand.u32 $0x1, s1  }
0x8c: {  	s17 =	sshll.u32 s0, $0xA;
	s2 =	sadd.s32 s3, s2  }
0x8d: {  	s2 =	sadd.s32 s2, s17  }
0x8e: {  	[smem:$0x3FA0] =	sst s2  }
0x8f: {  	_ = 	snop  }
0x90: {  	s2 =	sld [smem:$0x3FD0];
	(tm) =	ssettm $0x1  }
0x91: {  	s18 =	sld [smem:$0x3FFB];
	_ =	sdelay $0x3  }
0x92: {  	_ =	strace s18  }
0x93: {  	s3 =	sld [smem:$0x3FFC];
	_ =	sdelay $0x3  }
0x94: {  	_ =	strace s3  }
0x95: {  	s3 =	sld [smem:$0x3FFD];
	_ =	sdelay $0x3  }
0x96: {  	_ =	strace s3  }
0x97: {  	_ =	strace $0x8FFFFFFF  }
0x98: {  	s19 =	sld [smem:$0x3FDB];
	_ =	sdelay $0x1  }
0x99: {  	s4 =	simm.s32 $_scs_section_size  }
0x9a: {  	s5 =	simm.s32 $_size__tile_overlayer_lowered;
	s6 =	simm.s32 $_tile_overlayer_lowered  }
0x9b: {  	s22 =	simm.s32 $0x1BFF;
	s21 =	sshll.u32 s6, $0x1;
	s3 =	sadd.s32 s4, s19  }
0x9c: {  	s7 =	simm.s32 $0x0;
	s20 =	sshll.u32 s5, $0x1;
	s5 =	sadd.s32 s21, s3  }
0x9d: {  	[timem:s7], [sflag:s22] =	dma.local [hbm:s5], s20  }
0x9e: {  	_ =	swait.ge [sflag:s22], s20  }
0x9f: {  	s4 =	ssub.s32 $0x0, s20;
	[sflag:s22] =	ssyncset.done $0x0  }
0xa0: {  	[sflag:s22] =	ssyncadd.s32 s4;
	_ =	sdelay $0x1  }
0xa1: {  	s23 =	simm.s32 $0x1B8B  }
0xa2: {  	_ =	swait.ge [sflag:s23], $0x1  }
0xa3: {  	[sflag:s23] =	ssyncset.done $0x0  }
0xa4: {  	s25 =	simm.s32 $0x1B8E;
	s24 =	sld [smem:$0x3FFE];
	[sflag:s23] =	ssyncadd.s32 $0xFFFFFFFF  }
0xa5: {  	s26 =	simm.s32 $execute0_lowered;
	[smem:$0x3FD2] =	sst s25  }
0xa6: {  	s5 =	sshll.u32 s26, $0x1;
	_ =	strace $0x8000004F;
	[dreg:$0x1] =	wrdreg $0xFFFFFFFF  }
0xa7: {  	s28 =	simm.s32 $_size_execute0_lowered;
	s3 =	sadd.s32 s3, s5;
	[dreg:$0x0] =	wrdreg $0x0  }
0xa8: {  	s5 =	sshll.u32 s28, $0x1;
	[dreg:$0x2] =	wrdreg s3  }
0xa9: {  	[dreg:$0x3] =	wrdreg s5  }
0xaa: {  	[dreg:$0x4] =	wrdreg $0xC0  }
0xab: {  	_ =	task [dreg:s7], $0x5FFFF  }
0xac: {  	[dreg:$0x1] =	wrdreg $0xFFFFFFFF  }
0xad: {  	[dreg:$0x0] =	wrdreg $0x60  }
0xae: {  	[dreg:$0x2] =	wrdreg s24  }
0xaf: {  	[dreg:$0x3] =	wrdreg s2  }
0xb0: {  	[dreg:$0x4] =	wrdreg $0xCD000  }
0xb1: {  	[dreg:$0x5] =	wrdreg $0x9  }
0xb2: {  	_ =	task.clear_ibuf [dreg:s7], $0x6FFFF;
	_ =	strace $0x9000004F  }
0xb3: {  	s29 =	simm.s32 $0x9;
	_ =	strace $0x80000051  }
0xb4: {  	_ =	swait.ge [sflag:s29], $0x1  }
0xb5: {  	[sflag:s29] =	ssyncadd.s32 $0xFFFFFFFF  }
0xb6: {  	_ =	strace $0x90000051  }
0xb7: {  	_ =	sfence  }
0xb8: {  	s30 =	sld [smem:$0x0];
	_ =	sdelay $0x2  }
0xb9: {  	s31 =	sshll.u32 s1, $0xD;
	s1 =	sshrl.u32 s1, $0x2  }
0xba: {  	s3 =	sand.u32 $0x4000, s31;
	s1 =	sadd.s32 s1, s30  }
0xbb: {  	s0 =	sor.u32 s3, s0;
	s1 =	sshll.u32 s1, $0x11  }
0xbc: {  	s0 =	sor.u32 s1, s0  }
0xbd: {  	s0 =	sadd.s32 $0x8F2B, s0  }
0xbe: {  	[sflag:s0] =	ssyncadd.remote.s32 $0x1  }
0xbf: {  	_ =	sfence.sel $0xFFFF  }
0xc0: {  	[dreg:$0x0] =	wrdreg $0xFFFFFFFF;
	(pc) =	sbr.abs _section_cstart, $3  }
0xc1: {  	[dreg:$0x1] =	wrdreg $0xFFFFFFFF  }
0xc2: {  	_ =	task.clear_ibuf [dreg:s7], $0x2FFFF;
	_ =	strace $0x9FFFFFFF  }
0xc3: {  	(tm) =	ssettm $0x7FFFFFFF  }
tec
execute0_lowered:
.L_overlay_start_1:
0x0: {  	(tag) =	ssettag $0x1  }
0x1: {  	s0 =	rddreg [dreg:$0x0];
	s1 =	srdreg.scid  }
0x2: {  	s3 =	rddreg [dreg:$0x2];
	s8 =	stileid.u32;
	s4 =	simm.s32 $0x0  }
0x3: {  	s11 =	simm.s32 $0x9;
	s13 =	simm.s32 $0x7D;
	s14 =	simm.s32 $0x5000  }
0x4: {  	s16 =	simm.s32 $0x5FA0;
	s18 =	simm.s32 $0x6F40;
	s20 =	simm.s32 $0x7EE0  }
0x5: {  	s22 =	simm.s32 $0x8E80;
	s28 =	simm.s32 $0xADC0;
	s29 =	simm.s32 $0xBD60  }
0x6: {  	s30 =	simm.s32 $0x1;
	s31 =	simm.s32 $0x2;
	s12 =	simm.s32 $0x6  }
0x7: {  	s15 =	simm.s32 $0x7;
	s17 =	simm.s32 $0x8;
	s21 =	simm.s32 $0x0  }
0x8: {  	s1 =	sand.u32 $0x1, s1;
	[smem:$0x7FF] =	sst s4;
	s5 =	sadd.s32 $0x1AC00, s0  }
0x9: {  	s7 =	smul.u32 $0x4E20, s8;
	s2 =	sshll.u32 s1, $0x4;
	_ =	strace $0x80000050  }
0xa: {  	s6 =	smul.u32 $0x9C40, s1;
	s1 =	ssub.s32 $0x2, s1;
	s2 =	sor.u32 s8, s2  }
0xb: {  	s24 =	sshrl.u32 s1, $0x1;
	s8 =	sshll.u32 s8, $0x6;
	s2 =	smul.u32 $0x500, s2  }
0xc: {  	s10 =	sadd.s32 s7, s3;
	s26 =	sshrl.u32 s7, $0x3;
	s1 =	ssub.s32 s1, s24  }
0xd: {  	s10 =	sshrl.u32 s10, $0x3;
	s9 =	smax.u32 s1, $0x1;
	s2 =	sadd.s32 s2, s0  }
0xe: {  	s1 =	simm.s32 $0x4;
	s0 =	sadd.s32 s6, s0;
	s25 =	sadd.s32 $0x10C00, s2  }
0xf: {  	s2 =	sadd.s32 $0x6800, s2;
	s0 =	sadd.s32 $0x24A00, s0;
	[dreg:$0x4] =	wrdreg s25  }
0x10: {  	s6 =	sor.u32 $0x1C09, s8;
	[dreg:$0x5] =	wrdreg s2;
	s24 =	sadd.s32 s26, s0  }
0x11: {  	s25 =	simm.s32 $0x9E20;
	s0 =	simm.s32 $0x3;
	s2 =	simm.s32 $0x5  }
.LBB2_1:
0x12: {  	s7 =	rddreg [dreg:$0x1]  }
0x13: {  	[spmem:s10], [sflag:s6] =	dma.local [hbm:s7], $0x9C4  }
0x14: {  	_ =	swait.ge [sflag:s11], $0x9C4  }
0x15: {  	[sflag:s11] =	ssyncset.done $0x0  }
0x16: {  	s8 =	rddreg [dreg:$0x4];
	[sflag:s11] =	ssyncadd.s32 $0xFFFFF63C  }
0x17: {  	[tilespmem:s4], [sflag:$0x9] =	stream.linear.gather [hbm4b:s8+s4], $0x2800, $0x38;
	[tilespmem:$0x11B20] =	vst v63  }
0x18: {  	_ =	swait.ge [sflag:s11], $0x2800  }
0x19: {  	[sflag:s11] =	ssyncset.done $0x0  }
0x1a: {  	s8 =	simm.s32 $0x2800;
	s19 =	rddreg [dreg:$0x5];
	[sflag:s11] =	ssyncadd.s32 $0xFFFFD800  }
0x1b: {  	[tilespmem:s8], [sflag:$0x9] =	stream.linear.gather [hbm4b:s19+s4], $0x2800, $0x38;
	[tilespmem:$0x11B20] =	vst v63  }
0x1c: {  	_ =	swait.ge [sflag:s11], $0x2800  }
0x1d: {  	[sflag:s11] =	ssyncset.done $0x0  }
0x1e: {  	[sflag:s11] =	ssyncadd.s32 $0xFFFFD800  }
0x1f: {  	[bflag:$0x0] =	sbarrier.arrive $0xFFFF  }
0x20: {  	[tilespmem:s14], [sflag:$0x1] =	stream.indirect.gather [hbm4b:s5+s13], $0x20, s4, s13, $0xb8;
	[tilespmem:$0x11B20] =	vst v63  }
0x21: {  	s23 =	simm.s32 $0x80  }
0x22: {  	[tilespmem:s16], [sflag:$0x2] =	stream.indirect.gather [hbm4b:s5+s13], $0x20, s23, s13, $0xb8;
	[tilespmem:$0x11B20] =	vst v63  }
0x23: {  	s26 =	simm.s32 $0x100  }
0x24: {  	[tilespmem:s18], [sflag:$0x3] =	stream.indirect.gather [hbm4b:s5+s13], $0x20, s26, s13, $0xb8;
	[tilespmem:$0x11B20] =	vst v63  }
0x25: {  	s8 =	simm.s32 $0x180  }
0x26: {  	[tilespmem:s20], [sflag:$0x4] =	stream.indirect.gather [hbm4b:s5+s13], $0x20, s8, s13, $0xb8;
	[tilespmem:$0x11B20] =	vst v63  }
0x27: {  	s19 =	simm.s32 $0x200  }
0x28: {  	[tilespmem:s22], [sflag:$0x5] =	stream.indirect.gather [hbm4b:s5+s13], $0x20, s19, s13, $0xb8;
	[tilespmem:$0x11B20] =	vst v63  }
0x29: {  	s23 =	simm.s32 $0x280  }
0x2a: {  	[tilespmem:s25], [sflag:$0x6] =	stream.indirect.gather [hbm4b:s5+s13], $0x20, s23, s13, $0xb8;
	[tilespmem:$0x11B20] =	vst v63  }
0x2b: {  	s26 =	simm.s32 $0x300  }
0x2c: {  	[tilespmem:s28], [sflag:$0x7] =	stream.indirect.gather [hbm4b:s5+s13], $0x20, s26, s13, $0xb8;
	[tilespmem:$0x11B20] =	vst v63  }
0x2d: {  	s8 =	simm.s32 $0x380  }
0x2e: {  	[tilespmem:s29], [sflag:$0x8] =	stream.indirect.gather [hbm4b:s5+s13], $0x20, s8, s13, $0xb8;
	[tilespmem:$0x11B20] =	vst v63  }
0x2f: {  	_ =	swait.ge [sflag:s30], $0xFA0  }
0x30: {  	[sflag:s30] =	ssyncset.done $0x0  }
0x31: {  	s19 =	simm.s32 $0x2800;
	[sflag:s30] =	ssyncadd.s32 $0xFFFFF060  }
0x32: {  	[spmem:s3] =	stream.indirect.scatter.add.f32 [tilespmem:s14], [sflag:$0x9], $0x20, s19, s13, $0xb8;
	[tilespmem:$0x11B20] =	vst v63  }
0x33: {  	_ =	swait.ge [sflag:s11], $0xFA0  }
0x34: {  	[sflag:s11] =	ssyncset.done $0x0  }
0x35: {  	s23 =	simm.s32 $0x400;
	[sflag:s11] =	ssyncadd.s32 $0xFFFFF060  }
0x36: {  	[tilespmem:s14], [sflag:$0x1] =	stream.indirect.gather [hbm4b:s5+s13], $0x20, s23, s13, $0xb8;
	[tilespmem:$0x11B20] =	vst v63  }
0x37: {  	_ =	swait.ge [sflag:s31], $0xFA0  }
0x38: {  	[sflag:s31] =	ssyncset.done $0x0  }
0x39: {  	s26 =	simm.s32 $0x2880;
	[sflag:s31] =	ssyncadd.s32 $0xFFFFF060  }
0x3a: {  	[spmem:s3] =	stream.indirect.scatter.add.f32 [tilespmem:s16], [sflag:$0x9], $0x20, s26, s13, $0xb8;
	[tilespmem:$0x11B20] =	vst v63  }
0x3b: {  	_ =	swait.ge [sflag:s11], $0xFA0  }
0x3c: {  	[sflag:s11] =	ssyncset.done $0x0  }
0x3d: {  	s8 =	simm.s32 $0x480;
	[sflag:s11] =	ssyncadd.s32 $0xFFFFF060  }
0x3e: {  	[tilespmem:s16], [sflag:$0x2] =	stream.indirect.gather [hbm4b:s5+s13], $0x20, s8, s13, $0xb8;
	[tilespmem:$0x11B20] =	vst v63  }
0x3f: {  	_ =	swait.ge [sflag:s0], $0xFA0  }
0x40: {  	[sflag:s0] =	ssyncset.done $0x0  }
0x41: {  	s19 =	simm.s32 $0x2900;
	[sflag:s0] =	ssyncadd.s32 $0xFFFFF060  }
0x42: {  	[spmem:s3] =	stream.indirect.scatter.add.f32 [tilespmem:s18], [sflag:$0x9], $0x20, s19, s13, $0xb8;
	[tilespmem:$0x11B20] =	vst v63  }
0x43: {  	_ =	swait.ge [sflag:s11], $0xFA0  }
0x44: {  	[sflag:s11] =	ssyncset.done $0x0  }
0x45: {  	s23 =	simm.s32 $0x500;
	[sflag:s11] =	ssyncadd.s32 $0xFFFFF060  }
0x46: {  	[tilespmem:s18], [sflag:$0x3] =	stream.indirect.gather [hbm4b:s5+s13], $0x20, s23, s13, $0xb8;
	[tilespmem:$0x11B20] =	vst v63  }
0x47: {  	_ =	swait.ge [sflag:s1], $0xFA0  }
0x48: {  	[sflag:s1] =	ssyncset.done $0x0  }
0x49: {  	s26 =	simm.s32 $0x2980;
	[sflag:s1] =	ssyncadd.s32 $0xFFFFF060  }
0x4a: {  	[spmem:s3] =	stream.indirect.scatter.add.f32 [tilespmem:s20], [sflag:$0x9], $0x20, s26, s13, $0xb8;
	[tilespmem:$0x11B20] =	vst v63  }
0x4b: {  	_ =	swait.ge [sflag:s11], $0xFA0  }
0x4c: {  	[sflag:s11] =	ssyncset.done $0x0  }
0x4d: {  	s8 =	simm.s32 $0x580;
	[sflag:s11] =	ssyncadd.s32 $0xFFFFF060  }
0x4e: {  	[tilespmem:s20], [sflag:$0x4] =	stream.indirect.gather [hbm4b:s5+s13], $0x20, s8, s13, $0xb8;
	[tilespmem:$0x11B20] =	vst v63  }
0x4f: {  	_ =	swait.ge [sflag:s2], $0xFA0  }
0x50: {  	[sflag:s2] =	ssyncset.done $0x0  }
0x51: {  	s19 =	simm.s32 $0x2A00;
	[sflag:s2] =	ssyncadd.s32 $0xFFFFF060  }
0x52: {  	[spmem:s3] =	stream.indirect.scatter.add.f32 [tilespmem:s22], [sflag:$0x9], $0x20, s19, s13, $0xb8;
	[tilespmem:$0x11B20] =	vst v63  }
0x53: {  	_ =	swait.ge [sflag:s11], $0xFA0  }
0x54: {  	[sflag:s11] =	ssyncset.done $0x0  }
0x55: {  	s23 =	simm.s32 $0x600;
	[sflag:s11] =	ssyncadd.s32 $0xFFFFF060  }
0x56: {  	[tilespmem:s22], [sflag:$0x5] =	stream.indirect.gather [hbm4b:s5+s13], $0x20, s23, s13, $0xb8;
	[tilespmem:$0x11B20] =	vst v63  }
0x57: {  	_ =	swait.ge [sflag:s12], $0xFA0  }
0x58: {  	[sflag:s12] =	ssyncset.done $0x0  }
0x59: {  	s26 =	simm.s32 $0x2A80;
	[sflag:s12] =	ssyncadd.s32 $0xFFFFF060  }
0x5a: {  	[spmem:s3] =	stream.indirect.scatter.add.f32 [tilespmem:s25], [sflag:$0x9], $0x20, s26, s13, $0xb8;
	[tilespmem:$0x11B20] =	vst v63  }
0x5b: {  	_ =	swait.ge [sflag:s11], $0xFA0  }
0x5c: {  	[sflag:s11] =	ssyncset.done $0x0  }
0x5d: {  	s8 =	simm.s32 $0x680;
	[sflag:s11] =	ssyncadd.s32 $0xFFFFF060  }
0x5e: {  	[tilespmem:s25], [sflag:$0x6] =	stream.indirect.gather [hbm4b:s5+s13], $0x20, s8, s13, $0xb8;
	[tilespmem:$0x11B20] =	vst v63  }
0x5f: {  	_ =	swait.ge [sflag:s15], $0xFA0  }
0x60: {  	[sflag:s15] =	ssyncset.done $0x0  }
0x61: {  	s19 =	simm.s32 $0x2B00;
	[sflag:s15] =	ssyncadd.s32 $0xFFFFF060  }
0x62: {  	[spmem:s3] =	stream.indirect.scatter.add.f32 [tilespmem:s28], [sflag:$0x9], $0x20, s19, s13, $0xb8;
	[tilespmem:$0x11B20] =	vst v63  }
0x63: {  	_ =	swait.ge [sflag:s11], $0xFA0  }
0x64: {  	[sflag:s11] =	ssyncset.done $0x0  }
0x65: {  	s23 =	simm.s32 $0x700;
	[sflag:s11] =	ssyncadd.s32 $0xFFFFF060  }
0x66: {  	[tilespmem:s28], [sflag:$0x7] =	stream.indirect.gather [hbm4b:s5+s13], $0x20, s23, s13, $0xb8;
	[tilespmem:$0x11B20] =	vst v63  }
0x67: {  	_ =	swait.ge [sflag:s17], $0xFA0  }
0x68: {  	[sflag:s17] =	ssyncset.done $0x0  }
0x69: {  	s26 =	simm.s32 $0x2B80;
	[sflag:s17] =	ssyncadd.s32 $0xFFFFF060  }
0x6a: {  	[spmem:s3] =	stream.indirect.scatter.add.f32 [tilespmem:s29], [sflag:$0x9], $0x20, s26, s13, $0xb8;
	[tilespmem:$0x11B20] =	vst v63  }
0x6b: {  	_ =	swait.ge [sflag:s11], $0xFA0  }
0x6c: {  	s23 =	simm.s32 $0x400;
	s26 =	simm.s32 $0x2000;
	[sflag:s11] =	ssyncset.done $0x0  }
.LBB2_2:
0x6d: {  	s8 =	sadd.s32 $0x380, s23  }
0x6e: {  	[sflag:s11] =	ssyncadd.s32 $0xFFFFF060;
	s19 =	smov.u32 s26;
	s7 =	sadd.s32 $0x1000, s26  }
0x6f: {  	[tilespmem:s29], [sflag:$0x8] =	stream.indirect.gather [hbm4b:s5+s13], $0x20, s8, s13, $0xb8;
	[tilespmem:$0x11B20] =	vst v63  }
0x70: {  	p0 =	sne.s32 s26, $0x8000;
	_ =	swait.ge [sflag:s30], $0xFA0  }
0x71: {  	[sflag:s30] =	ssyncset.done $0x0  }
0x72: {  	s8 =	sadd.s32 $0x2800, s23;
	[sflag:s30] =	ssyncadd.s32 $0xFFFFF060  }
0x73: {  	[spmem:s3] =	stream.indirect.scatter.add.f32 [tilespmem:s14], [sflag:$0x9], $0x20, s8, s13, $0xb8;
	[tilespmem:$0x11B20] =	vst v63  }
0x74: {  	_ =	swait.ge [sflag:s11], $0xFA0  }
0x75: {  	[sflag:s11] =	ssyncset.done $0x0  }
0x76: {  	s8 =	sadd.s32 $0x400, s23;
	[sflag:s11] =	ssyncadd.s32 $0xFFFFF060  }
0x77: {  	[tilespmem:s14], [sflag:$0x1] =	stream.indirect.gather [hbm4b:s5+s13], $0x20, s8, s13, $0xb8;
	[tilespmem:$0x11B20] =	vst v63  }
0x78: {  	_ =	swait.ge [sflag:s31], $0xFA0  }
0x79: {  	[sflag:s31] =	ssyncset.done $0x0  }
0x7a: {  	s8 =	sadd.s32 $0x2880, s23;
	[sflag:s31] =	ssyncadd.s32 $0xFFFFF060  }
0x7b: {  	[spmem:s3] =	stream.indirect.scatter.add.f32 [tilespmem:s16], [sflag:$0x9], $0x20, s8, s13, $0xb8;
	[tilespmem:$0x11B20] =	vst v63  }
0x7c: {  	_ =	swait.ge [sflag:s11], $0xFA0  }
0x7d: {  	[sflag:s11] =	ssyncset.done $0x0  }
0x7e: {  	s8 =	sadd.s32 $0x480, s23;
	[sflag:s11] =	ssyncadd.s32 $0xFFFFF060  }
0x7f: {  	[tilespmem:s16], [sflag:$0x2] =	stream.indirect.gather [hbm4b:s5+s13], $0x20, s8, s13, $0xb8;
	[tilespmem:$0x11B20] =	vst v63  }
0x80: {  	_ =	swait.ge [sflag:s0], $0xFA0  }
0x81: {  	[sflag:s0] =	ssyncset.done $0x0  }
0x82: {  	s8 =	sadd.s32 $0x2900, s23;
	[sflag:s0] =	ssyncadd.s32 $0xFFFFF060  }
0x83: {  	[spmem:s3] =	stream.indirect.scatter.add.f32 [tilespmem:s18], [sflag:$0x9], $0x20, s8, s13, $0xb8;
	[tilespmem:$0x11B20] =	vst v63  }
0x84: {  	_ =	swait.ge [sflag:s11], $0xFA0  }
0x85: {  	[sflag:s11] =	ssyncset.done $0x0  }
0x86: {  	s8 =	sadd.s32 $0x500, s23;
	[sflag:s11] =	ssyncadd.s32 $0xFFFFF060  }
0x87: {  	[tilespmem:s18], [sflag:$0x3] =	stream.indirect.gather [hbm4b:s5+s13], $0x20, s8, s13, $0xb8;
	[tilespmem:$0x11B20] =	vst v63  }
0x88: {  	_ =	swait.ge [sflag:s1], $0xFA0  }
0x89: {  	[sflag:s1] =	ssyncset.done $0x0  }
0x8a: {  	s8 =	sadd.s32 $0x2980, s23;
	[sflag:s1] =	ssyncadd.s32 $0xFFFFF060  }
0x8b: {  	[spmem:s3] =	stream.indirect.scatter.add.f32 [tilespmem:s20], [sflag:$0x9], $0x20, s8, s13, $0xb8;
	[tilespmem:$0x11B20] =	vst v63  }
0x8c: {  	_ =	swait.ge [sflag:s11], $0xFA0  }
0x8d: {  	[sflag:s11] =	ssyncset.done $0x0  }
0x8e: {  	s8 =	sadd.s32 $0x580, s23;
	[sflag:s11] =	ssyncadd.s32 $0xFFFFF060  }
0x8f: {  	[tilespmem:s20], [sflag:$0x4] =	stream.indirect.gather [hbm4b:s5+s13], $0x20, s8, s13, $0xb8;
	[tilespmem:$0x11B20] =	vst v63  }
0x90: {  	_ =	swait.ge [sflag:s2], $0xFA0  }
0x91: {  	[sflag:s2] =	ssyncset.done $0x0  }
0x92: {  	s8 =	sadd.s32 $0x2A00, s23;
	[sflag:s2] =	ssyncadd.s32 $0xFFFFF060  }
0x93: {  	[spmem:s3] =	stream.indirect.scatter.add.f32 [tilespmem:s22], [sflag:$0x9], $0x20, s8, s13, $0xb8;
	[tilespmem:$0x11B20] =	vst v63  }
0x94: {  	_ =	swait.ge [sflag:s11], $0xFA0  }
0x95: {  	[sflag:s11] =	ssyncset.done $0x0  }
0x96: {  	s8 =	sadd.s32 $0x600, s23;
	[sflag:s11] =	ssyncadd.s32 $0xFFFFF060  }
0x97: {  	[tilespmem:s22], [sflag:$0x5] =	stream.indirect.gather [hbm4b:s5+s13], $0x20, s8, s13, $0xb8;
	[tilespmem:$0x11B20] =	vst v63  }
0x98: {  	_ =	swait.ge [sflag:s12], $0xFA0  }
0x99: {  	[sflag:s12] =	ssyncset.done $0x0  }
0x9a: {  	s8 =	sadd.s32 $0x2A80, s23;
	[sflag:s12] =	ssyncadd.s32 $0xFFFFF060  }
0x9b: {  	[spmem:s3] =	stream.indirect.scatter.add.f32 [tilespmem:s25], [sflag:$0x9], $0x20, s8, s13, $0xb8;
	[tilespmem:$0x11B20] =	vst v63  }
0x9c: {  	_ =	swait.ge [sflag:s11], $0xFA0  }
0x9d: {  	[sflag:s11] =	ssyncset.done $0x0  }
0x9e: {  	s8 =	sadd.s32 $0x680, s23;
	[sflag:s11] =	ssyncadd.s32 $0xFFFFF060  }
0x9f: {  	[tilespmem:s25], [sflag:$0x6] =	stream.indirect.gather [hbm4b:s5+s13], $0x20, s8, s13, $0xb8;
	[tilespmem:$0x11B20] =	vst v63  }
0xa0: {  	_ =	swait.ge [sflag:s15], $0xFA0  }
0xa1: {  	[sflag:s15] =	ssyncset.done $0x0  }
0xa2: {  	s8 =	sadd.s32 $0x2B00, s23;
	[sflag:s15] =	ssyncadd.s32 $0xFFFFF060  }
0xa3: {  	[spmem:s3] =	stream.indirect.scatter.add.f32 [tilespmem:s28], [sflag:$0x9], $0x20, s8, s13, $0xb8;
	[tilespmem:$0x11B20] =	vst v63  }
0xa4: {  	_ =	swait.ge [sflag:s11], $0xFA0  }
0xa5: {  	[sflag:s11] =	ssyncset.done $0x0  }
0xa6: {  	s8 =	sadd.s32 $0x700, s23;
	[sflag:s11] =	ssyncadd.s32 $0xFFFFF060  }
0xa7: {  	[tilespmem:s28], [sflag:$0x7] =	stream.indirect.gather [hbm4b:s5+s13], $0x20, s8, s13, $0xb8;
	[tilespmem:$0x11B20] =	vst v63  }
0xa8: {  	_ =	swait.ge [sflag:s17], $0xFA0  }
.Ltmp0:
0xa9: {  	[sflag:s17] =	ssyncset.done $0x0;
	(pc) =	sbr.rel @p0 .LBB2_2-.Ltmp0, $4  }
0xaa: {  	s8 =	sadd.s32 $0x2B80, s23;
	[sflag:s17] =	ssyncadd.s32 $0xFFFFF060  }
0xab: {  	[spmem:s3] =	stream.indirect.scatter.add.f32 [tilespmem:s29], [sflag:$0x9], $0x20, s8, s13, $0xb8;
	[tilespmem:$0x11B20] =	vst v63  }
0xac: {  	_ =	swait.ge [sflag:s11], $0xFA0  }
0xad: {  	s26 =	smov.u32 s7;
	s23 =	sshra.s32 s19, $0x2;
	[sflag:s11] =	ssyncset.done $0x0  }
0xae: {  	s7 =	sadd.s32 $0x380, s23;
	[sflag:s11] =	ssyncadd.s32 $0xFFFFF060  }
0xaf: {  	[tilespmem:s29], [sflag:$0x8] =	stream.indirect.gather [hbm4b:s5+s13], $0x20, s7, s13, $0xb8;
	[tilespmem:$0x11B20] =	vst v63  }
0xb0: {  	_ =	swait.ge [sflag:s30], $0xFA0  }
0xb1: {  	[sflag:s30] =	ssyncset.done $0x0  }
0xb2: {  	s8 =	sadd.s32 $0x2800, s23;
	[sflag:s30] =	ssyncadd.s32 $0xFFFFF060  }
0xb3: {  	[spmem:s3] =	stream.indirect.scatter.add.f32 [tilespmem:s14], [sflag:$0x9], $0x20, s8, s13, $0xb8;
	[tilespmem:$0x11B20] =	vst v63  }
0xb4: {  	_ =	swait.ge [sflag:s11], $0xFA0  }
0xb5: {  	[sflag:s11] =	ssyncset.done $0x0  }
0xb6: {  	s19 =	sadd.s32 $0x400, s23;
	[sflag:s11] =	ssyncadd.s32 $0xFFFFF060  }
0xb7: {  	[tilespmem:s14], [sflag:$0x1] =	stream.indirect.gather [hbm4b:s5+s13], $0x20, s19, s13, $0xb8;
	[tilespmem:$0x11B20] =	vst v63  }
0xb8: {  	_ =	swait.ge [sflag:s31], $0xFA0  }
0xb9: {  	[sflag:s31] =	ssyncset.done $0x0  }
0xba: {  	s26 =	sadd.s32 $0x2880, s23;
	[sflag:s31] =	ssyncadd.s32 $0xFFFFF060  }
0xbb: {  	[spmem:s3] =	stream.indirect.scatter.add.f32 [tilespmem:s16], [sflag:$0x9], $0x20, s26, s13, $0xb8;
	[tilespmem:$0x11B20] =	vst v63  }
0xbc: {  	_ =	swait.ge [sflag:s11], $0xFA0  }
0xbd: {  	[sflag:s11] =	ssyncset.done $0x0  }
0xbe: {  	s8 =	sadd.s32 $0x480, s23;
	[sflag:s11] =	ssyncadd.s32 $0xFFFFF060  }
0xbf: {  	[tilespmem:s16], [sflag:$0x2] =	stream.indirect.gather [hbm4b:s5+s13], $0x20, s8, s13, $0xb8;
	[tilespmem:$0x11B20] =	vst v63  }
0xc0: {  	_ =	swait.ge [sflag:s0], $0xFA0  }
0xc1: {  	[sflag:s0] =	ssyncset.done $0x0  }
0xc2: {  	s19 =	sadd.s32 $0x2900, s23;
	[sflag:s0] =	ssyncadd.s32 $0xFFFFF060  }
0xc3: {  	[spmem:s3] =	stream.indirect.scatter.add.f32 [tilespmem:s18], [sflag:$0x9], $0x20, s19, s13, $0xb8;
	[tilespmem:$0x11B20] =	vst v63  }
0xc4: {  	_ =	swait.ge [sflag:s11], $0xFA0  }
0xc5: {  	[sflag:s11] =	ssyncset.done $0x0  }
0xc6: {  	s26 =	sadd.s32 $0x500, s23;
	[sflag:s11] =	ssyncadd.s32 $0xFFFFF060  }
0xc7: {  	[tilespmem:s18], [sflag:$0x3] =	stream.indirect.gather [hbm4b:s5+s13], $0x20, s26, s13, $0xb8;
	[tilespmem:$0x11B20] =	vst v63  }
0xc8: {  	_ =	swait.ge [sflag:s1], $0xFA0  }
0xc9: {  	[sflag:s1] =	ssyncset.done $0x0  }
0xca: {  	s8 =	sadd.s32 $0x2980, s23;
	[sflag:s1] =	ssyncadd.s32 $0xFFFFF060  }
0xcb: {  	[spmem:s3] =	stream.indirect.scatter.add.f32 [tilespmem:s20], [sflag:$0x9], $0x20, s8, s13, $0xb8;
	[tilespmem:$0x11B20] =	vst v63  }
0xcc: {  	_ =	swait.ge [sflag:s11], $0xFA0  }
0xcd: {  	[sflag:s11] =	ssyncset.done $0x0  }
0xce: {  	s19 =	sadd.s32 $0x580, s23;
	[sflag:s11] =	ssyncadd.s32 $0xFFFFF060  }
0xcf: {  	[tilespmem:s20], [sflag:$0x4] =	stream.indirect.gather [hbm4b:s5+s13], $0x20, s19, s13, $0xb8;
	[tilespmem:$0x11B20] =	vst v63  }
0xd0: {  	_ =	swait.ge [sflag:s2], $0xFA0  }
0xd1: {  	[sflag:s2] =	ssyncset.done $0x0  }
0xd2: {  	s26 =	sadd.s32 $0x2A00, s23;
	[sflag:s2] =	ssyncadd.s32 $0xFFFFF060  }
0xd3: {  	[spmem:s3] =	stream.indirect.scatter.add.f32 [tilespmem:s22], [sflag:$0x9], $0x20, s26, s13, $0xb8;
	[tilespmem:$0x11B20] =	vst v63  }
0xd4: {  	_ =	swait.ge [sflag:s11], $0xFA0  }
0xd5: {  	[sflag:s11] =	ssyncset.done $0x0  }
0xd6: {  	s8 =	sadd.s32 $0x600, s23;
	[sflag:s11] =	ssyncadd.s32 $0xFFFFF060  }
0xd7: {  	[tilespmem:s22], [sflag:$0x5] =	stream.indirect.gather [hbm4b:s5+s13], $0x20, s8, s13, $0xb8;
	[tilespmem:$0x11B20] =	vst v63  }
0xd8: {  	_ =	swait.ge [sflag:s12], $0xFA0  }
0xd9: {  	[sflag:s12] =	ssyncset.done $0x0  }
0xda: {  	s19 =	sadd.s32 $0x2A80, s23;
	[sflag:s12] =	ssyncadd.s32 $0xFFFFF060  }
0xdb: {  	[spmem:s3] =	stream.indirect.scatter.add.f32 [tilespmem:s25], [sflag:$0x9], $0x20, s19, s13, $0xb8;
	[tilespmem:$0x11B20] =	vst v63  }
0xdc: {  	_ =	swait.ge [sflag:s11], $0xFA0  }
0xdd: {  	[sflag:s11] =	ssyncset.done $0x0  }
0xde: {  	s26 =	sadd.s32 $0x680, s23;
	[sflag:s11] =	ssyncadd.s32 $0xFFFFF060  }
0xdf: {  	[tilespmem:s25], [sflag:$0x6] =	stream.indirect.gather [hbm4b:s5+s13], $0x20, s26, s13, $0xb8;
	[tilespmem:$0x11B20] =	vst v63  }
0xe0: {  	_ =	swait.ge [sflag:s15], $0xFA0  }
0xe1: {  	[sflag:s15] =	ssyncset.done $0x0  }
0xe2: {  	s8 =	sadd.s32 $0x2B00, s23;
	[sflag:s15] =	ssyncadd.s32 $0xFFFFF060  }
0xe3: {  	[spmem:s3] =	stream.indirect.scatter.add.f32 [tilespmem:s28], [sflag:$0x9], $0x20, s8, s13, $0xb8;
	[tilespmem:$0x11B20] =	vst v63  }
0xe4: {  	_ =	swait.ge [sflag:s11], $0xFA0  }
0xe5: {  	[sflag:s11] =	ssyncset.done $0x0  }
0xe6: {  	s19 =	sadd.s32 $0x700, s23;
	[sflag:s11] =	ssyncadd.s32 $0xFFFFF060  }
0xe7: {  	[tilespmem:s28], [sflag:$0x7] =	stream.indirect.gather [hbm4b:s5+s13], $0x20, s19, s13, $0xb8;
	[tilespmem:$0x11B20] =	vst v63  }
0xe8: {  	_ =	swait.ge [sflag:s17], $0xFA0  }
0xe9: {  	[sflag:s17] =	ssyncset.done $0x0  }
0xea: {  	s23 =	sadd.s32 $0x2B80, s23;
	[sflag:s17] =	ssyncadd.s32 $0xFFFFF060  }
0xeb: {  	[spmem:s3] =	stream.indirect.scatter.add.f32 [tilespmem:s29], [sflag:$0x9], $0x20, s23, s13, $0xb8;
	[tilespmem:$0x11B20] =	vst v63  }
0xec: {  	_ =	swait.ge [sflag:s11], $0xFA0  }
0xed: {  	[sflag:s11] =	ssyncset.done $0x0  }
0xee: {  	s26 =	simm.s32 $0x2780;
	[sflag:s11] =	ssyncadd.s32 $0xFFFFF060  }
0xef: {  	[tilespmem:s29], [sflag:$0x8] =	stream.indirect.gather [hbm4b:s5+s13], $0x20, s26, s13, $0xb8;
	[tilespmem:$0x11B20] =	vst v63  }
0xf0: {  	_ =	swait.ge [sflag:s30], $0xFA0  }
0xf1: {  	[sflag:s30] =	ssyncset.done $0x0  }
0xf2: {  	s8 =	simm.s32 $0x4C00;
	[sflag:s30] =	ssyncadd.s32 $0xFFFFF060  }
0xf3: {  	[spmem:s3] =	stream.indirect.scatter.add.f32 [tilespmem:s14], [sflag:$0x9], $0x20, s8, s13, $0xb8;
	[tilespmem:$0x11B20] =	vst v63  }
0xf4: {  	_ =	swait.ge [sflag:s11], $0xFA0  }
0xf5: {  	[sflag:s11] =	ssyncset.done $0x0  }
0xf6: {  	[sflag:s11] =	ssyncadd.s32 $0xFFFFF060  }
0xf7: {  	_ =	swait.ge [sflag:s31], $0xFA0  }
0xf8: {  	[sflag:s31] =	ssyncset.done $0x0  }
0xf9: {  	s19 =	simm.s32 $0x4C80;
	[sflag:s31] =	ssyncadd.s32 $0xFFFFF060  }
0xfa: {  	[spmem:s3] =	stream.indirect.scatter.add.f32 [tilespmem:s16], [sflag:$0x9], $0x20, s19, s13, $0xb8;
	[tilespmem:$0x11B20] =	vst v63  }
0xfb: {  	_ =	swait.ge [sflag:s11], $0xFA0  }
0xfc: {  	[sflag:s11] =	ssyncset.done $0x0  }
0xfd: {  	[sflag:s11] =	ssyncadd.s32 $0xFFFFF060  }
0xfe: {  	_ =	swait.ge [sflag:s0], $0xFA0  }
0xff: {  	[sflag:s0] =	ssyncset.done $0x0  }
0x100: {  	s23 =	simm.s32 $0x4D00;
	[sflag:s0] =	ssyncadd.s32 $0xFFFFF060  }
0x101: {  	[spmem:s3] =	stream.indirect.scatter.add.f32 [tilespmem:s18], [sflag:$0x9], $0x20, s23, s13, $0xb8;
	[tilespmem:$0x11B20] =	vst v63  }
0x102: {  	_ =	swait.ge [sflag:s11], $0xFA0  }
0x103: {  	[sflag:s11] =	ssyncset.done $0x0  }
0x104: {  	[sflag:s11] =	ssyncadd.s32 $0xFFFFF060  }
0x105: {  	_ =	swait.ge [sflag:s1], $0xFA0  }
0x106: {  	[sflag:s1] =	ssyncset.done $0x0  }
0x107: {  	s26 =	simm.s32 $0x4D80;
	[sflag:s1] =	ssyncadd.s32 $0xFFFFF060  }
0x108: {  	[spmem:s3] =	stream.indirect.scatter.add.f32 [tilespmem:s20], [sflag:$0x9], $0x20, s26, s13, $0xb8;
	[tilespmem:$0x11B20] =	vst v63  }
0x109: {  	_ =	swait.ge [sflag:s11], $0xFA0  }
0x10a: {  	[sflag:s11] =	ssyncset.done $0x0  }
0x10b: {  	[sflag:s11] =	ssyncadd.s32 $0xFFFFF060  }
0x10c: {  	_ =	swait.ge [sflag:s2], $0xFA0  }
0x10d: {  	[sflag:s2] =	ssyncset.done $0x0  }
0x10e: {  	s8 =	simm.s32 $0x4E00;
	[sflag:s2] =	ssyncadd.s32 $0xFFFFF060  }
0x10f: {  	[spmem:s3] =	stream.indirect.scatter.add.f32 [tilespmem:s22], [sflag:$0x9], $0x20, s8, s13, $0xb8;
	[tilespmem:$0x11B20] =	vst v63  }
0x110: {  	_ =	swait.ge [sflag:s11], $0xFA0  }
0x111: {  	[sflag:s11] =	ssyncset.done $0x0  }
0x112: {  	[sflag:s11] =	ssyncadd.s32 $0xFFFFF060  }
0x113: {  	_ =	swait.ge [sflag:s12], $0xFA0  }
0x114: {  	[sflag:s12] =	ssyncset.done $0x0  }
0x115: {  	s19 =	simm.s32 $0x4E80;
	[sflag:s12] =	ssyncadd.s32 $0xFFFFF060  }
0x116: {  	[spmem:s3] =	stream.indirect.scatter.add.f32 [tilespmem:s25], [sflag:$0x9], $0x20, s19, s13, $0xb8;
	[tilespmem:$0x11B20] =	vst v63  }
0x117: {  	_ =	swait.ge [sflag:s11], $0xFA0  }
0x118: {  	[sflag:s11] =	ssyncset.done $0x0  }
0x119: {  	[sflag:s11] =	ssyncadd.s32 $0xFFFFF060  }
0x11a: {  	_ =	swait.ge [sflag:s15], $0xFA0  }
0x11b: {  	[sflag:s15] =	ssyncset.done $0x0  }
0x11c: {  	s23 =	simm.s32 $0x4F00;
	[sflag:s15] =	ssyncadd.s32 $0xFFFFF060  }
0x11d: {  	[spmem:s3] =	stream.indirect.scatter.add.f32 [tilespmem:s28], [sflag:$0x9], $0x20, s23, s13, $0xb8;
	[tilespmem:$0x11B20] =	vst v63  }
0x11e: {  	_ =	swait.ge [sflag:s11], $0xFA0  }
0x11f: {  	[sflag:s11] =	ssyncset.done $0x0  }
0x120: {  	[sflag:s11] =	ssyncadd.s32 $0xFFFFF060  }
0x121: {  	_ =	swait.ge [sflag:s17], $0xFA0  }
0x122: {  	[sflag:s17] =	ssyncset.done $0x0  }
0x123: {  	s26 =	simm.s32 $0x4F80;
	[sflag:s17] =	ssyncadd.s32 $0xFFFFF060  }
0x124: {  	[spmem:s3] =	stream.indirect.scatter.add.f32 [tilespmem:s29], [sflag:$0x9], $0x20, s26, s13, $0xb8;
	[tilespmem:$0x11B20] =	vst v63  }
0x125: {  	_ =	swait.ge [sflag:s11], $0xFA0  }
0x126: {  	s21 =	sadd.s32 $0x1, s21;
	[sflag:s11] =	ssyncset.done $0x0  }
0x127: {  	p0 =	sne.s32 s21, s9;
	[sflag:s11] =	ssyncadd.s32 $0xFFFFF060  }
.Ltmp1:
0x128: {  	[bflag:$0x0] =	sbarrier.arrive $0xFFFF;
	(pc) =	sbr.rel @p0 .LBB2_1-.Ltmp1, $4  }
0x129: {  	[hbm:s24], [sflag:s6] =	dma.local [spmem:s10], $0x9C4  }
0x12a: {  	_ =	swait.ge [sflag:s11], $0x9C4  }
0x12b: {  	[sflag:s11] =	ssyncset.done $0x0  }
0x12c: {  	[sflag:s11] =	ssyncadd.s32 $0xFFFFF63C  }
0x12d: {  	_ =	sfence.sel $0x180000  }
0x12e: {  	[bflag:$0x0] =	sbarrier.arrive $0xFFFF  }
0x12f: {  	_ =	strace $0x90000050  }
0x130: {  	s0 =	stileid.u32;
	[bflag:$0x2] =	sbarrier.arrive $0xFFFF  }
0x131: {  	p0 =	sne.s32 s0, $0x0;
	s0 =	rddreg [dreg:$0x3]  }
0x132: {  	s0 =	sadd.s32 @!p0 $0x100000, s0  }
0x133: {  	[sflag:s0] =	ssyncadd.tile.s32 @!p0 $0x1;
	_ =	shalt  }
.Lfunc_end2:
_tile_overlayer_lowered:
.L_overlay_start_2:
0x134: {  	(tag) =	ssettag $0x2  }
0x135: {  	s0 =	rddreg [dreg:$0x0];
	s2 =	stileid.u32  }
0x136: {  	s1 =	rddreg [dreg:$0x1];
	p0 =	sne.s32 s2, $0x0  }
0x137: {  	s3 =	rddreg [dreg:$0x2];
	[bflag:$0x3] =	sbarrier.arrive $0xFFFF;
	s2 =	simm.s32 @!p0 $0x1C09  }
0x138: {  	[timem:s3], [sflag:s2] =	dma.local @!p0 [hbm:s0], s1  }
0x139: {  	s0 =	simm.s32 @!p0 $0x9  }
0x13a: {  	_ =	swait.ge @!p0 [sflag:s0], s1  }
0x13b: {  	s1 =	ssub.s32 @!p0 $0x0, s1;
	[sflag:s0] =	ssyncset.done @!p0 $0x0  }
0x13c: {  	[sflag:s0] =	ssyncadd.s32 @!p0 s1  }
0x13d: {  	[bflag:$0x3] =	sbarrier.arrive $0xFFFF  }
0x13e: {  	_ =	shalt  }

</sc_bundles>
